<compile_context>
chip_gen: v7x
topology: tpu7x:2x2x1
jax: 0.10.2.dev20260603
libtpu: 0.0.44.dev20260713+nightly
codegen_flags: <defaults>
</compile_context>

<pallas_src>
import functools

import jax
import jax.numpy as jnp
from jax import lax
from jax.experimental import pallas as pl
from jax.experimental.pallas import tpu as pltpu
from jax.experimental.pallas import tpu_sc as plsc

EDGE_DIM = 16
NUM_EDGE_TYPES = 4
MAX_POS = 32
LUT_ROWS = NUM_EDGE_TYPES * MAX_POS * 3
LUT_STRIDE = EDGE_DIM + 1
LUT_FLAT = LUT_ROWS * LUT_STRIDE

B = 2560
G = B // 16
IN_BYTES = B * 4


@functools.lru_cache(maxsize=None)
def _make_sc_kernel(E):
    info = plsc.get_sparse_core_info()
    NC, NS = info.num_cores, info.num_subcores
    NW = NC * NS
    assert E % B == 0
    n_chunks = E // B
    n_iter = (n_chunks + NW - 1) // NW
    n_pairs = (n_iter + 1) // 2
    mesh = plsc.VectorSubcoreMesh(core_axis_name="c", subcore_axis_name="s")

    @functools.partial(
        pl.kernel,
        mesh=mesh,
        compiler_params=pltpu.CompilerParams(needs_layout_passes=False),
        out_type=jax.ShapeDtypeStruct((EDGE_DIM, E), jnp.float32),
        scratch_types=[
            pltpu.VMEM((NUM_EDGE_TYPES * EDGE_DIM,), jnp.float32),
            pltpu.VMEM((MAX_POS * EDGE_DIM,), jnp.float32),
            pltpu.VMEM((3 * EDGE_DIM,), jnp.float32),
            pltpu.VMEM((LUT_FLAT,), jnp.float32),
            pltpu.VMEM((2, B), jnp.int32),
            pltpu.VMEM((2, B), jnp.int32),
            pltpu.VMEM((2, B), jnp.int32),
            pltpu.VMEM((2, B), jnp.int32),
            pltpu.VMEM((2, EDGE_DIM, B), jnp.float32),
            pltpu.SemaphoreType.DMA,
            pltpu.SemaphoreType.DMA,
        ],
    )
    def sc_kernel(wt_hbm, wp_hbm, wb_hbm, t_hbm, p_hbm, blk_hbm,
                  out_hbm, wt_v, wp_v, wb_v, lut_v, t_v, p_v, b0_v, b1_v,
                  rows_v, in_sem, out_sem):
        wid = lax.axis_index("s") * NC + lax.axis_index("c")

        def chunk_off(i):
            return jnp.minimum(wid + i * NW, n_chunks - 1) * B

        def start_in(i, par):
            off = chunk_off(i)
            pltpu.async_copy(t_hbm.at[pl.ds(off, B)], t_v.at[par], in_sem)
            pltpu.async_copy(p_hbm.at[pl.ds(off, B)], p_v.at[par], in_sem)
            pltpu.async_copy(blk_hbm.at[0, pl.ds(off, B)], b0_v.at[par],
                             in_sem)
            pltpu.async_copy(blk_hbm.at[1, pl.ds(off, B)], b1_v.at[par],
                             in_sem)

        def wait_in(par):
            for buf in (t_v, p_v, b0_v, b1_v):
                pltpu.make_async_copy(t_hbm.at[pl.ds(0, B)], buf.at[par],
                                      in_sem).wait()

        def start_out(i, par):
            off = chunk_off(i)
            pltpu.async_copy(rows_v.at[par], out_hbm.at[:, pl.ds(off, B)],
                             out_sem)

        def wait_out(par):
            pltpu.make_async_copy(rows_v.at[par],
                                  out_hbm.at[:, pl.ds(0, B)], out_sem).wait()

        start_in(0, 0)
        start_in(1, 1)

        pltpu.sync_copy(wt_hbm, wt_v)
        pltpu.sync_copy(wp_hbm, wp_v)
        pltpu.sync_copy(wb_hbm, wb_v)
        wb_rows = [wb_v[pl.ds(s * EDGE_DIM, EDGE_DIM)] for s in range(3)]
        lane = lax.iota(jnp.int32, 16)
        for t in range(NUM_EDGE_TYPES):
            wt_row = wt_v[pl.ds(t * EDGE_DIM, EDGE_DIM)]
            for p in range(MAX_POS):
                tp = wt_row + wp_v[pl.ds(p * EDGE_DIM, EDGE_DIM)]
                for s in range(3):
                    r = (t * MAX_POS + p) * 3 + s
                    plsc.store_scatter(lut_v, [lane + r * LUT_STRIDE],
                                       tp + wb_rows[s])

        zero = jnp.zeros((16,), jnp.int32)

        def compute(par):
            tb, pb, b0b, b1b, rb = (t_v, p_v, b0_v, b1_v, rows_v)

            @plsc.parallel_loop(0, G, unroll=1)
            def _group(g):
                sl = pl.ds(g * 16, 16)
                t = tb[par, sl]
                p = jnp.minimum(jnp.maximum(pb[par, sl], zero),
                                zero + (MAX_POS - 1))
                d = b0b[par, sl] - b1b[par, sl]
                s = jnp.where(d > 0, zero + 2,
                              jnp.where(d < 0, zero, zero + 1))
                addr = (t * (MAX_POS * 3) + p * 3 + s) * LUT_STRIDE
                for j in range(EDGE_DIM):
                    rb[par, j, sl] = plsc.load_gather(lut_v, [addr + j])

        def pair(i2, carry):
            for par in (0, 1):
                i = i2 * 2 + par

                @pl.when(wid + i * NW < n_chunks)
                def _step():
                    wait_in(par)

                    @pl.when(i2 > 0)
                    def _():
                        wait_out(par)

                    compute(par)
                    start_out(i, par)

                    @pl.when(wid + (i + 2) * NW < n_chunks)
                    def _():
                        start_in(i + 2, par)
            return carry

        lax.fori_loop(0, n_pairs, pair, 0)
        wait_out(0)
        wait_out(1)

    return sc_kernel


def kernel(edge_types, edge_pos, block_idx, W_type, W_pos, W_blk):
    E = edge_types.shape[0]
    sc = _make_sc_kernel(E)
    out_t = sc(W_type.reshape(-1), W_pos.reshape(-1), W_blk.reshape(-1),
               edge_types, edge_pos, block_idx)
    return out_t.T

# --- scband reference (transcript-rebuilt; emitter-appended) ---
"""Pipeline reference for scband-edge-encoding-35261681500740 (READ-ONLY COPY).

The authoritative reference and input builder live on the scoring server;
editing this copy changes nothing except your own understanding.
"""

import jax, jax.numpy as jnp
import numpy as np

E = 3200000
EDGE_DIM = 16
NUM_EDGE_TYPES = 4
MAX_EDGE_POSITIONS = 32  # embedding rows; clamp limit is MAX_EDGE_POSITIONS - 1
N_NODES = 100000


def setup_inputs(seed: int = 0) -> dict:
    key = jax.random.key(seed)
    k1, k2, k3, k4, k5, k6 = jax.random.split(key, 6)
    edge_types = jax.random.randint(k1, (E,), 0, NUM_EDGE_TYPES, dtype=jnp.int32)
    edge_pos = jax.random.randint(k2, (E,), 0, MAX_EDGE_POSITIONS, dtype=jnp.int32)
    block_idx = jax.random.randint(k3, (2, E), 0, N_NODES, dtype=jnp.int32)
    # learned parameters (nn.Embedding weights)
    W_type = jax.random.normal(k4, (NUM_EDGE_TYPES, EDGE_DIM), dtype=jnp.float32)
    W_pos = jax.random.normal(k5, (MAX_EDGE_POSITIONS, EDGE_DIM), dtype=jnp.float32)
    W_blk = jax.random.normal(k6, (3, EDGE_DIM), dtype=jnp.float32)
    return {
        "edge_types": edge_types,
        "edge_pos": edge_pos,
        "block_idx": block_idx,
        "W_type": W_type,
        "W_pos": W_pos,
        "W_blk": W_blk,
    }


def reference(edge_types, edge_pos, block_idx, W_type, W_pos, W_blk):
    # type embedding lookup
    type_emb = jnp.take(W_type, edge_types, axis=0)
    # edge position: clamp to [0, max_edge_positions - 1] then lookup
    pos = jnp.clip(edge_pos, 0, MAX_EDGE_POSITIONS - 1)
    pos_emb = jnp.take(W_pos, pos, axis=0)
    # block difference sign in {0, 1, 2}
    diff = block_idx[0] - block_idx[1]
    sign = jnp.sign(diff).astype(jnp.int32) + 1
    blk_emb = jnp.take(W_blk, sign, axis=0)
    edge_emb = type_emb + pos_emb + blk_emb
    return edge_emb

if __name__ == "__main__":
    import jax
    _d = setup_inputs()
    print(jax.jit(kernel)(*tuple(_d.values())))

</pallas_src>

<mosaic_0001>
#map = affine_map<(d0, d1) -> (0)>
#map1 = affine_map<(d0, d1) -> (0, 0)>
module attributes {stable_mosaic.version = 14 : i64} {
  func.func @sc_kernel(%arg0: i32, %arg1: i32, %arg2: memref<64xf32, #tpu.memory_space<hbm>>, %arg3: memref<512xf32, #tpu.memory_space<hbm>>, %arg4: memref<48xf32, #tpu.memory_space<hbm>>, %arg5: memref<3200000xi32, #tpu.memory_space<hbm>>, %arg6: memref<3200000xi32, #tpu.memory_space<hbm>>, %arg7: memref<2x3200000xi32, #tpu.memory_space<hbm>>, %arg8: memref<16x3200000xf32, #tpu.memory_space<hbm>>, %arg9: memref<64xf32, #tpu.memory_space<vmem>>, %arg10: memref<512xf32, #tpu.memory_space<vmem>>, %arg11: memref<48xf32, #tpu.memory_space<vmem>>, %arg12: memref<6528xf32, #tpu.memory_space<vmem>>, %arg13: memref<2x2560xi32, #tpu.memory_space<vmem>>, %arg14: memref<2x2560xi32, #tpu.memory_space<vmem>>, %arg15: memref<2x2560xi32, #tpu.memory_space<vmem>>, %arg16: memref<2x2560xi32, #tpu.memory_space<vmem>>, %arg17: memref<2x16x2560xf32, #tpu.memory_space<vmem>>, %arg18: memref<!tpu.dma_semaphore, #tpu.memory_space<semaphore_mem>>, %arg19: memref<!tpu.dma_semaphore, #tpu.memory_space<semaphore_mem>>) attributes {dimension_semantics = [#tpu.dimension_semantics<core_parallel>, #tpu.dimension_semantics<subcore_parallel>], iteration_bounds = array<i64: 2, 16>, scalar_prefetch = 0 : i64, scratch_operands = 11 : i64, tpu.core_type = #tpu.core_type<sc_vector_subcore>, window_params = [{transform_indices = #map}, {transform_indices = #map}, {transform_indices = #map}, {transform_indices = #map}, {transform_indices = #map}, {transform_indices = #map1}, {transform_indices = #map1}]} {
    %mul3A = arith.constant 2 : i32
    %mul3A_0 = arith.muli %arg1, %mul3A : i32
    %add3A = arith.addi %mul3A_0, %arg0 : i32
    %add3A_1 = arith.constant 0 : i32
    %add3A_2 = arith.addi %add3A, %add3A_1 : i32
    %min3A = arith.constant 1249 : i32
    %min3A_3 = arith.minsi %add3A_2, %min3A : i32
    %mul3A_4 = arith.constant 2560 : i32
    %mul3A_5 = arith.muli %min3A_3, %mul3A_4 : i32
    %dma_start3A = arith.constant 0 : i32
    %dma_start3A_6 = arith.constant 0 : i32
    %dma_start3A_7 = tpu.memref_slice %arg13[%dma_start3A, %dma_start3A_6] : memref<2x2560xi32, #tpu.memory_space<vmem>> -> memref<1x2560xi32, #tpu.memory_space<vmem>>
    %dma_start3A_8 = tpu.memref_squeeze %dma_start3A_7 : memref<1x2560xi32, #tpu.memory_space<vmem>> -> memref<2560xi32, #tpu.memory_space<vmem>>
    %dma_start3A_9 = tpu.memref_slice %arg5[%mul3A_5] : memref<3200000xi32, #tpu.memory_space<hbm>> -> memref<2560xi32, #tpu.memory_space<hbm>>
    %dma_start3A_10 = arith.constant 0 : i32
    %dma_start3A_11 = tpu.memref_slice %arg13[%dma_start3A, %dma_start3A_10] : memref<2x2560xi32, #tpu.memory_space<vmem>> -> memref<1x2560xi32, #tpu.memory_space<vmem>>
    %dma_start3A_12 = tpu.memref_squeeze %dma_start3A_11 : memref<1x2560xi32, #tpu.memory_space<vmem>> -> memref<2560xi32, #tpu.memory_space<vmem>>
    %dma_start3A_13 = tpu.memref_slice %arg5[%mul3A_5] : memref<3200000xi32, #tpu.memory_space<hbm>> -> memref<2560xi32, #tpu.memory_space<hbm>>
    tpu.enqueue_dma source(%dma_start3A_13 : memref<2560xi32, #tpu.memory_space<hbm>>) target(%dma_start3A_12 : memref<2560xi32, #tpu.memory_space<vmem>>) target_semaphore(%arg18 : memref<!tpu.dma_semaphore, #tpu.memory_space<semaphore_mem>>)
    %dma_start3A_14 = arith.constant 0 : i32
    %dma_start3A_15 = arith.constant 0 : i32
    %dma_start3A_16 = tpu.memref_slice %arg14[%dma_start3A_14, %dma_start3A_15] : memref<2x2560xi32, #tpu.memory_space<vmem>> -> memref<1x2560xi32, #tpu.memory_space<vmem>>
    %dma_start3A_17 = tpu.memref_squeeze %dma_start3A_16 : memref<1x2560xi32, #tpu.memory_space<vmem>> -> memref<2560xi32, #tpu.memory_space<vmem>>
    %dma_start3A_18 = tpu.memref_slice %arg6[%mul3A_5] : memref<3200000xi32, #tpu.memory_space<hbm>> -> memref<2560xi32, #tpu.memory_space<hbm>>
    %dma_start3A_19 = arith.constant 0 : i32
    %dma_start3A_20 = tpu.memref_slice %arg14[%dma_start3A_14, %dma_start3A_19] : memref<2x2560xi32, #tpu.memory_space<vmem>> -> memref<1x2560xi32, #tpu.memory_space<vmem>>
    %dma_start3A_21 = tpu.memref_squeeze %dma_start3A_20 : memref<1x2560xi32, #tpu.memory_space<vmem>> -> memref<2560xi32, #tpu.memory_space<vmem>>
    %dma_start3A_22 = tpu.memref_slice %arg6[%mul3A_5] : memref<3200000xi32, #tpu.memory_space<hbm>> -> memref<2560xi32, #tpu.memory_space<hbm>>
    tpu.enqueue_dma source(%dma_start3A_22 : memref<2560xi32, #tpu.memory_space<hbm>>) target(%dma_start3A_21 : memref<2560xi32, #tpu.memory_space<vmem>>) target_semaphore(%arg18 : memref<!tpu.dma_semaphore, #tpu.memory_space<semaphore_mem>>)
    %dma_start3A_23 = arith.constant 0 : i32
    %dma_start3A_24 = arith.constant 0 : i32
    %dma_start3A_25 = arith.constant 0 : i32
    %dma_start3A_26 = tpu.memref_slice %arg15[%dma_start3A_24, %dma_start3A_25] : memref<2x2560xi32, #tpu.memory_space<vmem>> -> memref<1x2560xi32, #tpu.memory_space<vmem>>
    %dma_start3A_27 = tpu.memref_squeeze %dma_start3A_26 : memref<1x2560xi32, #tpu.memory_space<vmem>> -> memref<2560xi32, #tpu.memory_space<vmem>>
    %dma_start3A_28 = tpu.memref_slice %arg7[%dma_start3A_23, %mul3A_5] : memref<2x3200000xi32, #tpu.memory_space<hbm>> -> memref<1x2560xi32, #tpu.memory_space<hbm>>
    %dma_start3A_29 = tpu.memref_squeeze %dma_start3A_28 : memref<1x2560xi32, #tpu.memory_space<hbm>> -> memref<2560xi32, #tpu.memory_space<hbm>>
    %dma_start3A_30 = arith.constant 0 : i32
    %dma_start3A_31 = tpu.memref_slice %arg15[%dma_start3A_24, %dma_start3A_30] : memref<2x2560xi32, #tpu.memory_space<vmem>> -> memref<1x2560xi32, #tpu.memory_space<vmem>>
    %dma_start3A_32 = tpu.memref_squeeze %dma_start3A_31 : memref<1x2560xi32, #tpu.memory_space<vmem>> -> memref<2560xi32, #tpu.memory_space<vmem>>
    %dma_start3A_33 = tpu.memref_slice %arg7[%dma_start3A_23, %mul3A_5] : memref<2x3200000xi32, #tpu.memory_space<hbm>> -> memref<1x2560xi32, #tpu.memory_space<hbm>>
    %dma_start3A_34 = tpu.memref_squeeze %dma_start3A_33 : memref<1x2560xi32, #tpu.memory_space<hbm>> -> memref<2560xi32, #tpu.memory_space<hbm>>
    tpu.enqueue_dma source(%dma_start3A_34 : memref<2560xi32, #tpu.memory_space<hbm>>) target(%dma_start3A_32 : memref<2560xi32, #tpu.memory_space<vmem>>) target_semaphore(%arg18 : memref<!tpu.dma_semaphore, #tpu.memory_space<semaphore_mem>>)
    %dma_start3A_35 = arith.constant 1 : i32
    %dma_start3A_36 = arith.constant 0 : i32
    %dma_start3A_37 = arith.constant 0 : i32
    %dma_start3A_38 = tpu.memref_slice %arg16[%dma_start3A_36, %dma_start3A_37] : memref<2x2560xi32, #tpu.memory_space<vmem>> -> memref<1x2560xi32, #tpu.memory_space<vmem>>
    %dma_start3A_39 = tpu.memref_squeeze %dma_start3A_38 : memref<1x2560xi32, #tpu.memory_space<vmem>> -> memref<2560xi32, #tpu.memory_space<vmem>>
    %dma_start3A_40 = tpu.memref_slice %arg7[%dma_start3A_35, %mul3A_5] : memref<2x3200000xi32, #tpu.memory_space<hbm>> -> memref<1x2560xi32, #tpu.memory_space<hbm>>
    %dma_start3A_41 = tpu.memref_squeeze %dma_start3A_40 : memref<1x2560xi32, #tpu.memory_space<hbm>> -> memref<2560xi32, #tpu.memory_space<hbm>>
    %dma_start3A_42 = arith.constant 0 : i32
    %dma_start3A_43 = tpu.memref_slice %arg16[%dma_start3A_36, %dma_start3A_42] : memref<2x2560xi32, #tpu.memory_space<vmem>> -> memref<1x2560xi32, #tpu.memory_space<vmem>>
    %dma_start3A_44 = tpu.memref_squeeze %dma_start3A_43 : memref<1x2560xi32, #tpu.memory_space<vmem>> -> memref<2560xi32, #tpu.memory_space<vmem>>
    %dma_start3A_45 = tpu.memref_slice %arg7[%dma_start3A_35, %mul3A_5] : memref<2x3200000xi32, #tpu.memory_space<hbm>> -> memref<1x2560xi32, #tpu.memory_space<hbm>>
    %dma_start3A_46 = tpu.memref_squeeze %dma_start3A_45 : memref<1x2560xi32, #tpu.memory_space<hbm>> -> memref<2560xi32, #tpu.memory_space<hbm>>
    tpu.enqueue_dma source(%dma_start3A_46 : memref<2560xi32, #tpu.memory_space<hbm>>) target(%dma_start3A_44 : memref<2560xi32, #tpu.memory_space<vmem>>) target_semaphore(%arg18 : memref<!tpu.dma_semaphore, #tpu.memory_space<semaphore_mem>>)
    %add3A_47 = arith.constant 32 : i32
    %add3A_48 = arith.addi %add3A, %add3A_47 : i32
    %min3A_49 = arith.constant 1249 : i32
    %min3A_50 = arith.minsi %add3A_48, %min3A_49 : i32
    %mul3A_51 = arith.constant 2560 : i32
    %mul3A_52 = arith.muli %min3A_50, %mul3A_51 : i32
    %dma_start3A_53 = arith.constant 1 : i32
    %dma_start3A_54 = arith.constant 0 : i32
    %dma_start3A_55 = tpu.memref_slice %arg13[%dma_start3A_53, %dma_start3A_54] : memref<2x2560xi32, #tpu.memory_space<vmem>> -> memref<1x2560xi32, #tpu.memory_space<vmem>>
    %dma_start3A_56 = tpu.memref_squeeze %dma_start3A_55 : memref<1x2560xi32, #tpu.memory_space<vmem>> -> memref<2560xi32, #tpu.memory_space<vmem>>
    %dma_start3A_57 = tpu.memref_slice %arg5[%mul3A_52] : memref<3200000xi32, #tpu.memory_space<hbm>> -> memref<2560xi32, #tpu.memory_space<hbm>>
    %dma_start3A_58 = arith.constant 0 : i32
    %dma_start3A_59 = tpu.memref_slice %arg13[%dma_start3A_53, %dma_start3A_58] : memref<2x2560xi32, #tpu.memory_space<vmem>> -> memref<1x2560xi32, #tpu.memory_space<vmem>>
    %dma_start3A_60 = tpu.memref_squeeze %dma_start3A_59 : memref<1x2560xi32, #tpu.memory_space<vmem>> -> memref<2560xi32, #tpu.memory_space<vmem>>
    %dma_start3A_61 = tpu.memref_slice %arg5[%mul3A_52] : memref<3200000xi32, #tpu.memory_space<hbm>> -> memref<2560xi32, #tpu.memory_space<hbm>>
    tpu.enqueue_dma source(%dma_start3A_61 : memref<2560xi32, #tpu.memory_space<hbm>>) target(%dma_start3A_60 : memref<2560xi32, #tpu.memory_space<vmem>>) target_semaphore(%arg18 : memref<!tpu.dma_semaphore, #tpu.memory_space<semaphore_mem>>)
    %dma_start3A_62 = arith.constant 1 : i32
    %dma_start3A_63 = arith.constant 0 : i32
    %dma_start3A_64 = tpu.memref_slice %arg14[%dma_start3A_62, %dma_start3A_63] : memref<2x2560xi32, #tpu.memory_space<vmem>> -> memref<1x2560xi32, #tpu.memory_space<vmem>>
    %dma_start3A_65 = tpu.memref_squeeze %dma_start3A_64 : memref<1x2560xi32, #tpu.memory_space<vmem>> -> memref<2560xi32, #tpu.memory_space<vmem>>
    %dma_start3A_66 = tpu.memref_slice %arg6[%mul3A_52] : memref<3200000xi32, #tpu.memory_space<hbm>> -> memref<2560xi32, #tpu.memory_space<hbm>>
    %dma_start3A_67 = arith.constant 0 : i32
    %dma_start3A_68 = tpu.memref_slice %arg14[%dma_start3A_62, %dma_start3A_67] : memref<2x2560xi32, #tpu.memory_space<vmem>> -> memref<1x2560xi32, #tpu.memory_space<vmem>>
    %dma_start3A_69 = tpu.memref_squeeze %dma_start3A_68 : memref<1x2560xi32, #tpu.memory_space<vmem>> -> memref<2560xi32, #tpu.memory_space<vmem>>
    %dma_start3A_70 = tpu.memref_slice %arg6[%mul3A_52] : memref<3200000xi32, #tpu.memory_space<hbm>> -> memref<2560xi32, #tpu.memory_space<hbm>>
    tpu.enqueue_dma source(%dma_start3A_70 : memref<2560xi32, #tpu.memory_space<hbm>>) target(%dma_start3A_69 : memref<2560xi32, #tpu.memory_space<vmem>>) target_semaphore(%arg18 : memref<!tpu.dma_semaphore, #tpu.memory_space<semaphore_mem>>)
    %dma_start3A_71 = arith.constant 0 : i32
    %dma_start3A_72 = arith.constant 1 : i32
    %dma_start3A_73 = arith.constant 0 : i32
    %dma_start3A_74 = tpu.memref_slice %arg15[%dma_start3A_72, %dma_start3A_73] : memref<2x2560xi32, #tpu.memory_space<vmem>> -> memref<1x2560xi32, #tpu.memory_space<vmem>>
    %dma_start3A_75 = tpu.memref_squeeze %dma_start3A_74 : memref<1x2560xi32, #tpu.memory_space<vmem>> -> memref<2560xi32, #tpu.memory_space<vmem>>
    %dma_start3A_76 = tpu.memref_slice %arg7[%dma_start3A_71, %mul3A_52] : memref<2x3200000xi32, #tpu.memory_space<hbm>> -> memref<1x2560xi32, #tpu.memory_space<hbm>>
    %dma_start3A_77 = tpu.memref_squeeze %dma_start3A_76 : memref<1x2560xi32, #tpu.memory_space<hbm>> -> memref<2560xi32, #tpu.memory_space<hbm>>
    %dma_start3A_78 = arith.constant 0 : i32
    %dma_start3A_79 = tpu.memref_slice %arg15[%dma_start3A_72, %dma_start3A_78] : memref<2x2560xi32, #tpu.memory_space<vmem>> -> memref<1x2560xi32, #tpu.memory_space<vmem>>
    %dma_start3A_80 = tpu.memref_squeeze %dma_start3A_79 : memref<1x2560xi32, #tpu.memory_space<vmem>> -> memref<2560xi32, #tpu.memory_space<vmem>>
    %dma_start3A_81 = tpu.memref_slice %arg7[%dma_start3A_71, %mul3A_52] : memref<2x3200000xi32, #tpu.memory_space<hbm>> -> memref<1x2560xi32, #tpu.memory_space<hbm>>
    %dma_start3A_82 = tpu.memref_squeeze %dma_start3A_81 : memref<1x2560xi32, #tpu.memory_space<hbm>> -> memref<2560xi32, #tpu.memory_space<hbm>>
    tpu.enqueue_dma source(%dma_start3A_82 : memref<2560xi32, #tpu.memory_space<hbm>>) target(%dma_start3A_80 : memref<2560xi32, #tpu.memory_space<vmem>>) target_semaphore(%arg18 : memref<!tpu.dma_semaphore, #tpu.memory_space<semaphore_mem>>)
    %dma_start3A_83 = arith.constant 1 : i32
    %dma_start3A_84 = arith.constant 1 : i32
    %dma_start3A_85 = arith.constant 0 : i32
    %dma_start3A_86 = tpu.memref_slice %arg16[%dma_start3A_84, %dma_start3A_85] : memref<2x2560xi32, #tpu.memory_space<vmem>> -> memref<1x2560xi32, #tpu.memory_space<vmem>>
    %dma_start3A_87 = tpu.memref_squeeze %dma_start3A_86 : memref<1x2560xi32, #tpu.memory_space<vmem>> -> memref<2560xi32, #tpu.memory_space<vmem>>
    %dma_start3A_88 = tpu.memref_slice %arg7[%dma_start3A_83, %mul3A_52] : memref<2x3200000xi32, #tpu.memory_space<hbm>> -> memref<1x2560xi32, #tpu.memory_space<hbm>>
    %dma_start3A_89 = tpu.memref_squeeze %dma_start3A_88 : memref<1x2560xi32, #tpu.memory_space<hbm>> -> memref<2560xi32, #tpu.memory_space<hbm>>
    %dma_start3A_90 = arith.constant 0 : i32
    %dma_start3A_91 = tpu.memref_slice %arg16[%dma_start3A_84, %dma_start3A_90] : memref<2x2560xi32, #tpu.memory_space<vmem>> -> memref<1x2560xi32, #tpu.memory_space<vmem>>
    %dma_start3A_92 = tpu.memref_squeeze %dma_start3A_91 : memref<1x2560xi32, #tpu.memory_space<vmem>> -> memref<2560xi32, #tpu.memory_space<vmem>>
    %dma_start3A_93 = tpu.memref_slice %arg7[%dma_start3A_83, %mul3A_52] : memref<2x3200000xi32, #tpu.memory_space<hbm>> -> memref<1x2560xi32, #tpu.memory_space<hbm>>
    %dma_start3A_94 = tpu.memref_squeeze %dma_start3A_93 : memref<1x2560xi32, #tpu.memory_space<hbm>> -> memref<2560xi32, #tpu.memory_space<hbm>>
    tpu.enqueue_dma source(%dma_start3A_94 : memref<2560xi32, #tpu.memory_space<hbm>>) target(%dma_start3A_92 : memref<2560xi32, #tpu.memory_space<vmem>>) target_semaphore(%arg18 : memref<!tpu.dma_semaphore, #tpu.memory_space<semaphore_mem>>)
    "tpu.region"() ({
      %run_scoped3A = tpu.sem_alloc : memref<!tpu.dma_semaphore, #tpu.memory_space<semaphore_mem>>
      tpu.enqueue_dma source(%arg2 : memref<64xf32, #tpu.memory_space<hbm>>) target(%arg9 : memref<64xf32, #tpu.memory_space<vmem>>) target_semaphore(%run_scoped3A : memref<!tpu.dma_semaphore, #tpu.memory_space<semaphore_mem>>)
      tpu.wait_dma2 semaphore(%run_scoped3A : memref<!tpu.dma_semaphore, #tpu.memory_space<semaphore_mem>>) src(%arg2 : memref<64xf32, #tpu.memory_space<hbm>>) dst(%arg9 : memref<64xf32, #tpu.memory_space<vmem>>)
      tpu.yield
    }) : () -> ()
    "tpu.region"() ({
      %run_scoped3A = tpu.sem_alloc : memref<!tpu.dma_semaphore, #tpu.memory_space<semaphore_mem>>
      tpu.enqueue_dma source(%arg3 : memref<512xf32, #tpu.memory_space<hbm>>) target(%arg10 : memref<512xf32, #tpu.memory_space<vmem>>) target_semaphore(%run_scoped3A : memref<!tpu.dma_semaphore, #tpu.memory_space<semaphore_mem>>)
      tpu.wait_dma2 semaphore(%run_scoped3A : memref<!tpu.dma_semaphore, #tpu.memory_space<semaphore_mem>>) src(%arg3 : memref<512xf32, #tpu.memory_space<hbm>>) dst(%arg10 : memref<512xf32, #tpu.memory_space<vmem>>)
      tpu.yield
    }) : () -> ()
    "tpu.region"() ({
      %run_scoped3A = tpu.sem_alloc : memref<!tpu.dma_semaphore, #tpu.memory_space<semaphore_mem>>
      tpu.enqueue_dma source(%arg4 : memref<48xf32, #tpu.memory_space<hbm>>) target(%arg11 : memref<48xf32, #tpu.memory_space<vmem>>) target_semaphore(%run_scoped3A : memref<!tpu.dma_semaphore, #tpu.memory_space<semaphore_mem>>)
      tpu.wait_dma2 semaphore(%run_scoped3A : memref<!tpu.dma_semaphore, #tpu.memory_space<semaphore_mem>>) src(%arg4 : memref<48xf32, #tpu.memory_space<hbm>>) dst(%arg11 : memref<48xf32, #tpu.memory_space<vmem>>)
      tpu.yield
    }) : () -> ()
    %get3A = arith.constant 0 : index
    %get3A_95 = tpu.vector_load %arg11[%get3A] {strides = array<i32>} : memref<48xf32, #tpu.memory_space<vmem>>, vector<16xf32>,
    %get3A_96 = arith.constant 16 : index
    %get3A_97 = tpu.vector_load %arg11[%get3A_96] {strides = array<i32>} : memref<48xf32, #tpu.memory_space<vmem>>, vector<16xf32>,
    %get3A_98 = arith.constant 32 : index
    %get3A_99 = tpu.vector_load %arg11[%get3A_98] {strides = array<i32>} : memref<48xf32, #tpu.memory_space<vmem>>, vector<16xf32>,
    %iota3A = tpu.iota {dimensions = array<i32: 0>} : vector<16xi32>
    %get3A_100 = arith.constant 0 : index
    %get3A_101 = tpu.vector_load %arg9[%get3A_100] {strides = array<i32>} : memref<64xf32, #tpu.memory_space<vmem>>, vector<16xf32>,
    %get3A_102 = arith.constant 0 : index
    %get3A_103 = tpu.vector_load %arg10[%get3A_102] {strides = array<i32>} : memref<512xf32, #tpu.memory_space<vmem>>, vector<16xf32>,
    %add3A_104 = arith.addf %get3A_101, %get3A_103 : vector<16xf32>
    %add3A_105 = arith.constant 0 : i32
    %add3A_106 = vector.broadcast %add3A_105 : i32 to vector<16xi32>
    %add3A_107 = arith.addi %iota3A, %add3A_106 : vector<16xi32>
    %add3A_108 = arith.addf %add3A_104, %get3A_95 : vector<16xf32>
    tpu.vector_store_idx %arg12[%add3A_107], %add3A_108 : memref<6528xf32, #tpu.memory_space<vmem>>[vector<16xi32>], vector<16xf32>,
    %add3A_109 = arith.constant 17 : i32
    %add3A_110 = vector.broadcast %add3A_109 : i32 to vector<16xi32>
    %add3A_111 = arith.addi %iota3A, %add3A_110 : vector<16xi32>
    %add3A_112 = arith.addf %add3A_104, %get3A_97 : vector<16xf32>
    tpu.vector_store_idx %arg12[%add3A_111], %add3A_112 : memref<6528xf32, #tpu.memory_space<vmem>>[vector<16xi32>], vector<16xf32>,
    %add3A_113 = arith.constant 34 : i32
    %add3A_114 = vector.broadcast %add3A_113 : i32 to vector<16xi32>
    %add3A_115 = arith.addi %iota3A, %add3A_114 : vector<16xi32>
    %add3A_116 = arith.addf %add3A_104, %get3A_99 : vector<16xf32>
    tpu.vector_store_idx %arg12[%add3A_115], %add3A_116 : memref<6528xf32, #tpu.memory_space<vmem>>[vector<16xi32>], vector<16xf32>,
    %get3A_117 = arith.constant 16 : index
    %get3A_118 = tpu.vector_load %arg10[%get3A_117] {strides = array<i32>} : memref<512xf32, #tpu.memory_space<vmem>>, vector<16xf32>,
    %add3A_119 = arith.addf %get3A_101, %get3A_118 : vector<16xf32>
    %add3A_120 = arith.constant 51 : i32
    %add3A_121 = vector.broadcast %add3A_120 : i32 to vector<16xi32>
    %add3A_122 = arith.addi %iota3A, %add3A_121 : vector<16xi32>
    %add3A_123 = arith.addf %add3A_119, %get3A_95 : vector<16xf32>
    tpu.vector_store_idx %arg12[%add3A_122], %add3A_123 : memref<6528xf32, #tpu.memory_space<vmem>>[vector<16xi32>], vector<16xf32>,
    %add3A_124 = arith.constant 68 : i32
    %add3A_125 = vector.broadcast %add3A_124 : i32 to vector<16xi32>
    %add3A_126 = arith.addi %iota3A, %add3A_125 : vector<16xi32>
    %add3A_127 = arith.addf %add3A_119, %get3A_97 : vector<16xf32>
    tpu.vector_store_idx %arg12[%add3A_126], %add3A_127 : memref<6528xf32, #tpu.memory_space<vmem>>[vector<16xi32>], vector<16xf32>,
    %add3A_128 = arith.constant 85 : i32
    %add3A_129 = vector.broadcast %add3A_128 : i32 to vector<16xi32>
    %add3A_130 = arith.addi %iota3A, %add3A_129 : vector<16xi32>
    %add3A_131 = arith.addf %add3A_119, %get3A_99 : vector<16xf32>
    tpu.vector_store_idx %arg12[%add3A_130], %add3A_131 : memref<6528xf32, #tpu.memory_space<vmem>>[vector<16xi32>], vector<16xf32>,
    %get3A_132 = arith.constant 32 : index
    %get3A_133 = tpu.vector_load %arg10[%get3A_132] {strides = array<i32>} : memref<512xf32, #tpu.memory_space<vmem>>, vector<16xf32>,
    %add3A_134 = arith.addf %get3A_101, %get3A_133 : vector<16xf32>
    %add3A_135 = arith.constant 102 : i32
    %add3A_136 = vector.broadcast %add3A_135 : i32 to vector<16xi32>
    %add3A_137 = arith.addi %iota3A, %add3A_136 : vector<16xi32>
    %add3A_138 = arith.addf %add3A_134, %get3A_95 : vector<16xf32>
    tpu.vector_store_idx %arg12[%add3A_137], %add3A_138 : memref<6528xf32, #tpu.memory_space<vmem>>[vector<16xi32>], vector<16xf32>,
    %add3A_139 = arith.constant 119 : i32
    %add3A_140 = vector.broadcast %add3A_139 : i32 to vector<16xi32>
    %add3A_141 = arith.addi %iota3A, %add3A_140 : vector<16xi32>
    %add3A_142 = arith.addf %add3A_134, %get3A_97 : vector<16xf32>
    tpu.vector_store_idx %arg12[%add3A_141], %add3A_142 : memref<6528xf32, #tpu.memory_space<vmem>>[vector<16xi32>], vector<16xf32>,
    %add3A_143 = arith.constant 136 : i32
    %add3A_144 = vector.broadcast %add3A_143 : i32 to vector<16xi32>
    %add3A_145 = arith.addi %iota3A, %add3A_144 : vector<16xi32>
    %add3A_146 = arith.addf %add3A_134, %get3A_99 : vector<16xf32>
    tpu.vector_store_idx %arg12[%add3A_145], %add3A_146 : memref<6528xf32, #tpu.memory_space<vmem>>[vector<16xi32>], vector<16xf32>,
    %get3A_147 = arith.constant 48 : index
    %get3A_148 = tpu.vector_load %arg10[%get3A_147] {strides = array<i32>} : memref<512xf32, #tpu.memory_space<vmem>>, vector<16xf32>,
    %add3A_149 = arith.addf %get3A_101, %get3A_148 : vector<16xf32>
    %add3A_150 = arith.constant 153 : i32
    %add3A_151 = vector.broadcast %add3A_150 : i32 to vector<16xi32>
    %add3A_152 = arith.addi %iota3A, %add3A_151 : vector<16xi32>
    %add3A_153 = arith.addf %add3A_149, %get3A_95 : vector<16xf32>
    tpu.vector_store_idx %arg12[%add3A_152], %add3A_153 : memref<6528xf32, #tpu.memory_space<vmem>>[vector<16xi32>], vector<16xf32>,
    %add3A_154 = arith.constant 170 : i32
    %add3A_155 = vector.broadcast %add3A_154 : i32 to vector<16xi32>
    %add3A_156 = arith.addi %iota3A, %add3A_155 : vector<16xi32>
    %add3A_157 = arith.addf %add3A_149, %get3A_97 : vector<16xf32>
    tpu.vector_store_idx %arg12[%add3A_156], %add3A_157 : memref<6528xf32, #tpu.memory_space<vmem>>[vector<16xi32>], vector<16xf32>,
    %add3A_158 = arith.constant 187 : i32
    %add3A_159 = vector.broadcast %add3A_158 : i32 to vector<16xi32>
    %add3A_160 = arith.addi %iota3A, %add3A_159 : vector<16xi32>
    %add3A_161 = arith.addf %add3A_149, %get3A_99 : vector<16xf32>
    tpu.vector_store_idx %arg12[%add3A_160], %add3A_161 : memref<6528xf32, #tpu.memory_space<vmem>>[vector<16xi32>], vector<16xf32>,
    %get3A_162 = arith.constant 64 : index
    %get3A_163 = tpu.vector_load %arg10[%get3A_162] {strides = array<i32>} : memref<512xf32, #tpu.memory_space<vmem>>, vector<16xf32>,
    %add3A_164 = arith.addf %get3A_101, %get3A_163 : vector<16xf32>
    %add3A_165 = arith.constant 204 : i32
    %add3A_166 = vector.broadcast %add3A_165 : i32 to vector<16xi32>
    %add3A_167 = arith.addi %iota3A, %add3A_166 : vector<16xi32>
    %add3A_168 = arith.addf %add3A_164, %get3A_95 : vector<16xf32>
    tpu.vector_store_idx %arg12[%add3A_167], %add3A_168 : memref<6528xf32, #tpu.memory_space<vmem>>[vector<16xi32>], vector<16xf32>,
    %add3A_169 = arith.constant 221 : i32
    %add3A_170 = vector.broadcast %add3A_169 : i32 to vector<16xi32>
    %add3A_171 = arith.addi %iota3A, %add3A_170 : vector<16xi32>
    %add3A_172 = arith.addf %add3A_164, %get3A_97 : vector<16xf32>
    tpu.vector_store_idx %arg12[%add3A_171], %add3A_172 : memref<6528xf32, #tpu.memory_space<vmem>>[vector<16xi32>], vector<16xf32>,
    %add3A_173 = arith.constant 238 : i32
    %add3A_174 = vector.broadcast %add3A_173 : i32 to vector<16xi32>
    %add3A_175 = arith.addi %iota3A, %add3A_174 : vector<16xi32>
    %add3A_176 = arith.addf %add3A_164, %get3A_99 : vector<16xf32>
    tpu.vector_store_idx %arg12[%add3A_175], %add3A_176 : memref<6528xf32, #tpu.memory_space<vmem>>[vector<16xi32>], vector<16xf32>,
    %get3A_177 = arith.constant 80 : index
    %get3A_178 = tpu.vector_load %arg10[%get3A_177] {strides = array<i32>} : memref<512xf32, #tpu.memory_space<vmem>>, vector<16xf32>,
    %add3A_179 = arith.addf %get3A_101, %get3A_178 : vector<16xf32>
    %add3A_180 = arith.constant 255 : i32
    %add3A_181 = vector.broadcast %add3A_180 : i32 to vector<16xi32>
    %add3A_182 = arith.addi %iota3A, %add3A_181 : vector<16xi32>
    %add3A_183 = arith.addf %add3A_179, %get3A_95 : vector<16xf32>
    tpu.vector_store_idx %arg12[%add3A_182], %add3A_183 : memref<6528xf32, #tpu.memory_space<vmem>>[vector<16xi32>], vector<16xf32>,
    %add3A_184 = arith.constant 272 : i32
    %add3A_185 = vector.broadcast %add3A_184 : i32 to vector<16xi32>
    %add3A_186 = arith.addi %iota3A, %add3A_185 : vector<16xi32>
    %add3A_187 = arith.addf %add3A_179, %get3A_97 : vector<16xf32>
    tpu.vector_store_idx %arg12[%add3A_186], %add3A_187 : memref<6528xf32, #tpu.memory_space<vmem>>[vector<16xi32>], vector<16xf32>,
    %add3A_188 = arith.constant 289 : i32
    %add3A_189 = vector.broadcast %add3A_188 : i32 to vector<16xi32>
    %add3A_190 = arith.addi %iota3A, %add3A_189 : vector<16xi32>
    %add3A_191 = arith.addf %add3A_179, %get3A_99 : vector<16xf32>
    tpu.vector_store_idx %arg12[%add3A_190], %add3A_191 : memref<6528xf32, #tpu.memory_space<vmem>>[vector<16xi32>], vector<16xf32>,
    %get3A_192 = arith.constant 96 : index
    %get3A_193 = tpu.vector_load %arg10[%get3A_192] {strides = array<i32>} : memref<512xf32, #tpu.memory_space<vmem>>, vector<16xf32>,
    %add3A_194 = arith.addf %get3A_101, %get3A_193 : vector<16xf32>
    %add3A_195 = arith.constant 306 : i32
    %add3A_196 = vector.broadcast %add3A_195 : i32 to vector<16xi32>
    %add3A_197 = arith.addi %iota3A, %add3A_196 : vector<16xi32>
    %add3A_198 = arith.addf %add3A_194, %get3A_95 : vector<16xf32>
    tpu.vector_store_idx %arg12[%add3A_197], %add3A_198 : memref<6528xf32, #tpu.memory_space<vmem>>[vector<16xi32>], vector<16xf32>,
    %add3A_199 = arith.constant 323 : i32
    %add3A_200 = vector.broadcast %add3A_199 : i32 to vector<16xi32>
    %add3A_201 = arith.addi %iota3A, %add3A_200 : vector<16xi32>
    %add3A_202 = arith.addf %add3A_194, %get3A_97 : vector<16xf32>
    tpu.vector_store_idx %arg12[%add3A_201], %add3A_202 : memref<6528xf32, #tpu.memory_space<vmem>>[vector<16xi32>], vector<16xf32>,
    %add3A_203 = arith.constant 340 : i32
    %add3A_204 = vector.broadcast %add3A_203 : i32 to vector<16xi32>
    %add3A_205 = arith.addi %iota3A, %add3A_204 : vector<16xi32>
    %add3A_206 = arith.addf %add3A_194, %get3A_99 : vector<16xf32>
    tpu.vector_store_idx %arg12[%add3A_205], %add3A_206 : memref<6528xf32, #tpu.memory_space<vmem>>[vector<16xi32>], vector<16xf32>,
    %get3A_207 = arith.constant 112 : index
    %get3A_208 = tpu.vector_load %arg10[%get3A_207] {strides = array<i32>} : memref<512xf32, #tpu.memory_space<vmem>>, vector<16xf32>,
    %add3A_209 = arith.addf %get3A_101, %get3A_208 : vector<16xf32>
    %add3A_210 = arith.constant 357 : i32
    %add3A_211 = vector.broadcast %add3A_210 : i32 to vector<16xi32>
    %add3A_212 = arith.addi %iota3A, %add3A_211 : vector<16xi32>
    %add3A_213 = arith.addf %add3A_209, %get3A_95 : vector<16xf32>
    tpu.vector_store_idx %arg12[%add3A_212], %add3A_213 : memref<6528xf32, #tpu.memory_space<vmem>>[vector<16xi32>], vector<16xf32>,
    %add3A_214 = arith.constant 374 : i32
    %add3A_215 = vector.broadcast %add3A_214 : i32 to vector<16xi32>
    %add3A_216 = arith.addi %iota3A, %add3A_215 : vector<16xi32>
    %add3A_217 = arith.addf %add3A_209, %get3A_97 : vector<16xf32>
    tpu.vector_store_idx %arg12[%add3A_216], %add3A_217 : memref<6528xf32, #tpu.memory_space<vmem>>[vector<16xi32>], vector<16xf32>,
    %add3A_218 = arith.constant 391 : i32
    %add3A_219 = vector.broadcast %add3A_218 : i32 to vector<16xi32>
    %add3A_220 = arith.addi %iota3A, %add3A_219 : vector<16xi32>
    %add3A_221 = arith.addf %add3A_209, %get3A_99 : vector<16xf32>
    tpu.vector_store_idx %arg12[%add3A_220], %add3A_221 : memref<6528xf32, #tpu.memory_space<vmem>>[vector<16xi32>], vector<16xf32>,
    %get3A_222 = arith.constant 128 : index
    %get3A_223 = tpu.vector_load %arg10[%get3A_222] {strides = array<i32>} : memref<512xf32, #tpu.memory_space<vmem>>, vector<16xf32>,
    %add3A_224 = arith.addf %get3A_101, %get3A_223 : vector<16xf32>
    %add3A_225 = arith.constant 408 : i32
    %add3A_226 = vector.broadcast %add3A_225 : i32 to vector<16xi32>
    %add3A_227 = arith.addi %iota3A, %add3A_226 : vector<16xi32>
    %add3A_228 = arith.addf %add3A_224, %get3A_95 : vector<16xf32>
    tpu.vector_store_idx %arg12[%add3A_227], %add3A_228 : memref<6528xf32, #tpu.memory_space<vmem>>[vector<16xi32>], vector<16xf32>,
    %add3A_229 = arith.constant 425 : i32
    %add3A_230 = vector.broadcast %add3A_229 : i32 to vector<16xi32>
    %add3A_231 = arith.addi %iota3A, %add3A_230 : vector<16xi32>
    %add3A_232 = arith.addf %add3A_224, %get3A_97 : vector<16xf32>
    tpu.vector_store_idx %arg12[%add3A_231], %add3A_232 : memref<6528xf32, #tpu.memory_space<vmem>>[vector<16xi32>], vector<16xf32>,
    %add3A_233 = arith.constant 442 : i32
    %add3A_234 = vector.broadcast %add3A_233 : i32 to vector<16xi32>
    %add3A_235 = arith.addi %iota3A, %add3A_234 : vector<16xi32>
    %add3A_236 = arith.addf %add3A_224, %get3A_99 : vector<16xf32>
    tpu.vector_store_idx %arg12[%add3A_235], %add3A_236 : memref<6528xf32, #tpu.memory_space<vmem>>[vector<16xi32>], vector<16xf32>,
    %get3A_237 = arith.constant 144 : index
    %get3A_238 = tpu.vector_load %arg10[%get3A_237] {strides = array<i32>} : memref<512xf32, #tpu.memory_space<vmem>>, vector<16xf32>,
    %add3A_239 = arith.addf %get3A_101, %get3A_238 : vector<16xf32>
    %add3A_240 = arith.constant 459 : i32
    %add3A_241 = vector.broadcast %add3A_240 : i32 to vector<16xi32>
    %add3A_242 = arith.addi %iota3A, %add3A_241 : vector<16xi32>
    %add3A_243 = arith.addf %add3A_239, %get3A_95 : vector<16xf32>
    tpu.vector_store_idx %arg12[%add3A_242], %add3A_243 : memref<6528xf32, #tpu.memory_space<vmem>>[vector<16xi32>], vector<16xf32>,
    %add3A_244 = arith.constant 476 : i32
    %add3A_245 = vector.broadcast %add3A_244 : i32 to vector<16xi32>
    %add3A_246 = arith.addi %iota3A, %add3A_245 : vector<16xi32>
    %add3A_247 = arith.addf %add3A_239, %get3A_97 : vector<16xf32>
    tpu.vector_store_idx %arg12[%add3A_246], %add3A_247 : memref<6528xf32, #tpu.memory_space<vmem>>[vector<16xi32>], vector<16xf32>,
    %add3A_248 = arith.constant 493 : i32
    %add3A_249 = vector.broadcast %add3A_248 : i32 to vector<16xi32>
    %add3A_250 = arith.addi %iota3A, %add3A_249 : vector<16xi32>
    %add3A_251 = arith.addf %add3A_239, %get3A_99 : vector<16xf32>
    tpu.vector_store_idx %arg12[%add3A_250], %add3A_251 : memref<6528xf32, #tpu.memory_space<vmem>>[vector<16xi32>], vector<16xf32>,
    %get3A_252 = arith.constant 160 : index
    %get3A_253 = tpu.vector_load %arg10[%get3A_252] {strides = array<i32>} : memref<512xf32, #tpu.memory_space<vmem>>, vector<16xf32>,
    %add3A_254 = arith.addf %get3A_101, %get3A_253 : vector<16xf32>
    %add3A_255 = arith.constant 510 : i32
    %add3A_256 = vector.broadcast %add3A_255 : i32 to vector<16xi32>
    %add3A_257 = arith.addi %iota3A, %add3A_256 : vector<16xi32>
    %add3A_258 = arith.addf %add3A_254, %get3A_95 : vector<16xf32>
    tpu.vector_store_idx %arg12[%add3A_257], %add3A_258 : memref<6528xf32, #tpu.memory_space<vmem>>[vector<16xi32>], vector<16xf32>,
    %add3A_259 = arith.constant 527 : i32
    %add3A_260 = vector.broadcast %add3A_259 : i32 to vector<16xi32>
    %add3A_261 = arith.addi %iota3A, %add3A_260 : vector<16xi32>
    %add3A_262 = arith.addf %add3A_254, %get3A_97 : vector<16xf32>
    tpu.vector_store_idx %arg12[%add3A_261], %add3A_262 : memref<6528xf32, #tpu.memory_space<vmem>>[vector<16xi32>], vector<16xf32>,
    %add3A_263 = arith.constant 544 : i32
    %add3A_264 = vector.broadcast %add3A_263 : i32 to vector<16xi32>
    %add3A_265 = arith.addi %iota3A, %add3A_264 : vector<16xi32>
    %add3A_266 = arith.addf %add3A_254, %get3A_99 : vector<16xf32>
    tpu.vector_store_idx %arg12[%add3A_265], %add3A_266 : memref<6528xf32, #tpu.memory_space<vmem>>[vector<16xi32>], vector<16xf32>,
    %get3A_267 = arith.constant 176 : index
    %get3A_268 = tpu.vector_load %arg10[%get3A_267] {strides = array<i32>} : memref<512xf32, #tpu.memory_space<vmem>>, vector<16xf32>,
    %add3A_269 = arith.addf %get3A_101, %get3A_268 : vector<16xf32>
    %add3A_270 = arith.constant 561 : i32
    %add3A_271 = vector.broadcast %add3A_270 : i32 to vector<16xi32>
    %add3A_272 = arith.addi %iota3A, %add3A_271 : vector<16xi32>
    %add3A_273 = arith.addf %add3A_269, %get3A_95 : vector<16xf32>
    tpu.vector_store_idx %arg12[%add3A_272], %add3A_273 : memref<6528xf32, #tpu.memory_space<vmem>>[vector<16xi32>], vector<16xf32>,
    %add3A_274 = arith.constant 578 : i32
    %add3A_275 = vector.broadcast %add3A_274 : i32 to vector<16xi32>
    %add3A_276 = arith.addi %iota3A, %add3A_275 : vector<16xi32>
    %add3A_277 = arith.addf %add3A_269, %get3A_97 : vector<16xf32>
    tpu.vector_store_idx %arg12[%add3A_276], %add3A_277 : memref<6528xf32, #tpu.memory_space<vmem>>[vector<16xi32>], vector<16xf32>,
    %add3A_278 = arith.constant 595 : i32
    %add3A_279 = vector.broadcast %add3A_278 : i32 to vector<16xi32>
    %add3A_280 = arith.addi %iota3A, %add3A_279 : vector<16xi32>
    %add3A_281 = arith.addf %add3A_269, %get3A_99 : vector<16xf32>
    tpu.vector_store_idx %arg12[%add3A_280], %add3A_281 : memref<6528xf32, #tpu.memory_space<vmem>>[vector<16xi32>], vector<16xf32>,
    %get3A_282 = arith.constant 192 : index
    %get3A_283 = tpu.vector_load %arg10[%get3A_282] {strides = array<i32>} : memref<512xf32, #tpu.memory_space<vmem>>, vector<16xf32>,
    %add3A_284 = arith.addf %get3A_101, %get3A_283 : vector<16xf32>
    %add3A_285 = arith.constant 612 : i32
    %add3A_286 = vector.broadcast %add3A_285 : i32 to vector<16xi32>
    %add3A_287 = arith.addi %iota3A, %add3A_286 : vector<16xi32>
    %add3A_288 = arith.addf %add3A_284, %get3A_95 : vector<16xf32>
    tpu.vector_store_idx %arg12[%add3A_287], %add3A_288 : memref<6528xf32, #tpu.memory_space<vmem>>[vector<16xi32>], vector<16xf32>,
    %add3A_289 = arith.constant 629 : i32
    %add3A_290 = vector.broadcast %add3A_289 : i32 to vector<16xi32>
    %add3A_291 = arith.addi %iota3A, %add3A_290 : vector<16xi32>
    %add3A_292 = arith.addf %add3A_284, %get3A_97 : vector<16xf32>
    tpu.vector_store_idx %arg12[%add3A_291], %add3A_292 : memref<6528xf32, #tpu.memory_space<vmem>>[vector<16xi32>], vector<16xf32>,
    %add3A_293 = arith.constant 646 : i32
    %add3A_294 = vector.broadcast %add3A_293 : i32 to vector<16xi32>
    %add3A_295 = arith.addi %iota3A, %add3A_294 : vector<16xi32>
    %add3A_296 = arith.addf %add3A_284, %get3A_99 : vector<16xf32>
    tpu.vector_store_idx %arg12[%add3A_295], %add3A_296 : memref<6528xf32, #tpu.memory_space<vmem>>[vector<16xi32>], vector<16xf32>,
    %get3A_297 = arith.constant 208 : index
    %get3A_298 = tpu.vector_load %arg10[%get3A_297] {strides = array<i32>} : memref<512xf32, #tpu.memory_space<vmem>>, vector<16xf32>,
    %add3A_299 = arith.addf %get3A_101, %get3A_298 : vector<16xf32>
    %add3A_300 = arith.constant 663 : i32
    %add3A_301 = vector.broadcast %add3A_300 : i32 to vector<16xi32>
    %add3A_302 = arith.addi %iota3A, %add3A_301 : vector<16xi32>
    %add3A_303 = arith.addf %add3A_299, %get3A_95 : vector<16xf32>
    tpu.vector_store_idx %arg12[%add3A_302], %add3A_303 : memref<6528xf32, #tpu.memory_space<vmem>>[vector<16xi32>], vector<16xf32>,
    %add3A_304 = arith.constant 680 : i32
    %add3A_305 = vector.broadcast %add3A_304 : i32 to vector<16xi32>
    %add3A_306 = arith.addi %iota3A, %add3A_305 : vector<16xi32>
    %add3A_307 = arith.addf %add3A_299, %get3A_97 : vector<16xf32>
    tpu.vector_store_idx %arg12[%add3A_306], %add3A_307 : memref<6528xf32, #tpu.memory_space<vmem>>[vector<16xi32>], vector<16xf32>,
    %add3A_308 = arith.constant 697 : i32
    %add3A_309 = vector.broadcast %add3A_308 : i32 to vector<16xi32>
    %add3A_310 = arith.addi %iota3A, %add3A_309 : vector<16xi32>
    %add3A_311 = arith.addf %add3A_299, %get3A_99 : vector<16xf32>
    tpu.vector_store_idx %arg12[%add3A_310], %add3A_311 : memref<6528xf32, #tpu.memory_space<vmem>>[vector<16xi32>], vector<16xf32>,
    %get3A_312 = arith.constant 224 : index
    %get3A_313 = tpu.vector_load %arg10[%get3A_312] {strides = array<i32>} : memref<512xf32, #tpu.memory_space<vmem>>, vector<16xf32>,
    %add3A_314 = arith.addf %get3A_101, %get3A_313 : vector<16xf32>
    %add3A_315 = arith.constant 714 : i32
    %add3A_316 = vector.broadcast %add3A_315 : i32 to vector<16xi32>
    %add3A_317 = arith.addi %iota3A, %add3A_316 : vector<16xi32>
    %add3A_318 = arith.addf %add3A_314, %get3A_95 : vector<16xf32>
    tpu.vector_store_idx %arg12[%add3A_317], %add3A_318 : memref<6528xf32, #tpu.memory_space<vmem>>[vector<16xi32>], vector<16xf32>,
    %add3A_319 = arith.constant 731 : i32
    %add3A_320 = vector.broadcast %add3A_319 : i32 to vector<16xi32>
    %add3A_321 = arith.addi %iota3A, %add3A_320 : vector<16xi32>
    %add3A_322 = arith.addf %add3A_314, %get3A_97 : vector<16xf32>
    tpu.vector_store_idx %arg12[%add3A_321], %add3A_322 : memref<6528xf32, #tpu.memory_space<vmem>>[vector<16xi32>], vector<16xf32>,
    %add3A_323 = arith.constant 748 : i32
    %add3A_324 = vector.broadcast %add3A_323 : i32 to vector<16xi32>
    %add3A_325 = arith.addi %iota3A, %add3A_324 : vector<16xi32>
    %add3A_326 = arith.addf %add3A_314, %get3A_99 : vector<16xf32>
    tpu.vector_store_idx %arg12[%add3A_325], %add3A_326 : memref<6528xf32, #tpu.memory_space<vmem>>[vector<16xi32>], vector<16xf32>,
    %get3A_327 = arith.constant 240 : index
    %get3A_328 = tpu.vector_load %arg10[%get3A_327] {strides = array<i32>} : memref<512xf32, #tpu.memory_space<vmem>>, vector<16xf32>,
    %add3A_329 = arith.addf %get3A_101, %get3A_328 : vector<16xf32>
    %add3A_330 = arith.constant 765 : i32
    %add3A_331 = vector.broadcast %add3A_330 : i32 to vector<16xi32>
    %add3A_332 = arith.addi %iota3A, %add3A_331 : vector<16xi32>
    %add3A_333 = arith.addf %add3A_329, %get3A_95 : vector<16xf32>
    tpu.vector_store_idx %arg12[%add3A_332], %add3A_333 : memref<6528xf32, #tpu.memory_space<vmem>>[vector<16xi32>], vector<16xf32>,
    %add3A_334 = arith.constant 782 : i32
    %add3A_335 = vector.broadcast %add3A_334 : i32 to vector<16xi32>
    %add3A_336 = arith.addi %iota3A, %add3A_335 : vector<16xi32>
    %add3A_337 = arith.addf %add3A_329, %get3A_97 : vector<16xf32>
    tpu.vector_store_idx %arg12[%add3A_336], %add3A_337 : memref<6528xf32, #tpu.memory_space<vmem>>[vector<16xi32>], vector<16xf32>,
    %add3A_338 = arith.constant 799 : i32
    %add3A_339 = vector.broadcast %add3A_338 : i32 to vector<16xi32>
    %add3A_340 = arith.addi %iota3A, %add3A_339 : vector<16xi32>
    %add3A_341 = arith.addf %add3A_329, %get3A_99 : vector<16xf32>
    tpu.vector_store_idx %arg12[%add3A_340], %add3A_341 : memref<6528xf32, #tpu.memory_space<vmem>>[vector<16xi32>], vector<16xf32>,
    %get3A_342 = arith.constant 256 : index
    %get3A_343 = tpu.vector_load %arg10[%get3A_342] {strides = array<i32>} : memref<512xf32, #tpu.memory_space<vmem>>, vector<16xf32>,
    %add3A_344 = arith.addf %get3A_101, %get3A_343 : vector<16xf32>
    %add3A_345 = arith.constant 816 : i32
    %add3A_346 = vector.broadcast %add3A_345 : i32 to vector<16xi32>
    %add3A_347 = arith.addi %iota3A, %add3A_346 : vector<16xi32>
    %add3A_348 = arith.addf %add3A_344, %get3A_95 : vector<16xf32>
    tpu.vector_store_idx %arg12[%add3A_347], %add3A_348 : memref<6528xf32, #tpu.memory_space<vmem>>[vector<16xi32>], vector<16xf32>,
    %add3A_349 = arith.constant 833 : i32
    %add3A_350 = vector.broadcast %add3A_349 : i32 to vector<16xi32>
    %add3A_351 = arith.addi %iota3A, %add3A_350 : vector<16xi32>
    %add3A_352 = arith.addf %add3A_344, %get3A_97 : vector<16xf32>
    tpu.vector_store_idx %arg12[%add3A_351], %add3A_352 : memref<6528xf32, #tpu.memory_space<vmem>>[vector<16xi32>], vector<16xf32>,
    %add3A_353 = arith.constant 850 : i32
    %add3A_354 = vector.broadcast %add3A_353 : i32 to vector<16xi32>
    %add3A_355 = arith.addi %iota3A, %add3A_354 : vector<16xi32>
    %add3A_356 = arith.addf %add3A_344, %get3A_99 : vector<16xf32>
    tpu.vector_store_idx %arg12[%add3A_355], %add3A_356 : memref<6528xf32, #tpu.memory_space<vmem>>[vector<16xi32>], vector<16xf32>,
    %get3A_357 = arith.constant 272 : index
    %get3A_358 = tpu.vector_load %arg10[%get3A_357] {strides = array<i32>} : memref<512xf32, #tpu.memory_space<vmem>>, vector<16xf32>,
    %add3A_359 = arith.addf %get3A_101, %get3A_358 : vector<16xf32>
    %add3A_360 = arith.constant 867 : i32
    %add3A_361 = vector.broadcast %add3A_360 : i32 to vector<16xi32>
    %add3A_362 = arith.addi %iota3A, %add3A_361 : vector<16xi32>
    %add3A_363 = arith.addf %add3A_359, %get3A_95 : vector<16xf32>
    tpu.vector_store_idx %arg12[%add3A_362], %add3A_363 : memref<6528xf32, #tpu.memory_space<vmem>>[vector<16xi32>], vector<16xf32>,
    %add3A_364 = arith.constant 884 : i32
    %add3A_365 = vector.broadcast %add3A_364 : i32 to vector<16xi32>
    %add3A_366 = arith.addi %iota3A, %add3A_365 : vector<16xi32>
    %add3A_367 = arith.addf %add3A_359, %get3A_97 : vector<16xf32>
    tpu.vector_store_idx %arg12[%add3A_366], %add3A_367 : memref<6528xf32, #tpu.memory_space<vmem>>[vector<16xi32>], vector<16xf32>,
    %add3A_368 = arith.constant 901 : i32
    %add3A_369 = vector.broadcast %add3A_368 : i32 to vector<16xi32>
    %add3A_370 = arith.addi %iota3A, %add3A_369 : vector<16xi32>
    %add3A_371 = arith.addf %add3A_359, %get3A_99 : vector<16xf32>
    tpu.vector_store_idx %arg12[%add3A_370], %add3A_371 : memref<6528xf32, #tpu.memory_space<vmem>>[vector<16xi32>], vector<16xf32>,
    %get3A_372 = arith.constant 288 : index
    %get3A_373 = tpu.vector_load %arg10[%get3A_372] {strides = array<i32>} : memref<512xf32, #tpu.memory_space<vmem>>, vector<16xf32>,
    %add3A_374 = arith.addf %get3A_101, %get3A_373 : vector<16xf32>
    %add3A_375 = arith.constant 918 : i32
    %add3A_376 = vector.broadcast %add3A_375 : i32 to vector<16xi32>
    %add3A_377 = arith.addi %iota3A, %add3A_376 : vector<16xi32>
    %add3A_378 = arith.addf %add3A_374, %get3A_95 : vector<16xf32>
    tpu.vector_store_idx %arg12[%add3A_377], %add3A_378 : memref<6528xf32, #tpu.memory_space<vmem>>[vector<16xi32>], vector<16xf32>,
    %add3A_379 = arith.constant 935 : i32
    %add3A_380 = vector.broadcast %add3A_379 : i32 to vector<16xi32>
    %add3A_381 = arith.addi %iota3A, %add3A_380 : vector<16xi32>
    %add3A_382 = arith.addf %add3A_374, %get3A_97 : vector<16xf32>
    tpu.vector_store_idx %arg12[%add3A_381], %add3A_382 : memref<6528xf32, #tpu.memory_space<vmem>>[vector<16xi32>], vector<16xf32>,
    %add3A_383 = arith.constant 952 : i32
    %add3A_384 = vector.broadcast %add3A_383 : i32 to vector<16xi32>
    %add3A_385 = arith.addi %iota3A, %add3A_384 : vector<16xi32>
    %add3A_386 = arith.addf %add3A_374, %get3A_99 : vector<16xf32>
    tpu.vector_store_idx %arg12[%add3A_385], %add3A_386 : memref<6528xf32, #tpu.memory_space<vmem>>[vector<16xi32>], vector<16xf32>,
    %get3A_387 = arith.constant 304 : index
    %get3A_388 = tpu.vector_load %arg10[%get3A_387] {strides = array<i32>} : memref<512xf32, #tpu.memory_space<vmem>>, vector<16xf32>,
    %add3A_389 = arith.addf %get3A_101, %get3A_388 : vector<16xf32>
    %add3A_390 = arith.constant 969 : i32
    %add3A_391 = vector.broadcast %add3A_390 : i32 to vector<16xi32>
    %add3A_392 = arith.addi %iota3A, %add3A_391 : vector<16xi32>
    %add3A_393 = arith.addf %add3A_389, %get3A_95 : vector<16xf32>
    tpu.vector_store_idx %arg12[%add3A_392], %add3A_393 : memref<6528xf32, #tpu.memory_space<vmem>>[vector<16xi32>], vector<16xf32>,
    %add3A_394 = arith.constant 986 : i32
    %add3A_395 = vector.broadcast %add3A_394 : i32 to vector<16xi32>
    %add3A_396 = arith.addi %iota3A, %add3A_395 : vector<16xi32>
    %add3A_397 = arith.addf %add3A_389, %get3A_97 : vector<16xf32>
    tpu.vector_store_idx %arg12[%add3A_396], %add3A_397 : memref<6528xf32, #tpu.memory_space<vmem>>[vector<16xi32>], vector<16xf32>,
    %add3A_398 = arith.constant 1003 : i32
    %add3A_399 = vector.broadcast %add3A_398 : i32 to vector<16xi32>
    %add3A_400 = arith.addi %iota3A, %add3A_399 : vector<16xi32>
    %add3A_401 = arith.addf %add3A_389, %get3A_99 : vector<16xf32>
    tpu.vector_store_idx %arg12[%add3A_400], %add3A_401 : memref<6528xf32, #tpu.memory_space<vmem>>[vector<16xi32>], vector<16xf32>,
    %get3A_402 = arith.constant 320 : index
    %get3A_403 = tpu.vector_load %arg10[%get3A_402] {strides = array<i32>} : memref<512xf32, #tpu.memory_space<vmem>>, vector<16xf32>,
    %add3A_404 = arith.addf %get3A_101, %get3A_403 : vector<16xf32>
    %add3A_405 = arith.constant 1020 : i32
    %add3A_406 = vector.broadcast %add3A_405 : i32 to vector<16xi32>
    %add3A_407 = arith.addi %iota3A, %add3A_406 : vector<16xi32>
    %add3A_408 = arith.addf %add3A_404, %get3A_95 : vector<16xf32>
    tpu.vector_store_idx %arg12[%add3A_407], %add3A_408 : memref<6528xf32, #tpu.memory_space<vmem>>[vector<16xi32>], vector<16xf32>,
    %add3A_409 = arith.constant 1037 : i32
    %add3A_410 = vector.broadcast %add3A_409 : i32 to vector<16xi32>
    %add3A_411 = arith.addi %iota3A, %add3A_410 : vector<16xi32>
    %add3A_412 = arith.addf %add3A_404, %get3A_97 : vector<16xf32>
    tpu.vector_store_idx %arg12[%add3A_411], %add3A_412 : memref<6528xf32, #tpu.memory_space<vmem>>[vector<16xi32>], vector<16xf32>,
    %add3A_413 = arith.constant 1054 : i32
    %add3A_414 = vector.broadcast %add3A_413 : i32 to vector<16xi32>
    %add3A_415 = arith.addi %iota3A, %add3A_414 : vector<16xi32>
    %add3A_416 = arith.addf %add3A_404, %get3A_99 : vector<16xf32>
    tpu.vector_store_idx %arg12[%add3A_415], %add3A_416 : memref<6528xf32, #tpu.memory_space<vmem>>[vector<16xi32>], vector<16xf32>,
    %get3A_417 = arith.constant 336 : index
    %get3A_418 = tpu.vector_load %arg10[%get3A_417] {strides = array<i32>} : memref<512xf32, #tpu.memory_space<vmem>>, vector<16xf32>,
    %add3A_419 = arith.addf %get3A_101, %get3A_418 : vector<16xf32>
    %add3A_420 = arith.constant 1071 : i32
    %add3A_421 = vector.broadcast %add3A_420 : i32 to vector<16xi32>
    %add3A_422 = arith.addi %iota3A, %add3A_421 : vector<16xi32>
    %add3A_423 = arith.addf %add3A_419, %get3A_95 : vector<16xf32>
    tpu.vector_store_idx %arg12[%add3A_422], %add3A_423 : memref<6528xf32, #tpu.memory_space<vmem>>[vector<16xi32>], vector<16xf32>,
    %add3A_424 = arith.constant 1088 : i32
    %add3A_425 = vector.broadcast %add3A_424 : i32 to vector<16xi32>
    %add3A_426 = arith.addi %iota3A, %add3A_425 : vector<16xi32>
    %add3A_427 = arith.addf %add3A_419, %get3A_97 : vector<16xf32>
    tpu.vector_store_idx %arg12[%add3A_426], %add3A_427 : memref<6528xf32, #tpu.memory_space<vmem>>[vector<16xi32>], vector<16xf32>,
    %add3A_428 = arith.constant 1105 : i32
    %add3A_429 = vector.broadcast %add3A_428 : i32 to vector<16xi32>
    %add3A_430 = arith.addi %iota3A, %add3A_429 : vector<16xi32>
    %add3A_431 = arith.addf %add3A_419, %get3A_99 : vector<16xf32>
    tpu.vector_store_idx %arg12[%add3A_430], %add3A_431 : memref<6528xf32, #tpu.memory_space<vmem>>[vector<16xi32>], vector<16xf32>,
    %get3A_432 = arith.constant 352 : index
    %get3A_433 = tpu.vector_load %arg10[%get3A_432] {strides = array<i32>} : memref<512xf32, #tpu.memory_space<vmem>>, vector<16xf32>,
    %add3A_434 = arith.addf %get3A_101, %get3A_433 : vector<16xf32>
    %add3A_435 = arith.constant 1122 : i32
    %add3A_436 = vector.broadcast %add3A_435 : i32 to vector<16xi32>
    %add3A_437 = arith.addi %iota3A, %add3A_436 : vector<16xi32>
    %add3A_438 = arith.addf %add3A_434, %get3A_95 : vector<16xf32>
    tpu.vector_store_idx %arg12[%add3A_437], %add3A_438 : memref<6528xf32, #tpu.memory_space<vmem>>[vector<16xi32>], vector<16xf32>,
    %add3A_439 = arith.constant 1139 : i32
    %add3A_440 = vector.broadcast %add3A_439 : i32 to vector<16xi32>
    %add3A_441 = arith.addi %iota3A, %add3A_440 : vector<16xi32>
    %add3A_442 = arith.addf %add3A_434, %get3A_97 : vector<16xf32>
    tpu.vector_store_idx %arg12[%add3A_441], %add3A_442 : memref<6528xf32, #tpu.memory_space<vmem>>[vector<16xi32>], vector<16xf32>,
    %add3A_443 = arith.constant 1156 : i32
    %add3A_444 = vector.broadcast %add3A_443 : i32 to vector<16xi32>
    %add3A_445 = arith.addi %iota3A, %add3A_444 : vector<16xi32>
    %add3A_446 = arith.addf %add3A_434, %get3A_99 : vector<16xf32>
    tpu.vector_store_idx %arg12[%add3A_445], %add3A_446 : memref<6528xf32, #tpu.memory_space<vmem>>[vector<16xi32>], vector<16xf32>,
    %get3A_447 = arith.constant 368 : index
    %get3A_448 = tpu.vector_load %arg10[%get3A_447] {strides = array<i32>} : memref<512xf32, #tpu.memory_space<vmem>>, vector<16xf32>,
    %add3A_449 = arith.addf %get3A_101, %get3A_448 : vector<16xf32>
    %add3A_450 = arith.constant 1173 : i32
    %add3A_451 = vector.broadcast %add3A_450 : i32 to vector<16xi32>
    %add3A_452 = arith.addi %iota3A, %add3A_451 : vector<16xi32>
    %add3A_453 = arith.addf %add3A_449, %get3A_95 : vector<16xf32>
    tpu.vector_store_idx %arg12[%add3A_452], %add3A_453 : memref<6528xf32, #tpu.memory_space<vmem>>[vector<16xi32>], vector<16xf32>,
    %add3A_454 = arith.constant 1190 : i32
    %add3A_455 = vector.broadcast %add3A_454 : i32 to vector<16xi32>
    %add3A_456 = arith.addi %iota3A, %add3A_455 : vector<16xi32>
    %add3A_457 = arith.addf %add3A_449, %get3A_97 : vector<16xf32>
    tpu.vector_store_idx %arg12[%add3A_456], %add3A_457 : memref<6528xf32, #tpu.memory_space<vmem>>[vector<16xi32>], vector<16xf32>,
    %add3A_458 = arith.constant 1207 : i32
    %add3A_459 = vector.broadcast %add3A_458 : i32 to vector<16xi32>
    %add3A_460 = arith.addi %iota3A, %add3A_459 : vector<16xi32>
    %add3A_461 = arith.addf %add3A_449, %get3A_99 : vector<16xf32>
    tpu.vector_store_idx %arg12[%add3A_460], %add3A_461 : memref<6528xf32, #tpu.memory_space<vmem>>[vector<16xi32>], vector<16xf32>,
    %get3A_462 = arith.constant 384 : index
    %get3A_463 = tpu.vector_load %arg10[%get3A_462] {strides = array<i32>} : memref<512xf32, #tpu.memory_space<vmem>>, vector<16xf32>,
    %add3A_464 = arith.addf %get3A_101, %get3A_463 : vector<16xf32>
    %add3A_465 = arith.constant 1224 : i32
    %add3A_466 = vector.broadcast %add3A_465 : i32 to vector<16xi32>
    %add3A_467 = arith.addi %iota3A, %add3A_466 : vector<16xi32>
    %add3A_468 = arith.addf %add3A_464, %get3A_95 : vector<16xf32>
    tpu.vector_store_idx %arg12[%add3A_467], %add3A_468 : memref<6528xf32, #tpu.memory_space<vmem>>[vector<16xi32>], vector<16xf32>,
    %add3A_469 = arith.constant 1241 : i32
    %add3A_470 = vector.broadcast %add3A_469 : i32 to vector<16xi32>
    %add3A_471 = arith.addi %iota3A, %add3A_470 : vector<16xi32>
    %add3A_472 = arith.addf %add3A_464, %get3A_97 : vector<16xf32>
    tpu.vector_store_idx %arg12[%add3A_471], %add3A_472 : memref<6528xf32, #tpu.memory_space<vmem>>[vector<16xi32>], vector<16xf32>,
    %add3A_473 = arith.constant 1258 : i32
    %add3A_474 = vector.broadcast %add3A_473 : i32 to vector<16xi32>
    %add3A_475 = arith.addi %iota3A, %add3A_474 : vector<16xi32>
    %add3A_476 = arith.addf %add3A_464, %get3A_99 : vector<16xf32>
    tpu.vector_store_idx %arg12[%add3A_475], %add3A_476 : memref<6528xf32, #tpu.memory_space<vmem>>[vector<16xi32>], vector<16xf32>,
    %get3A_477 = arith.constant 400 : index
    %get3A_478 = tpu.vector_load %arg10[%get3A_477] {strides = array<i32>} : memref<512xf32, #tpu.memory_space<vmem>>, vector<16xf32>,
    %add3A_479 = arith.addf %get3A_101, %get3A_478 : vector<16xf32>
    %add3A_480 = arith.constant 1275 : i32
    %add3A_481 = vector.broadcast %add3A_480 : i32 to vector<16xi32>
    %add3A_482 = arith.addi %iota3A, %add3A_481 : vector<16xi32>
    %add3A_483 = arith.addf %add3A_479, %get3A_95 : vector<16xf32>
    tpu.vector_store_idx %arg12[%add3A_482], %add3A_483 : memref<6528xf32, #tpu.memory_space<vmem>>[vector<16xi32>], vector<16xf32>,
    %add3A_484 = arith.constant 1292 : i32
    %add3A_485 = vector.broadcast %add3A_484 : i32 to vector<16xi32>
    %add3A_486 = arith.addi %iota3A, %add3A_485 : vector<16xi32>
    %add3A_487 = arith.addf %add3A_479, %get3A_97 : vector<16xf32>
    tpu.vector_store_idx %arg12[%add3A_486], %add3A_487 : memref<6528xf32, #tpu.memory_space<vmem>>[vector<16xi32>], vector<16xf32>,
    %add3A_488 = arith.constant 1309 : i32
    %add3A_489 = vector.broadcast %add3A_488 : i32 to vector<16xi32>
    %add3A_490 = arith.addi %iota3A, %add3A_489 : vector<16xi32>
    %add3A_491 = arith.addf %add3A_479, %get3A_99 : vector<16xf32>
    tpu.vector_store_idx %arg12[%add3A_490], %add3A_491 : memref<6528xf32, #tpu.memory_space<vmem>>[vector<16xi32>], vector<16xf32>,
    %get3A_492 = arith.constant 416 : index
    %get3A_493 = tpu.vector_load %arg10[%get3A_492] {strides = array<i32>} : memref<512xf32, #tpu.memory_space<vmem>>, vector<16xf32>,
    %add3A_494 = arith.addf %get3A_101, %get3A_493 : vector<16xf32>
    %add3A_495 = arith.constant 1326 : i32
    %add3A_496 = vector.broadcast %add3A_495 : i32 to vector<16xi32>
    %add3A_497 = arith.addi %iota3A, %add3A_496 : vector<16xi32>
    %add3A_498 = arith.addf %add3A_494, %get3A_95 : vector<16xf32>
    tpu.vector_store_idx %arg12[%add3A_497], %add3A_498 : memref<6528xf32, #tpu.memory_space<vmem>>[vector<16xi32>], vector<16xf32>,
    %add3A_499 = arith.constant 1343 : i32
    %add3A_500 = vector.broadcast %add3A_499 : i32 to vector<16xi32>
    %add3A_501 = arith.addi %iota3A, %add3A_500 : vector<16xi32>
    %add3A_502 = arith.addf %add3A_494, %get3A_97 : vector<16xf32>
    tpu.vector_store_idx %arg12[%add3A_501], %add3A_502 : memref<6528xf32, #tpu.memory_space<vmem>>[vector<16xi32>], vector<16xf32>,
    %add3A_503 = arith.constant 1360 : i32
    %add3A_504 = vector.broadcast %add3A_503 : i32 to vector<16xi32>
    %add3A_505 = arith.addi %iota3A, %add3A_504 : vector<16xi32>
    %add3A_506 = arith.addf %add3A_494, %get3A_99 : vector<16xf32>
    tpu.vector_store_idx %arg12[%add3A_505], %add3A_506 : memref<6528xf32, #tpu.memory_space<vmem>>[vector<16xi32>], vector<16xf32>,
    %get3A_507 = arith.constant 432 : index
    %get3A_508 = tpu.vector_load %arg10[%get3A_507] {strides = array<i32>} : memref<512xf32, #tpu.memory_space<vmem>>, vector<16xf32>,
    %add3A_509 = arith.addf %get3A_101, %get3A_508 : vector<16xf32>
    %add3A_510 = arith.constant 1377 : i32
    %add3A_511 = vector.broadcast %add3A_510 : i32 to vector<16xi32>
    %add3A_512 = arith.addi %iota3A, %add3A_511 : vector<16xi32>
    %add3A_513 = arith.addf %add3A_509, %get3A_95 : vector<16xf32>
    tpu.vector_store_idx %arg12[%add3A_512], %add3A_513 : memref<6528xf32, #tpu.memory_space<vmem>>[vector<16xi32>], vector<16xf32>,
    %add3A_514 = arith.constant 1394 : i32
    %add3A_515 = vector.broadcast %add3A_514 : i32 to vector<16xi32>
    %add3A_516 = arith.addi %iota3A, %add3A_515 : vector<16xi32>
    %add3A_517 = arith.addf %add3A_509, %get3A_97 : vector<16xf32>
    tpu.vector_store_idx %arg12[%add3A_516], %add3A_517 : memref<6528xf32, #tpu.memory_space<vmem>>[vector<16xi32>], vector<16xf32>,
    %add3A_518 = arith.constant 1411 : i32
    %add3A_519 = vector.broadcast %add3A_518 : i32 to vector<16xi32>
    %add3A_520 = arith.addi %iota3A, %add3A_519 : vector<16xi32>
    %add3A_521 = arith.addf %add3A_509, %get3A_99 : vector<16xf32>
    tpu.vector_store_idx %arg12[%add3A_520], %add3A_521 : memref<6528xf32, #tpu.memory_space<vmem>>[vector<16xi32>], vector<16xf32>,
    %get3A_522 = arith.constant 448 : index
    %get3A_523 = tpu.vector_load %arg10[%get3A_522] {strides = array<i32>} : memref<512xf32, #tpu.memory_space<vmem>>, vector<16xf32>,
    %add3A_524 = arith.addf %get3A_101, %get3A_523 : vector<16xf32>
    %add3A_525 = arith.constant 1428 : i32
    %add3A_526 = vector.broadcast %add3A_525 : i32 to vector<16xi32>
    %add3A_527 = arith.addi %iota3A, %add3A_526 : vector<16xi32>
    %add3A_528 = arith.addf %add3A_524, %get3A_95 : vector<16xf32>
    tpu.vector_store_idx %arg12[%add3A_527], %add3A_528 : memref<6528xf32, #tpu.memory_space<vmem>>[vector<16xi32>], vector<16xf32>,
    %add3A_529 = arith.constant 1445 : i32
    %add3A_530 = vector.broadcast %add3A_529 : i32 to vector<16xi32>
    %add3A_531 = arith.addi %iota3A, %add3A_530 : vector<16xi32>
    %add3A_532 = arith.addf %add3A_524, %get3A_97 : vector<16xf32>
    tpu.vector_store_idx %arg12[%add3A_531], %add3A_532 : memref<6528xf32, #tpu.memory_space<vmem>>[vector<16xi32>], vector<16xf32>,
    %add3A_533 = arith.constant 1462 : i32
    %add3A_534 = vector.broadcast %add3A_533 : i32 to vector<16xi32>
    %add3A_535 = arith.addi %iota3A, %add3A_534 : vector<16xi32>
    %add3A_536 = arith.addf %add3A_524, %get3A_99 : vector<16xf32>
    tpu.vector_store_idx %arg12[%add3A_535], %add3A_536 : memref<6528xf32, #tpu.memory_space<vmem>>[vector<16xi32>], vector<16xf32>,
    %get3A_537 = arith.constant 464 : index
    %get3A_538 = tpu.vector_load %arg10[%get3A_537] {strides = array<i32>} : memref<512xf32, #tpu.memory_space<vmem>>, vector<16xf32>,
    %add3A_539 = arith.addf %get3A_101, %get3A_538 : vector<16xf32>
    %add3A_540 = arith.constant 1479 : i32
    %add3A_541 = vector.broadcast %add3A_540 : i32 to vector<16xi32>
    %add3A_542 = arith.addi %iota3A, %add3A_541 : vector<16xi32>
    %add3A_543 = arith.addf %add3A_539, %get3A_95 : vector<16xf32>
    tpu.vector_store_idx %arg12[%add3A_542], %add3A_543 : memref<6528xf32, #tpu.memory_space<vmem>>[vector<16xi32>], vector<16xf32>,
    %add3A_544 = arith.constant 1496 : i32
    %add3A_545 = vector.broadcast %add3A_544 : i32 to vector<16xi32>
    %add3A_546 = arith.addi %iota3A, %add3A_545 : vector<16xi32>
    %add3A_547 = arith.addf %add3A_539, %get3A_97 : vector<16xf32>
    tpu.vector_store_idx %arg12[%add3A_546], %add3A_547 : memref<6528xf32, #tpu.memory_space<vmem>>[vector<16xi32>], vector<16xf32>,
    %add3A_548 = arith.constant 1513 : i32
    %add3A_549 = vector.broadcast %add3A_548 : i32 to vector<16xi32>
    %add3A_550 = arith.addi %iota3A, %add3A_549 : vector<16xi32>
    %add3A_551 = arith.addf %add3A_539, %get3A_99 : vector<16xf32>
    tpu.vector_store_idx %arg12[%add3A_550], %add3A_551 : memref<6528xf32, #tpu.memory_space<vmem>>[vector<16xi32>], vector<16xf32>,
    %get3A_552 = arith.constant 480 : index
    %get3A_553 = tpu.vector_load %arg10[%get3A_552] {strides = array<i32>} : memref<512xf32, #tpu.memory_space<vmem>>, vector<16xf32>,
    %add3A_554 = arith.addf %get3A_101, %get3A_553 : vector<16xf32>
    %add3A_555 = arith.constant 1530 : i32
    %add3A_556 = vector.broadcast %add3A_555 : i32 to vector<16xi32>
    %add3A_557 = arith.addi %iota3A, %add3A_556 : vector<16xi32>
    %add3A_558 = arith.addf %add3A_554, %get3A_95 : vector<16xf32>
    tpu.vector_store_idx %arg12[%add3A_557], %add3A_558 : memref<6528xf32, #tpu.memory_space<vmem>>[vector<16xi32>], vector<16xf32>,
    %add3A_559 = arith.constant 1547 : i32
    %add3A_560 = vector.broadcast %add3A_559 : i32 to vector<16xi32>
    %add3A_561 = arith.addi %iota3A, %add3A_560 : vector<16xi32>
    %add3A_562 = arith.addf %add3A_554, %get3A_97 : vector<16xf32>
    tpu.vector_store_idx %arg12[%add3A_561], %add3A_562 : memref<6528xf32, #tpu.memory_space<vmem>>[vector<16xi32>], vector<16xf32>,
    %add3A_563 = arith.constant 1564 : i32
    %add3A_564 = vector.broadcast %add3A_563 : i32 to vector<16xi32>
    %add3A_565 = arith.addi %iota3A, %add3A_564 : vector<16xi32>
    %add3A_566 = arith.addf %add3A_554, %get3A_99 : vector<16xf32>
    tpu.vector_store_idx %arg12[%add3A_565], %add3A_566 : memref<6528xf32, #tpu.memory_space<vmem>>[vector<16xi32>], vector<16xf32>,
    %get3A_567 = arith.constant 496 : index
    %get3A_568 = tpu.vector_load %arg10[%get3A_567] {strides = array<i32>} : memref<512xf32, #tpu.memory_space<vmem>>, vector<16xf32>,
    %add3A_569 = arith.addf %get3A_101, %get3A_568 : vector<16xf32>
    %add3A_570 = arith.constant 1581 : i32
    %add3A_571 = vector.broadcast %add3A_570 : i32 to vector<16xi32>
    %add3A_572 = arith.addi %iota3A, %add3A_571 : vector<16xi32>
    %add3A_573 = arith.addf %add3A_569, %get3A_95 : vector<16xf32>
    tpu.vector_store_idx %arg12[%add3A_572], %add3A_573 : memref<6528xf32, #tpu.memory_space<vmem>>[vector<16xi32>], vector<16xf32>,
    %add3A_574 = arith.constant 1598 : i32
    %add3A_575 = vector.broadcast %add3A_574 : i32 to vector<16xi32>
    %add3A_576 = arith.addi %iota3A, %add3A_575 : vector<16xi32>
    %add3A_577 = arith.addf %add3A_569, %get3A_97 : vector<16xf32>
    tpu.vector_store_idx %arg12[%add3A_576], %add3A_577 : memref<6528xf32, #tpu.memory_space<vmem>>[vector<16xi32>], vector<16xf32>,
    %add3A_578 = arith.constant 1615 : i32
    %add3A_579 = vector.broadcast %add3A_578 : i32 to vector<16xi32>
    %add3A_580 = arith.addi %iota3A, %add3A_579 : vector<16xi32>
    %add3A_581 = arith.addf %add3A_569, %get3A_99 : vector<16xf32>
    tpu.vector_store_idx %arg12[%add3A_580], %add3A_581 : memref<6528xf32, #tpu.memory_space<vmem>>[vector<16xi32>], vector<16xf32>,
    %get3A_582 = arith.constant 16 : index
    %get3A_583 = tpu.vector_load %arg9[%get3A_582] {strides = array<i32>} : memref<64xf32, #tpu.memory_space<vmem>>, vector<16xf32>,
    %get3A_584 = arith.constant 0 : index
    %get3A_585 = tpu.vector_load %arg10[%get3A_584] {strides = array<i32>} : memref<512xf32, #tpu.memory_space<vmem>>, vector<16xf32>,
    %add3A_586 = arith.addf %get3A_583, %get3A_585 : vector<16xf32>
    %add3A_587 = arith.constant 1632 : i32
    %add3A_588 = vector.broadcast %add3A_587 : i32 to vector<16xi32>
    %add3A_589 = arith.addi %iota3A, %add3A_588 : vector<16xi32>
    %add3A_590 = arith.addf %add3A_586, %get3A_95 : vector<16xf32>
    tpu.vector_store_idx %arg12[%add3A_589], %add3A_590 : memref<6528xf32, #tpu.memory_space<vmem>>[vector<16xi32>], vector<16xf32>,
    %add3A_591 = arith.constant 1649 : i32
    %add3A_592 = vector.broadcast %add3A_591 : i32 to vector<16xi32>
    %add3A_593 = arith.addi %iota3A, %add3A_592 : vector<16xi32>
    %add3A_594 = arith.addf %add3A_586, %get3A_97 : vector<16xf32>
    tpu.vector_store_idx %arg12[%add3A_593], %add3A_594 : memref<6528xf32, #tpu.memory_space<vmem>>[vector<16xi32>], vector<16xf32>,
    %add3A_595 = arith.constant 1666 : i32
    %add3A_596 = vector.broadcast %add3A_595 : i32 to vector<16xi32>
    %add3A_597 = arith.addi %iota3A, %add3A_596 : vector<16xi32>
    %add3A_598 = arith.addf %add3A_586, %get3A_99 : vector<16xf32>
    tpu.vector_store_idx %arg12[%add3A_597], %add3A_598 : memref<6528xf32, #tpu.memory_space<vmem>>[vector<16xi32>], vector<16xf32>,
    %get3A_599 = arith.constant 16 : index
    %get3A_600 = tpu.vector_load %arg10[%get3A_599] {strides = array<i32>} : memref<512xf32, #tpu.memory_space<vmem>>, vector<16xf32>,
    %add3A_601 = arith.addf %get3A_583, %get3A_600 : vector<16xf32>
    %add3A_602 = arith.constant 1683 : i32
    %add3A_603 = vector.broadcast %add3A_602 : i32 to vector<16xi32>
    %add3A_604 = arith.addi %iota3A, %add3A_603 : vector<16xi32>
    %add3A_605 = arith.addf %add3A_601, %get3A_95 : vector<16xf32>
    tpu.vector_store_idx %arg12[%add3A_604], %add3A_605 : memref<6528xf32, #tpu.memory_space<vmem>>[vector<16xi32>], vector<16xf32>,
    %add3A_606 = arith.constant 1700 : i32
    %add3A_607 = vector.broadcast %add3A_606 : i32 to vector<16xi32>
    %add3A_608 = arith.addi %iota3A, %add3A_607 : vector<16xi32>
    %add3A_609 = arith.addf %add3A_601, %get3A_97 : vector<16xf32>
    tpu.vector_store_idx %arg12[%add3A_608], %add3A_609 : memref<6528xf32, #tpu.memory_space<vmem>>[vector<16xi32>], vector<16xf32>,
    %add3A_610 = arith.constant 1717 : i32
    %add3A_611 = vector.broadcast %add3A_610 : i32 to vector<16xi32>
    %add3A_612 = arith.addi %iota3A, %add3A_611 : vector<16xi32>
    %add3A_613 = arith.addf %add3A_601, %get3A_99 : vector<16xf32>
    tpu.vector_store_idx %arg12[%add3A_612], %add3A_613 : memref<6528xf32, #tpu.memory_space<vmem>>[vector<16xi32>], vector<16xf32>,
    %get3A_614 = arith.constant 32 : index
    %get3A_615 = tpu.vector_load %arg10[%get3A_614] {strides = array<i32>} : memref<512xf32, #tpu.memory_space<vmem>>, vector<16xf32>,
    %add3A_616 = arith.addf %get3A_583, %get3A_615 : vector<16xf32>
    %add3A_617 = arith.constant 1734 : i32
    %add3A_618 = vector.broadcast %add3A_617 : i32 to vector<16xi32>
    %add3A_619 = arith.addi %iota3A, %add3A_618 : vector<16xi32>
    %add3A_620 = arith.addf %add3A_616, %get3A_95 : vector<16xf32>
    tpu.vector_store_idx %arg12[%add3A_619], %add3A_620 : memref<6528xf32, #tpu.memory_space<vmem>>[vector<16xi32>], vector<16xf32>,
    %add3A_621 = arith.constant 1751 : i32
    %add3A_622 = vector.broadcast %add3A_621 : i32 to vector<16xi32>
    %add3A_623 = arith.addi %iota3A, %add3A_622 : vector<16xi32>
    %add3A_624 = arith.addf %add3A_616, %get3A_97 : vector<16xf32>
    tpu.vector_store_idx %arg12[%add3A_623], %add3A_624 : memref<6528xf32, #tpu.memory_space<vmem>>[vector<16xi32>], vector<16xf32>,
    %add3A_625 = arith.constant 1768 : i32
    %add3A_626 = vector.broadcast %add3A_625 : i32 to vector<16xi32>
    %add3A_627 = arith.addi %iota3A, %add3A_626 : vector<16xi32>
    %add3A_628 = arith.addf %add3A_616, %get3A_99 : vector<16xf32>
    tpu.vector_store_idx %arg12[%add3A_627], %add3A_628 : memref<6528xf32, #tpu.memory_space<vmem>>[vector<16xi32>], vector<16xf32>,
    %get3A_629 = arith.constant 48 : index
    %get3A_630 = tpu.vector_load %arg10[%get3A_629] {strides = array<i32>} : memref<512xf32, #tpu.memory_space<vmem>>, vector<16xf32>,
    %add3A_631 = arith.addf %get3A_583, %get3A_630 : vector<16xf32>
    %add3A_632 = arith.constant 1785 : i32
    %add3A_633 = vector.broadcast %add3A_632 : i32 to vector<16xi32>
    %add3A_634 = arith.addi %iota3A, %add3A_633 : vector<16xi32>
    %add3A_635 = arith.addf %add3A_631, %get3A_95 : vector<16xf32>
    tpu.vector_store_idx %arg12[%add3A_634], %add3A_635 : memref<6528xf32, #tpu.memory_space<vmem>>[vector<16xi32>], vector<16xf32>,
    %add3A_636 = arith.constant 1802 : i32
    %add3A_637 = vector.broadcast %add3A_636 : i32 to vector<16xi32>
    %add3A_638 = arith.addi %iota3A, %add3A_637 : vector<16xi32>
    %add3A_639 = arith.addf %add3A_631, %get3A_97 : vector<16xf32>
    tpu.vector_store_idx %arg12[%add3A_638], %add3A_639 : memref<6528xf32, #tpu.memory_space<vmem>>[vector<16xi32>], vector<16xf32>,
    %add3A_640 = arith.constant 1819 : i32
    %add3A_641 = vector.broadcast %add3A_640 : i32 to vector<16xi32>
    %add3A_642 = arith.addi %iota3A, %add3A_641 : vector<16xi32>
    %add3A_643 = arith.addf %add3A_631, %get3A_99 : vector<16xf32>
    tpu.vector_store_idx %arg12[%add3A_642], %add3A_643 : memref<6528xf32, #tpu.memory_space<vmem>>[vector<16xi32>], vector<16xf32>,
    %get3A_644 = arith.constant 64 : index
    %get3A_645 = tpu.vector_load %arg10[%get3A_644] {strides = array<i32>} : memref<512xf32, #tpu.memory_space<vmem>>, vector<16xf32>,
    %add3A_646 = arith.addf %get3A_583, %get3A_645 : vector<16xf32>
    %add3A_647 = arith.constant 1836 : i32
    %add3A_648 = vector.broadcast %add3A_647 : i32 to vector<16xi32>
    %add3A_649 = arith.addi %iota3A, %add3A_648 : vector<16xi32>
    %add3A_650 = arith.addf %add3A_646, %get3A_95 : vector<16xf32>
    tpu.vector_store_idx %arg12[%add3A_649], %add3A_650 : memref<6528xf32, #tpu.memory_space<vmem>>[vector<16xi32>], vector<16xf32>,
    %add3A_651 = arith.constant 1853 : i32
    %add3A_652 = vector.broadcast %add3A_651 : i32 to vector<16xi32>
    %add3A_653 = arith.addi %iota3A, %add3A_652 : vector<16xi32>
    %add3A_654 = arith.addf %add3A_646, %get3A_97 : vector<16xf32>
    tpu.vector_store_idx %arg12[%add3A_653], %add3A_654 : memref<6528xf32, #tpu.memory_space<vmem>>[vector<16xi32>], vector<16xf32>,
    %add3A_655 = arith.constant 1870 : i32
    %add3A_656 = vector.broadcast %add3A_655 : i32 to vector<16xi32>
    %add3A_657 = arith.addi %iota3A, %add3A_656 : vector<16xi32>
    %add3A_658 = arith.addf %add3A_646, %get3A_99 : vector<16xf32>
    tpu.vector_store_idx %arg12[%add3A_657], %add3A_658 : memref<6528xf32, #tpu.memory_space<vmem>>[vector<16xi32>], vector<16xf32>,
    %get3A_659 = arith.constant 80 : index
    %get3A_660 = tpu.vector_load %arg10[%get3A_659] {strides = array<i32>} : memref<512xf32, #tpu.memory_space<vmem>>, vector<16xf32>,
    %add3A_661 = arith.addf %get3A_583, %get3A_660 : vector<16xf32>
    %add3A_662 = arith.constant 1887 : i32
    %add3A_663 = vector.broadcast %add3A_662 : i32 to vector<16xi32>
    %add3A_664 = arith.addi %iota3A, %add3A_663 : vector<16xi32>
    %add3A_665 = arith.addf %add3A_661, %get3A_95 : vector<16xf32>
    tpu.vector_store_idx %arg12[%add3A_664], %add3A_665 : memref<6528xf32, #tpu.memory_space<vmem>>[vector<16xi32>], vector<16xf32>,
    %add3A_666 = arith.constant 1904 : i32
    %add3A_667 = vector.broadcast %add3A_666 : i32 to vector<16xi32>
    %add3A_668 = arith.addi %iota3A, %add3A_667 : vector<16xi32>
    %add3A_669 = arith.addf %add3A_661, %get3A_97 : vector<16xf32>
    tpu.vector_store_idx %arg12[%add3A_668], %add3A_669 : memref<6528xf32, #tpu.memory_space<vmem>>[vector<16xi32>], vector<16xf32>,
    %add3A_670 = arith.constant 1921 : i32
    %add3A_671 = vector.broadcast %add3A_670 : i32 to vector<16xi32>
    %add3A_672 = arith.addi %iota3A, %add3A_671 : vector<16xi32>
    %add3A_673 = arith.addf %add3A_661, %get3A_99 : vector<16xf32>
    tpu.vector_store_idx %arg12[%add3A_672], %add3A_673 : memref<6528xf32, #tpu.memory_space<vmem>>[vector<16xi32>], vector<16xf32>,
    %get3A_674 = arith.constant 96 : index
    %get3A_675 = tpu.vector_load %arg10[%get3A_674] {strides = array<i32>} : memref<512xf32, #tpu.memory_space<vmem>>, vector<16xf32>,
    %add3A_676 = arith.addf %get3A_583, %get3A_675 : vector<16xf32>
    %add3A_677 = arith.constant 1938 : i32
    %add3A_678 = vector.broadcast %add3A_677 : i32 to vector<16xi32>
    %add3A_679 = arith.addi %iota3A, %add3A_678 : vector<16xi32>
    %add3A_680 = arith.addf %add3A_676, %get3A_95 : vector<16xf32>
    tpu.vector_store_idx %arg12[%add3A_679], %add3A_680 : memref<6528xf32, #tpu.memory_space<vmem>>[vector<16xi32>], vector<16xf32>,
    %add3A_681 = arith.constant 1955 : i32
    %add3A_682 = vector.broadcast %add3A_681 : i32 to vector<16xi32>
    %add3A_683 = arith.addi %iota3A, %add3A_682 : vector<16xi32>
    %add3A_684 = arith.addf %add3A_676, %get3A_97 : vector<16xf32>
    tpu.vector_store_idx %arg12[%add3A_683], %add3A_684 : memref<6528xf32, #tpu.memory_space<vmem>>[vector<16xi32>], vector<16xf32>,
    %add3A_685 = arith.constant 1972 : i32
    %add3A_686 = vector.broadcast %add3A_685 : i32 to vector<16xi32>
    %add3A_687 = arith.addi %iota3A, %add3A_686 : vector<16xi32>
    %add3A_688 = arith.addf %add3A_676, %get3A_99 : vector<16xf32>
    tpu.vector_store_idx %arg12[%add3A_687], %add3A_688 : memref<6528xf32, #tpu.memory_space<vmem>>[vector<16xi32>], vector<16xf32>,
    %get3A_689 = arith.constant 112 : index
    %get3A_690 = tpu.vector_load %arg10[%get3A_689] {strides = array<i32>} : memref<512xf32, #tpu.memory_space<vmem>>, vector<16xf32>,
    %add3A_691 = arith.addf %get3A_583, %get3A_690 : vector<16xf32>
    %add3A_692 = arith.constant 1989 : i32
    %add3A_693 = vector.broadcast %add3A_692 : i32 to vector<16xi32>
    %add3A_694 = arith.addi %iota3A, %add3A_693 : vector<16xi32>
    %add3A_695 = arith.addf %add3A_691, %get3A_95 : vector<16xf32>
    tpu.vector_store_idx %arg12[%add3A_694], %add3A_695 : memref<6528xf32, #tpu.memory_space<vmem>>[vector<16xi32>], vector<16xf32>,
    %add3A_696 = arith.constant 2006 : i32
    %add3A_697 = vector.broadcast %add3A_696 : i32 to vector<16xi32>
    %add3A_698 = arith.addi %iota3A, %add3A_697 : vector<16xi32>
    %add3A_699 = arith.addf %add3A_691, %get3A_97 : vector<16xf32>
    tpu.vector_store_idx %arg12[%add3A_698], %add3A_699 : memref<6528xf32, #tpu.memory_space<vmem>>[vector<16xi32>], vector<16xf32>,
    %add3A_700 = arith.constant 2023 : i32
    %add3A_701 = vector.broadcast %add3A_700 : i32 to vector<16xi32>
    %add3A_702 = arith.addi %iota3A, %add3A_701 : vector<16xi32>
    %add3A_703 = arith.addf %add3A_691, %get3A_99 : vector<16xf32>
    tpu.vector_store_idx %arg12[%add3A_702], %add3A_703 : memref<6528xf32, #tpu.memory_space<vmem>>[vector<16xi32>], vector<16xf32>,
    %get3A_704 = arith.constant 128 : index
    %get3A_705 = tpu.vector_load %arg10[%get3A_704] {strides = array<i32>} : memref<512xf32, #tpu.memory_space<vmem>>, vector<16xf32>,
    %add3A_706 = arith.addf %get3A_583, %get3A_705 : vector<16xf32>
    %add3A_707 = arith.constant 2040 : i32
    %add3A_708 = vector.broadcast %add3A_707 : i32 to vector<16xi32>
    %add3A_709 = arith.addi %iota3A, %add3A_708 : vector<16xi32>
    %add3A_710 = arith.addf %add3A_706, %get3A_95 : vector<16xf32>
    tpu.vector_store_idx %arg12[%add3A_709], %add3A_710 : memref<6528xf32, #tpu.memory_space<vmem>>[vector<16xi32>], vector<16xf32>,
    %add3A_711 = arith.constant 2057 : i32
    %add3A_712 = vector.broadcast %add3A_711 : i32 to vector<16xi32>
    %add3A_713 = arith.addi %iota3A, %add3A_712 : vector<16xi32>
    %add3A_714 = arith.addf %add3A_706, %get3A_97 : vector<16xf32>
    tpu.vector_store_idx %arg12[%add3A_713], %add3A_714 : memref<6528xf32, #tpu.memory_space<vmem>>[vector<16xi32>], vector<16xf32>,
    %add3A_715 = arith.constant 2074 : i32
    %add3A_716 = vector.broadcast %add3A_715 : i32 to vector<16xi32>
    %add3A_717 = arith.addi %iota3A, %add3A_716 : vector<16xi32>
    %add3A_718 = arith.addf %add3A_706, %get3A_99 : vector<16xf32>
    tpu.vector_store_idx %arg12[%add3A_717], %add3A_718 : memref<6528xf32, #tpu.memory_space<vmem>>[vector<16xi32>], vector<16xf32>,
    %get3A_719 = arith.constant 144 : index
    %get3A_720 = tpu.vector_load %arg10[%get3A_719] {strides = array<i32>} : memref<512xf32, #tpu.memory_space<vmem>>, vector<16xf32>,
    %add3A_721 = arith.addf %get3A_583, %get3A_720 : vector<16xf32>
    %add3A_722 = arith.constant 2091 : i32
    %add3A_723 = vector.broadcast %add3A_722 : i32 to vector<16xi32>
    %add3A_724 = arith.addi %iota3A, %add3A_723 : vector<16xi32>
    %add3A_725 = arith.addf %add3A_721, %get3A_95 : vector<16xf32>
    tpu.vector_store_idx %arg12[%add3A_724], %add3A_725 : memref<6528xf32, #tpu.memory_space<vmem>>[vector<16xi32>], vector<16xf32>,
    %add3A_726 = arith.constant 2108 : i32
    %add3A_727 = vector.broadcast %add3A_726 : i32 to vector<16xi32>
    %add3A_728 = arith.addi %iota3A, %add3A_727 : vector<16xi32>
    %add3A_729 = arith.addf %add3A_721, %get3A_97 : vector<16xf32>
    tpu.vector_store_idx %arg12[%add3A_728], %add3A_729 : memref<6528xf32, #tpu.memory_space<vmem>>[vector<16xi32>], vector<16xf32>,
    %add3A_730 = arith.constant 2125 : i32
    %add3A_731 = vector.broadcast %add3A_730 : i32 to vector<16xi32>
    %add3A_732 = arith.addi %iota3A, %add3A_731 : vector<16xi32>
    %add3A_733 = arith.addf %add3A_721, %get3A_99 : vector<16xf32>
    tpu.vector_store_idx %arg12[%add3A_732], %add3A_733 : memref<6528xf32, #tpu.memory_space<vmem>>[vector<16xi32>], vector<16xf32>,
    %get3A_734 = arith.constant 160 : index
    %get3A_735 = tpu.vector_load %arg10[%get3A_734] {strides = array<i32>} : memref<512xf32, #tpu.memory_space<vmem>>, vector<16xf32>,
    %add3A_736 = arith.addf %get3A_583, %get3A_735 : vector<16xf32>
    %add3A_737 = arith.constant 2142 : i32
    %add3A_738 = vector.broadcast %add3A_737 : i32 to vector<16xi32>
    %add3A_739 = arith.addi %iota3A, %add3A_738 : vector<16xi32>
    %add3A_740 = arith.addf %add3A_736, %get3A_95 : vector<16xf32>
    tpu.vector_store_idx %arg12[%add3A_739], %add3A_740 : memref<6528xf32, #tpu.memory_space<vmem>>[vector<16xi32>], vector<16xf32>,
    %add3A_741 = arith.constant 2159 : i32
    %add3A_742 = vector.broadcast %add3A_741 : i32 to vector<16xi32>
    %add3A_743 = arith.addi %iota3A, %add3A_742 : vector<16xi32>
    %add3A_744 = arith.addf %add3A_736, %get3A_97 : vector<16xf32>
    tpu.vector_store_idx %arg12[%add3A_743], %add3A_744 : memref<6528xf32, #tpu.memory_space<vmem>>[vector<16xi32>], vector<16xf32>,
    %add3A_745 = arith.constant 2176 : i32
    %add3A_746 = vector.broadcast %add3A_745 : i32 to vector<16xi32>
    %add3A_747 = arith.addi %iota3A, %add3A_746 : vector<16xi32>
    %add3A_748 = arith.addf %add3A_736, %get3A_99 : vector<16xf32>
    tpu.vector_store_idx %arg12[%add3A_747], %add3A_748 : memref<6528xf32, #tpu.memory_space<vmem>>[vector<16xi32>], vector<16xf32>,
    %get3A_749 = arith.constant 176 : index
    %get3A_750 = tpu.vector_load %arg10[%get3A_749] {strides = array<i32>} : memref<512xf32, #tpu.memory_space<vmem>>, vector<16xf32>,
    %add3A_751 = arith.addf %get3A_583, %get3A_750 : vector<16xf32>
    %add3A_752 = arith.constant 2193 : i32
    %add3A_753 = vector.broadcast %add3A_752 : i32 to vector<16xi32>
    %add3A_754 = arith.addi %iota3A, %add3A_753 : vector<16xi32>
    %add3A_755 = arith.addf %add3A_751, %get3A_95 : vector<16xf32>
    tpu.vector_store_idx %arg12[%add3A_754], %add3A_755 : memref<6528xf32, #tpu.memory_space<vmem>>[vector<16xi32>], vector<16xf32>,
    %add3A_756 = arith.constant 2210 : i32
    %add3A_757 = vector.broadcast %add3A_756 : i32 to vector<16xi32>
    %add3A_758 = arith.addi %iota3A, %add3A_757 : vector<16xi32>
    %add3A_759 = arith.addf %add3A_751, %get3A_97 : vector<16xf32>
    tpu.vector_store_idx %arg12[%add3A_758], %add3A_759 : memref<6528xf32, #tpu.memory_space<vmem>>[vector<16xi32>], vector<16xf32>,
    %add3A_760 = arith.constant 2227 : i32
    %add3A_761 = vector.broadcast %add3A_760 : i32 to vector<16xi32>
    %add3A_762 = arith.addi %iota3A, %add3A_761 : vector<16xi32>
    %add3A_763 = arith.addf %add3A_751, %get3A_99 : vector<16xf32>
    tpu.vector_store_idx %arg12[%add3A_762], %add3A_763 : memref<6528xf32, #tpu.memory_space<vmem>>[vector<16xi32>], vector<16xf32>,
    %get3A_764 = arith.constant 192 : index
    %get3A_765 = tpu.vector_load %arg10[%get3A_764] {strides = array<i32>} : memref<512xf32, #tpu.memory_space<vmem>>, vector<16xf32>,
    %add3A_766 = arith.addf %get3A_583, %get3A_765 : vector<16xf32>
    %add3A_767 = arith.constant 2244 : i32
    %add3A_768 = vector.broadcast %add3A_767 : i32 to vector<16xi32>
    %add3A_769 = arith.addi %iota3A, %add3A_768 : vector<16xi32>
    %add3A_770 = arith.addf %add3A_766, %get3A_95 : vector<16xf32>
    tpu.vector_store_idx %arg12[%add3A_769], %add3A_770 : memref<6528xf32, #tpu.memory_space<vmem>>[vector<16xi32>], vector<16xf32>,
    %add3A_771 = arith.constant 2261 : i32
    %add3A_772 = vector.broadcast %add3A_771 : i32 to vector<16xi32>
    %add3A_773 = arith.addi %iota3A, %add3A_772 : vector<16xi32>
    %add3A_774 = arith.addf %add3A_766, %get3A_97 : vector<16xf32>
    tpu.vector_store_idx %arg12[%add3A_773], %add3A_774 : memref<6528xf32, #tpu.memory_space<vmem>>[vector<16xi32>], vector<16xf32>,
    %add3A_775 = arith.constant 2278 : i32
    %add3A_776 = vector.broadcast %add3A_775 : i32 to vector<16xi32>
    %add3A_777 = arith.addi %iota3A, %add3A_776 : vector<16xi32>
    %add3A_778 = arith.addf %add3A_766, %get3A_99 : vector<16xf32>
    tpu.vector_store_idx %arg12[%add3A_777], %add3A_778 : memref<6528xf32, #tpu.memory_space<vmem>>[vector<16xi32>], vector<16xf32>,
    %get3A_779 = arith.constant 208 : index
    %get3A_780 = tpu.vector_load %arg10[%get3A_779] {strides = array<i32>} : memref<512xf32, #tpu.memory_space<vmem>>, vector<16xf32>,
    %add3A_781 = arith.addf %get3A_583, %get3A_780 : vector<16xf32>
    %add3A_782 = arith.constant 2295 : i32
    %add3A_783 = vector.broadcast %add3A_782 : i32 to vector<16xi32>
    %add3A_784 = arith.addi %iota3A, %add3A_783 : vector<16xi32>
    %add3A_785 = arith.addf %add3A_781, %get3A_95 : vector<16xf32>
    tpu.vector_store_idx %arg12[%add3A_784], %add3A_785 : memref<6528xf32, #tpu.memory_space<vmem>>[vector<16xi32>], vector<16xf32>,
    %add3A_786 = arith.constant 2312 : i32
    %add3A_787 = vector.broadcast %add3A_786 : i32 to vector<16xi32>
    %add3A_788 = arith.addi %iota3A, %add3A_787 : vector<16xi32>
    %add3A_789 = arith.addf %add3A_781, %get3A_97 : vector<16xf32>
    tpu.vector_store_idx %arg12[%add3A_788], %add3A_789 : memref<6528xf32, #tpu.memory_space<vmem>>[vector<16xi32>], vector<16xf32>,
    %add3A_790 = arith.constant 2329 : i32
    %add3A_791 = vector.broadcast %add3A_790 : i32 to vector<16xi32>
    %add3A_792 = arith.addi %iota3A, %add3A_791 : vector<16xi32>
    %add3A_793 = arith.addf %add3A_781, %get3A_99 : vector<16xf32>
    tpu.vector_store_idx %arg12[%add3A_792], %add3A_793 : memref<6528xf32, #tpu.memory_space<vmem>>[vector<16xi32>], vector<16xf32>,
    %get3A_794 = arith.constant 224 : index
    %get3A_795 = tpu.vector_load %arg10[%get3A_794] {strides = array<i32>} : memref<512xf32, #tpu.memory_space<vmem>>, vector<16xf32>,
    %add3A_796 = arith.addf %get3A_583, %get3A_795 : vector<16xf32>
    %add3A_797 = arith.constant 2346 : i32
    %add3A_798 = vector.broadcast %add3A_797 : i32 to vector<16xi32>
    %add3A_799 = arith.addi %iota3A, %add3A_798 : vector<16xi32>
    %add3A_800 = arith.addf %add3A_796, %get3A_95 : vector<16xf32>
    tpu.vector_store_idx %arg12[%add3A_799], %add3A_800 : memref<6528xf32, #tpu.memory_space<vmem>>[vector<16xi32>], vector<16xf32>,
    %add3A_801 = arith.constant 2363 : i32
    %add3A_802 = vector.broadcast %add3A_801 : i32 to vector<16xi32>
    %add3A_803 = arith.addi %iota3A, %add3A_802 : vector<16xi32>
    %add3A_804 = arith.addf %add3A_796, %get3A_97 : vector<16xf32>
    tpu.vector_store_idx %arg12[%add3A_803], %add3A_804 : memref<6528xf32, #tpu.memory_space<vmem>>[vector<16xi32>], vector<16xf32>,
    %add3A_805 = arith.constant 2380 : i32
    %add3A_806 = vector.broadcast %add3A_805 : i32 to vector<16xi32>
    %add3A_807 = arith.addi %iota3A, %add3A_806 : vector<16xi32>
    %add3A_808 = arith.addf %add3A_796, %get3A_99 : vector<16xf32>
    tpu.vector_store_idx %arg12[%add3A_807], %add3A_808 : memref<6528xf32, #tpu.memory_space<vmem>>[vector<16xi32>], vector<16xf32>,
    %get3A_809 = arith.constant 240 : index
    %get3A_810 = tpu.vector_load %arg10[%get3A_809] {strides = array<i32>} : memref<512xf32, #tpu.memory_space<vmem>>, vector<16xf32>,
    %add3A_811 = arith.addf %get3A_583, %get3A_810 : vector<16xf32>
    %add3A_812 = arith.constant 2397 : i32
    %add3A_813 = vector.broadcast %add3A_812 : i32 to vector<16xi32>
    %add3A_814 = arith.addi %iota3A, %add3A_813 : vector<16xi32>
    %add3A_815 = arith.addf %add3A_811, %get3A_95 : vector<16xf32>
    tpu.vector_store_idx %arg12[%add3A_814], %add3A_815 : memref<6528xf32, #tpu.memory_space<vmem>>[vector<16xi32>], vector<16xf32>,
    %add3A_816 = arith.constant 2414 : i32
    %add3A_817 = vector.broadcast %add3A_816 : i32 to vector<16xi32>
    %add3A_818 = arith.addi %iota3A, %add3A_817 : vector<16xi32>
    %add3A_819 = arith.addf %add3A_811, %get3A_97 : vector<16xf32>
    tpu.vector_store_idx %arg12[%add3A_818], %add3A_819 : memref<6528xf32, #tpu.memory_space<vmem>>[vector<16xi32>], vector<16xf32>,
    %add3A_820 = arith.constant 2431 : i32
    %add3A_821 = vector.broadcast %add3A_820 : i32 to vector<16xi32>
    %add3A_822 = arith.addi %iota3A, %add3A_821 : vector<16xi32>
    %add3A_823 = arith.addf %add3A_811, %get3A_99 : vector<16xf32>
    tpu.vector_store_idx %arg12[%add3A_822], %add3A_823 : memref<6528xf32, #tpu.memory_space<vmem>>[vector<16xi32>], vector<16xf32>,
    %get3A_824 = arith.constant 256 : index
    %get3A_825 = tpu.vector_load %arg10[%get3A_824] {strides = array<i32>} : memref<512xf32, #tpu.memory_space<vmem>>, vector<16xf32>,
    %add3A_826 = arith.addf %get3A_583, %get3A_825 : vector<16xf32>
    %add3A_827 = arith.constant 2448 : i32
    %add3A_828 = vector.broadcast %add3A_827 : i32 to vector<16xi32>
    %add3A_829 = arith.addi %iota3A, %add3A_828 : vector<16xi32>
    %add3A_830 = arith.addf %add3A_826, %get3A_95 : vector<16xf32>
    tpu.vector_store_idx %arg12[%add3A_829], %add3A_830 : memref<6528xf32, #tpu.memory_space<vmem>>[vector<16xi32>], vector<16xf32>,
    %add3A_831 = arith.constant 2465 : i32
    %add3A_832 = vector.broadcast %add3A_831 : i32 to vector<16xi32>
    %add3A_833 = arith.addi %iota3A, %add3A_832 : vector<16xi32>
    %add3A_834 = arith.addf %add3A_826, %get3A_97 : vector<16xf32>
    tpu.vector_store_idx %arg12[%add3A_833], %add3A_834 : memref<6528xf32, #tpu.memory_space<vmem>>[vector<16xi32>], vector<16xf32>,
    %add3A_835 = arith.constant 2482 : i32
    %add3A_836 = vector.broadcast %add3A_835 : i32 to vector<16xi32>
    %add3A_837 = arith.addi %iota3A, %add3A_836 : vector<16xi32>
    %add3A_838 = arith.addf %add3A_826, %get3A_99 : vector<16xf32>
    tpu.vector_store_idx %arg12[%add3A_837], %add3A_838 : memref<6528xf32, #tpu.memory_space<vmem>>[vector<16xi32>], vector<16xf32>,
    %get3A_839 = arith.constant 272 : index
    %get3A_840 = tpu.vector_load %arg10[%get3A_839] {strides = array<i32>} : memref<512xf32, #tpu.memory_space<vmem>>, vector<16xf32>,
    %add3A_841 = arith.addf %get3A_583, %get3A_840 : vector<16xf32>
    %add3A_842 = arith.constant 2499 : i32
    %add3A_843 = vector.broadcast %add3A_842 : i32 to vector<16xi32>
    %add3A_844 = arith.addi %iota3A, %add3A_843 : vector<16xi32>
    %add3A_845 = arith.addf %add3A_841, %get3A_95 : vector<16xf32>
    tpu.vector_store_idx %arg12[%add3A_844], %add3A_845 : memref<6528xf32, #tpu.memory_space<vmem>>[vector<16xi32>], vector<16xf32>,
    %add3A_846 = arith.constant 2516 : i32
    %add3A_847 = vector.broadcast %add3A_846 : i32 to vector<16xi32>
    %add3A_848 = arith.addi %iota3A, %add3A_847 : vector<16xi32>
    %add3A_849 = arith.addf %add3A_841, %get3A_97 : vector<16xf32>
    tpu.vector_store_idx %arg12[%add3A_848], %add3A_849 : memref<6528xf32, #tpu.memory_space<vmem>>[vector<16xi32>], vector<16xf32>,
    %add3A_850 = arith.constant 2533 : i32
    %add3A_851 = vector.broadcast %add3A_850 : i32 to vector<16xi32>
    %add3A_852 = arith.addi %iota3A, %add3A_851 : vector<16xi32>
    %add3A_853 = arith.addf %add3A_841, %get3A_99 : vector<16xf32>
    tpu.vector_store_idx %arg12[%add3A_852], %add3A_853 : memref<6528xf32, #tpu.memory_space<vmem>>[vector<16xi32>], vector<16xf32>,
    %get3A_854 = arith.constant 288 : index
    %get3A_855 = tpu.vector_load %arg10[%get3A_854] {strides = array<i32>} : memref<512xf32, #tpu.memory_space<vmem>>, vector<16xf32>,
    %add3A_856 = arith.addf %get3A_583, %get3A_855 : vector<16xf32>
    %add3A_857 = arith.constant 2550 : i32
    %add3A_858 = vector.broadcast %add3A_857 : i32 to vector<16xi32>
    %add3A_859 = arith.addi %iota3A, %add3A_858 : vector<16xi32>
    %add3A_860 = arith.addf %add3A_856, %get3A_95 : vector<16xf32>
    tpu.vector_store_idx %arg12[%add3A_859], %add3A_860 : memref<6528xf32, #tpu.memory_space<vmem>>[vector<16xi32>], vector<16xf32>,
    %add3A_861 = arith.constant 2567 : i32
    %add3A_862 = vector.broadcast %add3A_861 : i32 to vector<16xi32>
    %add3A_863 = arith.addi %iota3A, %add3A_862 : vector<16xi32>
    %add3A_864 = arith.addf %add3A_856, %get3A_97 : vector<16xf32>
    tpu.vector_store_idx %arg12[%add3A_863], %add3A_864 : memref<6528xf32, #tpu.memory_space<vmem>>[vector<16xi32>], vector<16xf32>,
    %add3A_865 = arith.constant 2584 : i32
    %add3A_866 = vector.broadcast %add3A_865 : i32 to vector<16xi32>
    %add3A_867 = arith.addi %iota3A, %add3A_866 : vector<16xi32>
    %add3A_868 = arith.addf %add3A_856, %get3A_99 : vector<16xf32>
    tpu.vector_store_idx %arg12[%add3A_867], %add3A_868 : memref<6528xf32, #tpu.memory_space<vmem>>[vector<16xi32>], vector<16xf32>,
    %get3A_869 = arith.constant 304 : index
    %get3A_870 = tpu.vector_load %arg10[%get3A_869] {strides = array<i32>} : memref<512xf32, #tpu.memory_space<vmem>>, vector<16xf32>,
    %add3A_871 = arith.addf %get3A_583, %get3A_870 : vector<16xf32>
    %add3A_872 = arith.constant 2601 : i32
    %add3A_873 = vector.broadcast %add3A_872 : i32 to vector<16xi32>
    %add3A_874 = arith.addi %iota3A, %add3A_873 : vector<16xi32>
    %add3A_875 = arith.addf %add3A_871, %get3A_95 : vector<16xf32>
    tpu.vector_store_idx %arg12[%add3A_874], %add3A_875 : memref<6528xf32, #tpu.memory_space<vmem>>[vector<16xi32>], vector<16xf32>,
    %add3A_876 = arith.constant 2618 : i32
    %add3A_877 = vector.broadcast %add3A_876 : i32 to vector<16xi32>
    %add3A_878 = arith.addi %iota3A, %add3A_877 : vector<16xi32>
    %add3A_879 = arith.addf %add3A_871, %get3A_97 : vector<16xf32>
    tpu.vector_store_idx %arg12[%add3A_878], %add3A_879 : memref<6528xf32, #tpu.memory_space<vmem>>[vector<16xi32>], vector<16xf32>,
    %add3A_880 = arith.constant 2635 : i32
    %add3A_881 = vector.broadcast %add3A_880 : i32 to vector<16xi32>
    %add3A_882 = arith.addi %iota3A, %add3A_881 : vector<16xi32>
    %add3A_883 = arith.addf %add3A_871, %get3A_99 : vector<16xf32>
    tpu.vector_store_idx %arg12[%add3A_882], %add3A_883 : memref<6528xf32, #tpu.memory_space<vmem>>[vector<16xi32>], vector<16xf32>,
    %get3A_884 = arith.constant 320 : index
    %get3A_885 = tpu.vector_load %arg10[%get3A_884] {strides = array<i32>} : memref<512xf32, #tpu.memory_space<vmem>>, vector<16xf32>,
    %add3A_886 = arith.addf %get3A_583, %get3A_885 : vector<16xf32>
    %add3A_887 = arith.constant 2652 : i32
    %add3A_888 = vector.broadcast %add3A_887 : i32 to vector<16xi32>
    %add3A_889 = arith.addi %iota3A, %add3A_888 : vector<16xi32>
    %add3A_890 = arith.addf %add3A_886, %get3A_95 : vector<16xf32>
    tpu.vector_store_idx %arg12[%add3A_889], %add3A_890 : memref<6528xf32, #tpu.memory_space<vmem>>[vector<16xi32>], vector<16xf32>,
    %add3A_891 = arith.constant 2669 : i32
    %add3A_892 = vector.broadcast %add3A_891 : i32 to vector<16xi32>
    %add3A_893 = arith.addi %iota3A, %add3A_892 : vector<16xi32>
    %add3A_894 = arith.addf %add3A_886, %get3A_97 : vector<16xf32>
    tpu.vector_store_idx %arg12[%add3A_893], %add3A_894 : memref<6528xf32, #tpu.memory_space<vmem>>[vector<16xi32>], vector<16xf32>,
    %add3A_895 = arith.constant 2686 : i32
    %add3A_896 = vector.broadcast %add3A_895 : i32 to vector<16xi32>
    %add3A_897 = arith.addi %iota3A, %add3A_896 : vector<16xi32>
    %add3A_898 = arith.addf %add3A_886, %get3A_99 : vector<16xf32>
    tpu.vector_store_idx %arg12[%add3A_897], %add3A_898 : memref<6528xf32, #tpu.memory_space<vmem>>[vector<16xi32>], vector<16xf32>,
    %get3A_899 = arith.constant 336 : index
    %get3A_900 = tpu.vector_load %arg10[%get3A_899] {strides = array<i32>} : memref<512xf32, #tpu.memory_space<vmem>>, vector<16xf32>,
    %add3A_901 = arith.addf %get3A_583, %get3A_900 : vector<16xf32>
    %add3A_902 = arith.constant 2703 : i32
    %add3A_903 = vector.broadcast %add3A_902 : i32 to vector<16xi32>
    %add3A_904 = arith.addi %iota3A, %add3A_903 : vector<16xi32>
    %add3A_905 = arith.addf %add3A_901, %get3A_95 : vector<16xf32>
    tpu.vector_store_idx %arg12[%add3A_904], %add3A_905 : memref<6528xf32, #tpu.memory_space<vmem>>[vector<16xi32>], vector<16xf32>,
    %add3A_906 = arith.constant 2720 : i32
    %add3A_907 = vector.broadcast %add3A_906 : i32 to vector<16xi32>
    %add3A_908 = arith.addi %iota3A, %add3A_907 : vector<16xi32>
    %add3A_909 = arith.addf %add3A_901, %get3A_97 : vector<16xf32>
    tpu.vector_store_idx %arg12[%add3A_908], %add3A_909 : memref<6528xf32, #tpu.memory_space<vmem>>[vector<16xi32>], vector<16xf32>,
    %add3A_910 = arith.constant 2737 : i32
    %add3A_911 = vector.broadcast %add3A_910 : i32 to vector<16xi32>
    %add3A_912 = arith.addi %iota3A, %add3A_911 : vector<16xi32>
    %add3A_913 = arith.addf %add3A_901, %get3A_99 : vector<16xf32>
    tpu.vector_store_idx %arg12[%add3A_912], %add3A_913 : memref<6528xf32, #tpu.memory_space<vmem>>[vector<16xi32>], vector<16xf32>,
    %get3A_914 = arith.constant 352 : index
    %get3A_915 = tpu.vector_load %arg10[%get3A_914] {strides = array<i32>} : memref<512xf32, #tpu.memory_space<vmem>>, vector<16xf32>,
    %add3A_916 = arith.addf %get3A_583, %get3A_915 : vector<16xf32>
    %add3A_917 = arith.constant 2754 : i32
    %add3A_918 = vector.broadcast %add3A_917 : i32 to vector<16xi32>
    %add3A_919 = arith.addi %iota3A, %add3A_918 : vector<16xi32>
    %add3A_920 = arith.addf %add3A_916, %get3A_95 : vector<16xf32>
    tpu.vector_store_idx %arg12[%add3A_919], %add3A_920 : memref<6528xf32, #tpu.memory_space<vmem>>[vector<16xi32>], vector<16xf32>,
    %add3A_921 = arith.constant 2771 : i32
    %add3A_922 = vector.broadcast %add3A_921 : i32 to vector<16xi32>
    %add3A_923 = arith.addi %iota3A, %add3A_922 : vector<16xi32>
    %add3A_924 = arith.addf %add3A_916, %get3A_97 : vector<16xf32>
    tpu.vector_store_idx %arg12[%add3A_923], %add3A_924 : memref<6528xf32, #tpu.memory_space<vmem>>[vector<16xi32>], vector<16xf32>,
    %add3A_925 = arith.constant 2788 : i32
    %add3A_926 = vector.broadcast %add3A_925 : i32 to vector<16xi32>
    %add3A_927 = arith.addi %iota3A, %add3A_926 : vector<16xi32>
    %add3A_928 = arith.addf %add3A_916, %get3A_99 : vector<16xf32>
    tpu.vector_store_idx %arg12[%add3A_927], %add3A_928 : memref<6528xf32, #tpu.memory_space<vmem>>[vector<16xi32>], vector<16xf32>,
    %get3A_929 = arith.constant 368 : index
    %get3A_930 = tpu.vector_load %arg10[%get3A_929] {strides = array<i32>} : memref<512xf32, #tpu.memory_space<vmem>>, vector<16xf32>,
    %add3A_931 = arith.addf %get3A_583, %get3A_930 : vector<16xf32>
    %add3A_932 = arith.constant 2805 : i32
    %add3A_933 = vector.broadcast %add3A_932 : i32 to vector<16xi32>
    %add3A_934 = arith.addi %iota3A, %add3A_933 : vector<16xi32>
    %add3A_935 = arith.addf %add3A_931, %get3A_95 : vector<16xf32>
    tpu.vector_store_idx %arg12[%add3A_934], %add3A_935 : memref<6528xf32, #tpu.memory_space<vmem>>[vector<16xi32>], vector<16xf32>,
    %add3A_936 = arith.constant 2822 : i32
    %add3A_937 = vector.broadcast %add3A_936 : i32 to vector<16xi32>
    %add3A_938 = arith.addi %iota3A, %add3A_937 : vector<16xi32>
    %add3A_939 = arith.addf %add3A_931, %get3A_97 : vector<16xf32>
    tpu.vector_store_idx %arg12[%add3A_938], %add3A_939 : memref<6528xf32, #tpu.memory_space<vmem>>[vector<16xi32>], vector<16xf32>,
    %add3A_940 = arith.constant 2839 : i32
    %add3A_941 = vector.broadcast %add3A_940 : i32 to vector<16xi32>
    %add3A_942 = arith.addi %iota3A, %add3A_941 : vector<16xi32>
    %add3A_943 = arith.addf %add3A_931, %get3A_99 : vector<16xf32>
    tpu.vector_store_idx %arg12[%add3A_942], %add3A_943 : memref<6528xf32, #tpu.memory_space<vmem>>[vector<16xi32>], vector<16xf32>,
    %get3A_944 = arith.constant 384 : index
    %get3A_945 = tpu.vector_load %arg10[%get3A_944] {strides = array<i32>} : memref<512xf32, #tpu.memory_space<vmem>>, vector<16xf32>,
    %add3A_946 = arith.addf %get3A_583, %get3A_945 : vector<16xf32>
    %add3A_947 = arith.constant 2856 : i32
    %add3A_948 = vector.broadcast %add3A_947 : i32 to vector<16xi32>
    %add3A_949 = arith.addi %iota3A, %add3A_948 : vector<16xi32>
    %add3A_950 = arith.addf %add3A_946, %get3A_95 : vector<16xf32>
    tpu.vector_store_idx %arg12[%add3A_949], %add3A_950 : memref<6528xf32, #tpu.memory_space<vmem>>[vector<16xi32>], vector<16xf32>,
    %add3A_951 = arith.constant 2873 : i32
    %add3A_952 = vector.broadcast %add3A_951 : i32 to vector<16xi32>
    %add3A_953 = arith.addi %iota3A, %add3A_952 : vector<16xi32>
    %add3A_954 = arith.addf %add3A_946, %get3A_97 : vector<16xf32>
    tpu.vector_store_idx %arg12[%add3A_953], %add3A_954 : memref<6528xf32, #tpu.memory_space<vmem>>[vector<16xi32>], vector<16xf32>,
    %add3A_955 = arith.constant 2890 : i32
    %add3A_956 = vector.broadcast %add3A_955 : i32 to vector<16xi32>
    %add3A_957 = arith.addi %iota3A, %add3A_956 : vector<16xi32>
    %add3A_958 = arith.addf %add3A_946, %get3A_99 : vector<16xf32>
    tpu.vector_store_idx %arg12[%add3A_957], %add3A_958 : memref<6528xf32, #tpu.memory_space<vmem>>[vector<16xi32>], vector<16xf32>,
    %get3A_959 = arith.constant 400 : index
    %get3A_960 = tpu.vector_load %arg10[%get3A_959] {strides = array<i32>} : memref<512xf32, #tpu.memory_space<vmem>>, vector<16xf32>,
    %add3A_961 = arith.addf %get3A_583, %get3A_960 : vector<16xf32>
    %add3A_962 = arith.constant 2907 : i32
    %add3A_963 = vector.broadcast %add3A_962 : i32 to vector<16xi32>
    %add3A_964 = arith.addi %iota3A, %add3A_963 : vector<16xi32>
    %add3A_965 = arith.addf %add3A_961, %get3A_95 : vector<16xf32>
    tpu.vector_store_idx %arg12[%add3A_964], %add3A_965 : memref<6528xf32, #tpu.memory_space<vmem>>[vector<16xi32>], vector<16xf32>,
    %add3A_966 = arith.constant 2924 : i32
    %add3A_967 = vector.broadcast %add3A_966 : i32 to vector<16xi32>
    %add3A_968 = arith.addi %iota3A, %add3A_967 : vector<16xi32>
    %add3A_969 = arith.addf %add3A_961, %get3A_97 : vector<16xf32>
    tpu.vector_store_idx %arg12[%add3A_968], %add3A_969 : memref<6528xf32, #tpu.memory_space<vmem>>[vector<16xi32>], vector<16xf32>,
    %add3A_970 = arith.constant 2941 : i32
    %add3A_971 = vector.broadcast %add3A_970 : i32 to vector<16xi32>
    %add3A_972 = arith.addi %iota3A, %add3A_971 : vector<16xi32>
    %add3A_973 = arith.addf %add3A_961, %get3A_99 : vector<16xf32>
    tpu.vector_store_idx %arg12[%add3A_972], %add3A_973 : memref<6528xf32, #tpu.memory_space<vmem>>[vector<16xi32>], vector<16xf32>,
    %get3A_974 = arith.constant 416 : index
    %get3A_975 = tpu.vector_load %arg10[%get3A_974] {strides = array<i32>} : memref<512xf32, #tpu.memory_space<vmem>>, vector<16xf32>,
    %add3A_976 = arith.addf %get3A_583, %get3A_975 : vector<16xf32>
    %add3A_977 = arith.constant 2958 : i32
    %add3A_978 = vector.broadcast %add3A_977 : i32 to vector<16xi32>
    %add3A_979 = arith.addi %iota3A, %add3A_978 : vector<16xi32>
    %add3A_980 = arith.addf %add3A_976, %get3A_95 : vector<16xf32>
    tpu.vector_store_idx %arg12[%add3A_979], %add3A_980 : memref<6528xf32, #tpu.memory_space<vmem>>[vector<16xi32>], vector<16xf32>,
    %add3A_981 = arith.constant 2975 : i32
    %add3A_982 = vector.broadcast %add3A_981 : i32 to vector<16xi32>
    %add3A_983 = arith.addi %iota3A, %add3A_982 : vector<16xi32>
    %add3A_984 = arith.addf %add3A_976, %get3A_97 : vector<16xf32>
    tpu.vector_store_idx %arg12[%add3A_983], %add3A_984 : memref<6528xf32, #tpu.memory_space<vmem>>[vector<16xi32>], vector<16xf32>,
    %add3A_985 = arith.constant 2992 : i32
    %add3A_986 = vector.broadcast %add3A_985 : i32 to vector<16xi32>
    %add3A_987 = arith.addi %iota3A, %add3A_986 : vector<16xi32>
    %add3A_988 = arith.addf %add3A_976, %get3A_99 : vector<16xf32>
    tpu.vector_store_idx %arg12[%add3A_987], %add3A_988 : memref<6528xf32, #tpu.memory_space<vmem>>[vector<16xi32>], vector<16xf32>,
    %get3A_989 = arith.constant 432 : index
    %get3A_990 = tpu.vector_load %arg10[%get3A_989] {strides = array<i32>} : memref<512xf32, #tpu.memory_space<vmem>>, vector<16xf32>,
    %add3A_991 = arith.addf %get3A_583, %get3A_990 : vector<16xf32>
    %add3A_992 = arith.constant 3009 : i32
    %add3A_993 = vector.broadcast %add3A_992 : i32 to vector<16xi32>
    %add3A_994 = arith.addi %iota3A, %add3A_993 : vector<16xi32>
    %add3A_995 = arith.addf %add3A_991, %get3A_95 : vector<16xf32>
    tpu.vector_store_idx %arg12[%add3A_994], %add3A_995 : memref<6528xf32, #tpu.memory_space<vmem>>[vector<16xi32>], vector<16xf32>,
    %add3A_996 = arith.constant 3026 : i32
    %add3A_997 = vector.broadcast %add3A_996 : i32 to vector<16xi32>
    %add3A_998 = arith.addi %iota3A, %add3A_997 : vector<16xi32>
    %add3A_999 = arith.addf %add3A_991, %get3A_97 : vector<16xf32>
    tpu.vector_store_idx %arg12[%add3A_998], %add3A_999 : memref<6528xf32, #tpu.memory_space<vmem>>[vector<16xi32>], vector<16xf32>,
    %add3A_1000 = arith.constant 3043 : i32
    %add3A_1001 = vector.broadcast %add3A_1000 : i32 to vector<16xi32>
    %add3A_1002 = arith.addi %iota3A, %add3A_1001 : vector<16xi32>
    %add3A_1003 = arith.addf %add3A_991, %get3A_99 : vector<16xf32>
    tpu.vector_store_idx %arg12[%add3A_1002], %add3A_1003 : memref<6528xf32, #tpu.memory_space<vmem>>[vector<16xi32>], vector<16xf32>,
    %get3A_1004 = arith.constant 448 : index
    %get3A_1005 = tpu.vector_load %arg10[%get3A_1004] {strides = array<i32>} : memref<512xf32, #tpu.memory_space<vmem>>, vector<16xf32>,
    %add3A_1006 = arith.addf %get3A_583, %get3A_1005 : vector<16xf32>
    %add3A_1007 = arith.constant 3060 : i32
    %add3A_1008 = vector.broadcast %add3A_1007 : i32 to vector<16xi32>
    %add3A_1009 = arith.addi %iota3A, %add3A_1008 : vector<16xi32>
    %add3A_1010 = arith.addf %add3A_1006, %get3A_95 : vector<16xf32>
    tpu.vector_store_idx %arg12[%add3A_1009], %add3A_1010 : memref<6528xf32, #tpu.memory_space<vmem>>[vector<16xi32>], vector<16xf32>,
    %add3A_1011 = arith.constant 3077 : i32
    %add3A_1012 = vector.broadcast %add3A_1011 : i32 to vector<16xi32>
    %add3A_1013 = arith.addi %iota3A, %add3A_1012 : vector<16xi32>
    %add3A_1014 = arith.addf %add3A_1006, %get3A_97 : vector<16xf32>
    tpu.vector_store_idx %arg12[%add3A_1013], %add3A_1014 : memref<6528xf32, #tpu.memory_space<vmem>>[vector<16xi32>], vector<16xf32>,
    %add3A_1015 = arith.constant 3094 : i32
    %add3A_1016 = vector.broadcast %add3A_1015 : i32 to vector<16xi32>
    %add3A_1017 = arith.addi %iota3A, %add3A_1016 : vector<16xi32>
    %add3A_1018 = arith.addf %add3A_1006, %get3A_99 : vector<16xf32>
    tpu.vector_store_idx %arg12[%add3A_1017], %add3A_1018 : memref<6528xf32, #tpu.memory_space<vmem>>[vector<16xi32>], vector<16xf32>,
    %get3A_1019 = arith.constant 464 : index
    %get3A_1020 = tpu.vector_load %arg10[%get3A_1019] {strides = array<i32>} : memref<512xf32, #tpu.memory_space<vmem>>, vector<16xf32>,
    %add3A_1021 = arith.addf %get3A_583, %get3A_1020 : vector<16xf32>
    %add3A_1022 = arith.constant 3111 : i32
    %add3A_1023 = vector.broadcast %add3A_1022 : i32 to vector<16xi32>
    %add3A_1024 = arith.addi %iota3A, %add3A_1023 : vector<16xi32>
    %add3A_1025 = arith.addf %add3A_1021, %get3A_95 : vector<16xf32>
    tpu.vector_store_idx %arg12[%add3A_1024], %add3A_1025 : memref<6528xf32, #tpu.memory_space<vmem>>[vector<16xi32>], vector<16xf32>,
    %add3A_1026 = arith.constant 3128 : i32
    %add3A_1027 = vector.broadcast %add3A_1026 : i32 to vector<16xi32>
    %add3A_1028 = arith.addi %iota3A, %add3A_1027 : vector<16xi32>
    %add3A_1029 = arith.addf %add3A_1021, %get3A_97 : vector<16xf32>
    tpu.vector_store_idx %arg12[%add3A_1028], %add3A_1029 : memref<6528xf32, #tpu.memory_space<vmem>>[vector<16xi32>], vector<16xf32>,
    %add3A_1030 = arith.constant 3145 : i32
    %add3A_1031 = vector.broadcast %add3A_1030 : i32 to vector<16xi32>
    %add3A_1032 = arith.addi %iota3A, %add3A_1031 : vector<16xi32>
    %add3A_1033 = arith.addf %add3A_1021, %get3A_99 : vector<16xf32>
    tpu.vector_store_idx %arg12[%add3A_1032], %add3A_1033 : memref<6528xf32, #tpu.memory_space<vmem>>[vector<16xi32>], vector<16xf32>,
    %get3A_1034 = arith.constant 480 : index
    %get3A_1035 = tpu.vector_load %arg10[%get3A_1034] {strides = array<i32>} : memref<512xf32, #tpu.memory_space<vmem>>, vector<16xf32>,
    %add3A_1036 = arith.addf %get3A_583, %get3A_1035 : vector<16xf32>
    %add3A_1037 = arith.constant 3162 : i32
    %add3A_1038 = vector.broadcast %add3A_1037 : i32 to vector<16xi32>
    %add3A_1039 = arith.addi %iota3A, %add3A_1038 : vector<16xi32>
    %add3A_1040 = arith.addf %add3A_1036, %get3A_95 : vector<16xf32>
    tpu.vector_store_idx %arg12[%add3A_1039], %add3A_1040 : memref<6528xf32, #tpu.memory_space<vmem>>[vector<16xi32>], vector<16xf32>,
    %add3A_1041 = arith.constant 3179 : i32
    %add3A_1042 = vector.broadcast %add3A_1041 : i32 to vector<16xi32>
    %add3A_1043 = arith.addi %iota3A, %add3A_1042 : vector<16xi32>
    %add3A_1044 = arith.addf %add3A_1036, %get3A_97 : vector<16xf32>
    tpu.vector_store_idx %arg12[%add3A_1043], %add3A_1044 : memref<6528xf32, #tpu.memory_space<vmem>>[vector<16xi32>], vector<16xf32>,
    %add3A_1045 = arith.constant 3196 : i32
    %add3A_1046 = vector.broadcast %add3A_1045 : i32 to vector<16xi32>
    %add3A_1047 = arith.addi %iota3A, %add3A_1046 : vector<16xi32>
    %add3A_1048 = arith.addf %add3A_1036, %get3A_99 : vector<16xf32>
    tpu.vector_store_idx %arg12[%add3A_1047], %add3A_1048 : memref<6528xf32, #tpu.memory_space<vmem>>[vector<16xi32>], vector<16xf32>,
    %get3A_1049 = arith.constant 496 : index
    %get3A_1050 = tpu.vector_load %arg10[%get3A_1049] {strides = array<i32>} : memref<512xf32, #tpu.memory_space<vmem>>, vector<16xf32>,
    %add3A_1051 = arith.addf %get3A_583, %get3A_1050 : vector<16xf32>
    %add3A_1052 = arith.constant 3213 : i32
    %add3A_1053 = vector.broadcast %add3A_1052 : i32 to vector<16xi32>
    %add3A_1054 = arith.addi %iota3A, %add3A_1053 : vector<16xi32>
    %add3A_1055 = arith.addf %add3A_1051, %get3A_95 : vector<16xf32>
    tpu.vector_store_idx %arg12[%add3A_1054], %add3A_1055 : memref<6528xf32, #tpu.memory_space<vmem>>[vector<16xi32>], vector<16xf32>,
    %add3A_1056 = arith.constant 3230 : i32
    %add3A_1057 = vector.broadcast %add3A_1056 : i32 to vector<16xi32>
    %add3A_1058 = arith.addi %iota3A, %add3A_1057 : vector<16xi32>
    %add3A_1059 = arith.addf %add3A_1051, %get3A_97 : vector<16xf32>
    tpu.vector_store_idx %arg12[%add3A_1058], %add3A_1059 : memref<6528xf32, #tpu.memory_space<vmem>>[vector<16xi32>], vector<16xf32>,
    %add3A_1060 = arith.constant 3247 : i32
    %add3A_1061 = vector.broadcast %add3A_1060 : i32 to vector<16xi32>
    %add3A_1062 = arith.addi %iota3A, %add3A_1061 : vector<16xi32>
    %add3A_1063 = arith.addf %add3A_1051, %get3A_99 : vector<16xf32>
    tpu.vector_store_idx %arg12[%add3A_1062], %add3A_1063 : memref<6528xf32, #tpu.memory_space<vmem>>[vector<16xi32>], vector<16xf32>,
    %get3A_1064 = arith.constant 32 : index
    %get3A_1065 = tpu.vector_load %arg9[%get3A_1064] {strides = array<i32>} : memref<64xf32, #tpu.memory_space<vmem>>, vector<16xf32>,
    %get3A_1066 = arith.constant 0 : index
    %get3A_1067 = tpu.vector_load %arg10[%get3A_1066] {strides = array<i32>} : memref<512xf32, #tpu.memory_space<vmem>>, vector<16xf32>,
    %add3A_1068 = arith.addf %get3A_1065, %get3A_1067 : vector<16xf32>
    %add3A_1069 = arith.constant 3264 : i32
    %add3A_1070 = vector.broadcast %add3A_1069 : i32 to vector<16xi32>
    %add3A_1071 = arith.addi %iota3A, %add3A_1070 : vector<16xi32>
    %add3A_1072 = arith.addf %add3A_1068, %get3A_95 : vector<16xf32>
    tpu.vector_store_idx %arg12[%add3A_1071], %add3A_1072 : memref<6528xf32, #tpu.memory_space<vmem>>[vector<16xi32>], vector<16xf32>,
    %add3A_1073 = arith.constant 3281 : i32
    %add3A_1074 = vector.broadcast %add3A_1073 : i32 to vector<16xi32>
    %add3A_1075 = arith.addi %iota3A, %add3A_1074 : vector<16xi32>
    %add3A_1076 = arith.addf %add3A_1068, %get3A_97 : vector<16xf32>
    tpu.vector_store_idx %arg12[%add3A_1075], %add3A_1076 : memref<6528xf32, #tpu.memory_space<vmem>>[vector<16xi32>], vector<16xf32>,
    %add3A_1077 = arith.constant 3298 : i32
    %add3A_1078 = vector.broadcast %add3A_1077 : i32 to vector<16xi32>
    %add3A_1079 = arith.addi %iota3A, %add3A_1078 : vector<16xi32>
    %add3A_1080 = arith.addf %add3A_1068, %get3A_99 : vector<16xf32>
    tpu.vector_store_idx %arg12[%add3A_1079], %add3A_1080 : memref<6528xf32, #tpu.memory_space<vmem>>[vector<16xi32>], vector<16xf32>,
    %get3A_1081 = arith.constant 16 : index
    %get3A_1082 = tpu.vector_load %arg10[%get3A_1081] {strides = array<i32>} : memref<512xf32, #tpu.memory_space<vmem>>, vector<16xf32>,
    %add3A_1083 = arith.addf %get3A_1065, %get3A_1082 : vector<16xf32>
    %add3A_1084 = arith.constant 3315 : i32
    %add3A_1085 = vector.broadcast %add3A_1084 : i32 to vector<16xi32>
    %add3A_1086 = arith.addi %iota3A, %add3A_1085 : vector<16xi32>
    %add3A_1087 = arith.addf %add3A_1083, %get3A_95 : vector<16xf32>
    tpu.vector_store_idx %arg12[%add3A_1086], %add3A_1087 : memref<6528xf32, #tpu.memory_space<vmem>>[vector<16xi32>], vector<16xf32>,
    %add3A_1088 = arith.constant 3332 : i32
    %add3A_1089 = vector.broadcast %add3A_1088 : i32 to vector<16xi32>
    %add3A_1090 = arith.addi %iota3A, %add3A_1089 : vector<16xi32>
    %add3A_1091 = arith.addf %add3A_1083, %get3A_97 : vector<16xf32>
    tpu.vector_store_idx %arg12[%add3A_1090], %add3A_1091 : memref<6528xf32, #tpu.memory_space<vmem>>[vector<16xi32>], vector<16xf32>,
    %add3A_1092 = arith.constant 3349 : i32
    %add3A_1093 = vector.broadcast %add3A_1092 : i32 to vector<16xi32>
    %add3A_1094 = arith.addi %iota3A, %add3A_1093 : vector<16xi32>
    %add3A_1095 = arith.addf %add3A_1083, %get3A_99 : vector<16xf32>
    tpu.vector_store_idx %arg12[%add3A_1094], %add3A_1095 : memref<6528xf32, #tpu.memory_space<vmem>>[vector<16xi32>], vector<16xf32>,
    %get3A_1096 = arith.constant 32 : index
    %get3A_1097 = tpu.vector_load %arg10[%get3A_1096] {strides = array<i32>} : memref<512xf32, #tpu.memory_space<vmem>>, vector<16xf32>,
    %add3A_1098 = arith.addf %get3A_1065, %get3A_1097 : vector<16xf32>
    %add3A_1099 = arith.constant 3366 : i32
    %add3A_1100 = vector.broadcast %add3A_1099 : i32 to vector<16xi32>
    %add3A_1101 = arith.addi %iota3A, %add3A_1100 : vector<16xi32>
    %add3A_1102 = arith.addf %add3A_1098, %get3A_95 : vector<16xf32>
    tpu.vector_store_idx %arg12[%add3A_1101], %add3A_1102 : memref<6528xf32, #tpu.memory_space<vmem>>[vector<16xi32>], vector<16xf32>,
    %add3A_1103 = arith.constant 3383 : i32
    %add3A_1104 = vector.broadcast %add3A_1103 : i32 to vector<16xi32>
    %add3A_1105 = arith.addi %iota3A, %add3A_1104 : vector<16xi32>
    %add3A_1106 = arith.addf %add3A_1098, %get3A_97 : vector<16xf32>
    tpu.vector_store_idx %arg12[%add3A_1105], %add3A_1106 : memref<6528xf32, #tpu.memory_space<vmem>>[vector<16xi32>], vector<16xf32>,
    %add3A_1107 = arith.constant 3400 : i32
    %add3A_1108 = vector.broadcast %add3A_1107 : i32 to vector<16xi32>
    %add3A_1109 = arith.addi %iota3A, %add3A_1108 : vector<16xi32>
    %add3A_1110 = arith.addf %add3A_1098, %get3A_99 : vector<16xf32>
    tpu.vector_store_idx %arg12[%add3A_1109], %add3A_1110 : memref<6528xf32, #tpu.memory_space<vmem>>[vector<16xi32>], vector<16xf32>,
    %get3A_1111 = arith.constant 48 : index
    %get3A_1112 = tpu.vector_load %arg10[%get3A_1111] {strides = array<i32>} : memref<512xf32, #tpu.memory_space<vmem>>, vector<16xf32>,
    %add3A_1113 = arith.addf %get3A_1065, %get3A_1112 : vector<16xf32>
    %add3A_1114 = arith.constant 3417 : i32
    %add3A_1115 = vector.broadcast %add3A_1114 : i32 to vector<16xi32>
    %add3A_1116 = arith.addi %iota3A, %add3A_1115 : vector<16xi32>
    %add3A_1117 = arith.addf %add3A_1113, %get3A_95 : vector<16xf32>
    tpu.vector_store_idx %arg12[%add3A_1116], %add3A_1117 : memref<6528xf32, #tpu.memory_space<vmem>>[vector<16xi32>], vector<16xf32>,
    %add3A_1118 = arith.constant 3434 : i32
    %add3A_1119 = vector.broadcast %add3A_1118 : i32 to vector<16xi32>
    %add3A_1120 = arith.addi %iota3A, %add3A_1119 : vector<16xi32>
    %add3A_1121 = arith.addf %add3A_1113, %get3A_97 : vector<16xf32>
    tpu.vector_store_idx %arg12[%add3A_1120], %add3A_1121 : memref<6528xf32, #tpu.memory_space<vmem>>[vector<16xi32>], vector<16xf32>,
    %add3A_1122 = arith.constant 3451 : i32
    %add3A_1123 = vector.broadcast %add3A_1122 : i32 to vector<16xi32>
    %add3A_1124 = arith.addi %iota3A, %add3A_1123 : vector<16xi32>
    %add3A_1125 = arith.addf %add3A_1113, %get3A_99 : vector<16xf32>
    tpu.vector_store_idx %arg12[%add3A_1124], %add3A_1125 : memref<6528xf32, #tpu.memory_space<vmem>>[vector<16xi32>], vector<16xf32>,
    %get3A_1126 = arith.constant 64 : index
    %get3A_1127 = tpu.vector_load %arg10[%get3A_1126] {strides = array<i32>} : memref<512xf32, #tpu.memory_space<vmem>>, vector<16xf32>,
    %add3A_1128 = arith.addf %get3A_1065, %get3A_1127 : vector<16xf32>
    %add3A_1129 = arith.constant 3468 : i32
    %add3A_1130 = vector.broadcast %add3A_1129 : i32 to vector<16xi32>
    %add3A_1131 = arith.addi %iota3A, %add3A_1130 : vector<16xi32>
    %add3A_1132 = arith.addf %add3A_1128, %get3A_95 : vector<16xf32>
    tpu.vector_store_idx %arg12[%add3A_1131], %add3A_1132 : memref<6528xf32, #tpu.memory_space<vmem>>[vector<16xi32>], vector<16xf32>,
    %add3A_1133 = arith.constant 3485 : i32
    %add3A_1134 = vector.broadcast %add3A_1133 : i32 to vector<16xi32>
    %add3A_1135 = arith.addi %iota3A, %add3A_1134 : vector<16xi32>
    %add3A_1136 = arith.addf %add3A_1128, %get3A_97 : vector<16xf32>
    tpu.vector_store_idx %arg12[%add3A_1135], %add3A_1136 : memref<6528xf32, #tpu.memory_space<vmem>>[vector<16xi32>], vector<16xf32>,
    %add3A_1137 = arith.constant 3502 : i32
    %add3A_1138 = vector.broadcast %add3A_1137 : i32 to vector<16xi32>
    %add3A_1139 = arith.addi %iota3A, %add3A_1138 : vector<16xi32>
    %add3A_1140 = arith.addf %add3A_1128, %get3A_99 : vector<16xf32>
    tpu.vector_store_idx %arg12[%add3A_1139], %add3A_1140 : memref<6528xf32, #tpu.memory_space<vmem>>[vector<16xi32>], vector<16xf32>,
    %get3A_1141 = arith.constant 80 : index
    %get3A_1142 = tpu.vector_load %arg10[%get3A_1141] {strides = array<i32>} : memref<512xf32, #tpu.memory_space<vmem>>, vector<16xf32>,
    %add3A_1143 = arith.addf %get3A_1065, %get3A_1142 : vector<16xf32>
    %add3A_1144 = arith.constant 3519 : i32
    %add3A_1145 = vector.broadcast %add3A_1144 : i32 to vector<16xi32>
    %add3A_1146 = arith.addi %iota3A, %add3A_1145 : vector<16xi32>
    %add3A_1147 = arith.addf %add3A_1143, %get3A_95 : vector<16xf32>
    tpu.vector_store_idx %arg12[%add3A_1146], %add3A_1147 : memref<6528xf32, #tpu.memory_space<vmem>>[vector<16xi32>], vector<16xf32>,
    %add3A_1148 = arith.constant 3536 : i32
    %add3A_1149 = vector.broadcast %add3A_1148 : i32 to vector<16xi32>
    %add3A_1150 = arith.addi %iota3A, %add3A_1149 : vector<16xi32>
    %add3A_1151 = arith.addf %add3A_1143, %get3A_97 : vector<16xf32>
    tpu.vector_store_idx %arg12[%add3A_1150], %add3A_1151 : memref<6528xf32, #tpu.memory_space<vmem>>[vector<16xi32>], vector<16xf32>,
    %add3A_1152 = arith.constant 3553 : i32
    %add3A_1153 = vector.broadcast %add3A_1152 : i32 to vector<16xi32>
    %add3A_1154 = arith.addi %iota3A, %add3A_1153 : vector<16xi32>
    %add3A_1155 = arith.addf %add3A_1143, %get3A_99 : vector<16xf32>
    tpu.vector_store_idx %arg12[%add3A_1154], %add3A_1155 : memref<6528xf32, #tpu.memory_space<vmem>>[vector<16xi32>], vector<16xf32>,
    %get3A_1156 = arith.constant 96 : index
    %get3A_1157 = tpu.vector_load %arg10[%get3A_1156] {strides = array<i32>} : memref<512xf32, #tpu.memory_space<vmem>>, vector<16xf32>,
    %add3A_1158 = arith.addf %get3A_1065, %get3A_1157 : vector<16xf32>
    %add3A_1159 = arith.constant 3570 : i32
    %add3A_1160 = vector.broadcast %add3A_1159 : i32 to vector<16xi32>
    %add3A_1161 = arith.addi %iota3A, %add3A_1160 : vector<16xi32>
    %add3A_1162 = arith.addf %add3A_1158, %get3A_95 : vector<16xf32>
    tpu.vector_store_idx %arg12[%add3A_1161], %add3A_1162 : memref<6528xf32, #tpu.memory_space<vmem>>[vector<16xi32>], vector<16xf32>,
    %add3A_1163 = arith.constant 3587 : i32
    %add3A_1164 = vector.broadcast %add3A_1163 : i32 to vector<16xi32>
    %add3A_1165 = arith.addi %iota3A, %add3A_1164 : vector<16xi32>
    %add3A_1166 = arith.addf %add3A_1158, %get3A_97 : vector<16xf32>
    tpu.vector_store_idx %arg12[%add3A_1165], %add3A_1166 : memref<6528xf32, #tpu.memory_space<vmem>>[vector<16xi32>], vector<16xf32>,
    %add3A_1167 = arith.constant 3604 : i32
    %add3A_1168 = vector.broadcast %add3A_1167 : i32 to vector<16xi32>
    %add3A_1169 = arith.addi %iota3A, %add3A_1168 : vector<16xi32>
    %add3A_1170 = arith.addf %add3A_1158, %get3A_99 : vector<16xf32>
    tpu.vector_store_idx %arg12[%add3A_1169], %add3A_1170 : memref<6528xf32, #tpu.memory_space<vmem>>[vector<16xi32>], vector<16xf32>,
    %get3A_1171 = arith.constant 112 : index
    %get3A_1172 = tpu.vector_load %arg10[%get3A_1171] {strides = array<i32>} : memref<512xf32, #tpu.memory_space<vmem>>, vector<16xf32>,
    %add3A_1173 = arith.addf %get3A_1065, %get3A_1172 : vector<16xf32>
    %add3A_1174 = arith.constant 3621 : i32
    %add3A_1175 = vector.broadcast %add3A_1174 : i32 to vector<16xi32>
    %add3A_1176 = arith.addi %iota3A, %add3A_1175 : vector<16xi32>
    %add3A_1177 = arith.addf %add3A_1173, %get3A_95 : vector<16xf32>
    tpu.vector_store_idx %arg12[%add3A_1176], %add3A_1177 : memref<6528xf32, #tpu.memory_space<vmem>>[vector<16xi32>], vector<16xf32>,
    %add3A_1178 = arith.constant 3638 : i32
    %add3A_1179 = vector.broadcast %add3A_1178 : i32 to vector<16xi32>
    %add3A_1180 = arith.addi %iota3A, %add3A_1179 : vector<16xi32>
    %add3A_1181 = arith.addf %add3A_1173, %get3A_97 : vector<16xf32>
    tpu.vector_store_idx %arg12[%add3A_1180], %add3A_1181 : memref<6528xf32, #tpu.memory_space<vmem>>[vector<16xi32>], vector<16xf32>,
    %add3A_1182 = arith.constant 3655 : i32
    %add3A_1183 = vector.broadcast %add3A_1182 : i32 to vector<16xi32>
    %add3A_1184 = arith.addi %iota3A, %add3A_1183 : vector<16xi32>
    %add3A_1185 = arith.addf %add3A_1173, %get3A_99 : vector<16xf32>
    tpu.vector_store_idx %arg12[%add3A_1184], %add3A_1185 : memref<6528xf32, #tpu.memory_space<vmem>>[vector<16xi32>], vector<16xf32>,
    %get3A_1186 = arith.constant 128 : index
    %get3A_1187 = tpu.vector_load %arg10[%get3A_1186] {strides = array<i32>} : memref<512xf32, #tpu.memory_space<vmem>>, vector<16xf32>,
    %add3A_1188 = arith.addf %get3A_1065, %get3A_1187 : vector<16xf32>
    %add3A_1189 = arith.constant 3672 : i32
    %add3A_1190 = vector.broadcast %add3A_1189 : i32 to vector<16xi32>
    %add3A_1191 = arith.addi %iota3A, %add3A_1190 : vector<16xi32>
    %add3A_1192 = arith.addf %add3A_1188, %get3A_95 : vector<16xf32>
    tpu.vector_store_idx %arg12[%add3A_1191], %add3A_1192 : memref<6528xf32, #tpu.memory_space<vmem>>[vector<16xi32>], vector<16xf32>,
    %add3A_1193 = arith.constant 3689 : i32
    %add3A_1194 = vector.broadcast %add3A_1193 : i32 to vector<16xi32>
    %add3A_1195 = arith.addi %iota3A, %add3A_1194 : vector<16xi32>
    %add3A_1196 = arith.addf %add3A_1188, %get3A_97 : vector<16xf32>
    tpu.vector_store_idx %arg12[%add3A_1195], %add3A_1196 : memref<6528xf32, #tpu.memory_space<vmem>>[vector<16xi32>], vector<16xf32>,
    %add3A_1197 = arith.constant 3706 : i32
    %add3A_1198 = vector.broadcast %add3A_1197 : i32 to vector<16xi32>
    %add3A_1199 = arith.addi %iota3A, %add3A_1198 : vector<16xi32>
    %add3A_1200 = arith.addf %add3A_1188, %get3A_99 : vector<16xf32>
    tpu.vector_store_idx %arg12[%add3A_1199], %add3A_1200 : memref<6528xf32, #tpu.memory_space<vmem>>[vector<16xi32>], vector<16xf32>,
    %get3A_1201 = arith.constant 144 : index
    %get3A_1202 = tpu.vector_load %arg10[%get3A_1201] {strides = array<i32>} : memref<512xf32, #tpu.memory_space<vmem>>, vector<16xf32>,
    %add3A_1203 = arith.addf %get3A_1065, %get3A_1202 : vector<16xf32>
    %add3A_1204 = arith.constant 3723 : i32
    %add3A_1205 = vector.broadcast %add3A_1204 : i32 to vector<16xi32>
    %add3A_1206 = arith.addi %iota3A, %add3A_1205 : vector<16xi32>
    %add3A_1207 = arith.addf %add3A_1203, %get3A_95 : vector<16xf32>
    tpu.vector_store_idx %arg12[%add3A_1206], %add3A_1207 : memref<6528xf32, #tpu.memory_space<vmem>>[vector<16xi32>], vector<16xf32>,
    %add3A_1208 = arith.constant 3740 : i32
    %add3A_1209 = vector.broadcast %add3A_1208 : i32 to vector<16xi32>
    %add3A_1210 = arith.addi %iota3A, %add3A_1209 : vector<16xi32>
    %add3A_1211 = arith.addf %add3A_1203, %get3A_97 : vector<16xf32>
    tpu.vector_store_idx %arg12[%add3A_1210], %add3A_1211 : memref<6528xf32, #tpu.memory_space<vmem>>[vector<16xi32>], vector<16xf32>,
    %add3A_1212 = arith.constant 3757 : i32
    %add3A_1213 = vector.broadcast %add3A_1212 : i32 to vector<16xi32>
    %add3A_1214 = arith.addi %iota3A, %add3A_1213 : vector<16xi32>
    %add3A_1215 = arith.addf %add3A_1203, %get3A_99 : vector<16xf32>
    tpu.vector_store_idx %arg12[%add3A_1214], %add3A_1215 : memref<6528xf32, #tpu.memory_space<vmem>>[vector<16xi32>], vector<16xf32>,
    %get3A_1216 = arith.constant 160 : index
    %get3A_1217 = tpu.vector_load %arg10[%get3A_1216] {strides = array<i32>} : memref<512xf32, #tpu.memory_space<vmem>>, vector<16xf32>,
    %add3A_1218 = arith.addf %get3A_1065, %get3A_1217 : vector<16xf32>
    %add3A_1219 = arith.constant 3774 : i32
    %add3A_1220 = vector.broadcast %add3A_1219 : i32 to vector<16xi32>
    %add3A_1221 = arith.addi %iota3A, %add3A_1220 : vector<16xi32>
    %add3A_1222 = arith.addf %add3A_1218, %get3A_95 : vector<16xf32>
    tpu.vector_store_idx %arg12[%add3A_1221], %add3A_1222 : memref<6528xf32, #tpu.memory_space<vmem>>[vector<16xi32>], vector<16xf32>,
    %add3A_1223 = arith.constant 3791 : i32
    %add3A_1224 = vector.broadcast %add3A_1223 : i32 to vector<16xi32>
    %add3A_1225 = arith.addi %iota3A, %add3A_1224 : vector<16xi32>
    %add3A_1226 = arith.addf %add3A_1218, %get3A_97 : vector<16xf32>
    tpu.vector_store_idx %arg12[%add3A_1225], %add3A_1226 : memref<6528xf32, #tpu.memory_space<vmem>>[vector<16xi32>], vector<16xf32>,
    %add3A_1227 = arith.constant 3808 : i32
    %add3A_1228 = vector.broadcast %add3A_1227 : i32 to vector<16xi32>
    %add3A_1229 = arith.addi %iota3A, %add3A_1228 : vector<16xi32>
    %add3A_1230 = arith.addf %add3A_1218, %get3A_99 : vector<16xf32>
    tpu.vector_store_idx %arg12[%add3A_1229], %add3A_1230 : memref<6528xf32, #tpu.memory_space<vmem>>[vector<16xi32>], vector<16xf32>,
    %get3A_1231 = arith.constant 176 : index
    %get3A_1232 = tpu.vector_load %arg10[%get3A_1231] {strides = array<i32>} : memref<512xf32, #tpu.memory_space<vmem>>, vector<16xf32>,
    %add3A_1233 = arith.addf %get3A_1065, %get3A_1232 : vector<16xf32>
    %add3A_1234 = arith.constant 3825 : i32
    %add3A_1235 = vector.broadcast %add3A_1234 : i32 to vector<16xi32>
    %add3A_1236 = arith.addi %iota3A, %add3A_1235 : vector<16xi32>
    %add3A_1237 = arith.addf %add3A_1233, %get3A_95 : vector<16xf32>
    tpu.vector_store_idx %arg12[%add3A_1236], %add3A_1237 : memref<6528xf32, #tpu.memory_space<vmem>>[vector<16xi32>], vector<16xf32>,
    %add3A_1238 = arith.constant 3842 : i32
    %add3A_1239 = vector.broadcast %add3A_1238 : i32 to vector<16xi32>
    %add3A_1240 = arith.addi %iota3A, %add3A_1239 : vector<16xi32>
    %add3A_1241 = arith.addf %add3A_1233, %get3A_97 : vector<16xf32>
    tpu.vector_store_idx %arg12[%add3A_1240], %add3A_1241 : memref<6528xf32, #tpu.memory_space<vmem>>[vector<16xi32>], vector<16xf32>,
    %add3A_1242 = arith.constant 3859 : i32
    %add3A_1243 = vector.broadcast %add3A_1242 : i32 to vector<16xi32>
    %add3A_1244 = arith.addi %iota3A, %add3A_1243 : vector<16xi32>
    %add3A_1245 = arith.addf %add3A_1233, %get3A_99 : vector<16xf32>
    tpu.vector_store_idx %arg12[%add3A_1244], %add3A_1245 : memref<6528xf32, #tpu.memory_space<vmem>>[vector<16xi32>], vector<16xf32>,
    %get3A_1246 = arith.constant 192 : index
    %get3A_1247 = tpu.vector_load %arg10[%get3A_1246] {strides = array<i32>} : memref<512xf32, #tpu.memory_space<vmem>>, vector<16xf32>,
    %add3A_1248 = arith.addf %get3A_1065, %get3A_1247 : vector<16xf32>
    %add3A_1249 = arith.constant 3876 : i32
    %add3A_1250 = vector.broadcast %add3A_1249 : i32 to vector<16xi32>
    %add3A_1251 = arith.addi %iota3A, %add3A_1250 : vector<16xi32>
    %add3A_1252 = arith.addf %add3A_1248, %get3A_95 : vector<16xf32>
    tpu.vector_store_idx %arg12[%add3A_1251], %add3A_1252 : memref<6528xf32, #tpu.memory_space<vmem>>[vector<16xi32>], vector<16xf32>,
    %add3A_1253 = arith.constant 3893 : i32
    %add3A_1254 = vector.broadcast %add3A_1253 : i32 to vector<16xi32>
    %add3A_1255 = arith.addi %iota3A, %add3A_1254 : vector<16xi32>
    %add3A_1256 = arith.addf %add3A_1248, %get3A_97 : vector<16xf32>
    tpu.vector_store_idx %arg12[%add3A_1255], %add3A_1256 : memref<6528xf32, #tpu.memory_space<vmem>>[vector<16xi32>], vector<16xf32>,
    %add3A_1257 = arith.constant 3910 : i32
    %add3A_1258 = vector.broadcast %add3A_1257 : i32 to vector<16xi32>
    %add3A_1259 = arith.addi %iota3A, %add3A_1258 : vector<16xi32>
    %add3A_1260 = arith.addf %add3A_1248, %get3A_99 : vector<16xf32>
    tpu.vector_store_idx %arg12[%add3A_1259], %add3A_1260 : memref<6528xf32, #tpu.memory_space<vmem>>[vector<16xi32>], vector<16xf32>,
    %get3A_1261 = arith.constant 208 : index
    %get3A_1262 = tpu.vector_load %arg10[%get3A_1261] {strides = array<i32>} : memref<512xf32, #tpu.memory_space<vmem>>, vector<16xf32>,
    %add3A_1263 = arith.addf %get3A_1065, %get3A_1262 : vector<16xf32>
    %add3A_1264 = arith.constant 3927 : i32
    %add3A_1265 = vector.broadcast %add3A_1264 : i32 to vector<16xi32>
    %add3A_1266 = arith.addi %iota3A, %add3A_1265 : vector<16xi32>
    %add3A_1267 = arith.addf %add3A_1263, %get3A_95 : vector<16xf32>
    tpu.vector_store_idx %arg12[%add3A_1266], %add3A_1267 : memref<6528xf32, #tpu.memory_space<vmem>>[vector<16xi32>], vector<16xf32>,
    %add3A_1268 = arith.constant 3944 : i32
    %add3A_1269 = vector.broadcast %add3A_1268 : i32 to vector<16xi32>
    %add3A_1270 = arith.addi %iota3A, %add3A_1269 : vector<16xi32>
    %add3A_1271 = arith.addf %add3A_1263, %get3A_97 : vector<16xf32>
    tpu.vector_store_idx %arg12[%add3A_1270], %add3A_1271 : memref<6528xf32, #tpu.memory_space<vmem>>[vector<16xi32>], vector<16xf32>,
    %add3A_1272 = arith.constant 3961 : i32
    %add3A_1273 = vector.broadcast %add3A_1272 : i32 to vector<16xi32>
    %add3A_1274 = arith.addi %iota3A, %add3A_1273 : vector<16xi32>
    %add3A_1275 = arith.addf %add3A_1263, %get3A_99 : vector<16xf32>
    tpu.vector_store_idx %arg12[%add3A_1274], %add3A_1275 : memref<6528xf32, #tpu.memory_space<vmem>>[vector<16xi32>], vector<16xf32>,
    %get3A_1276 = arith.constant 224 : index
    %get3A_1277 = tpu.vector_load %arg10[%get3A_1276] {strides = array<i32>} : memref<512xf32, #tpu.memory_space<vmem>>, vector<16xf32>,
    %add3A_1278 = arith.addf %get3A_1065, %get3A_1277 : vector<16xf32>
    %add3A_1279 = arith.constant 3978 : i32
    %add3A_1280 = vector.broadcast %add3A_1279 : i32 to vector<16xi32>
    %add3A_1281 = arith.addi %iota3A, %add3A_1280 : vector<16xi32>
    %add3A_1282 = arith.addf %add3A_1278, %get3A_95 : vector<16xf32>
    tpu.vector_store_idx %arg12[%add3A_1281], %add3A_1282 : memref<6528xf32, #tpu.memory_space<vmem>>[vector<16xi32>], vector<16xf32>,
    %add3A_1283 = arith.constant 3995 : i32
    %add3A_1284 = vector.broadcast %add3A_1283 : i32 to vector<16xi32>
    %add3A_1285 = arith.addi %iota3A, %add3A_1284 : vector<16xi32>
    %add3A_1286 = arith.addf %add3A_1278, %get3A_97 : vector<16xf32>
    tpu.vector_store_idx %arg12[%add3A_1285], %add3A_1286 : memref<6528xf32, #tpu.memory_space<vmem>>[vector<16xi32>], vector<16xf32>,
    %add3A_1287 = arith.constant 4012 : i32
    %add3A_1288 = vector.broadcast %add3A_1287 : i32 to vector<16xi32>
    %add3A_1289 = arith.addi %iota3A, %add3A_1288 : vector<16xi32>
    %add3A_1290 = arith.addf %add3A_1278, %get3A_99 : vector<16xf32>
    tpu.vector_store_idx %arg12[%add3A_1289], %add3A_1290 : memref<6528xf32, #tpu.memory_space<vmem>>[vector<16xi32>], vector<16xf32>,
    %get3A_1291 = arith.constant 240 : index
    %get3A_1292 = tpu.vector_load %arg10[%get3A_1291] {strides = array<i32>} : memref<512xf32, #tpu.memory_space<vmem>>, vector<16xf32>,
    %add3A_1293 = arith.addf %get3A_1065, %get3A_1292 : vector<16xf32>
    %add3A_1294 = arith.constant 4029 : i32
    %add3A_1295 = vector.broadcast %add3A_1294 : i32 to vector<16xi32>
    %add3A_1296 = arith.addi %iota3A, %add3A_1295 : vector<16xi32>
    %add3A_1297 = arith.addf %add3A_1293, %get3A_95 : vector<16xf32>
    tpu.vector_store_idx %arg12[%add3A_1296], %add3A_1297 : memref<6528xf32, #tpu.memory_space<vmem>>[vector<16xi32>], vector<16xf32>,
    %add3A_1298 = arith.constant 4046 : i32
    %add3A_1299 = vector.broadcast %add3A_1298 : i32 to vector<16xi32>
    %add3A_1300 = arith.addi %iota3A, %add3A_1299 : vector<16xi32>
    %add3A_1301 = arith.addf %add3A_1293, %get3A_97 : vector<16xf32>
    tpu.vector_store_idx %arg12[%add3A_1300], %add3A_1301 : memref<6528xf32, #tpu.memory_space<vmem>>[vector<16xi32>], vector<16xf32>,
    %add3A_1302 = arith.constant 4063 : i32
    %add3A_1303 = vector.broadcast %add3A_1302 : i32 to vector<16xi32>
    %add3A_1304 = arith.addi %iota3A, %add3A_1303 : vector<16xi32>
    %add3A_1305 = arith.addf %add3A_1293, %get3A_99 : vector<16xf32>
    tpu.vector_store_idx %arg12[%add3A_1304], %add3A_1305 : memref<6528xf32, #tpu.memory_space<vmem>>[vector<16xi32>], vector<16xf32>,
    %get3A_1306 = arith.constant 256 : index
    %get3A_1307 = tpu.vector_load %arg10[%get3A_1306] {strides = array<i32>} : memref<512xf32, #tpu.memory_space<vmem>>, vector<16xf32>,
    %add3A_1308 = arith.addf %get3A_1065, %get3A_1307 : vector<16xf32>
    %add3A_1309 = arith.constant 4080 : i32
    %add3A_1310 = vector.broadcast %add3A_1309 : i32 to vector<16xi32>
    %add3A_1311 = arith.addi %iota3A, %add3A_1310 : vector<16xi32>
    %add3A_1312 = arith.addf %add3A_1308, %get3A_95 : vector<16xf32>
    tpu.vector_store_idx %arg12[%add3A_1311], %add3A_1312 : memref<6528xf32, #tpu.memory_space<vmem>>[vector<16xi32>], vector<16xf32>,
    %add3A_1313 = arith.constant 4097 : i32
    %add3A_1314 = vector.broadcast %add3A_1313 : i32 to vector<16xi32>
    %add3A_1315 = arith.addi %iota3A, %add3A_1314 : vector<16xi32>
    %add3A_1316 = arith.addf %add3A_1308, %get3A_97 : vector<16xf32>
    tpu.vector_store_idx %arg12[%add3A_1315], %add3A_1316 : memref<6528xf32, #tpu.memory_space<vmem>>[vector<16xi32>], vector<16xf32>,
    %add3A_1317 = arith.constant 4114 : i32
    %add3A_1318 = vector.broadcast %add3A_1317 : i32 to vector<16xi32>
    %add3A_1319 = arith.addi %iota3A, %add3A_1318 : vector<16xi32>
    %add3A_1320 = arith.addf %add3A_1308, %get3A_99 : vector<16xf32>
    tpu.vector_store_idx %arg12[%add3A_1319], %add3A_1320 : memref<6528xf32, #tpu.memory_space<vmem>>[vector<16xi32>], vector<16xf32>,
    %get3A_1321 = arith.constant 272 : index
    %get3A_1322 = tpu.vector_load %arg10[%get3A_1321] {strides = array<i32>} : memref<512xf32, #tpu.memory_space<vmem>>, vector<16xf32>,
    %add3A_1323 = arith.addf %get3A_1065, %get3A_1322 : vector<16xf32>
    %add3A_1324 = arith.constant 4131 : i32
    %add3A_1325 = vector.broadcast %add3A_1324 : i32 to vector<16xi32>
    %add3A_1326 = arith.addi %iota3A, %add3A_1325 : vector<16xi32>
    %add3A_1327 = arith.addf %add3A_1323, %get3A_95 : vector<16xf32>
    tpu.vector_store_idx %arg12[%add3A_1326], %add3A_1327 : memref<6528xf32, #tpu.memory_space<vmem>>[vector<16xi32>], vector<16xf32>,
    %add3A_1328 = arith.constant 4148 : i32
    %add3A_1329 = vector.broadcast %add3A_1328 : i32 to vector<16xi32>
    %add3A_1330 = arith.addi %iota3A, %add3A_1329 : vector<16xi32>
    %add3A_1331 = arith.addf %add3A_1323, %get3A_97 : vector<16xf32>
    tpu.vector_store_idx %arg12[%add3A_1330], %add3A_1331 : memref<6528xf32, #tpu.memory_space<vmem>>[vector<16xi32>], vector<16xf32>,
    %add3A_1332 = arith.constant 4165 : i32
    %add3A_1333 = vector.broadcast %add3A_1332 : i32 to vector<16xi32>
    %add3A_1334 = arith.addi %iota3A, %add3A_1333 : vector<16xi32>
    %add3A_1335 = arith.addf %add3A_1323, %get3A_99 : vector<16xf32>
    tpu.vector_store_idx %arg12[%add3A_1334], %add3A_1335 : memref<6528xf32, #tpu.memory_space<vmem>>[vector<16xi32>], vector<16xf32>,
    %get3A_1336 = arith.constant 288 : index
    %get3A_1337 = tpu.vector_load %arg10[%get3A_1336] {strides = array<i32>} : memref<512xf32, #tpu.memory_space<vmem>>, vector<16xf32>,
    %add3A_1338 = arith.addf %get3A_1065, %get3A_1337 : vector<16xf32>
    %add3A_1339 = arith.constant 4182 : i32
    %add3A_1340 = vector.broadcast %add3A_1339 : i32 to vector<16xi32>
    %add3A_1341 = arith.addi %iota3A, %add3A_1340 : vector<16xi32>
    %add3A_1342 = arith.addf %add3A_1338, %get3A_95 : vector<16xf32>
    tpu.vector_store_idx %arg12[%add3A_1341], %add3A_1342 : memref<6528xf32, #tpu.memory_space<vmem>>[vector<16xi32>], vector<16xf32>,
    %add3A_1343 = arith.constant 4199 : i32
    %add3A_1344 = vector.broadcast %add3A_1343 : i32 to vector<16xi32>
    %add3A_1345 = arith.addi %iota3A, %add3A_1344 : vector<16xi32>
    %add3A_1346 = arith.addf %add3A_1338, %get3A_97 : vector<16xf32>
    tpu.vector_store_idx %arg12[%add3A_1345], %add3A_1346 : memref<6528xf32, #tpu.memory_space<vmem>>[vector<16xi32>], vector<16xf32>,
    %add3A_1347 = arith.constant 4216 : i32
    %add3A_1348 = vector.broadcast %add3A_1347 : i32 to vector<16xi32>
    %add3A_1349 = arith.addi %iota3A, %add3A_1348 : vector<16xi32>
    %add3A_1350 = arith.addf %add3A_1338, %get3A_99 : vector<16xf32>
    tpu.vector_store_idx %arg12[%add3A_1349], %add3A_1350 : memref<6528xf32, #tpu.memory_space<vmem>>[vector<16xi32>], vector<16xf32>,
    %get3A_1351 = arith.constant 304 : index
    %get3A_1352 = tpu.vector_load %arg10[%get3A_1351] {strides = array<i32>} : memref<512xf32, #tpu.memory_space<vmem>>, vector<16xf32>,
    %add3A_1353 = arith.addf %get3A_1065, %get3A_1352 : vector<16xf32>
    %add3A_1354 = arith.constant 4233 : i32
    %add3A_1355 = vector.broadcast %add3A_1354 : i32 to vector<16xi32>
    %add3A_1356 = arith.addi %iota3A, %add3A_1355 : vector<16xi32>
    %add3A_1357 = arith.addf %add3A_1353, %get3A_95 : vector<16xf32>
    tpu.vector_store_idx %arg12[%add3A_1356], %add3A_1357 : memref<6528xf32, #tpu.memory_space<vmem>>[vector<16xi32>], vector<16xf32>,
    %add3A_1358 = arith.constant 4250 : i32
    %add3A_1359 = vector.broadcast %add3A_1358 : i32 to vector<16xi32>
    %add3A_1360 = arith.addi %iota3A, %add3A_1359 : vector<16xi32>
    %add3A_1361 = arith.addf %add3A_1353, %get3A_97 : vector<16xf32>
    tpu.vector_store_idx %arg12[%add3A_1360], %add3A_1361 : memref<6528xf32, #tpu.memory_space<vmem>>[vector<16xi32>], vector<16xf32>,
    %add3A_1362 = arith.constant 4267 : i32
    %add3A_1363 = vector.broadcast %add3A_1362 : i32 to vector<16xi32>
    %add3A_1364 = arith.addi %iota3A, %add3A_1363 : vector<16xi32>
    %add3A_1365 = arith.addf %add3A_1353, %get3A_99 : vector<16xf32>
    tpu.vector_store_idx %arg12[%add3A_1364], %add3A_1365 : memref<6528xf32, #tpu.memory_space<vmem>>[vector<16xi32>], vector<16xf32>,
    %get3A_1366 = arith.constant 320 : index
    %get3A_1367 = tpu.vector_load %arg10[%get3A_1366] {strides = array<i32>} : memref<512xf32, #tpu.memory_space<vmem>>, vector<16xf32>,
    %add3A_1368 = arith.addf %get3A_1065, %get3A_1367 : vector<16xf32>
    %add3A_1369 = arith.constant 4284 : i32
    %add3A_1370 = vector.broadcast %add3A_1369 : i32 to vector<16xi32>
    %add3A_1371 = arith.addi %iota3A, %add3A_1370 : vector<16xi32>
    %add3A_1372 = arith.addf %add3A_1368, %get3A_95 : vector<16xf32>
    tpu.vector_store_idx %arg12[%add3A_1371], %add3A_1372 : memref<6528xf32, #tpu.memory_space<vmem>>[vector<16xi32>], vector<16xf32>,
    %add3A_1373 = arith.constant 4301 : i32
    %add3A_1374 = vector.broadcast %add3A_1373 : i32 to vector<16xi32>
    %add3A_1375 = arith.addi %iota3A, %add3A_1374 : vector<16xi32>
    %add3A_1376 = arith.addf %add3A_1368, %get3A_97 : vector<16xf32>
    tpu.vector_store_idx %arg12[%add3A_1375], %add3A_1376 : memref<6528xf32, #tpu.memory_space<vmem>>[vector<16xi32>], vector<16xf32>,
    %add3A_1377 = arith.constant 4318 : i32
    %add3A_1378 = vector.broadcast %add3A_1377 : i32 to vector<16xi32>
    %add3A_1379 = arith.addi %iota3A, %add3A_1378 : vector<16xi32>
    %add3A_1380 = arith.addf %add3A_1368, %get3A_99 : vector<16xf32>
    tpu.vector_store_idx %arg12[%add3A_1379], %add3A_1380 : memref<6528xf32, #tpu.memory_space<vmem>>[vector<16xi32>], vector<16xf32>,
    %get3A_1381 = arith.constant 336 : index
    %get3A_1382 = tpu.vector_load %arg10[%get3A_1381] {strides = array<i32>} : memref<512xf32, #tpu.memory_space<vmem>>, vector<16xf32>,
    %add3A_1383 = arith.addf %get3A_1065, %get3A_1382 : vector<16xf32>
    %add3A_1384 = arith.constant 4335 : i32
    %add3A_1385 = vector.broadcast %add3A_1384 : i32 to vector<16xi32>
    %add3A_1386 = arith.addi %iota3A, %add3A_1385 : vector<16xi32>
    %add3A_1387 = arith.addf %add3A_1383, %get3A_95 : vector<16xf32>
    tpu.vector_store_idx %arg12[%add3A_1386], %add3A_1387 : memref<6528xf32, #tpu.memory_space<vmem>>[vector<16xi32>], vector<16xf32>,
    %add3A_1388 = arith.constant 4352 : i32
    %add3A_1389 = vector.broadcast %add3A_1388 : i32 to vector<16xi32>
    %add3A_1390 = arith.addi %iota3A, %add3A_1389 : vector<16xi32>
    %add3A_1391 = arith.addf %add3A_1383, %get3A_97 : vector<16xf32>
    tpu.vector_store_idx %arg12[%add3A_1390], %add3A_1391 : memref<6528xf32, #tpu.memory_space<vmem>>[vector<16xi32>], vector<16xf32>,
    %add3A_1392 = arith.constant 4369 : i32
    %add3A_1393 = vector.broadcast %add3A_1392 : i32 to vector<16xi32>
    %add3A_1394 = arith.addi %iota3A, %add3A_1393 : vector<16xi32>
    %add3A_1395 = arith.addf %add3A_1383, %get3A_99 : vector<16xf32>
    tpu.vector_store_idx %arg12[%add3A_1394], %add3A_1395 : memref<6528xf32, #tpu.memory_space<vmem>>[vector<16xi32>], vector<16xf32>,
    %get3A_1396 = arith.constant 352 : index
    %get3A_1397 = tpu.vector_load %arg10[%get3A_1396] {strides = array<i32>} : memref<512xf32, #tpu.memory_space<vmem>>, vector<16xf32>,
    %add3A_1398 = arith.addf %get3A_1065, %get3A_1397 : vector<16xf32>
    %add3A_1399 = arith.constant 4386 : i32
    %add3A_1400 = vector.broadcast %add3A_1399 : i32 to vector<16xi32>
    %add3A_1401 = arith.addi %iota3A, %add3A_1400 : vector<16xi32>
    %add3A_1402 = arith.addf %add3A_1398, %get3A_95 : vector<16xf32>
    tpu.vector_store_idx %arg12[%add3A_1401], %add3A_1402 : memref<6528xf32, #tpu.memory_space<vmem>>[vector<16xi32>], vector<16xf32>,
    %add3A_1403 = arith.constant 4403 : i32
    %add3A_1404 = vector.broadcast %add3A_1403 : i32 to vector<16xi32>
    %add3A_1405 = arith.addi %iota3A, %add3A_1404 : vector<16xi32>
    %add3A_1406 = arith.addf %add3A_1398, %get3A_97 : vector<16xf32>
    tpu.vector_store_idx %arg12[%add3A_1405], %add3A_1406 : memref<6528xf32, #tpu.memory_space<vmem>>[vector<16xi32>], vector<16xf32>,
    %add3A_1407 = arith.constant 4420 : i32
    %add3A_1408 = vector.broadcast %add3A_1407 : i32 to vector<16xi32>
    %add3A_1409 = arith.addi %iota3A, %add3A_1408 : vector<16xi32>
    %add3A_1410 = arith.addf %add3A_1398, %get3A_99 : vector<16xf32>
    tpu.vector_store_idx %arg12[%add3A_1409], %add3A_1410 : memref<6528xf32, #tpu.memory_space<vmem>>[vector<16xi32>], vector<16xf32>,
    %get3A_1411 = arith.constant 368 : index
    %get3A_1412 = tpu.vector_load %arg10[%get3A_1411] {strides = array<i32>} : memref<512xf32, #tpu.memory_space<vmem>>, vector<16xf32>,
    %add3A_1413 = arith.addf %get3A_1065, %get3A_1412 : vector<16xf32>
    %add3A_1414 = arith.constant 4437 : i32
    %add3A_1415 = vector.broadcast %add3A_1414 : i32 to vector<16xi32>
    %add3A_1416 = arith.addi %iota3A, %add3A_1415 : vector<16xi32>
    %add3A_1417 = arith.addf %add3A_1413, %get3A_95 : vector<16xf32>
    tpu.vector_store_idx %arg12[%add3A_1416], %add3A_1417 : memref<6528xf32, #tpu.memory_space<vmem>>[vector<16xi32>], vector<16xf32>,
    %add3A_1418 = arith.constant 4454 : i32
    %add3A_1419 = vector.broadcast %add3A_1418 : i32 to vector<16xi32>
    %add3A_1420 = arith.addi %iota3A, %add3A_1419 : vector<16xi32>
    %add3A_1421 = arith.addf %add3A_1413, %get3A_97 : vector<16xf32>
    tpu.vector_store_idx %arg12[%add3A_1420], %add3A_1421 : memref<6528xf32, #tpu.memory_space<vmem>>[vector<16xi32>], vector<16xf32>,
    %add3A_1422 = arith.constant 4471 : i32
    %add3A_1423 = vector.broadcast %add3A_1422 : i32 to vector<16xi32>
    %add3A_1424 = arith.addi %iota3A, %add3A_1423 : vector<16xi32>
    %add3A_1425 = arith.addf %add3A_1413, %get3A_99 : vector<16xf32>
    tpu.vector_store_idx %arg12[%add3A_1424], %add3A_1425 : memref<6528xf32, #tpu.memory_space<vmem>>[vector<16xi32>], vector<16xf32>,
    %get3A_1426 = arith.constant 384 : index
    %get3A_1427 = tpu.vector_load %arg10[%get3A_1426] {strides = array<i32>} : memref<512xf32, #tpu.memory_space<vmem>>, vector<16xf32>,
    %add3A_1428 = arith.addf %get3A_1065, %get3A_1427 : vector<16xf32>
    %add3A_1429 = arith.constant 4488 : i32
    %add3A_1430 = vector.broadcast %add3A_1429 : i32 to vector<16xi32>
    %add3A_1431 = arith.addi %iota3A, %add3A_1430 : vector<16xi32>
    %add3A_1432 = arith.addf %add3A_1428, %get3A_95 : vector<16xf32>
    tpu.vector_store_idx %arg12[%add3A_1431], %add3A_1432 : memref<6528xf32, #tpu.memory_space<vmem>>[vector<16xi32>], vector<16xf32>,
    %add3A_1433 = arith.constant 4505 : i32
    %add3A_1434 = vector.broadcast %add3A_1433 : i32 to vector<16xi32>
    %add3A_1435 = arith.addi %iota3A, %add3A_1434 : vector<16xi32>
    %add3A_1436 = arith.addf %add3A_1428, %get3A_97 : vector<16xf32>
    tpu.vector_store_idx %arg12[%add3A_1435], %add3A_1436 : memref<6528xf32, #tpu.memory_space<vmem>>[vector<16xi32>], vector<16xf32>,
    %add3A_1437 = arith.constant 4522 : i32
    %add3A_1438 = vector.broadcast %add3A_1437 : i32 to vector<16xi32>
    %add3A_1439 = arith.addi %iota3A, %add3A_1438 : vector<16xi32>
    %add3A_1440 = arith.addf %add3A_1428, %get3A_99 : vector<16xf32>
    tpu.vector_store_idx %arg12[%add3A_1439], %add3A_1440 : memref<6528xf32, #tpu.memory_space<vmem>>[vector<16xi32>], vector<16xf32>,
    %get3A_1441 = arith.constant 400 : index
    %get3A_1442 = tpu.vector_load %arg10[%get3A_1441] {strides = array<i32>} : memref<512xf32, #tpu.memory_space<vmem>>, vector<16xf32>,
    %add3A_1443 = arith.addf %get3A_1065, %get3A_1442 : vector<16xf32>
    %add3A_1444 = arith.constant 4539 : i32
    %add3A_1445 = vector.broadcast %add3A_1444 : i32 to vector<16xi32>
    %add3A_1446 = arith.addi %iota3A, %add3A_1445 : vector<16xi32>
    %add3A_1447 = arith.addf %add3A_1443, %get3A_95 : vector<16xf32>
    tpu.vector_store_idx %arg12[%add3A_1446], %add3A_1447 : memref<6528xf32, #tpu.memory_space<vmem>>[vector<16xi32>], vector<16xf32>,
    %add3A_1448 = arith.constant 4556 : i32
    %add3A_1449 = vector.broadcast %add3A_1448 : i32 to vector<16xi32>
    %add3A_1450 = arith.addi %iota3A, %add3A_1449 : vector<16xi32>
    %add3A_1451 = arith.addf %add3A_1443, %get3A_97 : vector<16xf32>
    tpu.vector_store_idx %arg12[%add3A_1450], %add3A_1451 : memref<6528xf32, #tpu.memory_space<vmem>>[vector<16xi32>], vector<16xf32>,
    %add3A_1452 = arith.constant 4573 : i32
    %add3A_1453 = vector.broadcast %add3A_1452 : i32 to vector<16xi32>
    %add3A_1454 = arith.addi %iota3A, %add3A_1453 : vector<16xi32>
    %add3A_1455 = arith.addf %add3A_1443, %get3A_99 : vector<16xf32>
    tpu.vector_store_idx %arg12[%add3A_1454], %add3A_1455 : memref<6528xf32, #tpu.memory_space<vmem>>[vector<16xi32>], vector<16xf32>,
    %get3A_1456 = arith.constant 416 : index
    %get3A_1457 = tpu.vector_load %arg10[%get3A_1456] {strides = array<i32>} : memref<512xf32, #tpu.memory_space<vmem>>, vector<16xf32>,
    %add3A_1458 = arith.addf %get3A_1065, %get3A_1457 : vector<16xf32>
    %add3A_1459 = arith.constant 4590 : i32
    %add3A_1460 = vector.broadcast %add3A_1459 : i32 to vector<16xi32>
    %add3A_1461 = arith.addi %iota3A, %add3A_1460 : vector<16xi32>
    %add3A_1462 = arith.addf %add3A_1458, %get3A_95 : vector<16xf32>
    tpu.vector_store_idx %arg12[%add3A_1461], %add3A_1462 : memref<6528xf32, #tpu.memory_space<vmem>>[vector<16xi32>], vector<16xf32>,
    %add3A_1463 = arith.constant 4607 : i32
    %add3A_1464 = vector.broadcast %add3A_1463 : i32 to vector<16xi32>
    %add3A_1465 = arith.addi %iota3A, %add3A_1464 : vector<16xi32>
    %add3A_1466 = arith.addf %add3A_1458, %get3A_97 : vector<16xf32>
    tpu.vector_store_idx %arg12[%add3A_1465], %add3A_1466 : memref<6528xf32, #tpu.memory_space<vmem>>[vector<16xi32>], vector<16xf32>,
    %add3A_1467 = arith.constant 4624 : i32
    %add3A_1468 = vector.broadcast %add3A_1467 : i32 to vector<16xi32>
    %add3A_1469 = arith.addi %iota3A, %add3A_1468 : vector<16xi32>
    %add3A_1470 = arith.addf %add3A_1458, %get3A_99 : vector<16xf32>
    tpu.vector_store_idx %arg12[%add3A_1469], %add3A_1470 : memref<6528xf32, #tpu.memory_space<vmem>>[vector<16xi32>], vector<16xf32>,
    %get3A_1471 = arith.constant 432 : index
    %get3A_1472 = tpu.vector_load %arg10[%get3A_1471] {strides = array<i32>} : memref<512xf32, #tpu.memory_space<vmem>>, vector<16xf32>,
    %add3A_1473 = arith.addf %get3A_1065, %get3A_1472 : vector<16xf32>
    %add3A_1474 = arith.constant 4641 : i32
    %add3A_1475 = vector.broadcast %add3A_1474 : i32 to vector<16xi32>
    %add3A_1476 = arith.addi %iota3A, %add3A_1475 : vector<16xi32>
    %add3A_1477 = arith.addf %add3A_1473, %get3A_95 : vector<16xf32>
    tpu.vector_store_idx %arg12[%add3A_1476], %add3A_1477 : memref<6528xf32, #tpu.memory_space<vmem>>[vector<16xi32>], vector<16xf32>,
    %add3A_1478 = arith.constant 4658 : i32
    %add3A_1479 = vector.broadcast %add3A_1478 : i32 to vector<16xi32>
    %add3A_1480 = arith.addi %iota3A, %add3A_1479 : vector<16xi32>
    %add3A_1481 = arith.addf %add3A_1473, %get3A_97 : vector<16xf32>
    tpu.vector_store_idx %arg12[%add3A_1480], %add3A_1481 : memref<6528xf32, #tpu.memory_space<vmem>>[vector<16xi32>], vector<16xf32>,
    %add3A_1482 = arith.constant 4675 : i32
    %add3A_1483 = vector.broadcast %add3A_1482 : i32 to vector<16xi32>
    %add3A_1484 = arith.addi %iota3A, %add3A_1483 : vector<16xi32>
    %add3A_1485 = arith.addf %add3A_1473, %get3A_99 : vector<16xf32>
    tpu.vector_store_idx %arg12[%add3A_1484], %add3A_1485 : memref<6528xf32, #tpu.memory_space<vmem>>[vector<16xi32>], vector<16xf32>,
    %get3A_1486 = arith.constant 448 : index
    %get3A_1487 = tpu.vector_load %arg10[%get3A_1486] {strides = array<i32>} : memref<512xf32, #tpu.memory_space<vmem>>, vector<16xf32>,
    %add3A_1488 = arith.addf %get3A_1065, %get3A_1487 : vector<16xf32>
    %add3A_1489 = arith.constant 4692 : i32
    %add3A_1490 = vector.broadcast %add3A_1489 : i32 to vector<16xi32>
    %add3A_1491 = arith.addi %iota3A, %add3A_1490 : vector<16xi32>
    %add3A_1492 = arith.addf %add3A_1488, %get3A_95 : vector<16xf32>
    tpu.vector_store_idx %arg12[%add3A_1491], %add3A_1492 : memref<6528xf32, #tpu.memory_space<vmem>>[vector<16xi32>], vector<16xf32>,
    %add3A_1493 = arith.constant 4709 : i32
    %add3A_1494 = vector.broadcast %add3A_1493 : i32 to vector<16xi32>
    %add3A_1495 = arith.addi %iota3A, %add3A_1494 : vector<16xi32>
    %add3A_1496 = arith.addf %add3A_1488, %get3A_97 : vector<16xf32>
    tpu.vector_store_idx %arg12[%add3A_1495], %add3A_1496 : memref<6528xf32, #tpu.memory_space<vmem>>[vector<16xi32>], vector<16xf32>,
    %add3A_1497 = arith.constant 4726 : i32
    %add3A_1498 = vector.broadcast %add3A_1497 : i32 to vector<16xi32>
    %add3A_1499 = arith.addi %iota3A, %add3A_1498 : vector<16xi32>
    %add3A_1500 = arith.addf %add3A_1488, %get3A_99 : vector<16xf32>
    tpu.vector_store_idx %arg12[%add3A_1499], %add3A_1500 : memref<6528xf32, #tpu.memory_space<vmem>>[vector<16xi32>], vector<16xf32>,
    %get3A_1501 = arith.constant 464 : index
    %get3A_1502 = tpu.vector_load %arg10[%get3A_1501] {strides = array<i32>} : memref<512xf32, #tpu.memory_space<vmem>>, vector<16xf32>,
    %add3A_1503 = arith.addf %get3A_1065, %get3A_1502 : vector<16xf32>
    %add3A_1504 = arith.constant 4743 : i32
    %add3A_1505 = vector.broadcast %add3A_1504 : i32 to vector<16xi32>
    %add3A_1506 = arith.addi %iota3A, %add3A_1505 : vector<16xi32>
    %add3A_1507 = arith.addf %add3A_1503, %get3A_95 : vector<16xf32>
    tpu.vector_store_idx %arg12[%add3A_1506], %add3A_1507 : memref<6528xf32, #tpu.memory_space<vmem>>[vector<16xi32>], vector<16xf32>,
    %add3A_1508 = arith.constant 4760 : i32
    %add3A_1509 = vector.broadcast %add3A_1508 : i32 to vector<16xi32>
    %add3A_1510 = arith.addi %iota3A, %add3A_1509 : vector<16xi32>
    %add3A_1511 = arith.addf %add3A_1503, %get3A_97 : vector<16xf32>
    tpu.vector_store_idx %arg12[%add3A_1510], %add3A_1511 : memref<6528xf32, #tpu.memory_space<vmem>>[vector<16xi32>], vector<16xf32>,
    %add3A_1512 = arith.constant 4777 : i32
    %add3A_1513 = vector.broadcast %add3A_1512 : i32 to vector<16xi32>
    %add3A_1514 = arith.addi %iota3A, %add3A_1513 : vector<16xi32>
    %add3A_1515 = arith.addf %add3A_1503, %get3A_99 : vector<16xf32>
    tpu.vector_store_idx %arg12[%add3A_1514], %add3A_1515 : memref<6528xf32, #tpu.memory_space<vmem>>[vector<16xi32>], vector<16xf32>,
    %get3A_1516 = arith.constant 480 : index
    %get3A_1517 = tpu.vector_load %arg10[%get3A_1516] {strides = array<i32>} : memref<512xf32, #tpu.memory_space<vmem>>, vector<16xf32>,
    %add3A_1518 = arith.addf %get3A_1065, %get3A_1517 : vector<16xf32>
    %add3A_1519 = arith.constant 4794 : i32
    %add3A_1520 = vector.broadcast %add3A_1519 : i32 to vector<16xi32>
    %add3A_1521 = arith.addi %iota3A, %add3A_1520 : vector<16xi32>
    %add3A_1522 = arith.addf %add3A_1518, %get3A_95 : vector<16xf32>
    tpu.vector_store_idx %arg12[%add3A_1521], %add3A_1522 : memref<6528xf32, #tpu.memory_space<vmem>>[vector<16xi32>], vector<16xf32>,
    %add3A_1523 = arith.constant 4811 : i32
    %add3A_1524 = vector.broadcast %add3A_1523 : i32 to vector<16xi32>
    %add3A_1525 = arith.addi %iota3A, %add3A_1524 : vector<16xi32>
    %add3A_1526 = arith.addf %add3A_1518, %get3A_97 : vector<16xf32>
    tpu.vector_store_idx %arg12[%add3A_1525], %add3A_1526 : memref<6528xf32, #tpu.memory_space<vmem>>[vector<16xi32>], vector<16xf32>,
    %add3A_1527 = arith.constant 4828 : i32
    %add3A_1528 = vector.broadcast %add3A_1527 : i32 to vector<16xi32>
    %add3A_1529 = arith.addi %iota3A, %add3A_1528 : vector<16xi32>
    %add3A_1530 = arith.addf %add3A_1518, %get3A_99 : vector<16xf32>
    tpu.vector_store_idx %arg12[%add3A_1529], %add3A_1530 : memref<6528xf32, #tpu.memory_space<vmem>>[vector<16xi32>], vector<16xf32>,
    %get3A_1531 = arith.constant 496 : index
    %get3A_1532 = tpu.vector_load %arg10[%get3A_1531] {strides = array<i32>} : memref<512xf32, #tpu.memory_space<vmem>>, vector<16xf32>,
    %add3A_1533 = arith.addf %get3A_1065, %get3A_1532 : vector<16xf32>
    %add3A_1534 = arith.constant 4845 : i32
    %add3A_1535 = vector.broadcast %add3A_1534 : i32 to vector<16xi32>
    %add3A_1536 = arith.addi %iota3A, %add3A_1535 : vector<16xi32>
    %add3A_1537 = arith.addf %add3A_1533, %get3A_95 : vector<16xf32>
    tpu.vector_store_idx %arg12[%add3A_1536], %add3A_1537 : memref<6528xf32, #tpu.memory_space<vmem>>[vector<16xi32>], vector<16xf32>,
    %add3A_1538 = arith.constant 4862 : i32
    %add3A_1539 = vector.broadcast %add3A_1538 : i32 to vector<16xi32>
    %add3A_1540 = arith.addi %iota3A, %add3A_1539 : vector<16xi32>
    %add3A_1541 = arith.addf %add3A_1533, %get3A_97 : vector<16xf32>
    tpu.vector_store_idx %arg12[%add3A_1540], %add3A_1541 : memref<6528xf32, #tpu.memory_space<vmem>>[vector<16xi32>], vector<16xf32>,
    %add3A_1542 = arith.constant 4879 : i32
    %add3A_1543 = vector.broadcast %add3A_1542 : i32 to vector<16xi32>
    %add3A_1544 = arith.addi %iota3A, %add3A_1543 : vector<16xi32>
    %add3A_1545 = arith.addf %add3A_1533, %get3A_99 : vector<16xf32>
    tpu.vector_store_idx %arg12[%add3A_1544], %add3A_1545 : memref<6528xf32, #tpu.memory_space<vmem>>[vector<16xi32>], vector<16xf32>,
    %get3A_1546 = arith.constant 48 : index
    %get3A_1547 = tpu.vector_load %arg9[%get3A_1546] {strides = array<i32>} : memref<64xf32, #tpu.memory_space<vmem>>, vector<16xf32>,
    %get3A_1548 = arith.constant 0 : index
    %get3A_1549 = tpu.vector_load %arg10[%get3A_1548] {strides = array<i32>} : memref<512xf32, #tpu.memory_space<vmem>>, vector<16xf32>,
    %add3A_1550 = arith.addf %get3A_1547, %get3A_1549 : vector<16xf32>
    %add3A_1551 = arith.constant 4896 : i32
    %add3A_1552 = vector.broadcast %add3A_1551 : i32 to vector<16xi32>
    %add3A_1553 = arith.addi %iota3A, %add3A_1552 : vector<16xi32>
    %add3A_1554 = arith.addf %add3A_1550, %get3A_95 : vector<16xf32>
    tpu.vector_store_idx %arg12[%add3A_1553], %add3A_1554 : memref<6528xf32, #tpu.memory_space<vmem>>[vector<16xi32>], vector<16xf32>,
    %add3A_1555 = arith.constant 4913 : i32
    %add3A_1556 = vector.broadcast %add3A_1555 : i32 to vector<16xi32>
    %add3A_1557 = arith.addi %iota3A, %add3A_1556 : vector<16xi32>
    %add3A_1558 = arith.addf %add3A_1550, %get3A_97 : vector<16xf32>
    tpu.vector_store_idx %arg12[%add3A_1557], %add3A_1558 : memref<6528xf32, #tpu.memory_space<vmem>>[vector<16xi32>], vector<16xf32>,
    %add3A_1559 = arith.constant 4930 : i32
    %add3A_1560 = vector.broadcast %add3A_1559 : i32 to vector<16xi32>
    %add3A_1561 = arith.addi %iota3A, %add3A_1560 : vector<16xi32>
    %add3A_1562 = arith.addf %add3A_1550, %get3A_99 : vector<16xf32>
    tpu.vector_store_idx %arg12[%add3A_1561], %add3A_1562 : memref<6528xf32, #tpu.memory_space<vmem>>[vector<16xi32>], vector<16xf32>,
    %get3A_1563 = arith.constant 16 : index
    %get3A_1564 = tpu.vector_load %arg10[%get3A_1563] {strides = array<i32>} : memref<512xf32, #tpu.memory_space<vmem>>, vector<16xf32>,
    %add3A_1565 = arith.addf %get3A_1547, %get3A_1564 : vector<16xf32>
    %add3A_1566 = arith.constant 4947 : i32
    %add3A_1567 = vector.broadcast %add3A_1566 : i32 to vector<16xi32>
    %add3A_1568 = arith.addi %iota3A, %add3A_1567 : vector<16xi32>
    %add3A_1569 = arith.addf %add3A_1565, %get3A_95 : vector<16xf32>
    tpu.vector_store_idx %arg12[%add3A_1568], %add3A_1569 : memref<6528xf32, #tpu.memory_space<vmem>>[vector<16xi32>], vector<16xf32>,
    %add3A_1570 = arith.constant 4964 : i32
    %add3A_1571 = vector.broadcast %add3A_1570 : i32 to vector<16xi32>
    %add3A_1572 = arith.addi %iota3A, %add3A_1571 : vector<16xi32>
    %add3A_1573 = arith.addf %add3A_1565, %get3A_97 : vector<16xf32>
    tpu.vector_store_idx %arg12[%add3A_1572], %add3A_1573 : memref<6528xf32, #tpu.memory_space<vmem>>[vector<16xi32>], vector<16xf32>,
    %add3A_1574 = arith.constant 4981 : i32
    %add3A_1575 = vector.broadcast %add3A_1574 : i32 to vector<16xi32>
    %add3A_1576 = arith.addi %iota3A, %add3A_1575 : vector<16xi32>
    %add3A_1577 = arith.addf %add3A_1565, %get3A_99 : vector<16xf32>
    tpu.vector_store_idx %arg12[%add3A_1576], %add3A_1577 : memref<6528xf32, #tpu.memory_space<vmem>>[vector<16xi32>], vector<16xf32>,
    %get3A_1578 = arith.constant 32 : index
    %get3A_1579 = tpu.vector_load %arg10[%get3A_1578] {strides = array<i32>} : memref<512xf32, #tpu.memory_space<vmem>>, vector<16xf32>,
    %add3A_1580 = arith.addf %get3A_1547, %get3A_1579 : vector<16xf32>
    %add3A_1581 = arith.constant 4998 : i32
    %add3A_1582 = vector.broadcast %add3A_1581 : i32 to vector<16xi32>
    %add3A_1583 = arith.addi %iota3A, %add3A_1582 : vector<16xi32>
    %add3A_1584 = arith.addf %add3A_1580, %get3A_95 : vector<16xf32>
    tpu.vector_store_idx %arg12[%add3A_1583], %add3A_1584 : memref<6528xf32, #tpu.memory_space<vmem>>[vector<16xi32>], vector<16xf32>,
    %add3A_1585 = arith.constant 5015 : i32
    %add3A_1586 = vector.broadcast %add3A_1585 : i32 to vector<16xi32>
    %add3A_1587 = arith.addi %iota3A, %add3A_1586 : vector<16xi32>
    %add3A_1588 = arith.addf %add3A_1580, %get3A_97 : vector<16xf32>
    tpu.vector_store_idx %arg12[%add3A_1587], %add3A_1588 : memref<6528xf32, #tpu.memory_space<vmem>>[vector<16xi32>], vector<16xf32>,
    %add3A_1589 = arith.constant 5032 : i32
    %add3A_1590 = vector.broadcast %add3A_1589 : i32 to vector<16xi32>
    %add3A_1591 = arith.addi %iota3A, %add3A_1590 : vector<16xi32>
    %add3A_1592 = arith.addf %add3A_1580, %get3A_99 : vector<16xf32>
    tpu.vector_store_idx %arg12[%add3A_1591], %add3A_1592 : memref<6528xf32, #tpu.memory_space<vmem>>[vector<16xi32>], vector<16xf32>,
    %get3A_1593 = arith.constant 48 : index
    %get3A_1594 = tpu.vector_load %arg10[%get3A_1593] {strides = array<i32>} : memref<512xf32, #tpu.memory_space<vmem>>, vector<16xf32>,
    %add3A_1595 = arith.addf %get3A_1547, %get3A_1594 : vector<16xf32>
    %add3A_1596 = arith.constant 5049 : i32
    %add3A_1597 = vector.broadcast %add3A_1596 : i32 to vector<16xi32>
    %add3A_1598 = arith.addi %iota3A, %add3A_1597 : vector<16xi32>
    %add3A_1599 = arith.addf %add3A_1595, %get3A_95 : vector<16xf32>
    tpu.vector_store_idx %arg12[%add3A_1598], %add3A_1599 : memref<6528xf32, #tpu.memory_space<vmem>>[vector<16xi32>], vector<16xf32>,
    %add3A_1600 = arith.constant 5066 : i32
    %add3A_1601 = vector.broadcast %add3A_1600 : i32 to vector<16xi32>
    %add3A_1602 = arith.addi %iota3A, %add3A_1601 : vector<16xi32>
    %add3A_1603 = arith.addf %add3A_1595, %get3A_97 : vector<16xf32>
    tpu.vector_store_idx %arg12[%add3A_1602], %add3A_1603 : memref<6528xf32, #tpu.memory_space<vmem>>[vector<16xi32>], vector<16xf32>,
    %add3A_1604 = arith.constant 5083 : i32
    %add3A_1605 = vector.broadcast %add3A_1604 : i32 to vector<16xi32>
    %add3A_1606 = arith.addi %iota3A, %add3A_1605 : vector<16xi32>
    %add3A_1607 = arith.addf %add3A_1595, %get3A_99 : vector<16xf32>
    tpu.vector_store_idx %arg12[%add3A_1606], %add3A_1607 : memref<6528xf32, #tpu.memory_space<vmem>>[vector<16xi32>], vector<16xf32>,
    %get3A_1608 = arith.constant 64 : index
    %get3A_1609 = tpu.vector_load %arg10[%get3A_1608] {strides = array<i32>} : memref<512xf32, #tpu.memory_space<vmem>>, vector<16xf32>,
    %add3A_1610 = arith.addf %get3A_1547, %get3A_1609 : vector<16xf32>
    %add3A_1611 = arith.constant 5100 : i32
    %add3A_1612 = vector.broadcast %add3A_1611 : i32 to vector<16xi32>
    %add3A_1613 = arith.addi %iota3A, %add3A_1612 : vector<16xi32>
    %add3A_1614 = arith.addf %add3A_1610, %get3A_95 : vector<16xf32>
    tpu.vector_store_idx %arg12[%add3A_1613], %add3A_1614 : memref<6528xf32, #tpu.memory_space<vmem>>[vector<16xi32>], vector<16xf32>,
    %add3A_1615 = arith.constant 5117 : i32
    %add3A_1616 = vector.broadcast %add3A_1615 : i32 to vector<16xi32>
    %add3A_1617 = arith.addi %iota3A, %add3A_1616 : vector<16xi32>
    %add3A_1618 = arith.addf %add3A_1610, %get3A_97 : vector<16xf32>
    tpu.vector_store_idx %arg12[%add3A_1617], %add3A_1618 : memref<6528xf32, #tpu.memory_space<vmem>>[vector<16xi32>], vector<16xf32>,
    %add3A_1619 = arith.constant 5134 : i32
    %add3A_1620 = vector.broadcast %add3A_1619 : i32 to vector<16xi32>
    %add3A_1621 = arith.addi %iota3A, %add3A_1620 : vector<16xi32>
    %add3A_1622 = arith.addf %add3A_1610, %get3A_99 : vector<16xf32>
    tpu.vector_store_idx %arg12[%add3A_1621], %add3A_1622 : memref<6528xf32, #tpu.memory_space<vmem>>[vector<16xi32>], vector<16xf32>,
    %get3A_1623 = arith.constant 80 : index
    %get3A_1624 = tpu.vector_load %arg10[%get3A_1623] {strides = array<i32>} : memref<512xf32, #tpu.memory_space<vmem>>, vector<16xf32>,
    %add3A_1625 = arith.addf %get3A_1547, %get3A_1624 : vector<16xf32>
    %add3A_1626 = arith.constant 5151 : i32
    %add3A_1627 = vector.broadcast %add3A_1626 : i32 to vector<16xi32>
    %add3A_1628 = arith.addi %iota3A, %add3A_1627 : vector<16xi32>
    %add3A_1629 = arith.addf %add3A_1625, %get3A_95 : vector<16xf32>
    tpu.vector_store_idx %arg12[%add3A_1628], %add3A_1629 : memref<6528xf32, #tpu.memory_space<vmem>>[vector<16xi32>], vector<16xf32>,
    %add3A_1630 = arith.constant 5168 : i32
    %add3A_1631 = vector.broadcast %add3A_1630 : i32 to vector<16xi32>
    %add3A_1632 = arith.addi %iota3A, %add3A_1631 : vector<16xi32>
    %add3A_1633 = arith.addf %add3A_1625, %get3A_97 : vector<16xf32>
    tpu.vector_store_idx %arg12[%add3A_1632], %add3A_1633 : memref<6528xf32, #tpu.memory_space<vmem>>[vector<16xi32>], vector<16xf32>,
    %add3A_1634 = arith.constant 5185 : i32
    %add3A_1635 = vector.broadcast %add3A_1634 : i32 to vector<16xi32>
    %add3A_1636 = arith.addi %iota3A, %add3A_1635 : vector<16xi32>
    %add3A_1637 = arith.addf %add3A_1625, %get3A_99 : vector<16xf32>
    tpu.vector_store_idx %arg12[%add3A_1636], %add3A_1637 : memref<6528xf32, #tpu.memory_space<vmem>>[vector<16xi32>], vector<16xf32>,
    %get3A_1638 = arith.constant 96 : index
    %get3A_1639 = tpu.vector_load %arg10[%get3A_1638] {strides = array<i32>} : memref<512xf32, #tpu.memory_space<vmem>>, vector<16xf32>,
    %add3A_1640 = arith.addf %get3A_1547, %get3A_1639 : vector<16xf32>
    %add3A_1641 = arith.constant 5202 : i32
    %add3A_1642 = vector.broadcast %add3A_1641 : i32 to vector<16xi32>
    %add3A_1643 = arith.addi %iota3A, %add3A_1642 : vector<16xi32>
    %add3A_1644 = arith.addf %add3A_1640, %get3A_95 : vector<16xf32>
    tpu.vector_store_idx %arg12[%add3A_1643], %add3A_1644 : memref<6528xf32, #tpu.memory_space<vmem>>[vector<16xi32>], vector<16xf32>,
    %add3A_1645 = arith.constant 5219 : i32
    %add3A_1646 = vector.broadcast %add3A_1645 : i32 to vector<16xi32>
    %add3A_1647 = arith.addi %iota3A, %add3A_1646 : vector<16xi32>
    %add3A_1648 = arith.addf %add3A_1640, %get3A_97 : vector<16xf32>
    tpu.vector_store_idx %arg12[%add3A_1647], %add3A_1648 : memref<6528xf32, #tpu.memory_space<vmem>>[vector<16xi32>], vector<16xf32>,
    %add3A_1649 = arith.constant 5236 : i32
    %add3A_1650 = vector.broadcast %add3A_1649 : i32 to vector<16xi32>
    %add3A_1651 = arith.addi %iota3A, %add3A_1650 : vector<16xi32>
    %add3A_1652 = arith.addf %add3A_1640, %get3A_99 : vector<16xf32>
    tpu.vector_store_idx %arg12[%add3A_1651], %add3A_1652 : memref<6528xf32, #tpu.memory_space<vmem>>[vector<16xi32>], vector<16xf32>,
    %get3A_1653 = arith.constant 112 : index
    %get3A_1654 = tpu.vector_load %arg10[%get3A_1653] {strides = array<i32>} : memref<512xf32, #tpu.memory_space<vmem>>, vector<16xf32>,
    %add3A_1655 = arith.addf %get3A_1547, %get3A_1654 : vector<16xf32>
    %add3A_1656 = arith.constant 5253 : i32
    %add3A_1657 = vector.broadcast %add3A_1656 : i32 to vector<16xi32>
    %add3A_1658 = arith.addi %iota3A, %add3A_1657 : vector<16xi32>
    %add3A_1659 = arith.addf %add3A_1655, %get3A_95 : vector<16xf32>
    tpu.vector_store_idx %arg12[%add3A_1658], %add3A_1659 : memref<6528xf32, #tpu.memory_space<vmem>>[vector<16xi32>], vector<16xf32>,
    %add3A_1660 = arith.constant 5270 : i32
    %add3A_1661 = vector.broadcast %add3A_1660 : i32 to vector<16xi32>
    %add3A_1662 = arith.addi %iota3A, %add3A_1661 : vector<16xi32>
    %add3A_1663 = arith.addf %add3A_1655, %get3A_97 : vector<16xf32>
    tpu.vector_store_idx %arg12[%add3A_1662], %add3A_1663 : memref<6528xf32, #tpu.memory_space<vmem>>[vector<16xi32>], vector<16xf32>,
    %add3A_1664 = arith.constant 5287 : i32
    %add3A_1665 = vector.broadcast %add3A_1664 : i32 to vector<16xi32>
    %add3A_1666 = arith.addi %iota3A, %add3A_1665 : vector<16xi32>
    %add3A_1667 = arith.addf %add3A_1655, %get3A_99 : vector<16xf32>
    tpu.vector_store_idx %arg12[%add3A_1666], %add3A_1667 : memref<6528xf32, #tpu.memory_space<vmem>>[vector<16xi32>], vector<16xf32>,
    %get3A_1668 = arith.constant 128 : index
    %get3A_1669 = tpu.vector_load %arg10[%get3A_1668] {strides = array<i32>} : memref<512xf32, #tpu.memory_space<vmem>>, vector<16xf32>,
    %add3A_1670 = arith.addf %get3A_1547, %get3A_1669 : vector<16xf32>
    %add3A_1671 = arith.constant 5304 : i32
    %add3A_1672 = vector.broadcast %add3A_1671 : i32 to vector<16xi32>
    %add3A_1673 = arith.addi %iota3A, %add3A_1672 : vector<16xi32>
    %add3A_1674 = arith.addf %add3A_1670, %get3A_95 : vector<16xf32>
    tpu.vector_store_idx %arg12[%add3A_1673], %add3A_1674 : memref<6528xf32, #tpu.memory_space<vmem>>[vector<16xi32>], vector<16xf32>,
    %add3A_1675 = arith.constant 5321 : i32
    %add3A_1676 = vector.broadcast %add3A_1675 : i32 to vector<16xi32>
    %add3A_1677 = arith.addi %iota3A, %add3A_1676 : vector<16xi32>
    %add3A_1678 = arith.addf %add3A_1670, %get3A_97 : vector<16xf32>
    tpu.vector_store_idx %arg12[%add3A_1677], %add3A_1678 : memref<6528xf32, #tpu.memory_space<vmem>>[vector<16xi32>], vector<16xf32>,
    %add3A_1679 = arith.constant 5338 : i32
    %add3A_1680 = vector.broadcast %add3A_1679 : i32 to vector<16xi32>
    %add3A_1681 = arith.addi %iota3A, %add3A_1680 : vector<16xi32>
    %add3A_1682 = arith.addf %add3A_1670, %get3A_99 : vector<16xf32>
    tpu.vector_store_idx %arg12[%add3A_1681], %add3A_1682 : memref<6528xf32, #tpu.memory_space<vmem>>[vector<16xi32>], vector<16xf32>,
    %get3A_1683 = arith.constant 144 : index
    %get3A_1684 = tpu.vector_load %arg10[%get3A_1683] {strides = array<i32>} : memref<512xf32, #tpu.memory_space<vmem>>, vector<16xf32>,
    %add3A_1685 = arith.addf %get3A_1547, %get3A_1684 : vector<16xf32>
    %add3A_1686 = arith.constant 5355 : i32
    %add3A_1687 = vector.broadcast %add3A_1686 : i32 to vector<16xi32>
    %add3A_1688 = arith.addi %iota3A, %add3A_1687 : vector<16xi32>
    %add3A_1689 = arith.addf %add3A_1685, %get3A_95 : vector<16xf32>
    tpu.vector_store_idx %arg12[%add3A_1688], %add3A_1689 : memref<6528xf32, #tpu.memory_space<vmem>>[vector<16xi32>], vector<16xf32>,
    %add3A_1690 = arith.constant 5372 : i32
    %add3A_1691 = vector.broadcast %add3A_1690 : i32 to vector<16xi32>
    %add3A_1692 = arith.addi %iota3A, %add3A_1691 : vector<16xi32>
    %add3A_1693 = arith.addf %add3A_1685, %get3A_97 : vector<16xf32>
    tpu.vector_store_idx %arg12[%add3A_1692], %add3A_1693 : memref<6528xf32, #tpu.memory_space<vmem>>[vector<16xi32>], vector<16xf32>,
    %add3A_1694 = arith.constant 5389 : i32
    %add3A_1695 = vector.broadcast %add3A_1694 : i32 to vector<16xi32>
    %add3A_1696 = arith.addi %iota3A, %add3A_1695 : vector<16xi32>
    %add3A_1697 = arith.addf %add3A_1685, %get3A_99 : vector<16xf32>
    tpu.vector_store_idx %arg12[%add3A_1696], %add3A_1697 : memref<6528xf32, #tpu.memory_space<vmem>>[vector<16xi32>], vector<16xf32>,
    %get3A_1698 = arith.constant 160 : index
    %get3A_1699 = tpu.vector_load %arg10[%get3A_1698] {strides = array<i32>} : memref<512xf32, #tpu.memory_space<vmem>>, vector<16xf32>,
    %add3A_1700 = arith.addf %get3A_1547, %get3A_1699 : vector<16xf32>
    %add3A_1701 = arith.constant 5406 : i32
    %add3A_1702 = vector.broadcast %add3A_1701 : i32 to vector<16xi32>
    %add3A_1703 = arith.addi %iota3A, %add3A_1702 : vector<16xi32>
    %add3A_1704 = arith.addf %add3A_1700, %get3A_95 : vector<16xf32>
    tpu.vector_store_idx %arg12[%add3A_1703], %add3A_1704 : memref<6528xf32, #tpu.memory_space<vmem>>[vector<16xi32>], vector<16xf32>,
    %add3A_1705 = arith.constant 5423 : i32
    %add3A_1706 = vector.broadcast %add3A_1705 : i32 to vector<16xi32>
    %add3A_1707 = arith.addi %iota3A, %add3A_1706 : vector<16xi32>
    %add3A_1708 = arith.addf %add3A_1700, %get3A_97 : vector<16xf32>
    tpu.vector_store_idx %arg12[%add3A_1707], %add3A_1708 : memref<6528xf32, #tpu.memory_space<vmem>>[vector<16xi32>], vector<16xf32>,
    %add3A_1709 = arith.constant 5440 : i32
    %add3A_1710 = vector.broadcast %add3A_1709 : i32 to vector<16xi32>
    %add3A_1711 = arith.addi %iota3A, %add3A_1710 : vector<16xi32>
    %add3A_1712 = arith.addf %add3A_1700, %get3A_99 : vector<16xf32>
    tpu.vector_store_idx %arg12[%add3A_1711], %add3A_1712 : memref<6528xf32, #tpu.memory_space<vmem>>[vector<16xi32>], vector<16xf32>,
    %get3A_1713 = arith.constant 176 : index
    %get3A_1714 = tpu.vector_load %arg10[%get3A_1713] {strides = array<i32>} : memref<512xf32, #tpu.memory_space<vmem>>, vector<16xf32>,
    %add3A_1715 = arith.addf %get3A_1547, %get3A_1714 : vector<16xf32>
    %add3A_1716 = arith.constant 5457 : i32
    %add3A_1717 = vector.broadcast %add3A_1716 : i32 to vector<16xi32>
    %add3A_1718 = arith.addi %iota3A, %add3A_1717 : vector<16xi32>
    %add3A_1719 = arith.addf %add3A_1715, %get3A_95 : vector<16xf32>
    tpu.vector_store_idx %arg12[%add3A_1718], %add3A_1719 : memref<6528xf32, #tpu.memory_space<vmem>>[vector<16xi32>], vector<16xf32>,
    %add3A_1720 = arith.constant 5474 : i32
    %add3A_1721 = vector.broadcast %add3A_1720 : i32 to vector<16xi32>
    %add3A_1722 = arith.addi %iota3A, %add3A_1721 : vector<16xi32>
    %add3A_1723 = arith.addf %add3A_1715, %get3A_97 : vector<16xf32>
    tpu.vector_store_idx %arg12[%add3A_1722], %add3A_1723 : memref<6528xf32, #tpu.memory_space<vmem>>[vector<16xi32>], vector<16xf32>,
    %add3A_1724 = arith.constant 5491 : i32
    %add3A_1725 = vector.broadcast %add3A_1724 : i32 to vector<16xi32>
    %add3A_1726 = arith.addi %iota3A, %add3A_1725 : vector<16xi32>
    %add3A_1727 = arith.addf %add3A_1715, %get3A_99 : vector<16xf32>
    tpu.vector_store_idx %arg12[%add3A_1726], %add3A_1727 : memref<6528xf32, #tpu.memory_space<vmem>>[vector<16xi32>], vector<16xf32>,
    %get3A_1728 = arith.constant 192 : index
    %get3A_1729 = tpu.vector_load %arg10[%get3A_1728] {strides = array<i32>} : memref<512xf32, #tpu.memory_space<vmem>>, vector<16xf32>,
    %add3A_1730 = arith.addf %get3A_1547, %get3A_1729 : vector<16xf32>
    %add3A_1731 = arith.constant 5508 : i32
    %add3A_1732 = vector.broadcast %add3A_1731 : i32 to vector<16xi32>
    %add3A_1733 = arith.addi %iota3A, %add3A_1732 : vector<16xi32>
    %add3A_1734 = arith.addf %add3A_1730, %get3A_95 : vector<16xf32>
    tpu.vector_store_idx %arg12[%add3A_1733], %add3A_1734 : memref<6528xf32, #tpu.memory_space<vmem>>[vector<16xi32>], vector<16xf32>,
    %add3A_1735 = arith.constant 5525 : i32
    %add3A_1736 = vector.broadcast %add3A_1735 : i32 to vector<16xi32>
    %add3A_1737 = arith.addi %iota3A, %add3A_1736 : vector<16xi32>
    %add3A_1738 = arith.addf %add3A_1730, %get3A_97 : vector<16xf32>
    tpu.vector_store_idx %arg12[%add3A_1737], %add3A_1738 : memref<6528xf32, #tpu.memory_space<vmem>>[vector<16xi32>], vector<16xf32>,
    %add3A_1739 = arith.constant 5542 : i32
    %add3A_1740 = vector.broadcast %add3A_1739 : i32 to vector<16xi32>
    %add3A_1741 = arith.addi %iota3A, %add3A_1740 : vector<16xi32>
    %add3A_1742 = arith.addf %add3A_1730, %get3A_99 : vector<16xf32>
    tpu.vector_store_idx %arg12[%add3A_1741], %add3A_1742 : memref<6528xf32, #tpu.memory_space<vmem>>[vector<16xi32>], vector<16xf32>,
    %get3A_1743 = arith.constant 208 : index
    %get3A_1744 = tpu.vector_load %arg10[%get3A_1743] {strides = array<i32>} : memref<512xf32, #tpu.memory_space<vmem>>, vector<16xf32>,
    %add3A_1745 = arith.addf %get3A_1547, %get3A_1744 : vector<16xf32>
    %add3A_1746 = arith.constant 5559 : i32
    %add3A_1747 = vector.broadcast %add3A_1746 : i32 to vector<16xi32>
    %add3A_1748 = arith.addi %iota3A, %add3A_1747 : vector<16xi32>
    %add3A_1749 = arith.addf %add3A_1745, %get3A_95 : vector<16xf32>
    tpu.vector_store_idx %arg12[%add3A_1748], %add3A_1749 : memref<6528xf32, #tpu.memory_space<vmem>>[vector<16xi32>], vector<16xf32>,
    %add3A_1750 = arith.constant 5576 : i32
    %add3A_1751 = vector.broadcast %add3A_1750 : i32 to vector<16xi32>
    %add3A_1752 = arith.addi %iota3A, %add3A_1751 : vector<16xi32>
    %add3A_1753 = arith.addf %add3A_1745, %get3A_97 : vector<16xf32>
    tpu.vector_store_idx %arg12[%add3A_1752], %add3A_1753 : memref<6528xf32, #tpu.memory_space<vmem>>[vector<16xi32>], vector<16xf32>,
    %add3A_1754 = arith.constant 5593 : i32
    %add3A_1755 = vector.broadcast %add3A_1754 : i32 to vector<16xi32>
    %add3A_1756 = arith.addi %iota3A, %add3A_1755 : vector<16xi32>
    %add3A_1757 = arith.addf %add3A_1745, %get3A_99 : vector<16xf32>
    tpu.vector_store_idx %arg12[%add3A_1756], %add3A_1757 : memref<6528xf32, #tpu.memory_space<vmem>>[vector<16xi32>], vector<16xf32>,
    %get3A_1758 = arith.constant 224 : index
    %get3A_1759 = tpu.vector_load %arg10[%get3A_1758] {strides = array<i32>} : memref<512xf32, #tpu.memory_space<vmem>>, vector<16xf32>,
    %add3A_1760 = arith.addf %get3A_1547, %get3A_1759 : vector<16xf32>
    %add3A_1761 = arith.constant 5610 : i32
    %add3A_1762 = vector.broadcast %add3A_1761 : i32 to vector<16xi32>
    %add3A_1763 = arith.addi %iota3A, %add3A_1762 : vector<16xi32>
    %add3A_1764 = arith.addf %add3A_1760, %get3A_95 : vector<16xf32>
    tpu.vector_store_idx %arg12[%add3A_1763], %add3A_1764 : memref<6528xf32, #tpu.memory_space<vmem>>[vector<16xi32>], vector<16xf32>,
    %add3A_1765 = arith.constant 5627 : i32
    %add3A_1766 = vector.broadcast %add3A_1765 : i32 to vector<16xi32>
    %add3A_1767 = arith.addi %iota3A, %add3A_1766 : vector<16xi32>
    %add3A_1768 = arith.addf %add3A_1760, %get3A_97 : vector<16xf32>
    tpu.vector_store_idx %arg12[%add3A_1767], %add3A_1768 : memref<6528xf32, #tpu.memory_space<vmem>>[vector<16xi32>], vector<16xf32>,
    %add3A_1769 = arith.constant 5644 : i32
    %add3A_1770 = vector.broadcast %add3A_1769 : i32 to vector<16xi32>
    %add3A_1771 = arith.addi %iota3A, %add3A_1770 : vector<16xi32>
    %add3A_1772 = arith.addf %add3A_1760, %get3A_99 : vector<16xf32>
    tpu.vector_store_idx %arg12[%add3A_1771], %add3A_1772 : memref<6528xf32, #tpu.memory_space<vmem>>[vector<16xi32>], vector<16xf32>,
    %get3A_1773 = arith.constant 240 : index
    %get3A_1774 = tpu.vector_load %arg10[%get3A_1773] {strides = array<i32>} : memref<512xf32, #tpu.memory_space<vmem>>, vector<16xf32>,
    %add3A_1775 = arith.addf %get3A_1547, %get3A_1774 : vector<16xf32>
    %add3A_1776 = arith.constant 5661 : i32
    %add3A_1777 = vector.broadcast %add3A_1776 : i32 to vector<16xi32>
    %add3A_1778 = arith.addi %iota3A, %add3A_1777 : vector<16xi32>
    %add3A_1779 = arith.addf %add3A_1775, %get3A_95 : vector<16xf32>
    tpu.vector_store_idx %arg12[%add3A_1778], %add3A_1779 : memref<6528xf32, #tpu.memory_space<vmem>>[vector<16xi32>], vector<16xf32>,
    %add3A_1780 = arith.constant 5678 : i32
    %add3A_1781 = vector.broadcast %add3A_1780 : i32 to vector<16xi32>
    %add3A_1782 = arith.addi %iota3A, %add3A_1781 : vector<16xi32>
    %add3A_1783 = arith.addf %add3A_1775, %get3A_97 : vector<16xf32>
    tpu.vector_store_idx %arg12[%add3A_1782], %add3A_1783 : memref<6528xf32, #tpu.memory_space<vmem>>[vector<16xi32>], vector<16xf32>,
    %add3A_1784 = arith.constant 5695 : i32
    %add3A_1785 = vector.broadcast %add3A_1784 : i32 to vector<16xi32>
    %add3A_1786 = arith.addi %iota3A, %add3A_1785 : vector<16xi32>
    %add3A_1787 = arith.addf %add3A_1775, %get3A_99 : vector<16xf32>
    tpu.vector_store_idx %arg12[%add3A_1786], %add3A_1787 : memref<6528xf32, #tpu.memory_space<vmem>>[vector<16xi32>], vector<16xf32>,
    %get3A_1788 = arith.constant 256 : index
    %get3A_1789 = tpu.vector_load %arg10[%get3A_1788] {strides = array<i32>} : memref<512xf32, #tpu.memory_space<vmem>>, vector<16xf32>,
    %add3A_1790 = arith.addf %get3A_1547, %get3A_1789 : vector<16xf32>
    %add3A_1791 = arith.constant 5712 : i32
    %add3A_1792 = vector.broadcast %add3A_1791 : i32 to vector<16xi32>
    %add3A_1793 = arith.addi %iota3A, %add3A_1792 : vector<16xi32>
    %add3A_1794 = arith.addf %add3A_1790, %get3A_95 : vector<16xf32>
    tpu.vector_store_idx %arg12[%add3A_1793], %add3A_1794 : memref<6528xf32, #tpu.memory_space<vmem>>[vector<16xi32>], vector<16xf32>,
    %add3A_1795 = arith.constant 5729 : i32
    %add3A_1796 = vector.broadcast %add3A_1795 : i32 to vector<16xi32>
    %add3A_1797 = arith.addi %iota3A, %add3A_1796 : vector<16xi32>
    %add3A_1798 = arith.addf %add3A_1790, %get3A_97 : vector<16xf32>
    tpu.vector_store_idx %arg12[%add3A_1797], %add3A_1798 : memref<6528xf32, #tpu.memory_space<vmem>>[vector<16xi32>], vector<16xf32>,
    %add3A_1799 = arith.constant 5746 : i32
    %add3A_1800 = vector.broadcast %add3A_1799 : i32 to vector<16xi32>
    %add3A_1801 = arith.addi %iota3A, %add3A_1800 : vector<16xi32>
    %add3A_1802 = arith.addf %add3A_1790, %get3A_99 : vector<16xf32>
    tpu.vector_store_idx %arg12[%add3A_1801], %add3A_1802 : memref<6528xf32, #tpu.memory_space<vmem>>[vector<16xi32>], vector<16xf32>,
    %get3A_1803 = arith.constant 272 : index
    %get3A_1804 = tpu.vector_load %arg10[%get3A_1803] {strides = array<i32>} : memref<512xf32, #tpu.memory_space<vmem>>, vector<16xf32>,
    %add3A_1805 = arith.addf %get3A_1547, %get3A_1804 : vector<16xf32>
    %add3A_1806 = arith.constant 5763 : i32
    %add3A_1807 = vector.broadcast %add3A_1806 : i32 to vector<16xi32>
    %add3A_1808 = arith.addi %iota3A, %add3A_1807 : vector<16xi32>
    %add3A_1809 = arith.addf %add3A_1805, %get3A_95 : vector<16xf32>
    tpu.vector_store_idx %arg12[%add3A_1808], %add3A_1809 : memref<6528xf32, #tpu.memory_space<vmem>>[vector<16xi32>], vector<16xf32>,
    %add3A_1810 = arith.constant 5780 : i32
    %add3A_1811 = vector.broadcast %add3A_1810 : i32 to vector<16xi32>
    %add3A_1812 = arith.addi %iota3A, %add3A_1811 : vector<16xi32>
    %add3A_1813 = arith.addf %add3A_1805, %get3A_97 : vector<16xf32>
    tpu.vector_store_idx %arg12[%add3A_1812], %add3A_1813 : memref<6528xf32, #tpu.memory_space<vmem>>[vector<16xi32>], vector<16xf32>,
    %add3A_1814 = arith.constant 5797 : i32
    %add3A_1815 = vector.broadcast %add3A_1814 : i32 to vector<16xi32>
    %add3A_1816 = arith.addi %iota3A, %add3A_1815 : vector<16xi32>
    %add3A_1817 = arith.addf %add3A_1805, %get3A_99 : vector<16xf32>
    tpu.vector_store_idx %arg12[%add3A_1816], %add3A_1817 : memref<6528xf32, #tpu.memory_space<vmem>>[vector<16xi32>], vector<16xf32>,
    %get3A_1818 = arith.constant 288 : index
    %get3A_1819 = tpu.vector_load %arg10[%get3A_1818] {strides = array<i32>} : memref<512xf32, #tpu.memory_space<vmem>>, vector<16xf32>,
    %add3A_1820 = arith.addf %get3A_1547, %get3A_1819 : vector<16xf32>
    %add3A_1821 = arith.constant 5814 : i32
    %add3A_1822 = vector.broadcast %add3A_1821 : i32 to vector<16xi32>
    %add3A_1823 = arith.addi %iota3A, %add3A_1822 : vector<16xi32>
    %add3A_1824 = arith.addf %add3A_1820, %get3A_95 : vector<16xf32>
    tpu.vector_store_idx %arg12[%add3A_1823], %add3A_1824 : memref<6528xf32, #tpu.memory_space<vmem>>[vector<16xi32>], vector<16xf32>,
    %add3A_1825 = arith.constant 5831 : i32
    %add3A_1826 = vector.broadcast %add3A_1825 : i32 to vector<16xi32>
    %add3A_1827 = arith.addi %iota3A, %add3A_1826 : vector<16xi32>
    %add3A_1828 = arith.addf %add3A_1820, %get3A_97 : vector<16xf32>
    tpu.vector_store_idx %arg12[%add3A_1827], %add3A_1828 : memref<6528xf32, #tpu.memory_space<vmem>>[vector<16xi32>], vector<16xf32>,
    %add3A_1829 = arith.constant 5848 : i32
    %add3A_1830 = vector.broadcast %add3A_1829 : i32 to vector<16xi32>
    %add3A_1831 = arith.addi %iota3A, %add3A_1830 : vector<16xi32>
    %add3A_1832 = arith.addf %add3A_1820, %get3A_99 : vector<16xf32>
    tpu.vector_store_idx %arg12[%add3A_1831], %add3A_1832 : memref<6528xf32, #tpu.memory_space<vmem>>[vector<16xi32>], vector<16xf32>,
    %get3A_1833 = arith.constant 304 : index
    %get3A_1834 = tpu.vector_load %arg10[%get3A_1833] {strides = array<i32>} : memref<512xf32, #tpu.memory_space<vmem>>, vector<16xf32>,
    %add3A_1835 = arith.addf %get3A_1547, %get3A_1834 : vector<16xf32>
    %add3A_1836 = arith.constant 5865 : i32
    %add3A_1837 = vector.broadcast %add3A_1836 : i32 to vector<16xi32>
    %add3A_1838 = arith.addi %iota3A, %add3A_1837 : vector<16xi32>
    %add3A_1839 = arith.addf %add3A_1835, %get3A_95 : vector<16xf32>
    tpu.vector_store_idx %arg12[%add3A_1838], %add3A_1839 : memref<6528xf32, #tpu.memory_space<vmem>>[vector<16xi32>], vector<16xf32>,
    %add3A_1840 = arith.constant 5882 : i32
    %add3A_1841 = vector.broadcast %add3A_1840 : i32 to vector<16xi32>
    %add3A_1842 = arith.addi %iota3A, %add3A_1841 : vector<16xi32>
    %add3A_1843 = arith.addf %add3A_1835, %get3A_97 : vector<16xf32>
    tpu.vector_store_idx %arg12[%add3A_1842], %add3A_1843 : memref<6528xf32, #tpu.memory_space<vmem>>[vector<16xi32>], vector<16xf32>,
    %add3A_1844 = arith.constant 5899 : i32
    %add3A_1845 = vector.broadcast %add3A_1844 : i32 to vector<16xi32>
    %add3A_1846 = arith.addi %iota3A, %add3A_1845 : vector<16xi32>
    %add3A_1847 = arith.addf %add3A_1835, %get3A_99 : vector<16xf32>
    tpu.vector_store_idx %arg12[%add3A_1846], %add3A_1847 : memref<6528xf32, #tpu.memory_space<vmem>>[vector<16xi32>], vector<16xf32>,
    %get3A_1848 = arith.constant 320 : index
    %get3A_1849 = tpu.vector_load %arg10[%get3A_1848] {strides = array<i32>} : memref<512xf32, #tpu.memory_space<vmem>>, vector<16xf32>,
    %add3A_1850 = arith.addf %get3A_1547, %get3A_1849 : vector<16xf32>
    %add3A_1851 = arith.constant 5916 : i32
    %add3A_1852 = vector.broadcast %add3A_1851 : i32 to vector<16xi32>
    %add3A_1853 = arith.addi %iota3A, %add3A_1852 : vector<16xi32>
    %add3A_1854 = arith.addf %add3A_1850, %get3A_95 : vector<16xf32>
    tpu.vector_store_idx %arg12[%add3A_1853], %add3A_1854 : memref<6528xf32, #tpu.memory_space<vmem>>[vector<16xi32>], vector<16xf32>,
    %add3A_1855 = arith.constant 5933 : i32
    %add3A_1856 = vector.broadcast %add3A_1855 : i32 to vector<16xi32>
    %add3A_1857 = arith.addi %iota3A, %add3A_1856 : vector<16xi32>
    %add3A_1858 = arith.addf %add3A_1850, %get3A_97 : vector<16xf32>
    tpu.vector_store_idx %arg12[%add3A_1857], %add3A_1858 : memref<6528xf32, #tpu.memory_space<vmem>>[vector<16xi32>], vector<16xf32>,
    %add3A_1859 = arith.constant 5950 : i32
    %add3A_1860 = vector.broadcast %add3A_1859 : i32 to vector<16xi32>
    %add3A_1861 = arith.addi %iota3A, %add3A_1860 : vector<16xi32>
    %add3A_1862 = arith.addf %add3A_1850, %get3A_99 : vector<16xf32>
    tpu.vector_store_idx %arg12[%add3A_1861], %add3A_1862 : memref<6528xf32, #tpu.memory_space<vmem>>[vector<16xi32>], vector<16xf32>,
    %get3A_1863 = arith.constant 336 : index
    %get3A_1864 = tpu.vector_load %arg10[%get3A_1863] {strides = array<i32>} : memref<512xf32, #tpu.memory_space<vmem>>, vector<16xf32>,
    %add3A_1865 = arith.addf %get3A_1547, %get3A_1864 : vector<16xf32>
    %add3A_1866 = arith.constant 5967 : i32
    %add3A_1867 = vector.broadcast %add3A_1866 : i32 to vector<16xi32>
    %add3A_1868 = arith.addi %iota3A, %add3A_1867 : vector<16xi32>
    %add3A_1869 = arith.addf %add3A_1865, %get3A_95 : vector<16xf32>
    tpu.vector_store_idx %arg12[%add3A_1868], %add3A_1869 : memref<6528xf32, #tpu.memory_space<vmem>>[vector<16xi32>], vector<16xf32>,
    %add3A_1870 = arith.constant 5984 : i32
    %add3A_1871 = vector.broadcast %add3A_1870 : i32 to vector<16xi32>
    %add3A_1872 = arith.addi %iota3A, %add3A_1871 : vector<16xi32>
    %add3A_1873 = arith.addf %add3A_1865, %get3A_97 : vector<16xf32>
    tpu.vector_store_idx %arg12[%add3A_1872], %add3A_1873 : memref<6528xf32, #tpu.memory_space<vmem>>[vector<16xi32>], vector<16xf32>,
    %add3A_1874 = arith.constant 6001 : i32
    %add3A_1875 = vector.broadcast %add3A_1874 : i32 to vector<16xi32>
    %add3A_1876 = arith.addi %iota3A, %add3A_1875 : vector<16xi32>
    %add3A_1877 = arith.addf %add3A_1865, %get3A_99 : vector<16xf32>
    tpu.vector_store_idx %arg12[%add3A_1876], %add3A_1877 : memref<6528xf32, #tpu.memory_space<vmem>>[vector<16xi32>], vector<16xf32>,
    %get3A_1878 = arith.constant 352 : index
    %get3A_1879 = tpu.vector_load %arg10[%get3A_1878] {strides = array<i32>} : memref<512xf32, #tpu.memory_space<vmem>>, vector<16xf32>,
    %add3A_1880 = arith.addf %get3A_1547, %get3A_1879 : vector<16xf32>
    %add3A_1881 = arith.constant 6018 : i32
    %add3A_1882 = vector.broadcast %add3A_1881 : i32 to vector<16xi32>
    %add3A_1883 = arith.addi %iota3A, %add3A_1882 : vector<16xi32>
    %add3A_1884 = arith.addf %add3A_1880, %get3A_95 : vector<16xf32>
    tpu.vector_store_idx %arg12[%add3A_1883], %add3A_1884 : memref<6528xf32, #tpu.memory_space<vmem>>[vector<16xi32>], vector<16xf32>,
    %add3A_1885 = arith.constant 6035 : i32
    %add3A_1886 = vector.broadcast %add3A_1885 : i32 to vector<16xi32>
    %add3A_1887 = arith.addi %iota3A, %add3A_1886 : vector<16xi32>
    %add3A_1888 = arith.addf %add3A_1880, %get3A_97 : vector<16xf32>
    tpu.vector_store_idx %arg12[%add3A_1887], %add3A_1888 : memref<6528xf32, #tpu.memory_space<vmem>>[vector<16xi32>], vector<16xf32>,
    %add3A_1889 = arith.constant 6052 : i32
    %add3A_1890 = vector.broadcast %add3A_1889 : i32 to vector<16xi32>
    %add3A_1891 = arith.addi %iota3A, %add3A_1890 : vector<16xi32>
    %add3A_1892 = arith.addf %add3A_1880, %get3A_99 : vector<16xf32>
    tpu.vector_store_idx %arg12[%add3A_1891], %add3A_1892 : memref<6528xf32, #tpu.memory_space<vmem>>[vector<16xi32>], vector<16xf32>,
    %get3A_1893 = arith.constant 368 : index
    %get3A_1894 = tpu.vector_load %arg10[%get3A_1893] {strides = array<i32>} : memref<512xf32, #tpu.memory_space<vmem>>, vector<16xf32>,
    %add3A_1895 = arith.addf %get3A_1547, %get3A_1894 : vector<16xf32>
    %add3A_1896 = arith.constant 6069 : i32
    %add3A_1897 = vector.broadcast %add3A_1896 : i32 to vector<16xi32>
    %add3A_1898 = arith.addi %iota3A, %add3A_1897 : vector<16xi32>
    %add3A_1899 = arith.addf %add3A_1895, %get3A_95 : vector<16xf32>
    tpu.vector_store_idx %arg12[%add3A_1898], %add3A_1899 : memref<6528xf32, #tpu.memory_space<vmem>>[vector<16xi32>], vector<16xf32>,
    %add3A_1900 = arith.constant 6086 : i32
    %add3A_1901 = vector.broadcast %add3A_1900 : i32 to vector<16xi32>
    %add3A_1902 = arith.addi %iota3A, %add3A_1901 : vector<16xi32>
    %add3A_1903 = arith.addf %add3A_1895, %get3A_97 : vector<16xf32>
    tpu.vector_store_idx %arg12[%add3A_1902], %add3A_1903 : memref<6528xf32, #tpu.memory_space<vmem>>[vector<16xi32>], vector<16xf32>,
    %add3A_1904 = arith.constant 6103 : i32
    %add3A_1905 = vector.broadcast %add3A_1904 : i32 to vector<16xi32>
    %add3A_1906 = arith.addi %iota3A, %add3A_1905 : vector<16xi32>
    %add3A_1907 = arith.addf %add3A_1895, %get3A_99 : vector<16xf32>
    tpu.vector_store_idx %arg12[%add3A_1906], %add3A_1907 : memref<6528xf32, #tpu.memory_space<vmem>>[vector<16xi32>], vector<16xf32>,
    %get3A_1908 = arith.constant 384 : index
    %get3A_1909 = tpu.vector_load %arg10[%get3A_1908] {strides = array<i32>} : memref<512xf32, #tpu.memory_space<vmem>>, vector<16xf32>,
    %add3A_1910 = arith.addf %get3A_1547, %get3A_1909 : vector<16xf32>
    %add3A_1911 = arith.constant 6120 : i32
    %add3A_1912 = vector.broadcast %add3A_1911 : i32 to vector<16xi32>
    %add3A_1913 = arith.addi %iota3A, %add3A_1912 : vector<16xi32>
    %add3A_1914 = arith.addf %add3A_1910, %get3A_95 : vector<16xf32>
    tpu.vector_store_idx %arg12[%add3A_1913], %add3A_1914 : memref<6528xf32, #tpu.memory_space<vmem>>[vector<16xi32>], vector<16xf32>,
    %add3A_1915 = arith.constant 6137 : i32
    %add3A_1916 = vector.broadcast %add3A_1915 : i32 to vector<16xi32>
    %add3A_1917 = arith.addi %iota3A, %add3A_1916 : vector<16xi32>
    %add3A_1918 = arith.addf %add3A_1910, %get3A_97 : vector<16xf32>
    tpu.vector_store_idx %arg12[%add3A_1917], %add3A_1918 : memref<6528xf32, #tpu.memory_space<vmem>>[vector<16xi32>], vector<16xf32>,
    %add3A_1919 = arith.constant 6154 : i32
    %add3A_1920 = vector.broadcast %add3A_1919 : i32 to vector<16xi32>
    %add3A_1921 = arith.addi %iota3A, %add3A_1920 : vector<16xi32>
    %add3A_1922 = arith.addf %add3A_1910, %get3A_99 : vector<16xf32>
    tpu.vector_store_idx %arg12[%add3A_1921], %add3A_1922 : memref<6528xf32, #tpu.memory_space<vmem>>[vector<16xi32>], vector<16xf32>,
    %get3A_1923 = arith.constant 400 : index
    %get3A_1924 = tpu.vector_load %arg10[%get3A_1923] {strides = array<i32>} : memref<512xf32, #tpu.memory_space<vmem>>, vector<16xf32>,
    %add3A_1925 = arith.addf %get3A_1547, %get3A_1924 : vector<16xf32>
    %add3A_1926 = arith.constant 6171 : i32
    %add3A_1927 = vector.broadcast %add3A_1926 : i32 to vector<16xi32>
    %add3A_1928 = arith.addi %iota3A, %add3A_1927 : vector<16xi32>
    %add3A_1929 = arith.addf %add3A_1925, %get3A_95 : vector<16xf32>
    tpu.vector_store_idx %arg12[%add3A_1928], %add3A_1929 : memref<6528xf32, #tpu.memory_space<vmem>>[vector<16xi32>], vector<16xf32>,
    %add3A_1930 = arith.constant 6188 : i32
    %add3A_1931 = vector.broadcast %add3A_1930 : i32 to vector<16xi32>
    %add3A_1932 = arith.addi %iota3A, %add3A_1931 : vector<16xi32>
    %add3A_1933 = arith.addf %add3A_1925, %get3A_97 : vector<16xf32>
    tpu.vector_store_idx %arg12[%add3A_1932], %add3A_1933 : memref<6528xf32, #tpu.memory_space<vmem>>[vector<16xi32>], vector<16xf32>,
    %add3A_1934 = arith.constant 6205 : i32
    %add3A_1935 = vector.broadcast %add3A_1934 : i32 to vector<16xi32>
    %add3A_1936 = arith.addi %iota3A, %add3A_1935 : vector<16xi32>
    %add3A_1937 = arith.addf %add3A_1925, %get3A_99 : vector<16xf32>
    tpu.vector_store_idx %arg12[%add3A_1936], %add3A_1937 : memref<6528xf32, #tpu.memory_space<vmem>>[vector<16xi32>], vector<16xf32>,
    %get3A_1938 = arith.constant 416 : index
    %get3A_1939 = tpu.vector_load %arg10[%get3A_1938] {strides = array<i32>} : memref<512xf32, #tpu.memory_space<vmem>>, vector<16xf32>,
    %add3A_1940 = arith.addf %get3A_1547, %get3A_1939 : vector<16xf32>
    %add3A_1941 = arith.constant 6222 : i32
    %add3A_1942 = vector.broadcast %add3A_1941 : i32 to vector<16xi32>
    %add3A_1943 = arith.addi %iota3A, %add3A_1942 : vector<16xi32>
    %add3A_1944 = arith.addf %add3A_1940, %get3A_95 : vector<16xf32>
    tpu.vector_store_idx %arg12[%add3A_1943], %add3A_1944 : memref<6528xf32, #tpu.memory_space<vmem>>[vector<16xi32>], vector<16xf32>,
    %add3A_1945 = arith.constant 6239 : i32
    %add3A_1946 = vector.broadcast %add3A_1945 : i32 to vector<16xi32>
    %add3A_1947 = arith.addi %iota3A, %add3A_1946 : vector<16xi32>
    %add3A_1948 = arith.addf %add3A_1940, %get3A_97 : vector<16xf32>
    tpu.vector_store_idx %arg12[%add3A_1947], %add3A_1948 : memref<6528xf32, #tpu.memory_space<vmem>>[vector<16xi32>], vector<16xf32>,
    %add3A_1949 = arith.constant 6256 : i32
    %add3A_1950 = vector.broadcast %add3A_1949 : i32 to vector<16xi32>
    %add3A_1951 = arith.addi %iota3A, %add3A_1950 : vector<16xi32>
    %add3A_1952 = arith.addf %add3A_1940, %get3A_99 : vector<16xf32>
    tpu.vector_store_idx %arg12[%add3A_1951], %add3A_1952 : memref<6528xf32, #tpu.memory_space<vmem>>[vector<16xi32>], vector<16xf32>,
    %get3A_1953 = arith.constant 432 : index
    %get3A_1954 = tpu.vector_load %arg10[%get3A_1953] {strides = array<i32>} : memref<512xf32, #tpu.memory_space<vmem>>, vector<16xf32>,
    %add3A_1955 = arith.addf %get3A_1547, %get3A_1954 : vector<16xf32>
    %add3A_1956 = arith.constant 6273 : i32
    %add3A_1957 = vector.broadcast %add3A_1956 : i32 to vector<16xi32>
    %add3A_1958 = arith.addi %iota3A, %add3A_1957 : vector<16xi32>
    %add3A_1959 = arith.addf %add3A_1955, %get3A_95 : vector<16xf32>
    tpu.vector_store_idx %arg12[%add3A_1958], %add3A_1959 : memref<6528xf32, #tpu.memory_space<vmem>>[vector<16xi32>], vector<16xf32>,
    %add3A_1960 = arith.constant 6290 : i32
    %add3A_1961 = vector.broadcast %add3A_1960 : i32 to vector<16xi32>
    %add3A_1962 = arith.addi %iota3A, %add3A_1961 : vector<16xi32>
    %add3A_1963 = arith.addf %add3A_1955, %get3A_97 : vector<16xf32>
    tpu.vector_store_idx %arg12[%add3A_1962], %add3A_1963 : memref<6528xf32, #tpu.memory_space<vmem>>[vector<16xi32>], vector<16xf32>,
    %add3A_1964 = arith.constant 6307 : i32
    %add3A_1965 = vector.broadcast %add3A_1964 : i32 to vector<16xi32>
    %add3A_1966 = arith.addi %iota3A, %add3A_1965 : vector<16xi32>
    %add3A_1967 = arith.addf %add3A_1955, %get3A_99 : vector<16xf32>
    tpu.vector_store_idx %arg12[%add3A_1966], %add3A_1967 : memref<6528xf32, #tpu.memory_space<vmem>>[vector<16xi32>], vector<16xf32>,
    %get3A_1968 = arith.constant 448 : index
    %get3A_1969 = tpu.vector_load %arg10[%get3A_1968] {strides = array<i32>} : memref<512xf32, #tpu.memory_space<vmem>>, vector<16xf32>,
    %add3A_1970 = arith.addf %get3A_1547, %get3A_1969 : vector<16xf32>
    %add3A_1971 = arith.constant 6324 : i32
    %add3A_1972 = vector.broadcast %add3A_1971 : i32 to vector<16xi32>
    %add3A_1973 = arith.addi %iota3A, %add3A_1972 : vector<16xi32>
    %add3A_1974 = arith.addf %add3A_1970, %get3A_95 : vector<16xf32>
    tpu.vector_store_idx %arg12[%add3A_1973], %add3A_1974 : memref<6528xf32, #tpu.memory_space<vmem>>[vector<16xi32>], vector<16xf32>,
    %add3A_1975 = arith.constant 6341 : i32
    %add3A_1976 = vector.broadcast %add3A_1975 : i32 to vector<16xi32>
    %add3A_1977 = arith.addi %iota3A, %add3A_1976 : vector<16xi32>
    %add3A_1978 = arith.addf %add3A_1970, %get3A_97 : vector<16xf32>
    tpu.vector_store_idx %arg12[%add3A_1977], %add3A_1978 : memref<6528xf32, #tpu.memory_space<vmem>>[vector<16xi32>], vector<16xf32>,
    %add3A_1979 = arith.constant 6358 : i32
    %add3A_1980 = vector.broadcast %add3A_1979 : i32 to vector<16xi32>
    %add3A_1981 = arith.addi %iota3A, %add3A_1980 : vector<16xi32>
    %add3A_1982 = arith.addf %add3A_1970, %get3A_99 : vector<16xf32>
    tpu.vector_store_idx %arg12[%add3A_1981], %add3A_1982 : memref<6528xf32, #tpu.memory_space<vmem>>[vector<16xi32>], vector<16xf32>,
    %get3A_1983 = arith.constant 464 : index
    %get3A_1984 = tpu.vector_load %arg10[%get3A_1983] {strides = array<i32>} : memref<512xf32, #tpu.memory_space<vmem>>, vector<16xf32>,
    %add3A_1985 = arith.addf %get3A_1547, %get3A_1984 : vector<16xf32>
    %add3A_1986 = arith.constant 6375 : i32
    %add3A_1987 = vector.broadcast %add3A_1986 : i32 to vector<16xi32>
    %add3A_1988 = arith.addi %iota3A, %add3A_1987 : vector<16xi32>
    %add3A_1989 = arith.addf %add3A_1985, %get3A_95 : vector<16xf32>
    tpu.vector_store_idx %arg12[%add3A_1988], %add3A_1989 : memref<6528xf32, #tpu.memory_space<vmem>>[vector<16xi32>], vector<16xf32>,
    %add3A_1990 = arith.constant 6392 : i32
    %add3A_1991 = vector.broadcast %add3A_1990 : i32 to vector<16xi32>
    %add3A_1992 = arith.addi %iota3A, %add3A_1991 : vector<16xi32>
    %add3A_1993 = arith.addf %add3A_1985, %get3A_97 : vector<16xf32>
    tpu.vector_store_idx %arg12[%add3A_1992], %add3A_1993 : memref<6528xf32, #tpu.memory_space<vmem>>[vector<16xi32>], vector<16xf32>,
    %add3A_1994 = arith.constant 6409 : i32
    %add3A_1995 = vector.broadcast %add3A_1994 : i32 to vector<16xi32>
    %add3A_1996 = arith.addi %iota3A, %add3A_1995 : vector<16xi32>
    %add3A_1997 = arith.addf %add3A_1985, %get3A_99 : vector<16xf32>
    tpu.vector_store_idx %arg12[%add3A_1996], %add3A_1997 : memref<6528xf32, #tpu.memory_space<vmem>>[vector<16xi32>], vector<16xf32>,
    %get3A_1998 = arith.constant 480 : index
    %get3A_1999 = tpu.vector_load %arg10[%get3A_1998] {strides = array<i32>} : memref<512xf32, #tpu.memory_space<vmem>>, vector<16xf32>,
    %add3A_2000 = arith.addf %get3A_1547, %get3A_1999 : vector<16xf32>
    %add3A_2001 = arith.constant 6426 : i32
    %add3A_2002 = vector.broadcast %add3A_2001 : i32 to vector<16xi32>
    %add3A_2003 = arith.addi %iota3A, %add3A_2002 : vector<16xi32>
    %add3A_2004 = arith.addf %add3A_2000, %get3A_95 : vector<16xf32>
    tpu.vector_store_idx %arg12[%add3A_2003], %add3A_2004 : memref<6528xf32, #tpu.memory_space<vmem>>[vector<16xi32>], vector<16xf32>,
    %add3A_2005 = arith.constant 6443 : i32
    %add3A_2006 = vector.broadcast %add3A_2005 : i32 to vector<16xi32>
    %add3A_2007 = arith.addi %iota3A, %add3A_2006 : vector<16xi32>
    %add3A_2008 = arith.addf %add3A_2000, %get3A_97 : vector<16xf32>
    tpu.vector_store_idx %arg12[%add3A_2007], %add3A_2008 : memref<6528xf32, #tpu.memory_space<vmem>>[vector<16xi32>], vector<16xf32>,
    %add3A_2009 = arith.constant 6460 : i32
    %add3A_2010 = vector.broadcast %add3A_2009 : i32 to vector<16xi32>
    %add3A_2011 = arith.addi %iota3A, %add3A_2010 : vector<16xi32>
    %add3A_2012 = arith.addf %add3A_2000, %get3A_99 : vector<16xf32>
    tpu.vector_store_idx %arg12[%add3A_2011], %add3A_2012 : memref<6528xf32, #tpu.memory_space<vmem>>[vector<16xi32>], vector<16xf32>,
    %get3A_2013 = arith.constant 496 : index
    %get3A_2014 = tpu.vector_load %arg10[%get3A_2013] {strides = array<i32>} : memref<512xf32, #tpu.memory_space<vmem>>, vector<16xf32>,
    %add3A_2015 = arith.addf %get3A_1547, %get3A_2014 : vector<16xf32>
    %add3A_2016 = arith.constant 6477 : i32
    %add3A_2017 = vector.broadcast %add3A_2016 : i32 to vector<16xi32>
    %add3A_2018 = arith.addi %iota3A, %add3A_2017 : vector<16xi32>
    %add3A_2019 = arith.addf %add3A_2015, %get3A_95 : vector<16xf32>
    tpu.vector_store_idx %arg12[%add3A_2018], %add3A_2019 : memref<6528xf32, #tpu.memory_space<vmem>>[vector<16xi32>], vector<16xf32>,
    %add3A_2020 = arith.constant 6494 : i32
    %add3A_2021 = vector.broadcast %add3A_2020 : i32 to vector<16xi32>
    %add3A_2022 = arith.addi %iota3A, %add3A_2021 : vector<16xi32>
    %add3A_2023 = arith.addf %add3A_2015, %get3A_97 : vector<16xf32>
    tpu.vector_store_idx %arg12[%add3A_2022], %add3A_2023 : memref<6528xf32, #tpu.memory_space<vmem>>[vector<16xi32>], vector<16xf32>,
    %add3A_2024 = arith.constant 6511 : i32
    %add3A_2025 = vector.broadcast %add3A_2024 : i32 to vector<16xi32>
    %add3A_2026 = arith.addi %iota3A, %add3A_2025 : vector<16xi32>
    %add3A_2027 = arith.addf %add3A_2015, %get3A_99 : vector<16xf32>
    tpu.vector_store_idx %arg12[%add3A_2026], %add3A_2027 : memref<6528xf32, #tpu.memory_space<vmem>>[vector<16xi32>], vector<16xf32>,
    %broadcast_in_dim3A = arith.constant 0 : i32
    %broadcast_in_dim3A_2028 = vector.broadcast %broadcast_in_dim3A : i32 to vector<16xi32>
    %scan3A = arith.constant 0 : i32
    %scan3A_2029 = arith.constant 0 : i32
    %scan3A_2030 = arith.constant 20 : i32
    %scan3A_2031 = arith.addi %scan3A_2029, %scan3A_2030 : i32
    %scan3A_2032 = arith.constant 1 : i32
    scf.for %scan3A_2063 = %scan3A_2029 to %scan3A_2031 step %scan3A_2032  : i32 {
      %mul3A_2064 = arith.constant 2 : i32
      %mul3A_2065 = arith.muli %scan3A_2063, %mul3A_2064 : i32
      %add3A_2066 = arith.constant 0 : i32
      %add3A_2067 = arith.addi %mul3A_2065, %add3A_2066 : i32
      %mul3A_2068 = arith.constant 32 : i32
      %mul3A_2069 = arith.muli %add3A_2067, %mul3A_2068 : i32
      %add3A_2070 = arith.addi %add3A, %mul3A_2069 : i32
      %lt3A = arith.constant 1250 : i32
      %lt3A_2071 = arith.cmpi slt, %add3A_2070, %lt3A : i32
      %convert_element_type3A = arith.extui %lt3A_2071 : i1 to i32
      %cond3A = arith.constant 0 : i32
      %cond3A_2072 = arith.cmpi ne, %convert_element_type3A, %cond3A : i32
      scf.if %cond3A_2072 {
        %dma_wait3A_2085 = arith.constant 0 : i32
        %dma_wait3A_2086 = arith.constant 0 : i32
        %dma_wait3A_2087 = tpu.memref_slice %arg13[%dma_wait3A_2085, %dma_wait3A_2086] : memref<2x2560xi32, #tpu.memory_space<vmem>> -> memref<1x2560xi32, #tpu.memory_space<vmem>>
        %dma_wait3A_2088 = tpu.memref_squeeze %dma_wait3A_2087 : memref<1x2560xi32, #tpu.memory_space<vmem>> -> memref<2560xi32, #tpu.memory_space<vmem>>
        %dma_wait3A_2089 = arith.constant 0 : i32
        %dma_wait3A_2090 = tpu.memref_slice %arg5[%dma_wait3A_2089] : memref<3200000xi32, #tpu.memory_space<hbm>> -> memref<2560xi32, #tpu.memory_space<hbm>>
        %dma_wait3A_2091 = arith.constant 0 : i32
        %dma_wait3A_2092 = tpu.memref_slice %arg13[%dma_wait3A_2085, %dma_wait3A_2091] : memref<2x2560xi32, #tpu.memory_space<vmem>> -> memref<1x2560xi32, #tpu.memory_space<vmem>>
        %dma_wait3A_2093 = tpu.memref_squeeze %dma_wait3A_2092 : memref<1x2560xi32, #tpu.memory_space<vmem>> -> memref<2560xi32, #tpu.memory_space<vmem>>
        %dma_wait3A_2094 = arith.constant 0 : i32
        %dma_wait3A_2095 = tpu.memref_slice %arg5[%dma_wait3A_2094] : memref<3200000xi32, #tpu.memory_space<hbm>> -> memref<2560xi32, #tpu.memory_space<hbm>>
        tpu.wait_dma2 semaphore(%arg18 : memref<!tpu.dma_semaphore, #tpu.memory_space<semaphore_mem>>) src(%dma_wait3A_2095 : memref<2560xi32, #tpu.memory_space<hbm>>) dst(%dma_wait3A_2093 : memref<2560xi32, #tpu.memory_space<vmem>>)
        %dma_wait3A_2096 = arith.constant 0 : i32
        %dma_wait3A_2097 = arith.constant 0 : i32
        %dma_wait3A_2098 = tpu.memref_slice %arg14[%dma_wait3A_2096, %dma_wait3A_2097] : memref<2x2560xi32, #tpu.memory_space<vmem>> -> memref<1x2560xi32, #tpu.memory_space<vmem>>
        %dma_wait3A_2099 = tpu.memref_squeeze %dma_wait3A_2098 : memref<1x2560xi32, #tpu.memory_space<vmem>> -> memref<2560xi32, #tpu.memory_space<vmem>>
        %dma_wait3A_2100 = arith.constant 0 : i32
        %dma_wait3A_2101 = tpu.memref_slice %arg5[%dma_wait3A_2100] : memref<3200000xi32, #tpu.memory_space<hbm>> -> memref<2560xi32, #tpu.memory_space<hbm>>
        %dma_wait3A_2102 = arith.constant 0 : i32
        %dma_wait3A_2103 = tpu.memref_slice %arg14[%dma_wait3A_2096, %dma_wait3A_2102] : memref<2x2560xi32, #tpu.memory_space<vmem>> -> memref<1x2560xi32, #tpu.memory_space<vmem>>
        %dma_wait3A_2104 = tpu.memref_squeeze %dma_wait3A_2103 : memref<1x2560xi32, #tpu.memory_space<vmem>> -> memref<2560xi32, #tpu.memory_space<vmem>>
        %dma_wait3A_2105 = arith.constant 0 : i32
        %dma_wait3A_2106 = tpu.memref_slice %arg5[%dma_wait3A_2105] : memref<3200000xi32, #tpu.memory_space<hbm>> -> memref<2560xi32, #tpu.memory_space<hbm>>
        tpu.wait_dma2 semaphore(%arg18 : memref<!tpu.dma_semaphore, #tpu.memory_space<semaphore_mem>>) src(%dma_wait3A_2106 : memref<2560xi32, #tpu.memory_space<hbm>>) dst(%dma_wait3A_2104 : memref<2560xi32, #tpu.memory_space<vmem>>)
        %dma_wait3A_2107 = arith.constant 0 : i32
        %dma_wait3A_2108 = arith.constant 0 : i32
        %dma_wait3A_2109 = tpu.memref_slice %arg15[%dma_wait3A_2107, %dma_wait3A_2108] : memref<2x2560xi32, #tpu.memory_space<vmem>> -> memref<1x2560xi32, #tpu.memory_space<vmem>>
        %dma_wait3A_2110 = tpu.memref_squeeze %dma_wait3A_2109 : memref<1x2560xi32, #tpu.memory_space<vmem>> -> memref<2560xi32, #tpu.memory_space<vmem>>
        %dma_wait3A_2111 = arith.constant 0 : i32
        %dma_wait3A_2112 = tpu.memref_slice %arg5[%dma_wait3A_2111] : memref<3200000xi32, #tpu.memory_space<hbm>> -> memref<2560xi32, #tpu.memory_space<hbm>>
        %dma_wait3A_2113 = arith.constant 0 : i32
        %dma_wait3A_2114 = tpu.memref_slice %arg15[%dma_wait3A_2107, %dma_wait3A_2113] : memref<2x2560xi32, #tpu.memory_space<vmem>> -> memref<1x2560xi32, #tpu.memory_space<vmem>>
        %dma_wait3A_2115 = tpu.memref_squeeze %dma_wait3A_2114 : memref<1x2560xi32, #tpu.memory_space<vmem>> -> memref<2560xi32, #tpu.memory_space<vmem>>
        %dma_wait3A_2116 = arith.constant 0 : i32
        %dma_wait3A_2117 = tpu.memref_slice %arg5[%dma_wait3A_2116] : memref<3200000xi32, #tpu.memory_space<hbm>> -> memref<2560xi32, #tpu.memory_space<hbm>>
        tpu.wait_dma2 semaphore(%arg18 : memref<!tpu.dma_semaphore, #tpu.memory_space<semaphore_mem>>) src(%dma_wait3A_2117 : memref<2560xi32, #tpu.memory_space<hbm>>) dst(%dma_wait3A_2115 : memref<2560xi32, #tpu.memory_space<vmem>>)
        %dma_wait3A_2118 = arith.constant 0 : i32
        %dma_wait3A_2119 = arith.constant 0 : i32
        %dma_wait3A_2120 = tpu.memref_slice %arg16[%dma_wait3A_2118, %dma_wait3A_2119] : memref<2x2560xi32, #tpu.memory_space<vmem>> -> memref<1x2560xi32, #tpu.memory_space<vmem>>
        %dma_wait3A_2121 = tpu.memref_squeeze %dma_wait3A_2120 : memref<1x2560xi32, #tpu.memory_space<vmem>> -> memref<2560xi32, #tpu.memory_space<vmem>>
        %dma_wait3A_2122 = arith.constant 0 : i32
        %dma_wait3A_2123 = tpu.memref_slice %arg5[%dma_wait3A_2122] : memref<3200000xi32, #tpu.memory_space<hbm>> -> memref<2560xi32, #tpu.memory_space<hbm>>
        %dma_wait3A_2124 = arith.constant 0 : i32
        %dma_wait3A_2125 = tpu.memref_slice %arg16[%dma_wait3A_2118, %dma_wait3A_2124] : memref<2x2560xi32, #tpu.memory_space<vmem>> -> memref<1x2560xi32, #tpu.memory_space<vmem>>
        %dma_wait3A_2126 = tpu.memref_squeeze %dma_wait3A_2125 : memref<1x2560xi32, #tpu.memory_space<vmem>> -> memref<2560xi32, #tpu.memory_space<vmem>>
        %dma_wait3A_2127 = arith.constant 0 : i32
        %dma_wait3A_2128 = tpu.memref_slice %arg5[%dma_wait3A_2127] : memref<3200000xi32, #tpu.memory_space<hbm>> -> memref<2560xi32, #tpu.memory_space<hbm>>
        tpu.wait_dma2 semaphore(%arg18 : memref<!tpu.dma_semaphore, #tpu.memory_space<semaphore_mem>>) src(%dma_wait3A_2128 : memref<2560xi32, #tpu.memory_space<hbm>>) dst(%dma_wait3A_2126 : memref<2560xi32, #tpu.memory_space<vmem>>)
        %gt3A = arith.constant 0 : i32
        %gt3A_2129 = arith.cmpi sgt, %scan3A_2063, %gt3A : i32
        %convert_element_type3A_2130 = arith.extui %gt3A_2129 : i1 to i32
        %cond3A_2131 = arith.constant 0 : i32
        %cond3A_2132 = arith.cmpi ne, %convert_element_type3A_2130, %cond3A_2131 : i32
        scf.if %cond3A_2132 {
          %dma_wait3A_2165 = arith.constant 0 : i32
          %dma_wait3A_2166 = arith.constant 0 : i32
          %dma_wait3A_2167 = arith.constant 0 : i32
          %dma_wait3A_2168 = tpu.memref_slice %arg17[%dma_wait3A_2165, %dma_wait3A_2166, %dma_wait3A_2167] : memref<2x16x2560xf32, #tpu.memory_space<vmem>> -> memref<1x16x2560xf32, #tpu.memory_space<vmem>>
          %dma_wait3A_2169 = tpu.memref_squeeze %dma_wait3A_2168 : memref<1x16x2560xf32, #tpu.memory_space<vmem>> -> memref<16x2560xf32, #tpu.memory_space<vmem>>
          %dma_wait3A_2170 = arith.constant 0 : i32
          %dma_wait3A_2171 = arith.constant 0 : i32
          %dma_wait3A_2172 = tpu.memref_slice %arg8[%dma_wait3A_2170, %dma_wait3A_2171] : memref<16x3200000xf32, #tpu.memory_space<hbm>> -> memref<16x2560xf32, #tpu.memory_space<hbm>>
          %dma_wait3A_2173 = arith.constant 0 : i32
          %dma_wait3A_2174 = arith.constant 0 : i32
          %dma_wait3A_2175 = tpu.memref_slice %arg8[%dma_wait3A_2173, %dma_wait3A_2174] : memref<16x3200000xf32, #tpu.memory_space<hbm>> -> memref<16x2560xf32, #tpu.memory_space<hbm>>
          %dma_wait3A_2176 = arith.constant 0 : i32
          %dma_wait3A_2177 = arith.constant 0 : i32
          %dma_wait3A_2178 = tpu.memref_slice %arg17[%dma_wait3A_2165, %dma_wait3A_2176, %dma_wait3A_2177] : memref<2x16x2560xf32, #tpu.memory_space<vmem>> -> memref<1x16x2560xf32, #tpu.memory_space<vmem>>
          %dma_wait3A_2179 = tpu.memref_squeeze %dma_wait3A_2178 : memref<1x16x2560xf32, #tpu.memory_space<vmem>> -> memref<16x2560xf32, #tpu.memory_space<vmem>>
          tpu.wait_dma2 semaphore(%arg19 : memref<!tpu.dma_semaphore, #tpu.memory_space<semaphore_mem>>) src(%dma_wait3A_2179 : memref<16x2560xf32, #tpu.memory_space<vmem>>) dst(%dma_wait3A_2175 : memref<16x2560xf32, #tpu.memory_space<hbm>>)
        } else {
        }
        %parallel_loop3A = arith.constant 0 : i32
        %parallel_loop3A_2133 = arith.constant 160 : i32
        %parallel_loop3A_2134 = arith.constant 1 : i32
        scf.for %parallel_loop3A_2165 = %parallel_loop3A to %parallel_loop3A_2133 step %parallel_loop3A_2134  : i32 {
          %parallel_loop3A_2166 = arith.constant 16 : i32
          %parallel_loop3A_2167 = arith.muli %parallel_loop3A_2165, %parallel_loop3A_2166 : i32
          %parallel_loop3A_2168 = arith.constant 0 : i32
          %parallel_loop3A_2169 = arith.index_cast %parallel_loop3A_2168 : i32 to index
          %parallel_loop3A_2170 = arith.index_cast %parallel_loop3A_2167 : i32 to index
          %parallel_loop3A_2171 = tpu.vector_load %arg13[%parallel_loop3A_2169, %parallel_loop3A_2170] {strides = array<i32>} : memref<2x2560xi32, #tpu.memory_space<vmem>>, vector<16xi32>,
          %parallel_loop3A_2172 = arith.constant 0 : i32
          %parallel_loop3A_2173 = arith.index_cast %parallel_loop3A_2172 : i32 to index
          %parallel_loop3A_2174 = arith.index_cast %parallel_loop3A_2167 : i32 to index
          %parallel_loop3A_2175 = tpu.vector_load %arg14[%parallel_loop3A_2173, %parallel_loop3A_2174] {strides = array<i32>} : memref<2x2560xi32, #tpu.memory_space<vmem>>, vector<16xi32>,
          %parallel_loop3A_2176 = arith.maxsi %parallel_loop3A_2175, %broadcast_in_dim3A_2028 : vector<16xi32>
          %parallel_loop3A_2177 = arith.constant 31 : i32
          %parallel_loop3A_2178 = vector.broadcast %parallel_loop3A_2177 : i32 to vector<16xi32>
          %parallel_loop3A_2179 = arith.addi %broadcast_in_dim3A_2028, %parallel_loop3A_2178 : vector<16xi32>
          %parallel_loop3A_2180 = arith.minsi %parallel_loop3A_2176, %parallel_loop3A_2179 : vector<16xi32>
          %parallel_loop3A_2181 = arith.constant 0 : i32
          %parallel_loop3A_2182 = arith.index_cast %parallel_loop3A_2181 : i32 to index
          %parallel_loop3A_2183 = arith.index_cast %parallel_loop3A_2167 : i32 to index
          %parallel_loop3A_2184 = tpu.vector_load %arg15[%parallel_loop3A_2182, %parallel_loop3A_2183] {strides = array<i32>} : memref<2x2560xi32, #tpu.memory_space<vmem>>, vector<16xi32>,
          %parallel_loop3A_2185 = arith.constant 0 : i32
          %parallel_loop3A_2186 = arith.index_cast %parallel_loop3A_2185 : i32 to index
          %parallel_loop3A_2187 = arith.index_cast %parallel_loop3A_2167 : i32 to index
          %parallel_loop3A_2188 = tpu.vector_load %arg16[%parallel_loop3A_2186, %parallel_loop3A_2187] {strides = array<i32>} : memref<2x2560xi32, #tpu.memory_space<vmem>>, vector<16xi32>,
          %parallel_loop3A_2189 = arith.subi %parallel_loop3A_2184, %parallel_loop3A_2188 : vector<16xi32>
          %parallel_loop3A_2190 = arith.constant 0 : i32
          %parallel_loop3A_2191 = vector.broadcast %parallel_loop3A_2190 : i32 to vector<16xi32>
          %parallel_loop3A_2192 = arith.cmpi sgt, %parallel_loop3A_2189, %parallel_loop3A_2191 : vector<16xi32>
          %parallel_loop3A_2193 = arith.constant 2 : i32
          %parallel_loop3A_2194 = vector.broadcast %parallel_loop3A_2193 : i32 to vector<16xi32>
          %parallel_loop3A_2195 = arith.addi %broadcast_in_dim3A_2028, %parallel_loop3A_2194 : vector<16xi32>
          %parallel_loop3A_2196 = arith.constant 0 : i32
          %parallel_loop3A_2197 = vector.broadcast %parallel_loop3A_2196 : i32 to vector<16xi32>
          %parallel_loop3A_2198 = arith.cmpi slt, %parallel_loop3A_2189, %parallel_loop3A_2197 : vector<16xi32>
          %parallel_loop3A_2199 = arith.constant 1 : i32
          %parallel_loop3A_2200 = vector.broadcast %parallel_loop3A_2199 : i32 to vector<16xi32>
          %parallel_loop3A_2201 = arith.addi %broadcast_in_dim3A_2028, %parallel_loop3A_2200 : vector<16xi32>
          %parallel_loop3A_2202 = arith.select %parallel_loop3A_2198, %broadcast_in_dim3A_2028, %parallel_loop3A_2201 : vector<16xi1>, vector<16xi32>
          %parallel_loop3A_2203 = arith.select %parallel_loop3A_2192, %parallel_loop3A_2195, %parallel_loop3A_2202 : vector<16xi1>, vector<16xi32>
          %parallel_loop3A_2204 = arith.constant 96 : i32
          %parallel_loop3A_2205 = vector.broadcast %parallel_loop3A_2204 : i32 to vector<16xi32>
          %parallel_loop3A_2206 = arith.muli %parallel_loop3A_2171, %parallel_loop3A_2205 : vector<16xi32>
          %parallel_loop3A_2207 = arith.constant 3 : i32
          %parallel_loop3A_2208 = vector.broadcast %parallel_loop3A_2207 : i32 to vector<16xi32>
          %parallel_loop3A_2209 = arith.muli %parallel_loop3A_2180, %parallel_loop3A_2208 : vector<16xi32>
          %parallel_loop3A_2210 = arith.addi %parallel_loop3A_2206, %parallel_loop3A_2209 : vector<16xi32>
          %parallel_loop3A_2211 = arith.addi %parallel_loop3A_2210, %parallel_loop3A_2203 : vector<16xi32>
          %parallel_loop3A_2212 = arith.constant 17 : i32
          %parallel_loop3A_2213 = vector.broadcast %parallel_loop3A_2212 : i32 to vector<16xi32>
          %parallel_loop3A_2214 = arith.muli %parallel_loop3A_2211, %parallel_loop3A_2213 : vector<16xi32>
          %parallel_loop3A_2215 = arith.constant 0 : i32
          %parallel_loop3A_2216 = vector.broadcast %parallel_loop3A_2215 : i32 to vector<16xi32>
          %parallel_loop3A_2217 = arith.addi %parallel_loop3A_2214, %parallel_loop3A_2216 : vector<16xi32>
          %parallel_loop3A_2218 = tpu.vector_load_idx %arg12[%parallel_loop3A_2217] : memref<6528xf32, #tpu.memory_space<vmem>>[vector<16xi32>], vector<16xf32>,
          %parallel_loop3A_2219 = arith.constant 0 : i32
          %parallel_loop3A_2220 = arith.constant 0 : i32
          %parallel_loop3A_2221 = arith.index_cast %parallel_loop3A_2219 : i32 to index
          %parallel_loop3A_2222 = arith.index_cast %parallel_loop3A_2220 : i32 to index
          %parallel_loop3A_2223 = arith.index_cast %parallel_loop3A_2167 : i32 to index
          %parallel_loop3A_2224 = tpu.vector_load %arg17[%parallel_loop3A_2221, %parallel_loop3A_2222, %parallel_loop3A_2223] {strides = array<i32>} : memref<2x16x2560xf32, #tpu.memory_space<vmem>>, vector<16xf32>,
          tpu.vector_store %arg17[%parallel_loop3A_2221, %parallel_loop3A_2222, %parallel_loop3A_2223], %parallel_loop3A_2218 {strides = array<i32>} : memref<2x16x2560xf32, #tpu.memory_space<vmem>>, vector<16xf32>,
          %parallel_loop3A_2225 = arith.constant 1 : i32
          %parallel_loop3A_2226 = vector.broadcast %parallel_loop3A_2225 : i32 to vector<16xi32>
          %parallel_loop3A_2227 = arith.addi %parallel_loop3A_2214, %parallel_loop3A_2226 : vector<16xi32>
          %parallel_loop3A_2228 = tpu.vector_load_idx %arg12[%parallel_loop3A_2227] : memref<6528xf32, #tpu.memory_space<vmem>>[vector<16xi32>], vector<16xf32>,
          %parallel_loop3A_2229 = arith.constant 0 : i32
          %parallel_loop3A_2230 = arith.constant 1 : i32
          %parallel_loop3A_2231 = arith.index_cast %parallel_loop3A_2229 : i32 to index
          %parallel_loop3A_2232 = arith.index_cast %parallel_loop3A_2230 : i32 to index
          %parallel_loop3A_2233 = arith.index_cast %parallel_loop3A_2167 : i32 to index
          %parallel_loop3A_2234 = tpu.vector_load %arg17[%parallel_loop3A_2231, %parallel_loop3A_2232, %parallel_loop3A_2233] {strides = array<i32>} : memref<2x16x2560xf32, #tpu.memory_space<vmem>>, vector<16xf32>,
          tpu.vector_store %arg17[%parallel_loop3A_2231, %parallel_loop3A_2232, %parallel_loop3A_2233], %parallel_loop3A_2228 {strides = array<i32>} : memref<2x16x2560xf32, #tpu.memory_space<vmem>>, vector<16xf32>,
          %parallel_loop3A_2235 = arith.constant 2 : i32
          %parallel_loop3A_2236 = vector.broadcast %parallel_loop3A_2235 : i32 to vector<16xi32>
          %parallel_loop3A_2237 = arith.addi %parallel_loop3A_2214, %parallel_loop3A_2236 : vector<16xi32>
          %parallel_loop3A_2238 = tpu.vector_load_idx %arg12[%parallel_loop3A_2237] : memref<6528xf32, #tpu.memory_space<vmem>>[vector<16xi32>], vector<16xf32>,
          %parallel_loop3A_2239 = arith.constant 0 : i32
          %parallel_loop3A_2240 = arith.constant 2 : i32
          %parallel_loop3A_2241 = arith.index_cast %parallel_loop3A_2239 : i32 to index
          %parallel_loop3A_2242 = arith.index_cast %parallel_loop3A_2240 : i32 to index
          %parallel_loop3A_2243 = arith.index_cast %parallel_loop3A_2167 : i32 to index
          %parallel_loop3A_2244 = tpu.vector_load %arg17[%parallel_loop3A_2241, %parallel_loop3A_2242, %parallel_loop3A_2243] {strides = array<i32>} : memref<2x16x2560xf32, #tpu.memory_space<vmem>>, vector<16xf32>,
          tpu.vector_store %arg17[%parallel_loop3A_2241, %parallel_loop3A_2242, %parallel_loop3A_2243], %parallel_loop3A_2238 {strides = array<i32>} : memref<2x16x2560xf32, #tpu.memory_space<vmem>>, vector<16xf32>,
          %parallel_loop3A_2245 = arith.constant 3 : i32
          %parallel_loop3A_2246 = vector.broadcast %parallel_loop3A_2245 : i32 to vector<16xi32>
          %parallel_loop3A_2247 = arith.addi %parallel_loop3A_2214, %parallel_loop3A_2246 : vector<16xi32>
          %parallel_loop3A_2248 = tpu.vector_load_idx %arg12[%parallel_loop3A_2247] : memref<6528xf32, #tpu.memory_space<vmem>>[vector<16xi32>], vector<16xf32>,
          %parallel_loop3A_2249 = arith.constant 0 : i32
          %parallel_loop3A_2250 = arith.constant 3 : i32
          %parallel_loop3A_2251 = arith.index_cast %parallel_loop3A_2249 : i32 to index
          %parallel_loop3A_2252 = arith.index_cast %parallel_loop3A_2250 : i32 to index
          %parallel_loop3A_2253 = arith.index_cast %parallel_loop3A_2167 : i32 to index
          %parallel_loop3A_2254 = tpu.vector_load %arg17[%parallel_loop3A_2251, %parallel_loop3A_2252, %parallel_loop3A_2253] {strides = array<i32>} : memref<2x16x2560xf32, #tpu.memory_space<vmem>>, vector<16xf32>,
          tpu.vector_store %arg17[%parallel_loop3A_2251, %parallel_loop3A_2252, %parallel_loop3A_2253], %parallel_loop3A_2248 {strides = array<i32>} : memref<2x16x2560xf32, #tpu.memory_space<vmem>>, vector<16xf32>,
          %parallel_loop3A_2255 = arith.constant 4 : i32
          %parallel_loop3A_2256 = vector.broadcast %parallel_loop3A_2255 : i32 to vector<16xi32>
          %parallel_loop3A_2257 = arith.addi %parallel_loop3A_2214, %parallel_loop3A_2256 : vector<16xi32>
          %parallel_loop3A_2258 = tpu.vector_load_idx %arg12[%parallel_loop3A_2257] : memref<6528xf32, #tpu.memory_space<vmem>>[vector<16xi32>], vector<16xf32>,
          %parallel_loop3A_2259 = arith.constant 0 : i32
          %parallel_loop3A_2260 = arith.constant 4 : i32
          %parallel_loop3A_2261 = arith.index_cast %parallel_loop3A_2259 : i32 to index
          %parallel_loop3A_2262 = arith.index_cast %parallel_loop3A_2260 : i32 to index
          %parallel_loop3A_2263 = arith.index_cast %parallel_loop3A_2167 : i32 to index
          %parallel_loop3A_2264 = tpu.vector_load %arg17[%parallel_loop3A_2261, %parallel_loop3A_2262, %parallel_loop3A_2263] {strides = array<i32>} : memref<2x16x2560xf32, #tpu.memory_space<vmem>>, vector<16xf32>,
          tpu.vector_store %arg17[%parallel_loop3A_2261, %parallel_loop3A_2262, %parallel_loop3A_2263], %parallel_loop3A_2258 {strides = array<i32>} : memref<2x16x2560xf32, #tpu.memory_space<vmem>>, vector<16xf32>,
          %parallel_loop3A_2265 = arith.constant 5 : i32
          %parallel_loop3A_2266 = vector.broadcast %parallel_loop3A_2265 : i32 to vector<16xi32>
          %parallel_loop3A_2267 = arith.addi %parallel_loop3A_2214, %parallel_loop3A_2266 : vector<16xi32>
          %parallel_loop3A_2268 = tpu.vector_load_idx %arg12[%parallel_loop3A_2267] : memref<6528xf32, #tpu.memory_space<vmem>>[vector<16xi32>], vector<16xf32>,
          %parallel_loop3A_2269 = arith.constant 0 : i32
          %parallel_loop3A_2270 = arith.constant 5 : i32
          %parallel_loop3A_2271 = arith.index_cast %parallel_loop3A_2269 : i32 to index
          %parallel_loop3A_2272 = arith.index_cast %parallel_loop3A_2270 : i32 to index
          %parallel_loop3A_2273 = arith.index_cast %parallel_loop3A_2167 : i32 to index
          %parallel_loop3A_2274 = tpu.vector_load %arg17[%parallel_loop3A_2271, %parallel_loop3A_2272, %parallel_loop3A_2273] {strides = array<i32>} : memref<2x16x2560xf32, #tpu.memory_space<vmem>>, vector<16xf32>,
          tpu.vector_store %arg17[%parallel_loop3A_2271, %parallel_loop3A_2272, %parallel_loop3A_2273], %parallel_loop3A_2268 {strides = array<i32>} : memref<2x16x2560xf32, #tpu.memory_space<vmem>>, vector<16xf32>,
          %parallel_loop3A_2275 = arith.constant 6 : i32
          %parallel_loop3A_2276 = vector.broadcast %parallel_loop3A_2275 : i32 to vector<16xi32>
          %parallel_loop3A_2277 = arith.addi %parallel_loop3A_2214, %parallel_loop3A_2276 : vector<16xi32>
          %parallel_loop3A_2278 = tpu.vector_load_idx %arg12[%parallel_loop3A_2277] : memref<6528xf32, #tpu.memory_space<vmem>>[vector<16xi32>], vector<16xf32>,
          %parallel_loop3A_2279 = arith.constant 0 : i32
          %parallel_loop3A_2280 = arith.constant 6 : i32
          %parallel_loop3A_2281 = arith.index_cast %parallel_loop3A_2279 : i32 to index
          %parallel_loop3A_2282 = arith.index_cast %parallel_loop3A_2280 : i32 to index
          %parallel_loop3A_2283 = arith.index_cast %parallel_loop3A_2167 : i32 to index
          %parallel_loop3A_2284 = tpu.vector_load %arg17[%parallel_loop3A_2281, %parallel_loop3A_2282, %parallel_loop3A_2283] {strides = array<i32>} : memref<2x16x2560xf32, #tpu.memory_space<vmem>>, vector<16xf32>,
          tpu.vector_store %arg17[%parallel_loop3A_2281, %parallel_loop3A_2282, %parallel_loop3A_2283], %parallel_loop3A_2278 {strides = array<i32>} : memref<2x16x2560xf32, #tpu.memory_space<vmem>>, vector<16xf32>,
          %parallel_loop3A_2285 = arith.constant 7 : i32
          %parallel_loop3A_2286 = vector.broadcast %parallel_loop3A_2285 : i32 to vector<16xi32>
          %parallel_loop3A_2287 = arith.addi %parallel_loop3A_2214, %parallel_loop3A_2286 : vector<16xi32>
          %parallel_loop3A_2288 = tpu.vector_load_idx %arg12[%parallel_loop3A_2287] : memref<6528xf32, #tpu.memory_space<vmem>>[vector<16xi32>], vector<16xf32>,
          %parallel_loop3A_2289 = arith.constant 0 : i32
          %parallel_loop3A_2290 = arith.constant 7 : i32
          %parallel_loop3A_2291 = arith.index_cast %parallel_loop3A_2289 : i32 to index
          %parallel_loop3A_2292 = arith.index_cast %parallel_loop3A_2290 : i32 to index
          %parallel_loop3A_2293 = arith.index_cast %parallel_loop3A_2167 : i32 to index
          %parallel_loop3A_2294 = tpu.vector_load %arg17[%parallel_loop3A_2291, %parallel_loop3A_2292, %parallel_loop3A_2293] {strides = array<i32>} : memref<2x16x2560xf32, #tpu.memory_space<vmem>>, vector<16xf32>,
          tpu.vector_store %arg17[%parallel_loop3A_2291, %parallel_loop3A_2292, %parallel_loop3A_2293], %parallel_loop3A_2288 {strides = array<i32>} : memref<2x16x2560xf32, #tpu.memory_space<vmem>>, vector<16xf32>,
          %parallel_loop3A_2295 = arith.constant 8 : i32
          %parallel_loop3A_2296 = vector.broadcast %parallel_loop3A_2295 : i32 to vector<16xi32>
          %parallel_loop3A_2297 = arith.addi %parallel_loop3A_2214, %parallel_loop3A_2296 : vector<16xi32>
          %parallel_loop3A_2298 = tpu.vector_load_idx %arg12[%parallel_loop3A_2297] : memref<6528xf32, #tpu.memory_space<vmem>>[vector<16xi32>], vector<16xf32>,
          %parallel_loop3A_2299 = arith.constant 0 : i32
          %parallel_loop3A_2300 = arith.constant 8 : i32
          %parallel_loop3A_2301 = arith.index_cast %parallel_loop3A_2299 : i32 to index
          %parallel_loop3A_2302 = arith.index_cast %parallel_loop3A_2300 : i32 to index
          %parallel_loop3A_2303 = arith.index_cast %parallel_loop3A_2167 : i32 to index
          %parallel_loop3A_2304 = tpu.vector_load %arg17[%parallel_loop3A_2301, %parallel_loop3A_2302, %parallel_loop3A_2303] {strides = array<i32>} : memref<2x16x2560xf32, #tpu.memory_space<vmem>>, vector<16xf32>,
          tpu.vector_store %arg17[%parallel_loop3A_2301, %parallel_loop3A_2302, %parallel_loop3A_2303], %parallel_loop3A_2298 {strides = array<i32>} : memref<2x16x2560xf32, #tpu.memory_space<vmem>>, vector<16xf32>,
          %parallel_loop3A_2305 = arith.constant 9 : i32
          %parallel_loop3A_2306 = vector.broadcast %parallel_loop3A_2305 : i32 to vector<16xi32>
          %parallel_loop3A_2307 = arith.addi %parallel_loop3A_2214, %parallel_loop3A_2306 : vector<16xi32>
          %parallel_loop3A_2308 = tpu.vector_load_idx %arg12[%parallel_loop3A_2307] : memref<6528xf32, #tpu.memory_space<vmem>>[vector<16xi32>], vector<16xf32>,
          %parallel_loop3A_2309 = arith.constant 0 : i32
          %parallel_loop3A_2310 = arith.constant 9 : i32
          %parallel_loop3A_2311 = arith.index_cast %parallel_loop3A_2309 : i32 to index
          %parallel_loop3A_2312 = arith.index_cast %parallel_loop3A_2310 : i32 to index
          %parallel_loop3A_2313 = arith.index_cast %parallel_loop3A_2167 : i32 to index
          %parallel_loop3A_2314 = tpu.vector_load %arg17[%parallel_loop3A_2311, %parallel_loop3A_2312, %parallel_loop3A_2313] {strides = array<i32>} : memref<2x16x2560xf32, #tpu.memory_space<vmem>>, vector<16xf32>,
          tpu.vector_store %arg17[%parallel_loop3A_2311, %parallel_loop3A_2312, %parallel_loop3A_2313], %parallel_loop3A_2308 {strides = array<i32>} : memref<2x16x2560xf32, #tpu.memory_space<vmem>>, vector<16xf32>,
          %parallel_loop3A_2315 = arith.constant 10 : i32
          %parallel_loop3A_2316 = vector.broadcast %parallel_loop3A_2315 : i32 to vector<16xi32>
          %parallel_loop3A_2317 = arith.addi %parallel_loop3A_2214, %parallel_loop3A_2316 : vector<16xi32>
          %parallel_loop3A_2318 = tpu.vector_load_idx %arg12[%parallel_loop3A_2317] : memref<6528xf32, #tpu.memory_space<vmem>>[vector<16xi32>], vector<16xf32>,
          %parallel_loop3A_2319 = arith.constant 0 : i32
          %parallel_loop3A_2320 = arith.constant 10 : i32
          %parallel_loop3A_2321 = arith.index_cast %parallel_loop3A_2319 : i32 to index
          %parallel_loop3A_2322 = arith.index_cast %parallel_loop3A_2320 : i32 to index
          %parallel_loop3A_2323 = arith.index_cast %parallel_loop3A_2167 : i32 to index
          %parallel_loop3A_2324 = tpu.vector_load %arg17[%parallel_loop3A_2321, %parallel_loop3A_2322, %parallel_loop3A_2323] {strides = array<i32>} : memref<2x16x2560xf32, #tpu.memory_space<vmem>>, vector<16xf32>,
          tpu.vector_store %arg17[%parallel_loop3A_2321, %parallel_loop3A_2322, %parallel_loop3A_2323], %parallel_loop3A_2318 {strides = array<i32>} : memref<2x16x2560xf32, #tpu.memory_space<vmem>>, vector<16xf32>,
          %parallel_loop3A_2325 = arith.constant 11 : i32
          %parallel_loop3A_2326 = vector.broadcast %parallel_loop3A_2325 : i32 to vector<16xi32>
          %parallel_loop3A_2327 = arith.addi %parallel_loop3A_2214, %parallel_loop3A_2326 : vector<16xi32>
          %parallel_loop3A_2328 = tpu.vector_load_idx %arg12[%parallel_loop3A_2327] : memref<6528xf32, #tpu.memory_space<vmem>>[vector<16xi32>], vector<16xf32>,
          %parallel_loop3A_2329 = arith.constant 0 : i32
          %parallel_loop3A_2330 = arith.constant 11 : i32
          %parallel_loop3A_2331 = arith.index_cast %parallel_loop3A_2329 : i32 to index
          %parallel_loop3A_2332 = arith.index_cast %parallel_loop3A_2330 : i32 to index
          %parallel_loop3A_2333 = arith.index_cast %parallel_loop3A_2167 : i32 to index
          %parallel_loop3A_2334 = tpu.vector_load %arg17[%parallel_loop3A_2331, %parallel_loop3A_2332, %parallel_loop3A_2333] {strides = array<i32>} : memref<2x16x2560xf32, #tpu.memory_space<vmem>>, vector<16xf32>,
          tpu.vector_store %arg17[%parallel_loop3A_2331, %parallel_loop3A_2332, %parallel_loop3A_2333], %parallel_loop3A_2328 {strides = array<i32>} : memref<2x16x2560xf32, #tpu.memory_space<vmem>>, vector<16xf32>,
          %parallel_loop3A_2335 = arith.constant 12 : i32
          %parallel_loop3A_2336 = vector.broadcast %parallel_loop3A_2335 : i32 to vector<16xi32>
          %parallel_loop3A_2337 = arith.addi %parallel_loop3A_2214, %parallel_loop3A_2336 : vector<16xi32>
          %parallel_loop3A_2338 = tpu.vector_load_idx %arg12[%parallel_loop3A_2337] : memref<6528xf32, #tpu.memory_space<vmem>>[vector<16xi32>], vector<16xf32>,
          %parallel_loop3A_2339 = arith.constant 0 : i32
          %parallel_loop3A_2340 = arith.constant 12 : i32
          %parallel_loop3A_2341 = arith.index_cast %parallel_loop3A_2339 : i32 to index
          %parallel_loop3A_2342 = arith.index_cast %parallel_loop3A_2340 : i32 to index
          %parallel_loop3A_2343 = arith.index_cast %parallel_loop3A_2167 : i32 to index
          %parallel_loop3A_2344 = tpu.vector_load %arg17[%parallel_loop3A_2341, %parallel_loop3A_2342, %parallel_loop3A_2343] {strides = array<i32>} : memref<2x16x2560xf32, #tpu.memory_space<vmem>>, vector<16xf32>,
          tpu.vector_store %arg17[%parallel_loop3A_2341, %parallel_loop3A_2342, %parallel_loop3A_2343], %parallel_loop3A_2338 {strides = array<i32>} : memref<2x16x2560xf32, #tpu.memory_space<vmem>>, vector<16xf32>,
          %parallel_loop3A_2345 = arith.constant 13 : i32
          %parallel_loop3A_2346 = vector.broadcast %parallel_loop3A_2345 : i32 to vector<16xi32>
          %parallel_loop3A_2347 = arith.addi %parallel_loop3A_2214, %parallel_loop3A_2346 : vector<16xi32>
          %parallel_loop3A_2348 = tpu.vector_load_idx %arg12[%parallel_loop3A_2347] : memref<6528xf32, #tpu.memory_space<vmem>>[vector<16xi32>], vector<16xf32>,
          %parallel_loop3A_2349 = arith.constant 0 : i32
          %parallel_loop3A_2350 = arith.constant 13 : i32
          %parallel_loop3A_2351 = arith.index_cast %parallel_loop3A_2349 : i32 to index
          %parallel_loop3A_2352 = arith.index_cast %parallel_loop3A_2350 : i32 to index
          %parallel_loop3A_2353 = arith.index_cast %parallel_loop3A_2167 : i32 to index
          %parallel_loop3A_2354 = tpu.vector_load %arg17[%parallel_loop3A_2351, %parallel_loop3A_2352, %parallel_loop3A_2353] {strides = array<i32>} : memref<2x16x2560xf32, #tpu.memory_space<vmem>>, vector<16xf32>,
          tpu.vector_store %arg17[%parallel_loop3A_2351, %parallel_loop3A_2352, %parallel_loop3A_2353], %parallel_loop3A_2348 {strides = array<i32>} : memref<2x16x2560xf32, #tpu.memory_space<vmem>>, vector<16xf32>,
          %parallel_loop3A_2355 = arith.constant 14 : i32
          %parallel_loop3A_2356 = vector.broadcast %parallel_loop3A_2355 : i32 to vector<16xi32>
          %parallel_loop3A_2357 = arith.addi %parallel_loop3A_2214, %parallel_loop3A_2356 : vector<16xi32>
          %parallel_loop3A_2358 = tpu.vector_load_idx %arg12[%parallel_loop3A_2357] : memref<6528xf32, #tpu.memory_space<vmem>>[vector<16xi32>], vector<16xf32>,
          %parallel_loop3A_2359 = arith.constant 0 : i32
          %parallel_loop3A_2360 = arith.constant 14 : i32
          %parallel_loop3A_2361 = arith.index_cast %parallel_loop3A_2359 : i32 to index
          %parallel_loop3A_2362 = arith.index_cast %parallel_loop3A_2360 : i32 to index
          %parallel_loop3A_2363 = arith.index_cast %parallel_loop3A_2167 : i32 to index
          %parallel_loop3A_2364 = tpu.vector_load %arg17[%parallel_loop3A_2361, %parallel_loop3A_2362, %parallel_loop3A_2363] {strides = array<i32>} : memref<2x16x2560xf32, #tpu.memory_space<vmem>>, vector<16xf32>,
          tpu.vector_store %arg17[%parallel_loop3A_2361, %parallel_loop3A_2362, %parallel_loop3A_2363], %parallel_loop3A_2358 {strides = array<i32>} : memref<2x16x2560xf32, #tpu.memory_space<vmem>>, vector<16xf32>,
          %parallel_loop3A_2365 = arith.constant 15 : i32
          %parallel_loop3A_2366 = vector.broadcast %parallel_loop3A_2365 : i32 to vector<16xi32>
          %parallel_loop3A_2367 = arith.addi %parallel_loop3A_2214, %parallel_loop3A_2366 : vector<16xi32>
          %parallel_loop3A_2368 = tpu.vector_load_idx %arg12[%parallel_loop3A_2367] : memref<6528xf32, #tpu.memory_space<vmem>>[vector<16xi32>], vector<16xf32>,
          %parallel_loop3A_2369 = arith.constant 0 : i32
          %parallel_loop3A_2370 = arith.constant 15 : i32
          %parallel_loop3A_2371 = arith.index_cast %parallel_loop3A_2369 : i32 to index
          %parallel_loop3A_2372 = arith.index_cast %parallel_loop3A_2370 : i32 to index
          %parallel_loop3A_2373 = arith.index_cast %parallel_loop3A_2167 : i32 to index
          %parallel_loop3A_2374 = tpu.vector_load %arg17[%parallel_loop3A_2371, %parallel_loop3A_2372, %parallel_loop3A_2373] {strides = array<i32>} : memref<2x16x2560xf32, #tpu.memory_space<vmem>>, vector<16xf32>,
          tpu.vector_store %arg17[%parallel_loop3A_2371, %parallel_loop3A_2372, %parallel_loop3A_2373], %parallel_loop3A_2368 {strides = array<i32>} : memref<2x16x2560xf32, #tpu.memory_space<vmem>>, vector<16xf32>,
        } {sc.loop_unroll_factor = 1 : i64, sc.parallel_access}
        %mul3A_2135 = arith.constant 32 : i32
        %mul3A_2136 = arith.muli %add3A_2067, %mul3A_2135 : i32
        %add3A_2137 = arith.addi %add3A, %mul3A_2136 : i32
        %min3A_2138 = arith.constant 1249 : i32
        %min3A_2139 = arith.minsi %add3A_2137, %min3A_2138 : i32
        %mul3A_2140 = arith.constant 2560 : i32
        %mul3A_2141 = arith.muli %min3A_2139, %mul3A_2140 : i32
        %dma_start3A_2142 = arith.constant 0 : i32
        %dma_start3A_2143 = arith.constant 0 : i32
        %dma_start3A_2144 = arith.constant 0 : i32
        %dma_start3A_2145 = tpu.memref_slice %arg17[%dma_start3A_2142, %dma_start3A_2143, %dma_start3A_2144] : memref<2x16x2560xf32, #tpu.memory_space<vmem>> -> memref<1x16x2560xf32, #tpu.memory_space<vmem>>
        %dma_start3A_2146 = tpu.memref_squeeze %dma_start3A_2145 : memref<1x16x2560xf32, #tpu.memory_space<vmem>> -> memref<16x2560xf32, #tpu.memory_space<vmem>>
        %dma_start3A_2147 = arith.constant 0 : i32
        %dma_start3A_2148 = tpu.memref_slice %arg8[%dma_start3A_2147, %mul3A_2141] : memref<16x3200000xf32, #tpu.memory_space<hbm>> -> memref<16x2560xf32, #tpu.memory_space<hbm>>
        %dma_start3A_2149 = arith.constant 0 : i32
        %dma_start3A_2150 = tpu.memref_slice %arg8[%dma_start3A_2149, %mul3A_2141] : memref<16x3200000xf32, #tpu.memory_space<hbm>> -> memref<16x2560xf32, #tpu.memory_space<hbm>>
        %dma_start3A_2151 = arith.constant 0 : i32
        %dma_start3A_2152 = arith.constant 0 : i32
        %dma_start3A_2153 = tpu.memref_slice %arg17[%dma_start3A_2142, %dma_start3A_2151, %dma_start3A_2152] : memref<2x16x2560xf32, #tpu.memory_space<vmem>> -> memref<1x16x2560xf32, #tpu.memory_space<vmem>>
        %dma_start3A_2154 = tpu.memref_squeeze %dma_start3A_2153 : memref<1x16x2560xf32, #tpu.memory_space<vmem>> -> memref<16x2560xf32, #tpu.memory_space<vmem>>
        tpu.enqueue_dma source(%dma_start3A_2154 : memref<16x2560xf32, #tpu.memory_space<vmem>>) target(%dma_start3A_2150 : memref<16x2560xf32, #tpu.memory_space<hbm>>) target_semaphore(%arg19 : memref<!tpu.dma_semaphore, #tpu.memory_space<semaphore_mem>>)
        %add3A_2155 = arith.constant 2 : i32
        %add3A_2156 = arith.addi %add3A_2067, %add3A_2155 : i32
        %mul3A_2157 = arith.constant 32 : i32
        %mul3A_2158 = arith.muli %add3A_2156, %mul3A_2157 : i32
        %add3A_2159 = arith.addi %add3A, %mul3A_2158 : i32
        %lt3A_2160 = arith.constant 1250 : i32
        %lt3A_2161 = arith.cmpi slt, %add3A_2159, %lt3A_2160 : i32
        %convert_element_type3A_2162 = arith.extui %lt3A_2161 : i1 to i32
        %cond3A_2163 = arith.constant 0 : i32
        %cond3A_2164 = arith.cmpi ne, %convert_element_type3A_2162, %cond3A_2163 : i32
        scf.if %cond3A_2164 {
          %add3A_2165 = arith.constant 2 : i32
          %add3A_2166 = arith.addi %add3A_2067, %add3A_2165 : i32
          %mul3A_2167 = arith.constant 32 : i32
          %mul3A_2168 = arith.muli %add3A_2166, %mul3A_2167 : i32
          %add3A_2169 = arith.addi %add3A, %mul3A_2168 : i32
          %min3A_2170 = arith.constant 1249 : i32
          %min3A_2171 = arith.minsi %add3A_2169, %min3A_2170 : i32
          %mul3A_2172 = arith.constant 2560 : i32
          %mul3A_2173 = arith.muli %min3A_2171, %mul3A_2172 : i32
          %dma_start3A_2174 = arith.constant 0 : i32
          %dma_start3A_2175 = arith.constant 0 : i32
          %dma_start3A_2176 = tpu.memref_slice %arg13[%dma_start3A_2174, %dma_start3A_2175] : memref<2x2560xi32, #tpu.memory_space<vmem>> -> memref<1x2560xi32, #tpu.memory_space<vmem>>
          %dma_start3A_2177 = tpu.memref_squeeze %dma_start3A_2176 : memref<1x2560xi32, #tpu.memory_space<vmem>> -> memref<2560xi32, #tpu.memory_space<vmem>>
          %dma_start3A_2178 = tpu.memref_slice %arg5[%mul3A_2173] : memref<3200000xi32, #tpu.memory_space<hbm>> -> memref<2560xi32, #tpu.memory_space<hbm>>
          %dma_start3A_2179 = arith.constant 0 : i32
          %dma_start3A_2180 = tpu.memref_slice %arg13[%dma_start3A_2174, %dma_start3A_2179] : memref<2x2560xi32, #tpu.memory_space<vmem>> -> memref<1x2560xi32, #tpu.memory_space<vmem>>
          %dma_start3A_2181 = tpu.memref_squeeze %dma_start3A_2180 : memref<1x2560xi32, #tpu.memory_space<vmem>> -> memref<2560xi32, #tpu.memory_space<vmem>>
          %dma_start3A_2182 = tpu.memref_slice %arg5[%mul3A_2173] : memref<3200000xi32, #tpu.memory_space<hbm>> -> memref<2560xi32, #tpu.memory_space<hbm>>
          tpu.enqueue_dma source(%dma_start3A_2182 : memref<2560xi32, #tpu.memory_space<hbm>>) target(%dma_start3A_2181 : memref<2560xi32, #tpu.memory_space<vmem>>) target_semaphore(%arg18 : memref<!tpu.dma_semaphore, #tpu.memory_space<semaphore_mem>>)
          %dma_start3A_2183 = arith.constant 0 : i32
          %dma_start3A_2184 = arith.constant 0 : i32
          %dma_start3A_2185 = tpu.memref_slice %arg14[%dma_start3A_2183, %dma_start3A_2184] : memref<2x2560xi32, #tpu.memory_space<vmem>> -> memref<1x2560xi32, #tpu.memory_space<vmem>>
          %dma_start3A_2186 = tpu.memref_squeeze %dma_start3A_2185 : memref<1x2560xi32, #tpu.memory_space<vmem>> -> memref<2560xi32, #tpu.memory_space<vmem>>
          %dma_start3A_2187 = tpu.memref_slice %arg6[%mul3A_2173] : memref<3200000xi32, #tpu.memory_space<hbm>> -> memref<2560xi32, #tpu.memory_space<hbm>>
          %dma_start3A_2188 = arith.constant 0 : i32
          %dma_start3A_2189 = tpu.memref_slice %arg14[%dma_start3A_2183, %dma_start3A_2188] : memref<2x2560xi32, #tpu.memory_space<vmem>> -> memref<1x2560xi32, #tpu.memory_space<vmem>>
          %dma_start3A_2190 = tpu.memref_squeeze %dma_start3A_2189 : memref<1x2560xi32, #tpu.memory_space<vmem>> -> memref<2560xi32, #tpu.memory_space<vmem>>
          %dma_start3A_2191 = tpu.memref_slice %arg6[%mul3A_2173] : memref<3200000xi32, #tpu.memory_space<hbm>> -> memref<2560xi32, #tpu.memory_space<hbm>>
          tpu.enqueue_dma source(%dma_start3A_2191 : memref<2560xi32, #tpu.memory_space<hbm>>) target(%dma_start3A_2190 : memref<2560xi32, #tpu.memory_space<vmem>>) target_semaphore(%arg18 : memref<!tpu.dma_semaphore, #tpu.memory_space<semaphore_mem>>)
          %dma_start3A_2192 = arith.constant 0 : i32
          %dma_start3A_2193 = arith.constant 0 : i32
          %dma_start3A_2194 = arith.constant 0 : i32
          %dma_start3A_2195 = tpu.memref_slice %arg15[%dma_start3A_2193, %dma_start3A_2194] : memref<2x2560xi32, #tpu.memory_space<vmem>> -> memref<1x2560xi32, #tpu.memory_space<vmem>>
          %dma_start3A_2196 = tpu.memref_squeeze %dma_start3A_2195 : memref<1x2560xi32, #tpu.memory_space<vmem>> -> memref<2560xi32, #tpu.memory_space<vmem>>
          %dma_start3A_2197 = tpu.memref_slice %arg7[%dma_start3A_2192, %mul3A_2173] : memref<2x3200000xi32, #tpu.memory_space<hbm>> -> memref<1x2560xi32, #tpu.memory_space<hbm>>
          %dma_start3A_2198 = tpu.memref_squeeze %dma_start3A_2197 : memref<1x2560xi32, #tpu.memory_space<hbm>> -> memref<2560xi32, #tpu.memory_space<hbm>>
          %dma_start3A_2199 = arith.constant 0 : i32
          %dma_start3A_2200 = tpu.memref_slice %arg15[%dma_start3A_2193, %dma_start3A_2199] : memref<2x2560xi32, #tpu.memory_space<vmem>> -> memref<1x2560xi32, #tpu.memory_space<vmem>>
          %dma_start3A_2201 = tpu.memref_squeeze %dma_start3A_2200 : memref<1x2560xi32, #tpu.memory_space<vmem>> -> memref<2560xi32, #tpu.memory_space<vmem>>
          %dma_start3A_2202 = tpu.memref_slice %arg7[%dma_start3A_2192, %mul3A_2173] : memref<2x3200000xi32, #tpu.memory_space<hbm>> -> memref<1x2560xi32, #tpu.memory_space<hbm>>
          %dma_start3A_2203 = tpu.memref_squeeze %dma_start3A_2202 : memref<1x2560xi32, #tpu.memory_space<hbm>> -> memref<2560xi32, #tpu.memory_space<hbm>>
          tpu.enqueue_dma source(%dma_start3A_2203 : memref<2560xi32, #tpu.memory_space<hbm>>) target(%dma_start3A_2201 : memref<2560xi32, #tpu.memory_space<vmem>>) target_semaphore(%arg18 : memref<!tpu.dma_semaphore, #tpu.memory_space<semaphore_mem>>)
          %dma_start3A_2204 = arith.constant 1 : i32
          %dma_start3A_2205 = arith.constant 0 : i32
          %dma_start3A_2206 = arith.constant 0 : i32
          %dma_start3A_2207 = tpu.memref_slice %arg16[%dma_start3A_2205, %dma_start3A_2206] : memref<2x2560xi32, #tpu.memory_space<vmem>> -> memref<1x2560xi32, #tpu.memory_space<vmem>>
          %dma_start3A_2208 = tpu.memref_squeeze %dma_start3A_2207 : memref<1x2560xi32, #tpu.memory_space<vmem>> -> memref<2560xi32, #tpu.memory_space<vmem>>
          %dma_start3A_2209 = tpu.memref_slice %arg7[%dma_start3A_2204, %mul3A_2173] : memref<2x3200000xi32, #tpu.memory_space<hbm>> -> memref<1x2560xi32, #tpu.memory_space<hbm>>
          %dma_start3A_2210 = tpu.memref_squeeze %dma_start3A_2209 : memref<1x2560xi32, #tpu.memory_space<hbm>> -> memref<2560xi32, #tpu.memory_space<hbm>>
          %dma_start3A_2211 = arith.constant 0 : i32
          %dma_start3A_2212 = tpu.memref_slice %arg16[%dma_start3A_2205, %dma_start3A_2211] : memref<2x2560xi32, #tpu.memory_space<vmem>> -> memref<1x2560xi32, #tpu.memory_space<vmem>>
          %dma_start3A_2213 = tpu.memref_squeeze %dma_start3A_2212 : memref<1x2560xi32, #tpu.memory_space<vmem>> -> memref<2560xi32, #tpu.memory_space<vmem>>
          %dma_start3A_2214 = tpu.memref_slice %arg7[%dma_start3A_2204, %mul3A_2173] : memref<2x3200000xi32, #tpu.memory_space<hbm>> -> memref<1x2560xi32, #tpu.memory_space<hbm>>
          %dma_start3A_2215 = tpu.memref_squeeze %dma_start3A_2214 : memref<1x2560xi32, #tpu.memory_space<hbm>> -> memref<2560xi32, #tpu.memory_space<hbm>>
          tpu.enqueue_dma source(%dma_start3A_2215 : memref<2560xi32, #tpu.memory_space<hbm>>) target(%dma_start3A_2213 : memref<2560xi32, #tpu.memory_space<vmem>>) target_semaphore(%arg18 : memref<!tpu.dma_semaphore, #tpu.memory_space<semaphore_mem>>)
        } else {
        }
      } else {
      }
      %mul3A_2073 = arith.constant 2 : i32
      %mul3A_2074 = arith.muli %scan3A_2063, %mul3A_2073 : i32
      %add3A_2075 = arith.constant 1 : i32
      %add3A_2076 = arith.addi %mul3A_2074, %add3A_2075 : i32
      %mul3A_2077 = arith.constant 32 : i32
      %mul3A_2078 = arith.muli %add3A_2076, %mul3A_2077 : i32
      %add3A_2079 = arith.addi %add3A, %mul3A_2078 : i32
      %lt3A_2080 = arith.constant 1250 : i32
      %lt3A_2081 = arith.cmpi slt, %add3A_2079, %lt3A_2080 : i32
      %convert_element_type3A_2082 = arith.extui %lt3A_2081 : i1 to i32
      %cond3A_2083 = arith.constant 0 : i32
      %cond3A_2084 = arith.cmpi ne, %convert_element_type3A_2082, %cond3A_2083 : i32
      scf.if %cond3A_2084 {
        %dma_wait3A_2085 = arith.constant 1 : i32
        %dma_wait3A_2086 = arith.constant 0 : i32
        %dma_wait3A_2087 = tpu.memref_slice %arg13[%dma_wait3A_2085, %dma_wait3A_2086] : memref<2x2560xi32, #tpu.memory_space<vmem>> -> memref<1x2560xi32, #tpu.memory_space<vmem>>
        %dma_wait3A_2088 = tpu.memref_squeeze %dma_wait3A_2087 : memref<1x2560xi32, #tpu.memory_space<vmem>> -> memref<2560xi32, #tpu.memory_space<vmem>>
        %dma_wait3A_2089 = arith.constant 0 : i32
        %dma_wait3A_2090 = tpu.memref_slice %arg5[%dma_wait3A_2089] : memref<3200000xi32, #tpu.memory_space<hbm>> -> memref<2560xi32, #tpu.memory_space<hbm>>
        %dma_wait3A_2091 = arith.constant 0 : i32
        %dma_wait3A_2092 = tpu.memref_slice %arg13[%dma_wait3A_2085, %dma_wait3A_2091] : memref<2x2560xi32, #tpu.memory_space<vmem>> -> memref<1x2560xi32, #tpu.memory_space<vmem>>
        %dma_wait3A_2093 = tpu.memref_squeeze %dma_wait3A_2092 : memref<1x2560xi32, #tpu.memory_space<vmem>> -> memref<2560xi32, #tpu.memory_space<vmem>>
        %dma_wait3A_2094 = arith.constant 0 : i32
        %dma_wait3A_2095 = tpu.memref_slice %arg5[%dma_wait3A_2094] : memref<3200000xi32, #tpu.memory_space<hbm>> -> memref<2560xi32, #tpu.memory_space<hbm>>
        tpu.wait_dma2 semaphore(%arg18 : memref<!tpu.dma_semaphore, #tpu.memory_space<semaphore_mem>>) src(%dma_wait3A_2095 : memref<2560xi32, #tpu.memory_space<hbm>>) dst(%dma_wait3A_2093 : memref<2560xi32, #tpu.memory_space<vmem>>)
        %dma_wait3A_2096 = arith.constant 1 : i32
        %dma_wait3A_2097 = arith.constant 0 : i32
        %dma_wait3A_2098 = tpu.memref_slice %arg14[%dma_wait3A_2096, %dma_wait3A_2097] : memref<2x2560xi32, #tpu.memory_space<vmem>> -> memref<1x2560xi32, #tpu.memory_space<vmem>>
        %dma_wait3A_2099 = tpu.memref_squeeze %dma_wait3A_2098 : memref<1x2560xi32, #tpu.memory_space<vmem>> -> memref<2560xi32, #tpu.memory_space<vmem>>
        %dma_wait3A_2100 = arith.constant 0 : i32
        %dma_wait3A_2101 = tpu.memref_slice %arg5[%dma_wait3A_2100] : memref<3200000xi32, #tpu.memory_space<hbm>> -> memref<2560xi32, #tpu.memory_space<hbm>>
        %dma_wait3A_2102 = arith.constant 0 : i32
        %dma_wait3A_2103 = tpu.memref_slice %arg14[%dma_wait3A_2096, %dma_wait3A_2102] : memref<2x2560xi32, #tpu.memory_space<vmem>> -> memref<1x2560xi32, #tpu.memory_space<vmem>>
        %dma_wait3A_2104 = tpu.memref_squeeze %dma_wait3A_2103 : memref<1x2560xi32, #tpu.memory_space<vmem>> -> memref<2560xi32, #tpu.memory_space<vmem>>
        %dma_wait3A_2105 = arith.constant 0 : i32
        %dma_wait3A_2106 = tpu.memref_slice %arg5[%dma_wait3A_2105] : memref<3200000xi32, #tpu.memory_space<hbm>> -> memref<2560xi32, #tpu.memory_space<hbm>>
        tpu.wait_dma2 semaphore(%arg18 : memref<!tpu.dma_semaphore, #tpu.memory_space<semaphore_mem>>) src(%dma_wait3A_2106 : memref<2560xi32, #tpu.memory_space<hbm>>) dst(%dma_wait3A_2104 : memref<2560xi32, #tpu.memory_space<vmem>>)
        %dma_wait3A_2107 = arith.constant 1 : i32
        %dma_wait3A_2108 = arith.constant 0 : i32
        %dma_wait3A_2109 = tpu.memref_slice %arg15[%dma_wait3A_2107, %dma_wait3A_2108] : memref<2x2560xi32, #tpu.memory_space<vmem>> -> memref<1x2560xi32, #tpu.memory_space<vmem>>
        %dma_wait3A_2110 = tpu.memref_squeeze %dma_wait3A_2109 : memref<1x2560xi32, #tpu.memory_space<vmem>> -> memref<2560xi32, #tpu.memory_space<vmem>>
        %dma_wait3A_2111 = arith.constant 0 : i32
        %dma_wait3A_2112 = tpu.memref_slice %arg5[%dma_wait3A_2111] : memref<3200000xi32, #tpu.memory_space<hbm>> -> memref<2560xi32, #tpu.memory_space<hbm>>
        %dma_wait3A_2113 = arith.constant 0 : i32
        %dma_wait3A_2114 = tpu.memref_slice %arg15[%dma_wait3A_2107, %dma_wait3A_2113] : memref<2x2560xi32, #tpu.memory_space<vmem>> -> memref<1x2560xi32, #tpu.memory_space<vmem>>
        %dma_wait3A_2115 = tpu.memref_squeeze %dma_wait3A_2114 : memref<1x2560xi32, #tpu.memory_space<vmem>> -> memref<2560xi32, #tpu.memory_space<vmem>>
        %dma_wait3A_2116 = arith.constant 0 : i32
        %dma_wait3A_2117 = tpu.memref_slice %arg5[%dma_wait3A_2116] : memref<3200000xi32, #tpu.memory_space<hbm>> -> memref<2560xi32, #tpu.memory_space<hbm>>
        tpu.wait_dma2 semaphore(%arg18 : memref<!tpu.dma_semaphore, #tpu.memory_space<semaphore_mem>>) src(%dma_wait3A_2117 : memref<2560xi32, #tpu.memory_space<hbm>>) dst(%dma_wait3A_2115 : memref<2560xi32, #tpu.memory_space<vmem>>)
        %dma_wait3A_2118 = arith.constant 1 : i32
        %dma_wait3A_2119 = arith.constant 0 : i32
        %dma_wait3A_2120 = tpu.memref_slice %arg16[%dma_wait3A_2118, %dma_wait3A_2119] : memref<2x2560xi32, #tpu.memory_space<vmem>> -> memref<1x2560xi32, #tpu.memory_space<vmem>>
        %dma_wait3A_2121 = tpu.memref_squeeze %dma_wait3A_2120 : memref<1x2560xi32, #tpu.memory_space<vmem>> -> memref<2560xi32, #tpu.memory_space<vmem>>
        %dma_wait3A_2122 = arith.constant 0 : i32
        %dma_wait3A_2123 = tpu.memref_slice %arg5[%dma_wait3A_2122] : memref<3200000xi32, #tpu.memory_space<hbm>> -> memref<2560xi32, #tpu.memory_space<hbm>>
        %dma_wait3A_2124 = arith.constant 0 : i32
        %dma_wait3A_2125 = tpu.memref_slice %arg16[%dma_wait3A_2118, %dma_wait3A_2124] : memref<2x2560xi32, #tpu.memory_space<vmem>> -> memref<1x2560xi32, #tpu.memory_space<vmem>>
        %dma_wait3A_2126 = tpu.memref_squeeze %dma_wait3A_2125 : memref<1x2560xi32, #tpu.memory_space<vmem>> -> memref<2560xi32, #tpu.memory_space<vmem>>
        %dma_wait3A_2127 = arith.constant 0 : i32
        %dma_wait3A_2128 = tpu.memref_slice %arg5[%dma_wait3A_2127] : memref<3200000xi32, #tpu.memory_space<hbm>> -> memref<2560xi32, #tpu.memory_space<hbm>>
        tpu.wait_dma2 semaphore(%arg18 : memref<!tpu.dma_semaphore, #tpu.memory_space<semaphore_mem>>) src(%dma_wait3A_2128 : memref<2560xi32, #tpu.memory_space<hbm>>) dst(%dma_wait3A_2126 : memref<2560xi32, #tpu.memory_space<vmem>>)
        %gt3A = arith.constant 0 : i32
        %gt3A_2129 = arith.cmpi sgt, %scan3A_2063, %gt3A : i32
        %convert_element_type3A_2130 = arith.extui %gt3A_2129 : i1 to i32
        %cond3A_2131 = arith.constant 0 : i32
        %cond3A_2132 = arith.cmpi ne, %convert_element_type3A_2130, %cond3A_2131 : i32
        scf.if %cond3A_2132 {
          %dma_wait3A_2165 = arith.constant 1 : i32
          %dma_wait3A_2166 = arith.constant 0 : i32
          %dma_wait3A_2167 = arith.constant 0 : i32
          %dma_wait3A_2168 = tpu.memref_slice %arg17[%dma_wait3A_2165, %dma_wait3A_2166, %dma_wait3A_2167] : memref<2x16x2560xf32, #tpu.memory_space<vmem>> -> memref<1x16x2560xf32, #tpu.memory_space<vmem>>
          %dma_wait3A_2169 = tpu.memref_squeeze %dma_wait3A_2168 : memref<1x16x2560xf32, #tpu.memory_space<vmem>> -> memref<16x2560xf32, #tpu.memory_space<vmem>>
          %dma_wait3A_2170 = arith.constant 0 : i32
          %dma_wait3A_2171 = arith.constant 0 : i32
          %dma_wait3A_2172 = tpu.memref_slice %arg8[%dma_wait3A_2170, %dma_wait3A_2171] : memref<16x3200000xf32, #tpu.memory_space<hbm>> -> memref<16x2560xf32, #tpu.memory_space<hbm>>
          %dma_wait3A_2173 = arith.constant 0 : i32
          %dma_wait3A_2174 = arith.constant 0 : i32
          %dma_wait3A_2175 = tpu.memref_slice %arg8[%dma_wait3A_2173, %dma_wait3A_2174] : memref<16x3200000xf32, #tpu.memory_space<hbm>> -> memref<16x2560xf32, #tpu.memory_space<hbm>>
          %dma_wait3A_2176 = arith.constant 0 : i32
          %dma_wait3A_2177 = arith.constant 0 : i32
          %dma_wait3A_2178 = tpu.memref_slice %arg17[%dma_wait3A_2165, %dma_wait3A_2176, %dma_wait3A_2177] : memref<2x16x2560xf32, #tpu.memory_space<vmem>> -> memref<1x16x2560xf32, #tpu.memory_space<vmem>>
          %dma_wait3A_2179 = tpu.memref_squeeze %dma_wait3A_2178 : memref<1x16x2560xf32, #tpu.memory_space<vmem>> -> memref<16x2560xf32, #tpu.memory_space<vmem>>
          tpu.wait_dma2 semaphore(%arg19 : memref<!tpu.dma_semaphore, #tpu.memory_space<semaphore_mem>>) src(%dma_wait3A_2179 : memref<16x2560xf32, #tpu.memory_space<vmem>>) dst(%dma_wait3A_2175 : memref<16x2560xf32, #tpu.memory_space<hbm>>)
        } else {
        }
        %parallel_loop3A = arith.constant 0 : i32
        %parallel_loop3A_2133 = arith.constant 160 : i32
        %parallel_loop3A_2134 = arith.constant 1 : i32
        scf.for %parallel_loop3A_2165 = %parallel_loop3A to %parallel_loop3A_2133 step %parallel_loop3A_2134  : i32 {
          %parallel_loop3A_2166 = arith.constant 16 : i32
          %parallel_loop3A_2167 = arith.muli %parallel_loop3A_2165, %parallel_loop3A_2166 : i32
          %parallel_loop3A_2168 = arith.constant 1 : i32
          %parallel_loop3A_2169 = arith.index_cast %parallel_loop3A_2168 : i32 to index
          %parallel_loop3A_2170 = arith.index_cast %parallel_loop3A_2167 : i32 to index
          %parallel_loop3A_2171 = tpu.vector_load %arg13[%parallel_loop3A_2169, %parallel_loop3A_2170] {strides = array<i32>} : memref<2x2560xi32, #tpu.memory_space<vmem>>, vector<16xi32>,
          %parallel_loop3A_2172 = arith.constant 1 : i32
          %parallel_loop3A_2173 = arith.index_cast %parallel_loop3A_2172 : i32 to index
          %parallel_loop3A_2174 = arith.index_cast %parallel_loop3A_2167 : i32 to index
          %parallel_loop3A_2175 = tpu.vector_load %arg14[%parallel_loop3A_2173, %parallel_loop3A_2174] {strides = array<i32>} : memref<2x2560xi32, #tpu.memory_space<vmem>>, vector<16xi32>,
          %parallel_loop3A_2176 = arith.maxsi %parallel_loop3A_2175, %broadcast_in_dim3A_2028 : vector<16xi32>
          %parallel_loop3A_2177 = arith.constant 31 : i32
          %parallel_loop3A_2178 = vector.broadcast %parallel_loop3A_2177 : i32 to vector<16xi32>
          %parallel_loop3A_2179 = arith.addi %broadcast_in_dim3A_2028, %parallel_loop3A_2178 : vector<16xi32>
          %parallel_loop3A_2180 = arith.minsi %parallel_loop3A_2176, %parallel_loop3A_2179 : vector<16xi32>
          %parallel_loop3A_2181 = arith.constant 1 : i32
          %parallel_loop3A_2182 = arith.index_cast %parallel_loop3A_2181 : i32 to index
          %parallel_loop3A_2183 = arith.index_cast %parallel_loop3A_2167 : i32 to index
          %parallel_loop3A_2184 = tpu.vector_load %arg15[%parallel_loop3A_2182, %parallel_loop3A_2183] {strides = array<i32>} : memref<2x2560xi32, #tpu.memory_space<vmem>>, vector<16xi32>,
          %parallel_loop3A_2185 = arith.constant 1 : i32
          %parallel_loop3A_2186 = arith.index_cast %parallel_loop3A_2185 : i32 to index
          %parallel_loop3A_2187 = arith.index_cast %parallel_loop3A_2167 : i32 to index
          %parallel_loop3A_2188 = tpu.vector_load %arg16[%parallel_loop3A_2186, %parallel_loop3A_2187] {strides = array<i32>} : memref<2x2560xi32, #tpu.memory_space<vmem>>, vector<16xi32>,
          %parallel_loop3A_2189 = arith.subi %parallel_loop3A_2184, %parallel_loop3A_2188 : vector<16xi32>
          %parallel_loop3A_2190 = arith.constant 0 : i32
          %parallel_loop3A_2191 = vector.broadcast %parallel_loop3A_2190 : i32 to vector<16xi32>
          %parallel_loop3A_2192 = arith.cmpi sgt, %parallel_loop3A_2189, %parallel_loop3A_2191 : vector<16xi32>
          %parallel_loop3A_2193 = arith.constant 2 : i32
          %parallel_loop3A_2194 = vector.broadcast %parallel_loop3A_2193 : i32 to vector<16xi32>
          %parallel_loop3A_2195 = arith.addi %broadcast_in_dim3A_2028, %parallel_loop3A_2194 : vector<16xi32>
          %parallel_loop3A_2196 = arith.constant 0 : i32
          %parallel_loop3A_2197 = vector.broadcast %parallel_loop3A_2196 : i32 to vector<16xi32>
          %parallel_loop3A_2198 = arith.cmpi slt, %parallel_loop3A_2189, %parallel_loop3A_2197 : vector<16xi32>
          %parallel_loop3A_2199 = arith.constant 1 : i32
          %parallel_loop3A_2200 = vector.broadcast %parallel_loop3A_2199 : i32 to vector<16xi32>
          %parallel_loop3A_2201 = arith.addi %broadcast_in_dim3A_2028, %parallel_loop3A_2200 : vector<16xi32>
          %parallel_loop3A_2202 = arith.select %parallel_loop3A_2198, %broadcast_in_dim3A_2028, %parallel_loop3A_2201 : vector<16xi1>, vector<16xi32>
          %parallel_loop3A_2203 = arith.select %parallel_loop3A_2192, %parallel_loop3A_2195, %parallel_loop3A_2202 : vector<16xi1>, vector<16xi32>
          %parallel_loop3A_2204 = arith.constant 96 : i32
          %parallel_loop3A_2205 = vector.broadcast %parallel_loop3A_2204 : i32 to vector<16xi32>
          %parallel_loop3A_2206 = arith.muli %parallel_loop3A_2171, %parallel_loop3A_2205 : vector<16xi32>
          %parallel_loop3A_2207 = arith.constant 3 : i32
          %parallel_loop3A_2208 = vector.broadcast %parallel_loop3A_2207 : i32 to vector<16xi32>
          %parallel_loop3A_2209 = arith.muli %parallel_loop3A_2180, %parallel_loop3A_2208 : vector<16xi32>
          %parallel_loop3A_2210 = arith.addi %parallel_loop3A_2206, %parallel_loop3A_2209 : vector<16xi32>
          %parallel_loop3A_2211 = arith.addi %parallel_loop3A_2210, %parallel_loop3A_2203 : vector<16xi32>
          %parallel_loop3A_2212 = arith.constant 17 : i32
          %parallel_loop3A_2213 = vector.broadcast %parallel_loop3A_2212 : i32 to vector<16xi32>
          %parallel_loop3A_2214 = arith.muli %parallel_loop3A_2211, %parallel_loop3A_2213 : vector<16xi32>
          %parallel_loop3A_2215 = arith.constant 0 : i32
          %parallel_loop3A_2216 = vector.broadcast %parallel_loop3A_2215 : i32 to vector<16xi32>
          %parallel_loop3A_2217 = arith.addi %parallel_loop3A_2214, %parallel_loop3A_2216 : vector<16xi32>
          %parallel_loop3A_2218 = tpu.vector_load_idx %arg12[%parallel_loop3A_2217] : memref<6528xf32, #tpu.memory_space<vmem>>[vector<16xi32>], vector<16xf32>,
          %parallel_loop3A_2219 = arith.constant 1 : i32
          %parallel_loop3A_2220 = arith.constant 0 : i32
          %parallel_loop3A_2221 = arith.index_cast %parallel_loop3A_2219 : i32 to index
          %parallel_loop3A_2222 = arith.index_cast %parallel_loop3A_2220 : i32 to index
          %parallel_loop3A_2223 = arith.index_cast %parallel_loop3A_2167 : i32 to index
          %parallel_loop3A_2224 = tpu.vector_load %arg17[%parallel_loop3A_2221, %parallel_loop3A_2222, %parallel_loop3A_2223] {strides = array<i32>} : memref<2x16x2560xf32, #tpu.memory_space<vmem>>, vector<16xf32>,
          tpu.vector_store %arg17[%parallel_loop3A_2221, %parallel_loop3A_2222, %parallel_loop3A_2223], %parallel_loop3A_2218 {strides = array<i32>} : memref<2x16x2560xf32, #tpu.memory_space<vmem>>, vector<16xf32>,
          %parallel_loop3A_2225 = arith.constant 1 : i32
          %parallel_loop3A_2226 = vector.broadcast %parallel_loop3A_2225 : i32 to vector<16xi32>
          %parallel_loop3A_2227 = arith.addi %parallel_loop3A_2214, %parallel_loop3A_2226 : vector<16xi32>
          %parallel_loop3A_2228 = tpu.vector_load_idx %arg12[%parallel_loop3A_2227] : memref<6528xf32, #tpu.memory_space<vmem>>[vector<16xi32>], vector<16xf32>,
          %parallel_loop3A_2229 = arith.constant 1 : i32
          %parallel_loop3A_2230 = arith.constant 1 : i32
          %parallel_loop3A_2231 = arith.index_cast %parallel_loop3A_2229 : i32 to index
          %parallel_loop3A_2232 = arith.index_cast %parallel_loop3A_2230 : i32 to index
          %parallel_loop3A_2233 = arith.index_cast %parallel_loop3A_2167 : i32 to index
          %parallel_loop3A_2234 = tpu.vector_load %arg17[%parallel_loop3A_2231, %parallel_loop3A_2232, %parallel_loop3A_2233] {strides = array<i32>} : memref<2x16x2560xf32, #tpu.memory_space<vmem>>, vector<16xf32>,
          tpu.vector_store %arg17[%parallel_loop3A_2231, %parallel_loop3A_2232, %parallel_loop3A_2233], %parallel_loop3A_2228 {strides = array<i32>} : memref<2x16x2560xf32, #tpu.memory_space<vmem>>, vector<16xf32>,
          %parallel_loop3A_2235 = arith.constant 2 : i32
          %parallel_loop3A_2236 = vector.broadcast %parallel_loop3A_2235 : i32 to vector<16xi32>
          %parallel_loop3A_2237 = arith.addi %parallel_loop3A_2214, %parallel_loop3A_2236 : vector<16xi32>
          %parallel_loop3A_2238 = tpu.vector_load_idx %arg12[%parallel_loop3A_2237] : memref<6528xf32, #tpu.memory_space<vmem>>[vector<16xi32>], vector<16xf32>,
          %parallel_loop3A_2239 = arith.constant 1 : i32
          %parallel_loop3A_2240 = arith.constant 2 : i32
          %parallel_loop3A_2241 = arith.index_cast %parallel_loop3A_2239 : i32 to index
          %parallel_loop3A_2242 = arith.index_cast %parallel_loop3A_2240 : i32 to index
          %parallel_loop3A_2243 = arith.index_cast %parallel_loop3A_2167 : i32 to index
          %parallel_loop3A_2244 = tpu.vector_load %arg17[%parallel_loop3A_2241, %parallel_loop3A_2242, %parallel_loop3A_2243] {strides = array<i32>} : memref<2x16x2560xf32, #tpu.memory_space<vmem>>, vector<16xf32>,
          tpu.vector_store %arg17[%parallel_loop3A_2241, %parallel_loop3A_2242, %parallel_loop3A_2243], %parallel_loop3A_2238 {strides = array<i32>} : memref<2x16x2560xf32, #tpu.memory_space<vmem>>, vector<16xf32>,
          %parallel_loop3A_2245 = arith.constant 3 : i32
          %parallel_loop3A_2246 = vector.broadcast %parallel_loop3A_2245 : i32 to vector<16xi32>
          %parallel_loop3A_2247 = arith.addi %parallel_loop3A_2214, %parallel_loop3A_2246 : vector<16xi32>
          %parallel_loop3A_2248 = tpu.vector_load_idx %arg12[%parallel_loop3A_2247] : memref<6528xf32, #tpu.memory_space<vmem>>[vector<16xi32>], vector<16xf32>,
          %parallel_loop3A_2249 = arith.constant 1 : i32
          %parallel_loop3A_2250 = arith.constant 3 : i32
          %parallel_loop3A_2251 = arith.index_cast %parallel_loop3A_2249 : i32 to index
          %parallel_loop3A_2252 = arith.index_cast %parallel_loop3A_2250 : i32 to index
          %parallel_loop3A_2253 = arith.index_cast %parallel_loop3A_2167 : i32 to index
          %parallel_loop3A_2254 = tpu.vector_load %arg17[%parallel_loop3A_2251, %parallel_loop3A_2252, %parallel_loop3A_2253] {strides = array<i32>} : memref<2x16x2560xf32, #tpu.memory_space<vmem>>, vector<16xf32>,
          tpu.vector_store %arg17[%parallel_loop3A_2251, %parallel_loop3A_2252, %parallel_loop3A_2253], %parallel_loop3A_2248 {strides = array<i32>} : memref<2x16x2560xf32, #tpu.memory_space<vmem>>, vector<16xf32>,
          %parallel_loop3A_2255 = arith.constant 4 : i32
          %parallel_loop3A_2256 = vector.broadcast %parallel_loop3A_2255 : i32 to vector<16xi32>
          %parallel_loop3A_2257 = arith.addi %parallel_loop3A_2214, %parallel_loop3A_2256 : vector<16xi32>
          %parallel_loop3A_2258 = tpu.vector_load_idx %arg12[%parallel_loop3A_2257] : memref<6528xf32, #tpu.memory_space<vmem>>[vector<16xi32>], vector<16xf32>,
          %parallel_loop3A_2259 = arith.constant 1 : i32
          %parallel_loop3A_2260 = arith.constant 4 : i32
          %parallel_loop3A_2261 = arith.index_cast %parallel_loop3A_2259 : i32 to index
          %parallel_loop3A_2262 = arith.index_cast %parallel_loop3A_2260 : i32 to index
          %parallel_loop3A_2263 = arith.index_cast %parallel_loop3A_2167 : i32 to index
          %parallel_loop3A_2264 = tpu.vector_load %arg17[%parallel_loop3A_2261, %parallel_loop3A_2262, %parallel_loop3A_2263] {strides = array<i32>} : memref<2x16x2560xf32, #tpu.memory_space<vmem>>, vector<16xf32>,
          tpu.vector_store %arg17[%parallel_loop3A_2261, %parallel_loop3A_2262, %parallel_loop3A_2263], %parallel_loop3A_2258 {strides = array<i32>} : memref<2x16x2560xf32, #tpu.memory_space<vmem>>, vector<16xf32>,
          %parallel_loop3A_2265 = arith.constant 5 : i32
          %parallel_loop3A_2266 = vector.broadcast %parallel_loop3A_2265 : i32 to vector<16xi32>
          %parallel_loop3A_2267 = arith.addi %parallel_loop3A_2214, %parallel_loop3A_2266 : vector<16xi32>
          %parallel_loop3A_2268 = tpu.vector_load_idx %arg12[%parallel_loop3A_2267] : memref<6528xf32, #tpu.memory_space<vmem>>[vector<16xi32>], vector<16xf32>,
          %parallel_loop3A_2269 = arith.constant 1 : i32
          %parallel_loop3A_2270 = arith.constant 5 : i32
          %parallel_loop3A_2271 = arith.index_cast %parallel_loop3A_2269 : i32 to index
          %parallel_loop3A_2272 = arith.index_cast %parallel_loop3A_2270 : i32 to index
          %parallel_loop3A_2273 = arith.index_cast %parallel_loop3A_2167 : i32 to index
          %parallel_loop3A_2274 = tpu.vector_load %arg17[%parallel_loop3A_2271, %parallel_loop3A_2272, %parallel_loop3A_2273] {strides = array<i32>} : memref<2x16x2560xf32, #tpu.memory_space<vmem>>, vector<16xf32>,
          tpu.vector_store %arg17[%parallel_loop3A_2271, %parallel_loop3A_2272, %parallel_loop3A_2273], %parallel_loop3A_2268 {strides = array<i32>} : memref<2x16x2560xf32, #tpu.memory_space<vmem>>, vector<16xf32>,
          %parallel_loop3A_2275 = arith.constant 6 : i32
          %parallel_loop3A_2276 = vector.broadcast %parallel_loop3A_2275 : i32 to vector<16xi32>
          %parallel_loop3A_2277 = arith.addi %parallel_loop3A_2214, %parallel_loop3A_2276 : vector<16xi32>
          %parallel_loop3A_2278 = tpu.vector_load_idx %arg12[%parallel_loop3A_2277] : memref<6528xf32, #tpu.memory_space<vmem>>[vector<16xi32>], vector<16xf32>,
          %parallel_loop3A_2279 = arith.constant 1 : i32
          %parallel_loop3A_2280 = arith.constant 6 : i32
          %parallel_loop3A_2281 = arith.index_cast %parallel_loop3A_2279 : i32 to index
          %parallel_loop3A_2282 = arith.index_cast %parallel_loop3A_2280 : i32 to index
          %parallel_loop3A_2283 = arith.index_cast %parallel_loop3A_2167 : i32 to index
          %parallel_loop3A_2284 = tpu.vector_load %arg17[%parallel_loop3A_2281, %parallel_loop3A_2282, %parallel_loop3A_2283] {strides = array<i32>} : memref<2x16x2560xf32, #tpu.memory_space<vmem>>, vector<16xf32>,
          tpu.vector_store %arg17[%parallel_loop3A_2281, %parallel_loop3A_2282, %parallel_loop3A_2283], %parallel_loop3A_2278 {strides = array<i32>} : memref<2x16x2560xf32, #tpu.memory_space<vmem>>, vector<16xf32>,
          %parallel_loop3A_2285 = arith.constant 7 : i32
          %parallel_loop3A_2286 = vector.broadcast %parallel_loop3A_2285 : i32 to vector<16xi32>
          %parallel_loop3A_2287 = arith.addi %parallel_loop3A_2214, %parallel_loop3A_2286 : vector<16xi32>
          %parallel_loop3A_2288 = tpu.vector_load_idx %arg12[%parallel_loop3A_2287] : memref<6528xf32, #tpu.memory_space<vmem>>[vector<16xi32>], vector<16xf32>,
          %parallel_loop3A_2289 = arith.constant 1 : i32
          %parallel_loop3A_2290 = arith.constant 7 : i32
          %parallel_loop3A_2291 = arith.index_cast %parallel_loop3A_2289 : i32 to index
          %parallel_loop3A_2292 = arith.index_cast %parallel_loop3A_2290 : i32 to index
          %parallel_loop3A_2293 = arith.index_cast %parallel_loop3A_2167 : i32 to index
          %parallel_loop3A_2294 = tpu.vector_load %arg17[%parallel_loop3A_2291, %parallel_loop3A_2292, %parallel_loop3A_2293] {strides = array<i32>} : memref<2x16x2560xf32, #tpu.memory_space<vmem>>, vector<16xf32>,
          tpu.vector_store %arg17[%parallel_loop3A_2291, %parallel_loop3A_2292, %parallel_loop3A_2293], %parallel_loop3A_2288 {strides = array<i32>} : memref<2x16x2560xf32, #tpu.memory_space<vmem>>, vector<16xf32>,
          %parallel_loop3A_2295 = arith.constant 8 : i32
          %parallel_loop3A_2296 = vector.broadcast %parallel_loop3A_2295 : i32 to vector<16xi32>
          %parallel_loop3A_2297 = arith.addi %parallel_loop3A_2214, %parallel_loop3A_2296 : vector<16xi32>
          %parallel_loop3A_2298 = tpu.vector_load_idx %arg12[%parallel_loop3A_2297] : memref<6528xf32, #tpu.memory_space<vmem>>[vector<16xi32>], vector<16xf32>,
          %parallel_loop3A_2299 = arith.constant 1 : i32
          %parallel_loop3A_2300 = arith.constant 8 : i32
          %parallel_loop3A_2301 = arith.index_cast %parallel_loop3A_2299 : i32 to index
          %parallel_loop3A_2302 = arith.index_cast %parallel_loop3A_2300 : i32 to index
          %parallel_loop3A_2303 = arith.index_cast %parallel_loop3A_2167 : i32 to index
          %parallel_loop3A_2304 = tpu.vector_load %arg17[%parallel_loop3A_2301, %parallel_loop3A_2302, %parallel_loop3A_2303] {strides = array<i32>} : memref<2x16x2560xf32, #tpu.memory_space<vmem>>, vector<16xf32>,
          tpu.vector_store %arg17[%parallel_loop3A_2301, %parallel_loop3A_2302, %parallel_loop3A_2303], %parallel_loop3A_2298 {strides = array<i32>} : memref<2x16x2560xf32, #tpu.memory_space<vmem>>, vector<16xf32>,
          %parallel_loop3A_2305 = arith.constant 9 : i32
          %parallel_loop3A_2306 = vector.broadcast %parallel_loop3A_2305 : i32 to vector<16xi32>
          %parallel_loop3A_2307 = arith.addi %parallel_loop3A_2214, %parallel_loop3A_2306 : vector<16xi32>
          %parallel_loop3A_2308 = tpu.vector_load_idx %arg12[%parallel_loop3A_2307] : memref<6528xf32, #tpu.memory_space<vmem>>[vector<16xi32>], vector<16xf32>,
          %parallel_loop3A_2309 = arith.constant 1 : i32
          %parallel_loop3A_2310 = arith.constant 9 : i32
          %parallel_loop3A_2311 = arith.index_cast %parallel_loop3A_2309 : i32 to index
          %parallel_loop3A_2312 = arith.index_cast %parallel_loop3A_2310 : i32 to index
          %parallel_loop3A_2313 = arith.index_cast %parallel_loop3A_2167 : i32 to index
          %parallel_loop3A_2314 = tpu.vector_load %arg17[%parallel_loop3A_2311, %parallel_loop3A_2312, %parallel_loop3A_2313] {strides = array<i32>} : memref<2x16x2560xf32, #tpu.memory_space<vmem>>, vector<16xf32>,
          tpu.vector_store %arg17[%parallel_loop3A_2311, %parallel_loop3A_2312, %parallel_loop3A_2313], %parallel_loop3A_2308 {strides = array<i32>} : memref<2x16x2560xf32, #tpu.memory_space<vmem>>, vector<16xf32>,
          %parallel_loop3A_2315 = arith.constant 10 : i32
          %parallel_loop3A_2316 = vector.broadcast %parallel_loop3A_2315 : i32 to vector<16xi32>
          %parallel_loop3A_2317 = arith.addi %parallel_loop3A_2214, %parallel_loop3A_2316 : vector<16xi32>
          %parallel_loop3A_2318 = tpu.vector_load_idx %arg12[%parallel_loop3A_2317] : memref<6528xf32, #tpu.memory_space<vmem>>[vector<16xi32>], vector<16xf32>,
          %parallel_loop3A_2319 = arith.constant 1 : i32
          %parallel_loop3A_2320 = arith.constant 10 : i32
          %parallel_loop3A_2321 = arith.index_cast %parallel_loop3A_2319 : i32 to index
          %parallel_loop3A_2322 = arith.index_cast %parallel_loop3A_2320 : i32 to index
          %parallel_loop3A_2323 = arith.index_cast %parallel_loop3A_2167 : i32 to index
          %parallel_loop3A_2324 = tpu.vector_load %arg17[%parallel_loop3A_2321, %parallel_loop3A_2322, %parallel_loop3A_2323] {strides = array<i32>} : memref<2x16x2560xf32, #tpu.memory_space<vmem>>, vector<16xf32>,
          tpu.vector_store %arg17[%parallel_loop3A_2321, %parallel_loop3A_2322, %parallel_loop3A_2323], %parallel_loop3A_2318 {strides = array<i32>} : memref<2x16x2560xf32, #tpu.memory_space<vmem>>, vector<16xf32>,
          %parallel_loop3A_2325 = arith.constant 11 : i32
          %parallel_loop3A_2326 = vector.broadcast %parallel_loop3A_2325 : i32 to vector<16xi32>
          %parallel_loop3A_2327 = arith.addi %parallel_loop3A_2214, %parallel_loop3A_2326 : vector<16xi32>
          %parallel_loop3A_2328 = tpu.vector_load_idx %arg12[%parallel_loop3A_2327] : memref<6528xf32, #tpu.memory_space<vmem>>[vector<16xi32>], vector<16xf32>,
          %parallel_loop3A_2329 = arith.constant 1 : i32
          %parallel_loop3A_2330 = arith.constant 11 : i32
          %parallel_loop3A_2331 = arith.index_cast %parallel_loop3A_2329 : i32 to index
          %parallel_loop3A_2332 = arith.index_cast %parallel_loop3A_2330 : i32 to index
          %parallel_loop3A_2333 = arith.index_cast %parallel_loop3A_2167 : i32 to index
          %parallel_loop3A_2334 = tpu.vector_load %arg17[%parallel_loop3A_2331, %parallel_loop3A_2332, %parallel_loop3A_2333] {strides = array<i32>} : memref<2x16x2560xf32, #tpu.memory_space<vmem>>, vector<16xf32>,
          tpu.vector_store %arg17[%parallel_loop3A_2331, %parallel_loop3A_2332, %parallel_loop3A_2333], %parallel_loop3A_2328 {strides = array<i32>} : memref<2x16x2560xf32, #tpu.memory_space<vmem>>, vector<16xf32>,
          %parallel_loop3A_2335 = arith.constant 12 : i32
          %parallel_loop3A_2336 = vector.broadcast %parallel_loop3A_2335 : i32 to vector<16xi32>
          %parallel_loop3A_2337 = arith.addi %parallel_loop3A_2214, %parallel_loop3A_2336 : vector<16xi32>
          %parallel_loop3A_2338 = tpu.vector_load_idx %arg12[%parallel_loop3A_2337] : memref<6528xf32, #tpu.memory_space<vmem>>[vector<16xi32>], vector<16xf32>,
          %parallel_loop3A_2339 = arith.constant 1 : i32
          %parallel_loop3A_2340 = arith.constant 12 : i32
          %parallel_loop3A_2341 = arith.index_cast %parallel_loop3A_2339 : i32 to index
          %parallel_loop3A_2342 = arith.index_cast %parallel_loop3A_2340 : i32 to index
          %parallel_loop3A_2343 = arith.index_cast %parallel_loop3A_2167 : i32 to index
          %parallel_loop3A_2344 = tpu.vector_load %arg17[%parallel_loop3A_2341, %parallel_loop3A_2342, %parallel_loop3A_2343] {strides = array<i32>} : memref<2x16x2560xf32, #tpu.memory_space<vmem>>, vector<16xf32>,
          tpu.vector_store %arg17[%parallel_loop3A_2341, %parallel_loop3A_2342, %parallel_loop3A_2343], %parallel_loop3A_2338 {strides = array<i32>} : memref<2x16x2560xf32, #tpu.memory_space<vmem>>, vector<16xf32>,
          %parallel_loop3A_2345 = arith.constant 13 : i32
          %parallel_loop3A_2346 = vector.broadcast %parallel_loop3A_2345 : i32 to vector<16xi32>
          %parallel_loop3A_2347 = arith.addi %parallel_loop3A_2214, %parallel_loop3A_2346 : vector<16xi32>
          %parallel_loop3A_2348 = tpu.vector_load_idx %arg12[%parallel_loop3A_2347] : memref<6528xf32, #tpu.memory_space<vmem>>[vector<16xi32>], vector<16xf32>,
          %parallel_loop3A_2349 = arith.constant 1 : i32
          %parallel_loop3A_2350 = arith.constant 13 : i32
          %parallel_loop3A_2351 = arith.index_cast %parallel_loop3A_2349 : i32 to index
          %parallel_loop3A_2352 = arith.index_cast %parallel_loop3A_2350 : i32 to index
          %parallel_loop3A_2353 = arith.index_cast %parallel_loop3A_2167 : i32 to index
          %parallel_loop3A_2354 = tpu.vector_load %arg17[%parallel_loop3A_2351, %parallel_loop3A_2352, %parallel_loop3A_2353] {strides = array<i32>} : memref<2x16x2560xf32, #tpu.memory_space<vmem>>, vector<16xf32>,
          tpu.vector_store %arg17[%parallel_loop3A_2351, %parallel_loop3A_2352, %parallel_loop3A_2353], %parallel_loop3A_2348 {strides = array<i32>} : memref<2x16x2560xf32, #tpu.memory_space<vmem>>, vector<16xf32>,
          %parallel_loop3A_2355 = arith.constant 14 : i32
          %parallel_loop3A_2356 = vector.broadcast %parallel_loop3A_2355 : i32 to vector<16xi32>
          %parallel_loop3A_2357 = arith.addi %parallel_loop3A_2214, %parallel_loop3A_2356 : vector<16xi32>
          %parallel_loop3A_2358 = tpu.vector_load_idx %arg12[%parallel_loop3A_2357] : memref<6528xf32, #tpu.memory_space<vmem>>[vector<16xi32>], vector<16xf32>,
          %parallel_loop3A_2359 = arith.constant 1 : i32
          %parallel_loop3A_2360 = arith.constant 14 : i32
          %parallel_loop3A_2361 = arith.index_cast %parallel_loop3A_2359 : i32 to index
          %parallel_loop3A_2362 = arith.index_cast %parallel_loop3A_2360 : i32 to index
          %parallel_loop3A_2363 = arith.index_cast %parallel_loop3A_2167 : i32 to index
          %parallel_loop3A_2364 = tpu.vector_load %arg17[%parallel_loop3A_2361, %parallel_loop3A_2362, %parallel_loop3A_2363] {strides = array<i32>} : memref<2x16x2560xf32, #tpu.memory_space<vmem>>, vector<16xf32>,
          tpu.vector_store %arg17[%parallel_loop3A_2361, %parallel_loop3A_2362, %parallel_loop3A_2363], %parallel_loop3A_2358 {strides = array<i32>} : memref<2x16x2560xf32, #tpu.memory_space<vmem>>, vector<16xf32>,
          %parallel_loop3A_2365 = arith.constant 15 : i32
          %parallel_loop3A_2366 = vector.broadcast %parallel_loop3A_2365 : i32 to vector<16xi32>
          %parallel_loop3A_2367 = arith.addi %parallel_loop3A_2214, %parallel_loop3A_2366 : vector<16xi32>
          %parallel_loop3A_2368 = tpu.vector_load_idx %arg12[%parallel_loop3A_2367] : memref<6528xf32, #tpu.memory_space<vmem>>[vector<16xi32>], vector<16xf32>,
          %parallel_loop3A_2369 = arith.constant 1 : i32
          %parallel_loop3A_2370 = arith.constant 15 : i32
          %parallel_loop3A_2371 = arith.index_cast %parallel_loop3A_2369 : i32 to index
          %parallel_loop3A_2372 = arith.index_cast %parallel_loop3A_2370 : i32 to index
          %parallel_loop3A_2373 = arith.index_cast %parallel_loop3A_2167 : i32 to index
          %parallel_loop3A_2374 = tpu.vector_load %arg17[%parallel_loop3A_2371, %parallel_loop3A_2372, %parallel_loop3A_2373] {strides = array<i32>} : memref<2x16x2560xf32, #tpu.memory_space<vmem>>, vector<16xf32>,
          tpu.vector_store %arg17[%parallel_loop3A_2371, %parallel_loop3A_2372, %parallel_loop3A_2373], %parallel_loop3A_2368 {strides = array<i32>} : memref<2x16x2560xf32, #tpu.memory_space<vmem>>, vector<16xf32>,
        } {sc.loop_unroll_factor = 1 : i64, sc.parallel_access}
        %mul3A_2135 = arith.constant 32 : i32
        %mul3A_2136 = arith.muli %add3A_2076, %mul3A_2135 : i32
        %add3A_2137 = arith.addi %add3A, %mul3A_2136 : i32
        %min3A_2138 = arith.constant 1249 : i32
        %min3A_2139 = arith.minsi %add3A_2137, %min3A_2138 : i32
        %mul3A_2140 = arith.constant 2560 : i32
        %mul3A_2141 = arith.muli %min3A_2139, %mul3A_2140 : i32
        %dma_start3A_2142 = arith.constant 1 : i32
        %dma_start3A_2143 = arith.constant 0 : i32
        %dma_start3A_2144 = arith.constant 0 : i32
        %dma_start3A_2145 = tpu.memref_slice %arg17[%dma_start3A_2142, %dma_start3A_2143, %dma_start3A_2144] : memref<2x16x2560xf32, #tpu.memory_space<vmem>> -> memref<1x16x2560xf32, #tpu.memory_space<vmem>>
        %dma_start3A_2146 = tpu.memref_squeeze %dma_start3A_2145 : memref<1x16x2560xf32, #tpu.memory_space<vmem>> -> memref<16x2560xf32, #tpu.memory_space<vmem>>
        %dma_start3A_2147 = arith.constant 0 : i32
        %dma_start3A_2148 = tpu.memref_slice %arg8[%dma_start3A_2147, %mul3A_2141] : memref<16x3200000xf32, #tpu.memory_space<hbm>> -> memref<16x2560xf32, #tpu.memory_space<hbm>>
        %dma_start3A_2149 = arith.constant 0 : i32
        %dma_start3A_2150 = tpu.memref_slice %arg8[%dma_start3A_2149, %mul3A_2141] : memref<16x3200000xf32, #tpu.memory_space<hbm>> -> memref<16x2560xf32, #tpu.memory_space<hbm>>
        %dma_start3A_2151 = arith.constant 0 : i32
        %dma_start3A_2152 = arith.constant 0 : i32
        %dma_start3A_2153 = tpu.memref_slice %arg17[%dma_start3A_2142, %dma_start3A_2151, %dma_start3A_2152] : memref<2x16x2560xf32, #tpu.memory_space<vmem>> -> memref<1x16x2560xf32, #tpu.memory_space<vmem>>
        %dma_start3A_2154 = tpu.memref_squeeze %dma_start3A_2153 : memref<1x16x2560xf32, #tpu.memory_space<vmem>> -> memref<16x2560xf32, #tpu.memory_space<vmem>>
        tpu.enqueue_dma source(%dma_start3A_2154 : memref<16x2560xf32, #tpu.memory_space<vmem>>) target(%dma_start3A_2150 : memref<16x2560xf32, #tpu.memory_space<hbm>>) target_semaphore(%arg19 : memref<!tpu.dma_semaphore, #tpu.memory_space<semaphore_mem>>)
        %add3A_2155 = arith.constant 2 : i32
        %add3A_2156 = arith.addi %add3A_2076, %add3A_2155 : i32
        %mul3A_2157 = arith.constant 32 : i32
        %mul3A_2158 = arith.muli %add3A_2156, %mul3A_2157 : i32
        %add3A_2159 = arith.addi %add3A, %mul3A_2158 : i32
        %lt3A_2160 = arith.constant 1250 : i32
        %lt3A_2161 = arith.cmpi slt, %add3A_2159, %lt3A_2160 : i32
        %convert_element_type3A_2162 = arith.extui %lt3A_2161 : i1 to i32
        %cond3A_2163 = arith.constant 0 : i32
        %cond3A_2164 = arith.cmpi ne, %convert_element_type3A_2162, %cond3A_2163 : i32
        scf.if %cond3A_2164 {
          %add3A_2165 = arith.constant 2 : i32
          %add3A_2166 = arith.addi %add3A_2076, %add3A_2165 : i32
          %mul3A_2167 = arith.constant 32 : i32
          %mul3A_2168 = arith.muli %add3A_2166, %mul3A_2167 : i32
          %add3A_2169 = arith.addi %add3A, %mul3A_2168 : i32
          %min3A_2170 = arith.constant 1249 : i32
          %min3A_2171 = arith.minsi %add3A_2169, %min3A_2170 : i32
          %mul3A_2172 = arith.constant 2560 : i32
          %mul3A_2173 = arith.muli %min3A_2171, %mul3A_2172 : i32
          %dma_start3A_2174 = arith.constant 1 : i32
          %dma_start3A_2175 = arith.constant 0 : i32
          %dma_start3A_2176 = tpu.memref_slice %arg13[%dma_start3A_2174, %dma_start3A_2175] : memref<2x2560xi32, #tpu.memory_space<vmem>> -> memref<1x2560xi32, #tpu.memory_space<vmem>>
          %dma_start3A_2177 = tpu.memref_squeeze %dma_start3A_2176 : memref<1x2560xi32, #tpu.memory_space<vmem>> -> memref<2560xi32, #tpu.memory_space<vmem>>
          %dma_start3A_2178 = tpu.memref_slice %arg5[%mul3A_2173] : memref<3200000xi32, #tpu.memory_space<hbm>> -> memref<2560xi32, #tpu.memory_space<hbm>>
          %dma_start3A_2179 = arith.constant 0 : i32
          %dma_start3A_2180 = tpu.memref_slice %arg13[%dma_start3A_2174, %dma_start3A_2179] : memref<2x2560xi32, #tpu.memory_space<vmem>> -> memref<1x2560xi32, #tpu.memory_space<vmem>>
          %dma_start3A_2181 = tpu.memref_squeeze %dma_start3A_2180 : memref<1x2560xi32, #tpu.memory_space<vmem>> -> memref<2560xi32, #tpu.memory_space<vmem>>
          %dma_start3A_2182 = tpu.memref_slice %arg5[%mul3A_2173] : memref<3200000xi32, #tpu.memory_space<hbm>> -> memref<2560xi32, #tpu.memory_space<hbm>>
          tpu.enqueue_dma source(%dma_start3A_2182 : memref<2560xi32, #tpu.memory_space<hbm>>) target(%dma_start3A_2181 : memref<2560xi32, #tpu.memory_space<vmem>>) target_semaphore(%arg18 : memref<!tpu.dma_semaphore, #tpu.memory_space<semaphore_mem>>)
          %dma_start3A_2183 = arith.constant 1 : i32
          %dma_start3A_2184 = arith.constant 0 : i32
          %dma_start3A_2185 = tpu.memref_slice %arg14[%dma_start3A_2183, %dma_start3A_2184] : memref<2x2560xi32, #tpu.memory_space<vmem>> -> memref<1x2560xi32, #tpu.memory_space<vmem>>
          %dma_start3A_2186 = tpu.memref_squeeze %dma_start3A_2185 : memref<1x2560xi32, #tpu.memory_space<vmem>> -> memref<2560xi32, #tpu.memory_space<vmem>>
          %dma_start3A_2187 = tpu.memref_slice %arg6[%mul3A_2173] : memref<3200000xi32, #tpu.memory_space<hbm>> -> memref<2560xi32, #tpu.memory_space<hbm>>
          %dma_start3A_2188 = arith.constant 0 : i32
          %dma_start3A_2189 = tpu.memref_slice %arg14[%dma_start3A_2183, %dma_start3A_2188] : memref<2x2560xi32, #tpu.memory_space<vmem>> -> memref<1x2560xi32, #tpu.memory_space<vmem>>
          %dma_start3A_2190 = tpu.memref_squeeze %dma_start3A_2189 : memref<1x2560xi32, #tpu.memory_space<vmem>> -> memref<2560xi32, #tpu.memory_space<vmem>>
          %dma_start3A_2191 = tpu.memref_slice %arg6[%mul3A_2173] : memref<3200000xi32, #tpu.memory_space<hbm>> -> memref<2560xi32, #tpu.memory_space<hbm>>
          tpu.enqueue_dma source(%dma_start3A_2191 : memref<2560xi32, #tpu.memory_space<hbm>>) target(%dma_start3A_2190 : memref<2560xi32, #tpu.memory_space<vmem>>) target_semaphore(%arg18 : memref<!tpu.dma_semaphore, #tpu.memory_space<semaphore_mem>>)
          %dma_start3A_2192 = arith.constant 0 : i32
          %dma_start3A_2193 = arith.constant 1 : i32
          %dma_start3A_2194 = arith.constant 0 : i32
          %dma_start3A_2195 = tpu.memref_slice %arg15[%dma_start3A_2193, %dma_start3A_2194] : memref<2x2560xi32, #tpu.memory_space<vmem>> -> memref<1x2560xi32, #tpu.memory_space<vmem>>
          %dma_start3A_2196 = tpu.memref_squeeze %dma_start3A_2195 : memref<1x2560xi32, #tpu.memory_space<vmem>> -> memref<2560xi32, #tpu.memory_space<vmem>>
          %dma_start3A_2197 = tpu.memref_slice %arg7[%dma_start3A_2192, %mul3A_2173] : memref<2x3200000xi32, #tpu.memory_space<hbm>> -> memref<1x2560xi32, #tpu.memory_space<hbm>>
          %dma_start3A_2198 = tpu.memref_squeeze %dma_start3A_2197 : memref<1x2560xi32, #tpu.memory_space<hbm>> -> memref<2560xi32, #tpu.memory_space<hbm>>
          %dma_start3A_2199 = arith.constant 0 : i32
          %dma_start3A_2200 = tpu.memref_slice %arg15[%dma_start3A_2193, %dma_start3A_2199] : memref<2x2560xi32, #tpu.memory_space<vmem>> -> memref<1x2560xi32, #tpu.memory_space<vmem>>
          %dma_start3A_2201 = tpu.memref_squeeze %dma_start3A_2200 : memref<1x2560xi32, #tpu.memory_space<vmem>> -> memref<2560xi32, #tpu.memory_space<vmem>>
          %dma_start3A_2202 = tpu.memref_slice %arg7[%dma_start3A_2192, %mul3A_2173] : memref<2x3200000xi32, #tpu.memory_space<hbm>> -> memref<1x2560xi32, #tpu.memory_space<hbm>>
          %dma_start3A_2203 = tpu.memref_squeeze %dma_start3A_2202 : memref<1x2560xi32, #tpu.memory_space<hbm>> -> memref<2560xi32, #tpu.memory_space<hbm>>
          tpu.enqueue_dma source(%dma_start3A_2203 : memref<2560xi32, #tpu.memory_space<hbm>>) target(%dma_start3A_2201 : memref<2560xi32, #tpu.memory_space<vmem>>) target_semaphore(%arg18 : memref<!tpu.dma_semaphore, #tpu.memory_space<semaphore_mem>>)
          %dma_start3A_2204 = arith.constant 1 : i32
          %dma_start3A_2205 = arith.constant 1 : i32
          %dma_start3A_2206 = arith.constant 0 : i32
          %dma_start3A_2207 = tpu.memref_slice %arg16[%dma_start3A_2205, %dma_start3A_2206] : memref<2x2560xi32, #tpu.memory_space<vmem>> -> memref<1x2560xi32, #tpu.memory_space<vmem>>
          %dma_start3A_2208 = tpu.memref_squeeze %dma_start3A_2207 : memref<1x2560xi32, #tpu.memory_space<vmem>> -> memref<2560xi32, #tpu.memory_space<vmem>>
          %dma_start3A_2209 = tpu.memref_slice %arg7[%dma_start3A_2204, %mul3A_2173] : memref<2x3200000xi32, #tpu.memory_space<hbm>> -> memref<1x2560xi32, #tpu.memory_space<hbm>>
          %dma_start3A_2210 = tpu.memref_squeeze %dma_start3A_2209 : memref<1x2560xi32, #tpu.memory_space<hbm>> -> memref<2560xi32, #tpu.memory_space<hbm>>
          %dma_start3A_2211 = arith.constant 0 : i32
          %dma_start3A_2212 = tpu.memref_slice %arg16[%dma_start3A_2205, %dma_start3A_2211] : memref<2x2560xi32, #tpu.memory_space<vmem>> -> memref<1x2560xi32, #tpu.memory_space<vmem>>
          %dma_start3A_2213 = tpu.memref_squeeze %dma_start3A_2212 : memref<1x2560xi32, #tpu.memory_space<vmem>> -> memref<2560xi32, #tpu.memory_space<vmem>>
          %dma_start3A_2214 = tpu.memref_slice %arg7[%dma_start3A_2204, %mul3A_2173] : memref<2x3200000xi32, #tpu.memory_space<hbm>> -> memref<1x2560xi32, #tpu.memory_space<hbm>>
          %dma_start3A_2215 = tpu.memref_squeeze %dma_start3A_2214 : memref<1x2560xi32, #tpu.memory_space<hbm>> -> memref<2560xi32, #tpu.memory_space<hbm>>
          tpu.enqueue_dma source(%dma_start3A_2215 : memref<2560xi32, #tpu.memory_space<hbm>>) target(%dma_start3A_2213 : memref<2560xi32, #tpu.memory_space<vmem>>) target_semaphore(%arg18 : memref<!tpu.dma_semaphore, #tpu.memory_space<semaphore_mem>>)
        } else {
        }
      } else {
      }
    }
    %scan3A_2033 = arith.constant 20 : i32
    %dma_wait3A = arith.constant 0 : i32
    %dma_wait3A_2034 = arith.constant 0 : i32
    %dma_wait3A_2035 = arith.constant 0 : i32
    %dma_wait3A_2036 = tpu.memref_slice %arg17[%dma_wait3A, %dma_wait3A_2034, %dma_wait3A_2035] : memref<2x16x2560xf32, #tpu.memory_space<vmem>> -> memref<1x16x2560xf32, #tpu.memory_space<vmem>>
    %dma_wait3A_2037 = tpu.memref_squeeze %dma_wait3A_2036 : memref<1x16x2560xf32, #tpu.memory_space<vmem>> -> memref<16x2560xf32, #tpu.memory_space<vmem>>
    %dma_wait3A_2038 = arith.constant 0 : i32
    %dma_wait3A_2039 = arith.constant 0 : i32
    %dma_wait3A_2040 = tpu.memref_slice %arg8[%dma_wait3A_2038, %dma_wait3A_2039] : memref<16x3200000xf32, #tpu.memory_space<hbm>> -> memref<16x2560xf32, #tpu.memory_space<hbm>>
    %dma_wait3A_2041 = arith.constant 0 : i32
    %dma_wait3A_2042 = arith.constant 0 : i32
    %dma_wait3A_2043 = tpu.memref_slice %arg8[%dma_wait3A_2041, %dma_wait3A_2042] : memref<16x3200000xf32, #tpu.memory_space<hbm>> -> memref<16x2560xf32, #tpu.memory_space<hbm>>
    %dma_wait3A_2044 = arith.constant 0 : i32
    %dma_wait3A_2045 = arith.constant 0 : i32
    %dma_wait3A_2046 = tpu.memref_slice %arg17[%dma_wait3A, %dma_wait3A_2044, %dma_wait3A_2045] : memref<2x16x2560xf32, #tpu.memory_space<vmem>> -> memref<1x16x2560xf32, #tpu.memory_space<vmem>>
    %dma_wait3A_2047 = tpu.memref_squeeze %dma_wait3A_2046 : memref<1x16x2560xf32, #tpu.memory_space<vmem>> -> memref<16x2560xf32, #tpu.memory_space<vmem>>
    tpu.wait_dma2 semaphore(%arg19 : memref<!tpu.dma_semaphore, #tpu.memory_space<semaphore_mem>>) src(%dma_wait3A_2047 : memref<16x2560xf32, #tpu.memory_space<vmem>>) dst(%dma_wait3A_2043 : memref<16x2560xf32, #tpu.memory_space<hbm>>)
    %dma_wait3A_2048 = arith.constant 1 : i32
    %dma_wait3A_2049 = arith.constant 0 : i32
    %dma_wait3A_2050 = arith.constant 0 : i32
    %dma_wait3A_2051 = tpu.memref_slice %arg17[%dma_wait3A_2048, %dma_wait3A_2049, %dma_wait3A_2050] : memref<2x16x2560xf32, #tpu.memory_space<vmem>> -> memref<1x16x2560xf32, #tpu.memory_space<vmem>>
    %dma_wait3A_2052 = tpu.memref_squeeze %dma_wait3A_2051 : memref<1x16x2560xf32, #tpu.memory_space<vmem>> -> memref<16x2560xf32, #tpu.memory_space<vmem>>
    %dma_wait3A_2053 = arith.constant 0 : i32
    %dma_wait3A_2054 = arith.constant 0 : i32
    %dma_wait3A_2055 = tpu.memref_slice %arg8[%dma_wait3A_2053, %dma_wait3A_2054] : memref<16x3200000xf32, #tpu.memory_space<hbm>> -> memref<16x2560xf32, #tpu.memory_space<hbm>>
    %dma_wait3A_2056 = arith.constant 0 : i32
    %dma_wait3A_2057 = arith.constant 0 : i32
    %dma_wait3A_2058 = tpu.memref_slice %arg8[%dma_wait3A_2056, %dma_wait3A_2057] : memref<16x3200000xf32, #tpu.memory_space<hbm>> -> memref<16x2560xf32, #tpu.memory_space<hbm>>
    %dma_wait3A_2059 = arith.constant 0 : i32
    %dma_wait3A_2060 = arith.constant 0 : i32
    %dma_wait3A_2061 = tpu.memref_slice %arg17[%dma_wait3A_2048, %dma_wait3A_2059, %dma_wait3A_2060] : memref<2x16x2560xf32, #tpu.memory_space<vmem>> -> memref<1x16x2560xf32, #tpu.memory_space<vmem>>
    %dma_wait3A_2062 = tpu.memref_squeeze %dma_wait3A_2061 : memref<1x16x2560xf32, #tpu.memory_space<vmem>> -> memref<16x2560xf32, #tpu.memory_space<vmem>>
    tpu.wait_dma2 semaphore(%arg19 : memref<!tpu.dma_semaphore, #tpu.memory_space<semaphore_mem>>) src(%dma_wait3A_2062 : memref<16x2560xf32, #tpu.memory_space<vmem>>) dst(%dma_wait3A_2058 : memref<16x2560xf32, #tpu.memory_space<hbm>>)
    return
  }
}

</mosaic_0001>

<sc_bundles>
// kernel: kernel.3.cloned.1.call-start
scs
__scs_entry_jumppad:
0x0: {  	(pc) =	sbr.rel $0x88, $3  }
0x1: {  	(tag) =	ssettag $0x0;
	lr =	simm.s32 $0x1  }
0x2: {  	[smem:$0x3F9B] =	sst lr;
	_ =	strace $0xD0000000  }
0x3: {  	_ = 	snop  }
0x4: {  	_ = 	snop  }
0x5: {  	_ = 	snop  }
0x6: {  	_ = 	snop  }
0x7: {  	_ = 	snop  }
__scs_overlays_trampoline_lowered:
0x8: {  	[smem:$0x3FAA] =	sst s0  }
0x9: {  	[smem:$0x3FAB] =	sst s1  }
0xa: {  	[smem:$0x3FAC] =	sst s2  }
0xb: {  	[smem:$0x3FAD] =	sst s3  }
0xc: {  	[smem:$0x3FAE] =	sst s4  }
0xd: {  	[smem:$0x3FAF] =	sst s5  }
0xe: {  	[smem:$0x3FB0] =	sst s6  }
0xf: {  	[smem:$0x3FB1] =	sst s7  }
0x10: {  	[smem:$0x3FB2] =	sst s8  }
0x11: {  	[smem:$0x3FB3] =	sst s9;
	s0 =	simm.s32 @!p0 $0x0  }
0x12: {  	s1 =	sld [smem:$0x3F99];
	s0 =	simm.s32 @p0 $0x1  }
0x13: {  	[smem:$0x3FB4] =	sst s0;
	s0 =	simm.s32 @!p1 $0x0  }
0x14: {  	s2 =	sld [smem:$0x3F98];
	s0 =	simm.s32 @p1 $0x1  }
0x15: {  	[smem:$0x3FB5] =	sst s0;
	s0 =	simm.s32 @!p2 $0x0  }
0x16: {  	s3 =	sld [smem:$0x3FDB];
	s0 =	simm.s32 @p2 $0x1  }
0x17: {  	s4 =	simm.s32 $0x1BF5;
	[smem:$0x3FB7] =	sst s0  }
0x18: {  	s0 =	sld [smem:$0x3F9A];
	_ =	swait.ge [sflag:s4], $0x0  }
0x19: {  	s7 =	sld [smem:$0x3F9B]  }
0x1a: {  	s8 =	sadd.s32 $0xFFFFE003, lr  }
0x1b: {  	s9 =	sadd.s32 $0xFFFFFEF7, lr;
	s5 =	simm.s32 $0xFFFFFFFF;
	p2 =	slt.u32 s8, $0xFFFFF086  }
0x1c: {  	p1 =	slt.u32 s9, $0xF7A;
	s5 =	simm.s32 @!p2 $0x0  }
0x1d: {  	s5 =	simm.s32 @p1 $0x1;
	p0 =	seq.s32 s7, s2  }
0x1e: {  	s7 =	smul.u32 @!p0 $0xF7A, s2;
	p2 =	seq.s32 @!p0 s5, $0x0  }
0x1f: {  	s9 =	smul.u32 $0xF7A, s1;
	s8 =	simm.s32 @!p0 $0x1BF5;
	p2 =	por !p2, p0  }
0x20: {  	[sflag:s8] =	ssyncset.s32 @!p0 $0xFFFFF086;
	s6 =	sadd.s32 @!p0 s3, s7;
	s7 =	simm.s32 @!p0 $0x108  }
0x21: {  	s3 =	sadd.s32 s3, s9;
	s6 =	sadd.s32 @!p0 $0x88, s6;
	s7 =	simm.s32 @p2 $0x1082  }
0x22: {  	[simem:s7], [sflag:s8] =	dma.local @!p0 [hbm:s6], $0xF7A  }
0x23: {  	s9 =	sor.u32 $0xD0000000, s2;
	s6 =	simm.s32 $0x108;
	_ =	swait.ge @!p0 [sflag:s8], $0x0  }
0x24: {  	s3 =	sadd.s32 $0x88, s3;
	s6 =	simm.s32 @!p1 $0x1082;
	[sflag:s4] =	ssyncset.s32 $0xFFFFF086  }
0x25: {  	[simem:s6], [sflag:s4] =	dma.local [hbm:s3], $0xF7A  }
0x26: {  	[smem:$0x3F9B] =	sst s1;
	(tag) =	ssettag s2;
	_ =	strace s9  }
0x27: {  	s1 =	sld [smem:$0x3FAB]  }
0x28: {  	s2 =	sld [smem:$0x3FAC]  }
0x29: {  	s4 =	sld [smem:$0x3FAE]  }
0x2a: {  	p0 =	seq.s32 s5, $0x0;
	s5 =	sld [smem:$0x3FAF]  }
0x2b: {  	s6 =	sld [smem:$0x3FB0]  }
0x2c: {  	s7 =	sld [smem:$0x3FB1]  }
0x2d: {  	s3 =	simm.s32 $0x108;
	s8 =	sld [smem:$0x3FB2]  }
0x2e: {  	s3 =	simm.s32 @!p0 $0x1082;
	s9 =	sld [smem:$0x3FB3]  }
0x2f: {  	lr =	sadd.s32 s0, s3;
	s0 =	sld [smem:$0x3FAA]  }
0x30: {  	s3 =	sld [smem:$0x3FAD]  }
0x31: {  	[smem:$0x3FB6] =	sst s10  }
0x32: {  	s10 =	sld [smem:$0x3FB4];
	_ =	sdelay $0x3  }
0x33: {  	p0 =	seq.s32 s10, $0x1;
	s10 =	sld [smem:$0x3FB6];
	_ =	sdelay $0x3  }
0x34: {  	[smem:$0x3FB6] =	sst s10  }
0x35: {  	s10 =	sld [smem:$0x3FB5];
	_ =	sdelay $0x3  }
0x36: {  	p1 =	seq.s32 s10, $0x1;
	s10 =	sld [smem:$0x3FB6];
	_ =	sdelay $0x3  }
0x37: {  	[smem:$0x3FB6] =	sst s10  }
0x38: {  	s10 =	sld [smem:$0x3FB7]  }
0x39: {  	_ = 	snop;
	(pc) =	sbr.ind lr, $3  }
0x3a: {  	_ = 	snop  }
0x3b: {  	_ = 	snop  }
0x3c: {  	p2 =	seq.s32 s10, $0x1;
	s10 =	sld [smem:$0x3FB6]  }
0x3d: {  	_ =	shalt  }
0x3e: {  	_ =	shalt  }
0x3f: {  	_ =	shalt  }
0x40: {  	_ =	shalt  }
0x41: {  	_ =	shalt  }
0x42: {  	_ =	shalt  }
0x43: {  	_ =	shalt  }
0x44: {  	_ =	shalt  }
0x45: {  	_ =	shalt  }
0x46: {  	_ =	shalt  }
0x47: {  	_ =	shalt  }
0x48: {  	_ =	shalt  }
0x49: {  	_ =	shalt  }
0x4a: {  	_ =	shalt  }
0x4b: {  	_ =	shalt  }
0x4c: {  	_ =	shalt  }
0x4d: {  	_ =	shalt  }
0x4e: {  	_ =	shalt  }
0x4f: {  	_ =	shalt  }
0x50: {  	_ =	shalt  }
0x51: {  	_ =	shalt  }
0x52: {  	_ =	shalt  }
0x53: {  	_ =	shalt  }
0x54: {  	_ =	shalt  }
0x55: {  	_ =	shalt  }
0x56: {  	_ =	shalt  }
0x57: {  	_ =	shalt  }
0x58: {  	_ =	shalt  }
0x59: {  	_ =	shalt  }
0x5a: {  	_ =	shalt  }
0x5b: {  	_ =	shalt  }
0x5c: {  	_ =	shalt  }
0x5d: {  	_ =	shalt  }
0x5e: {  	_ =	shalt  }
0x5f: {  	_ =	shalt  }
0x60: {  	_ =	shalt  }
0x61: {  	_ =	shalt  }
0x62: {  	_ =	shalt  }
0x63: {  	_ =	shalt  }
0x64: {  	_ =	shalt  }
0x65: {  	_ =	shalt  }
0x66: {  	_ =	shalt  }
0x67: {  	_ =	shalt  }
0x68: {  	_ =	shalt  }
0x69: {  	_ =	shalt  }
0x6a: {  	_ =	shalt  }
0x6b: {  	_ =	shalt  }
0x6c: {  	_ =	shalt  }
0x6d: {  	_ =	shalt  }
0x6e: {  	_ =	shalt  }
0x6f: {  	_ =	shalt  }
0x70: {  	_ =	shalt  }
0x71: {  	_ =	shalt  }
0x72: {  	_ =	shalt  }
0x73: {  	_ =	shalt  }
0x74: {  	_ =	shalt  }
0x75: {  	_ =	shalt  }
0x76: {  	_ =	shalt  }
0x77: {  	_ =	shalt  }
0x78: {  	_ =	shalt  }
0x79: {  	_ =	shalt  }
0x7a: {  	_ =	shalt  }
0x7b: {  	_ =	shalt  }
0x7c: {  	_ =	shalt  }
0x7d: {  	_ =	shalt  }
0x7e: {  	_ =	shalt  }
0x7f: {  	_ =	shalt  }
0x80: {  	_ =	shalt  }
0x81: {  	_ =	shalt  }
0x82: {  	_ =	shalt  }
0x83: {  	_ =	shalt  }
0x84: {  	_ =	shalt  }
0x85: {  	_ =	shalt  }
0x86: {  	_ =	shalt  }
0x87: {  	_ =	shalt  }
.Lfunc_end0:
.L_simem_size_0:
called_computation_lowered:
.L_overlay_start_0:
0x88: {  	s2 =	sld [smem:$0x3FD9]  }
0x89: {  	s3 =	sld [smem:$0x3FFE];
	_ =	sdelay $0x1  }
0x8a: {  	s1 =	srdreg.scid  }
0x8b: {  	s0 =	sand.u32 $0x1, s1  }
0x8c: {  	s17 =	sshll.u32 s0, $0xA;
	s2 =	sadd.s32 s3, s2  }
0x8d: {  	s2 =	sadd.s32 s2, s17  }
0x8e: {  	[smem:$0x3FC2] =	sst s2  }
0x8f: {  	_ = 	snop  }
0x90: {  	s2 =	sld [smem:$0x3FC9]  }
0x91: {  	s18 =	sld [smem:$0x3FC8]  }
0x92: {  	s4 =	sld [smem:$0x3FC7]  }
0x93: {  	s5 =	sld [smem:$0x3FD0];
	(tm) =	ssettm $0x1  }
0x94: {  	s6 =	sld [smem:$0x3FFB];
	_ =	sdelay $0x3  }
0x95: {  	_ =	strace s6  }
0x96: {  	s6 =	sld [smem:$0x3FFC];
	_ =	sdelay $0x3  }
0x97: {  	_ =	strace s6  }
0x98: {  	s6 =	sld [smem:$0x3FFD];
	_ =	sdelay $0x3  }
0x99: {  	_ =	strace s6  }
0x9a: {  	_ =	strace $0x8FFFFFFF  }
0x9b: {  	s19 =	sld [smem:$0x3FDB];
	_ =	sdelay $0x1  }
0x9c: {  	s7 =	simm.s32 $_scs_section_size  }
0x9d: {  	s8 =	simm.s32 $_size__tile_overlayer_lowered;
	s9 =	simm.s32 $_tile_overlayer_lowered  }
0x9e: {  	s22 =	simm.s32 $0x1BFF;
	s21 =	sshll.u32 s9, $0x1;
	s6 =	sadd.s32 s7, s19  }
0x9f: {  	s10 =	simm.s32 $0x0;
	s20 =	sshll.u32 s8, $0x1;
	s8 =	sadd.s32 s21, s6  }
0xa0: {  	[timem:s10], [sflag:s22] =	dma.local [hbm:s8], s20  }
0xa1: {  	_ =	swait.ge [sflag:s22], s20  }
0xa2: {  	s7 =	ssub.s32 $0x0, s20;
	[sflag:s22] =	ssyncset.done $0x0  }
0xa3: {  	[sflag:s22] =	ssyncadd.s32 s7;
	_ =	sdelay $0x1  }
0xa4: {  	s23 =	simm.s32 $0x1B8B  }
0xa5: {  	_ =	swait.ge [sflag:s23], $0x1  }
0xa6: {  	[sflag:s23] =	ssyncset.done $0x0  }
0xa7: {  	s25 =	simm.s32 $0x1B8E;
	s24 =	sld [smem:$0x3FFE];
	[sflag:s23] =	ssyncadd.s32 $0xFFFFFFFF  }
0xa8: {  	s26 =	simm.s32 $execute0_lowered;
	[smem:$0x3FD2] =	sst s25  }
0xa9: {  	s8 =	sshll.u32 s26, $0x1;
	_ =	strace $0x80000046;
	[dreg:$0x1] =	wrdreg $0xFFFFFFFF  }
0xaa: {  	s28 =	simm.s32 $_size_execute0_lowered;
	s6 =	sadd.s32 s6, s8;
	[dreg:$0x0] =	wrdreg $0x0  }
0xab: {  	s8 =	sshll.u32 s28, $0x1;
	[dreg:$0x2] =	wrdreg s6  }
0xac: {  	[dreg:$0x3] =	wrdreg s8  }
0xad: {  	[dreg:$0x4] =	wrdreg $0xC0  }
0xae: {  	_ =	task [dreg:s10], $0x5FFFF  }
0xaf: {  	[dreg:$0x1] =	wrdreg $0xFFFFFFFF  }
0xb0: {  	[dreg:$0x0] =	wrdreg $0x60  }
0xb1: {  	[dreg:$0x2] =	wrdreg s24  }
0xb2: {  	[dreg:$0x3] =	wrdreg s2  }
0xb3: {  	[dreg:$0x4] =	wrdreg s18  }
0xb4: {  	[dreg:$0x5] =	wrdreg s4  }
0xb5: {  	[dreg:$0x6] =	wrdreg s5  }
0xb6: {  	[dreg:$0x7] =	wrdreg $0x9  }
0xb7: {  	_ =	task.clear_ibuf [dreg:s10], $0x8FFFF;
	_ =	strace $0x90000046  }
0xb8: {  	s29 =	simm.s32 $0x9;
	_ =	strace $0x80000048  }
0xb9: {  	_ =	swait.ge [sflag:s29], $0x1  }
0xba: {  	[sflag:s29] =	ssyncadd.s32 $0xFFFFFFFF  }
0xbb: {  	_ =	strace $0x90000048  }
0xbc: {  	_ =	sfence  }
0xbd: {  	s30 =	sld [smem:$0x0];
	_ =	sdelay $0x2  }
0xbe: {  	s31 =	sshll.u32 s1, $0xD;
	s1 =	sshrl.u32 s1, $0x2  }
0xbf: {  	s3 =	sand.u32 $0x4000, s31;
	s1 =	sadd.s32 s1, s30  }
0xc0: {  	s0 =	sor.u32 s3, s0;
	s1 =	sshll.u32 s1, $0x11  }
0xc1: {  	s0 =	sor.u32 s1, s0  }
0xc2: {  	s0 =	sadd.s32 $0x8F2B, s0  }
0xc3: {  	[sflag:s0] =	ssyncadd.remote.s32 $0x1  }
0xc4: {  	_ =	sfence.sel $0xFFFF  }
0xc5: {  	[dreg:$0x0] =	wrdreg $0xFFFFFFFF;
	(pc) =	sbr.abs _section_cstart, $3  }
0xc6: {  	[dreg:$0x1] =	wrdreg $0xFFFFFFFF  }
0xc7: {  	_ =	task.clear_ibuf [dreg:s10], $0x2FFFF;
	_ =	strace $0x9FFFFFFF  }
0xc8: {  	(tm) =	ssettm $0x7FFFFFFF  }
0xc9: {  	_ =	shalt  }
tec
execute0_lowered:
.L_overlay_start_1:
0x0: {  	(tag) =	ssettag $0x1  }
0x1: {  	v0 =	vlaneseq.u32  }
0x2: {  	v1 =	vadd.s32 $0x11, v0  }
0x3: {  	[tilespmem:$0x1FE90] =	vst v1;
	v1 =	vadd.s32 $0x22, v0  }
0x4: {  	[tilespmem:$0x1FEA0] =	vst v1;
	v1 =	vadd.s32 $0x33, v0  }
0x5: {  	[tilespmem:$0x1FEB0] =	vst v1;
	v1 =	vadd.s32 $0x44, v0  }
0x6: {  	[tilespmem:$0x1FEC0] =	vst v1;
	v1 =	vadd.s32 $0x55, v0  }
0x7: {  	[tilespmem:$0x1FED0] =	vst v1;
	v1 =	vadd.s32 $0x66, v0  }
0x8: {  	[tilespmem:$0x1FEE0] =	vst v1;
	v1 =	vadd.s32 $0x77, v0  }
0x9: {  	[tilespmem:$0x1FEF0] =	vst v1;
	v1 =	vadd.s32 $0x88, v0  }
0xa: {  	[tilespmem:$0x1FF00] =	vst v1;
	v1 =	vadd.s32 $0x99, v0  }
0xb: {  	[tilespmem:$0x1FF10] =	vst v1;
	v1 =	vadd.s32 $0xAA, v0  }
0xc: {  	[tilespmem:$0x1FF20] =	vst v1;
	v1 =	vadd.s32 $0xBB, v0  }
0xd: {  	v24 =	vadd.s32 $0x198, v0;
	[tilespmem:$0x1FF30] =	vst v1;
	v1 =	vadd.s32 $0xCC, v0  }
0xe: {  	s0 =	rddreg [dreg:$0x0];
	v25 =	vadd.s32 $0x1A9, v0;
	v26 =	vadd.s32 $0x1BA, v0;
	[tilespmem:$0x1FF40] =	vst v1;
	v1 =	vadd.s32 $0xDD, v0  }
0xf: {  	s7 =	rddreg [dreg:$0x1];
	v27 =	vadd.s32 $0x1CB, v0;
	v28 =	vadd.s32 $0x1DC, v0;
	[tilespmem:$0x1FF50] =	vst v1;
	v1 =	vadd.s32 $0xEE, v0  }
0x10: {  	s9 =	rddreg [dreg:$0x2];
	v29 =	vadd.s32 $0x1ED, v0;
	v30 =	vadd.s32 $0x1FE, v0;
	[tilespmem:$0x1FF60] =	vst v1;
	v1 =	vadd.s32 $0xFF, v0  }
0x11: {  	s10 =	rddreg [dreg:$0x3];
	s6 =	simm.s32 $0x0;
	s1 =	srdreg.scid;
	v31 =	vadd.s32 $0x20F, v0;
	v32 =	vor.u32 $0x220, v0;
	[tilespmem:$0x1FF70] =	vst v1;
	v1 =	vor.u32 $0x110, v0  }
0x12: {  	s2 =	stileid.u32;
	s28 =	simm.s32 $0x1;
	[smem:$0x7FF] =	sst s6;
	v33 =	vadd.s32 $0x231, v0;
	v34 =	vadd.s32 $0x242, v0;
	[tilespmem:$0x1FF80] =	vst v1;
	v1 =	vadd.s32 $0x121, v0  }
0x13: {  	s1 =	sand.u32 $0x1, s1;
	s2 =	sshll.u32 s2, $0x1;
	s3 =	sadd.s32 $0x400, s0;
	v35 =	vadd.s32 $0x253, v0;
	v36 =	vadd.s32 $0x264, v0;
	[tilespmem:$0x1FF90] =	vst v1;
	v1 =	vadd.s32 $0x132, v0  }
0x14: {  	s22 =	sadd.s32 $0x800, s0;
	v37 =	vadd.s32 $0x275, v0;
	s0 =	sadd.s32 $0x600, s0;
	v38 =	vadd.s32 $0x286, v0;
	s12 =	sadd.s32 $0x10, s10;
	[tilespmem:$0x1FFA0] =	vst v1;
	v1 =	vadd.s32 $0x143, v0  }
0x15: {  	v39 =	vadd.s32 $0x297, v0;
	v40 =	vadd.s32 $0x2A8, v0;
	s8 =	sor.u32 s1, s2;
	s1 =	ssub.s32 $0x2, s1;
	s30 =	smov.u32 s12;
	[tilespmem:$0x1FFB0] =	vst v1;
	v1 =	vadd.s32 $0x154, v0  }
0x16: {  	v41 =	vadd.s32 $0x2B9, v0;
	v42 =	vadd.s32 $0x2CA, v0;
	s2 =	simm.s32 $0x0;
	s23 =	smul.u32 $0x140, s8;
	s24 =	sshrl.u32 s1, $0x1;
	[tilespmem:$0x1FFC0] =	vst v1;
	v1 =	vadd.s32 $0x165, v0  }
0x17: {  	v43 =	vadd.s32 $0x2DB, v0;
	v44 =	vadd.s32 $0x2EC, v0;
	s4 =	smul.u32 $0x280, s8;
	s5 =	sor.u32 $0x20, s8;
	s20 =	sor.u32 $0x40, s8;
	[tilespmem:$0x1FFD0] =	vst v1;
	v1 =	vadd.s32 $0x176, v0  }
0x18: {  	v45 =	vadd.s32 $0x2FD, v0;
	v46 =	vadd.s32 $0x30E, v0;
	s31 =	sor.u32 $0x60, s8;
	s25 =	ssub.s32 s1, s24;
	s26 =	smul.u32 $0x140, s5;
	[tilespmem:$0x1FFE0] =	vst v1;
	v1 =	vadd.s32 $0x187, v0  }
0x19: {  	v47 =	vadd.s32 $0x31F, v0;
	v48 =	vor.u32 $0x330, v0;
	v49 =	vadd.s32 $0x341, v0;
	s29 =	smul.u32 $0x280, s5;
	s11 =	sadd.s32 s7, s23;
	s13 =	sadd.s32 s9, s23;
	[tilespmem:$0x1FFF0] =	vst v1  }
.Ltmp0:
0x1a: {  	v50 =	vadd.s32 $0x352, v0;
	v51 =	vadd.s32 $0x363, v0;
	v52 =	vadd.s32 $0x374, v0;
	_ =	strace $0x80000047;
	[dreg:$0x6] =	wrdreg s3;
	(pc) =	sbr.rel .LBB2_1-.Ltmp0, $4  }
0x1b: {  	v53 =	vadd.s32 $0x385, v0;
	v54 =	vadd.s32 $0x396, v0;
	v55 =	vadd.s32 $0x3A7, v0;
	s14 =	sadd.s32 s10, s4;
	s15 =	sadd.s32 s4, s12;
	[dreg:$0x7] =	wrdreg s22  }
0x1c: {  	v56 =	vadd.s32 $0x3B8, v0;
	v57 =	vadd.s32 $0x3C9, v0;
	v58 =	vadd.s32 $0x3DA, v0;
	s16 =	sadd.s32 s7, s26;
	s17 =	sadd.s32 s9, s26;
	[dreg:$0x8] =	wrdreg s0  }
0x1d: {  	v59 =	vadd.s32 $0x3EB, v0;
	v60 =	vadd.s32 $0x3FC, v0;
	v61 =	vadd.s32 $0x40D, v0;
	s18 =	sadd.s32 s10, s29;
	[dreg:$0x9] =	wrdreg s31;
	s0 =	smax.u32 s25, $0x1  }
0x1e: {  	v62 =	vadd.s32 $0x41E, v0;
	v63 =	vadd.s32 $0x42F, v0;
	s19 =	sadd.s32 s29, s12;
	s26 =	simm.s32 $0x300;
	v1 =	vimm.s32 $0x0;
	[dreg:$0xa] =	wrdreg s0  }
.LBB2_44:
0x1f: {  	s1 =	simm.s32 $0x2  }
0x20: {  	_ =	swait.ge [sflag:s1], $0xA000  }
0x21: {  	[sflag:s1] =	ssyncset.done $0x0  }
0x22: {  	[sflag:s1] =	ssyncadd.s32 $0xFFFF6000  }
0x23: {  	_ =	swait.ge [sflag:s1], $0xA000  }
0x24: {  	s2 =	rddreg [dreg:$0xb]  }
0x25: {  	s0 =	rddreg [dreg:$0xa];
	s2 =	sadd.s32 $0x1, s2  }
0x26: {  	p0 =	sne.s32 s2, s0  }
.Ltmp1:
0x27: {  	_ = 	snop;
	(pc) =	sbr.rel @!p0 .LBB2_45-.Ltmp1, $3  }
0x28: {  	_ =	sdelay $0x1  }
0x29: {  	[sflag:s1] =	ssyncset.done $0x0  }
0x2a: {  	[sflag:s1] =	ssyncadd.s32 $0xFFFF6000  }
.LBB2_1:
0x2b: {  	[dreg:$0xb] =	wrdreg s2;
	s0 =	simm.s32 $0x1C80  }
0x2c: {  	s1 =	simm.s32 $0x10;
	s3 =	sadd.s32 $0x0, s11;
	s2 =	simm.s32 $0x1D80  }
.LBB2_2:
0x2d: {  	[tilespmem:s0], [sflag:$0x1] =	stream.linear.gather [hbm4b:s3+s6], $0x80, $0x38;
	[tilespmem:$0x1AC80] =	vst v63  }
0x2e: {  	s3 =	smov.u32 s1;
	s0 =	smov.u32 s2;
	p0 =	sne.s32 s1, $0x130  }
.Ltmp2:
0x2f: {  	s1 =	sadd.s32 $0x10, s1;
	(pc) =	sbr.rel @p0 .LBB2_2-.Ltmp2, $2  }
0x30: {  	_ =	sdelay $0x2  }
0x31: {  	s2 =	sadd.s32 $0x100, s2;
	s3 =	sadd.s32 s3, s11  }
0x32: {  	[tilespmem:s0], [sflag:$0x1] =	stream.linear.gather [hbm4b:s3+s6], $0x80, $0x38;
	[tilespmem:$0x1AC80] =	vst v63  }
0x33: {  	s0 =	simm.s32 $0x3080  }
0x34: {  	s1 =	simm.s32 $0x10;
	s3 =	sadd.s32 $0x0, s13;
	s2 =	simm.s32 $0x3180  }
.LBB2_4:
0x35: {  	[tilespmem:s0], [sflag:$0x1] =	stream.linear.gather [hbm4b:s3+s6], $0x80, $0x38;
	[tilespmem:$0x1AC80] =	vst v63  }
0x36: {  	s3 =	smov.u32 s1;
	s0 =	smov.u32 s2;
	p0 =	sne.s32 s1, $0x130  }
.Ltmp3:
0x37: {  	s1 =	sadd.s32 $0x10, s1;
	(pc) =	sbr.rel @p0 .LBB2_4-.Ltmp3, $2  }
0x38: {  	_ =	sdelay $0x2  }
0x39: {  	s2 =	sadd.s32 $0x100, s2;
	s3 =	sadd.s32 s3, s13  }
0x3a: {  	[tilespmem:s0], [sflag:$0x1] =	stream.linear.gather [hbm4b:s3+s6], $0x80, $0x38;
	[tilespmem:$0x1AC80] =	vst v63  }
0x3b: {  	s0 =	simm.s32 $0x4480  }
0x3c: {  	s1 =	simm.s32 $0x20;
	s3 =	sadd.s32 $0x0, s14;
	s2 =	simm.s32 $0x4580  }
.LBB2_6:
0x3d: {  	[tilespmem:s0], [sflag:$0x1] =	stream.linear.gather [hbm4b:s3+s6], $0x80, $0x38;
	[tilespmem:$0x1AC80] =	vst v63  }
0x3e: {  	s3 =	smov.u32 s1;
	s0 =	smov.u32 s2;
	p0 =	sne.s32 s1, $0x260  }
.Ltmp4:
0x3f: {  	s1 =	sadd.s32 $0x20, s1;
	(pc) =	sbr.rel @p0 .LBB2_6-.Ltmp4, $2  }
0x40: {  	_ =	sdelay $0x2  }
0x41: {  	s2 =	sadd.s32 $0x100, s2;
	s3 =	sadd.s32 s3, s14  }
0x42: {  	[tilespmem:s0], [sflag:$0x1] =	stream.linear.gather [hbm4b:s3+s6], $0x80, $0x38;
	[tilespmem:$0x1AC80] =	vst v63  }
0x43: {  	s0 =	simm.s32 $0x5880  }
0x44: {  	s1 =	simm.s32 $0x20;
	s3 =	sadd.s32 $0x0, s15;
	s2 =	simm.s32 $0x5980  }
.LBB2_8:
0x45: {  	[tilespmem:s0], [sflag:$0x1] =	stream.linear.gather [hbm4b:s3+s6], $0x80, $0x38;
	[tilespmem:$0x1AC80] =	vst v63  }
0x46: {  	s3 =	smov.u32 s1;
	s0 =	smov.u32 s2;
	p0 =	sne.s32 s1, $0x260  }
.Ltmp5:
0x47: {  	s1 =	sadd.s32 $0x20, s1;
	(pc) =	sbr.rel @p0 .LBB2_8-.Ltmp5, $2  }
0x48: {  	_ =	sdelay $0x2  }
0x49: {  	s2 =	sadd.s32 $0x100, s2;
	s3 =	sadd.s32 s3, s15  }
0x4a: {  	[tilespmem:s0], [sflag:$0x1] =	stream.linear.gather [hbm4b:s3+s6], $0x80, $0x38;
	[tilespmem:$0x1AC80] =	vst v63  }
0x4b: {  	s0 =	simm.s32 $0x1D00  }
0x4c: {  	s1 =	simm.s32 $0x10;
	s3 =	sadd.s32 $0x0, s16;
	s2 =	simm.s32 $0x1E00  }
.LBB2_10:
0x4d: {  	[tilespmem:s0], [sflag:$0x1] =	stream.linear.gather [hbm4b:s3+s6], $0x80, $0x38;
	[tilespmem:$0x1AC80] =	vst v63  }
0x4e: {  	s3 =	smov.u32 s1;
	s0 =	smov.u32 s2;
	p0 =	sne.s32 s1, $0x130  }
.Ltmp6:
0x4f: {  	s1 =	sadd.s32 $0x10, s1;
	(pc) =	sbr.rel @p0 .LBB2_10-.Ltmp6, $2  }
0x50: {  	_ =	sdelay $0x2  }
0x51: {  	s2 =	sadd.s32 $0x100, s2;
	s3 =	sadd.s32 s3, s16  }
0x52: {  	[tilespmem:s0], [sflag:$0x1] =	stream.linear.gather [hbm4b:s3+s6], $0x80, $0x38;
	[tilespmem:$0x1AC80] =	vst v63  }
0x53: {  	s0 =	simm.s32 $0x3100  }
0x54: {  	s1 =	simm.s32 $0x10;
	s3 =	sadd.s32 $0x0, s17;
	s2 =	simm.s32 $0x3200  }
.LBB2_12:
0x55: {  	[tilespmem:s0], [sflag:$0x1] =	stream.linear.gather [hbm4b:s3+s6], $0x80, $0x38;
	[tilespmem:$0x1AC80] =	vst v63  }
0x56: {  	s3 =	smov.u32 s1;
	s0 =	smov.u32 s2;
	p0 =	sne.s32 s1, $0x130  }
.Ltmp7:
0x57: {  	s1 =	sadd.s32 $0x10, s1;
	(pc) =	sbr.rel @p0 .LBB2_12-.Ltmp7, $2  }
0x58: {  	_ =	sdelay $0x2  }
0x59: {  	s2 =	sadd.s32 $0x100, s2;
	s3 =	sadd.s32 s3, s17  }
0x5a: {  	[tilespmem:s0], [sflag:$0x1] =	stream.linear.gather [hbm4b:s3+s6], $0x80, $0x38;
	[tilespmem:$0x1AC80] =	vst v63  }
0x5b: {  	s0 =	simm.s32 $0x4500  }
0x5c: {  	s1 =	simm.s32 $0x20;
	s3 =	sadd.s32 $0x0, s18;
	s2 =	simm.s32 $0x4600  }
.LBB2_14:
0x5d: {  	[tilespmem:s0], [sflag:$0x1] =	stream.linear.gather [hbm4b:s3+s6], $0x80, $0x38;
	[tilespmem:$0x1AC80] =	vst v63  }
0x5e: {  	s3 =	smov.u32 s1;
	s0 =	smov.u32 s2;
	p0 =	sne.s32 s1, $0x260  }
.Ltmp8:
0x5f: {  	s1 =	sadd.s32 $0x20, s1;
	(pc) =	sbr.rel @p0 .LBB2_14-.Ltmp8, $2  }
0x60: {  	_ =	sdelay $0x2  }
0x61: {  	s2 =	sadd.s32 $0x100, s2;
	s3 =	sadd.s32 s3, s18  }
0x62: {  	[tilespmem:s0], [sflag:$0x1] =	stream.linear.gather [hbm4b:s3+s6], $0x80, $0x38;
	[tilespmem:$0x1AC80] =	vst v63  }
0x63: {  	s0 =	simm.s32 $0x5900  }
0x64: {  	s1 =	simm.s32 $0x20;
	s3 =	sadd.s32 $0x0, s19;
	s2 =	simm.s32 $0x5A00  }
.LBB2_16:
0x65: {  	[tilespmem:s0], [sflag:$0x1] =	stream.linear.gather [hbm4b:s3+s6], $0x80, $0x38;
	[tilespmem:$0x1AC80] =	vst v63  }
0x66: {  	s3 =	smov.u32 s1;
	s0 =	smov.u32 s2;
	p0 =	sne.s32 s1, $0x260  }
.Ltmp9:
0x67: {  	s1 =	sadd.s32 $0x20, s1;
	(pc) =	sbr.rel @p0 .LBB2_16-.Ltmp9, $2  }
0x68: {  	_ =	sdelay $0x2  }
0x69: {  	s2 =	sadd.s32 $0x100, s2;
	s3 =	sadd.s32 s3, s19  }
0x6a: {  	[tilespmem:s0], [sflag:$0x1] =	stream.linear.gather [hbm4b:s3+s6], $0x80, $0x38;
	[tilespmem:$0x1AC80] =	vst v63  }
0x6b: {  	s23 =	simm.s32 $0x0;
	s24 =	rddreg [dreg:$0x6];
	s1 =	simm.s32 $0x3  }
0x6c: {  	[tilespmem:s23], [sflag:$0x3] =	stream.linear.gather [hbm4b:s24+s23], $0x80, $0x38;
	[tilespmem:$0x1AC80] =	vst v63  }
0x6d: {  	_ =	swait.ge [sflag:s1], $0x80  }
0x6e: {  	[sflag:s1] =	ssyncset.done $0x0  }
0x6f: {  	s2 =	simm.s32 $0x80;
	s25 =	rddreg [dreg:$0x7];
	[sflag:s1] =	ssyncadd.s32 $0xFFFFFF80  }
0x70: {  	[tilespmem:s2], [sflag:$0x3] =	stream.linear.gather [hbm4b:s25+s23], $0x200, $0x38;
	[tilespmem:$0x1AC80] =	vst v63  }
0x71: {  	_ =	swait.ge [sflag:s1], $0x200  }
0x72: {  	[sflag:s1] =	ssyncset.done $0x0  }
0x73: {  	s31 =	simm.s32 $0x280;
	s29 =	rddreg [dreg:$0x8];
	[sflag:s1] =	ssyncadd.s32 $0xFFFFFE00  }
0x74: {  	[tilespmem:s31], [sflag:$0x3] =	stream.linear.gather [hbm4b:s29+s23], $0x80, $0x38;
	[tilespmem:$0x1AC80] =	vst v63  }
0x75: {  	_ =	swait.ge [sflag:s1], $0x80  }
0x76: {  	[sflag:s1] =	ssyncset.done $0x0  }
0x77: {  	v10 =	vld [tilespmem:$0x1FE90];
	[sflag:s1] =	ssyncadd.s32 $0xFFFFFF80  }
0x78: {  	v5 =	vld [tilespmem:$0x0]  }
0x79: {  	v6 =	vld [tilespmem:$0x80]  }
0x7a: {  	v11 =	vld [tilespmem:$0x1FEA0]  }
0x7b: {  	v3 =	vld [tilespmem:$0x280]  }
0x7c: {  	v4 =	vld [tilespmem:$0x290]  }
0x7d: {  	v2 =	vld [tilespmem:$0x2A0]  }
0x7e: {  	v6 =	vadd.f32 v6, v5;
	_ =	sdelay $0x1  }
0x7f: {  	v7 =	vadd.f32 v6, v3  }
0x80: {  	v8 =	vadd.f32 v6, v4  }
0x81: {  	v6 =	vadd.f32 v6, v2;
	[tilespmem:v0+s26+$0x0] =	vst.idx.msk $0xffff, v7  }
0x82: {  	[tilespmem:v10+s26+$0x0] =	vst.idx.msk $0xffff, v8  }
0x83: {  	[tilespmem:v11+s26+$0x0] =	vst.idx.msk $0xffff, v6  }
0x84: {  	v6 =	vld [tilespmem:$0x90]  }
0x85: {  	v9 =	vld [tilespmem:$0x1FEB0]  }
0x86: {  	v14 =	vld [tilespmem:$0x1FEC0]  }
0x87: {  	v15 =	vld [tilespmem:$0x1FED0];
	_ =	sdelay $0x1  }
0x88: {  	v6 =	vadd.f32 v6, v5;
	_ =	sdelay $0x1  }
0x89: {  	v12 =	vadd.f32 v6, v3  }
0x8a: {  	v13 =	vadd.f32 v6, v4  }
0x8b: {  	v6 =	vadd.f32 v6, v2;
	[tilespmem:v9+s26+$0x0] =	vst.idx.msk $0xffff, v12  }
0x8c: {  	[tilespmem:v14+s26+$0x0] =	vst.idx.msk $0xffff, v13  }
0x8d: {  	[tilespmem:v15+s26+$0x0] =	vst.idx.msk $0xffff, v6  }
0x8e: {  	v6 =	vld [tilespmem:$0xA0]  }
0x8f: {  	v18 =	vld [tilespmem:$0x1FEE0]  }
0x90: {  	v19 =	vld [tilespmem:$0x1FEF0]  }
0x91: {  	v20 =	vld [tilespmem:$0x1FF00];
	_ =	sdelay $0x1  }
0x92: {  	v6 =	vadd.f32 v6, v5;
	_ =	sdelay $0x1  }
0x93: {  	v16 =	vadd.f32 v6, v3  }
0x94: {  	v17 =	vadd.f32 v6, v4  }
0x95: {  	v6 =	vadd.f32 v6, v2;
	[tilespmem:v18+s26+$0x0] =	vst.idx.msk $0xffff, v16  }
0x96: {  	[tilespmem:v19+s26+$0x0] =	vst.idx.msk $0xffff, v17  }
0x97: {  	[tilespmem:v20+s26+$0x0] =	vst.idx.msk $0xffff, v6  }
0x98: {  	v6 =	vld [tilespmem:$0xB0]  }
0x99: {  	v23 =	vld [tilespmem:$0x1FF10]  }
0x9a: {  	v11 =	vld [tilespmem:$0x1FF20]  }
0x9b: {  	v12 =	vld [tilespmem:$0x1FF30];
	_ =	sdelay $0x1  }
0x9c: {  	v6 =	vadd.f32 v6, v5;
	_ =	sdelay $0x1  }
0x9d: {  	v21 =	vadd.f32 v6, v3  }
0x9e: {  	v22 =	vadd.f32 v6, v4  }
0x9f: {  	v6 =	vadd.f32 v6, v2;
	[tilespmem:v23+s26+$0x0] =	vst.idx.msk $0xffff, v21  }
0xa0: {  	[tilespmem:v11+s26+$0x0] =	vst.idx.msk $0xffff, v22  }
0xa1: {  	[tilespmem:v12+s26+$0x0] =	vst.idx.msk $0xffff, v6  }
0xa2: {  	v6 =	vld [tilespmem:$0xC0]  }
0xa3: {  	v15 =	vld [tilespmem:$0x1FF40]  }
0xa4: {  	v16 =	vld [tilespmem:$0x1FF50]  }
0xa5: {  	v17 =	vld [tilespmem:$0x1FF60];
	_ =	sdelay $0x1  }
0xa6: {  	v6 =	vadd.f32 v6, v5;
	_ =	sdelay $0x1  }
0xa7: {  	v13 =	vadd.f32 v6, v3  }
0xa8: {  	v14 =	vadd.f32 v6, v4  }
0xa9: {  	v6 =	vadd.f32 v6, v2;
	[tilespmem:v15+s26+$0x0] =	vst.idx.msk $0xffff, v13  }
0xaa: {  	[tilespmem:v16+s26+$0x0] =	vst.idx.msk $0xffff, v14  }
0xab: {  	[tilespmem:v17+s26+$0x0] =	vst.idx.msk $0xffff, v6  }
0xac: {  	v6 =	vld [tilespmem:$0xD0]  }
0xad: {  	v20 =	vld [tilespmem:$0x1FF70]  }
0xae: {  	v21 =	vld [tilespmem:$0x1FF80];
	_ =	sdelay $0x2  }
0xaf: {  	v6 =	vadd.f32 v6, v5;
	_ =	sdelay $0x1  }
0xb0: {  	v18 =	vadd.f32 v6, v3  }
0xb1: {  	v19 =	vadd.f32 v6, v4  }
0xb2: {  	[tilespmem:v20+s26+$0x0] =	vst.idx.msk $0xffff, v18  }
0xb3: {  	[tilespmem:v21+s26+$0x0] =	vst.idx.msk $0xffff, v19  }
0xb4: {  	v7 =	vld [tilespmem:$0x1FF90];
	_ =	sdelay $0x5  }
0xb5: {  	v6 =	vadd.f32 v6, v2;
	_ =	sdelay $0x1  }
0xb6: {  	[tilespmem:v7+s26+$0x0] =	vst.idx.msk $0xffff, v6  }
0xb7: {  	v6 =	vld [tilespmem:$0xE0]  }
0xb8: {  	v12 =	vld [tilespmem:$0x1FFA0]  }
0xb9: {  	v13 =	vld [tilespmem:$0x1FFB0]  }
0xba: {  	v14 =	vld [tilespmem:$0x1FFC0];
	_ =	sdelay $0x1  }
0xbb: {  	v6 =	vadd.f32 v6, v5;
	_ =	sdelay $0x1  }
0xbc: {  	v22 =	vadd.f32 v6, v3  }
0xbd: {  	v23 =	vadd.f32 v6, v4  }
0xbe: {  	v6 =	vadd.f32 v6, v2;
	[tilespmem:v12+s26+$0x0] =	vst.idx.msk $0xffff, v22  }
0xbf: {  	[tilespmem:v13+s26+$0x0] =	vst.idx.msk $0xffff, v23  }
0xc0: {  	[tilespmem:v14+s26+$0x0] =	vst.idx.msk $0xffff, v6  }
0xc1: {  	v6 =	vld [tilespmem:$0xF0]  }
0xc2: {  	v17 =	vld [tilespmem:$0x1FFD0]  }
0xc3: {  	v18 =	vld [tilespmem:$0x1FFE0]  }
0xc4: {  	v19 =	vld [tilespmem:$0x1FFF0];
	_ =	sdelay $0x1  }
0xc5: {  	v6 =	vadd.f32 v6, v5;
	_ =	sdelay $0x1  }
0xc6: {  	v15 =	vadd.f32 v6, v3  }
0xc7: {  	v16 =	vadd.f32 v6, v4  }
0xc8: {  	v6 =	vadd.f32 v6, v2;
	[tilespmem:v17+s26+$0x0] =	vst.idx.msk $0xffff, v15  }
0xc9: {  	[tilespmem:v18+s26+$0x0] =	vst.idx.msk $0xffff, v16  }
0xca: {  	[tilespmem:v19+s26+$0x0] =	vst.idx.msk $0xffff, v6  }
0xcb: {  	v6 =	vld [tilespmem:$0x100];
	_ =	sdelay $0x4  }
0xcc: {  	v6 =	vadd.f32 v6, v5;
	_ =	sdelay $0x1  }
0xcd: {  	v20 =	vadd.f32 v6, v3  }
0xce: {  	v21 =	vadd.f32 v6, v4  }
0xcf: {  	v6 =	vadd.f32 v6, v2;
	[tilespmem:v24+s26+$0x0] =	vst.idx.msk $0xffff, v20  }
0xd0: {  	[tilespmem:v25+s26+$0x0] =	vst.idx.msk $0xffff, v21  }
0xd1: {  	[tilespmem:v26+s26+$0x0] =	vst.idx.msk $0xffff, v6  }
0xd2: {  	v6 =	vld [tilespmem:$0x110];
	_ =	sdelay $0x4  }
0xd3: {  	v6 =	vadd.f32 v6, v5;
	_ =	sdelay $0x1  }
0xd4: {  	v22 =	vadd.f32 v6, v3  }
0xd5: {  	v23 =	vadd.f32 v6, v4  }
0xd6: {  	v6 =	vadd.f32 v6, v2;
	[tilespmem:v27+s26+$0x0] =	vst.idx.msk $0xffff, v22  }
0xd7: {  	[tilespmem:v28+s26+$0x0] =	vst.idx.msk $0xffff, v23  }
0xd8: {  	[tilespmem:v29+s26+$0x0] =	vst.idx.msk $0xffff, v6  }
0xd9: {  	v6 =	vld [tilespmem:$0x120];
	_ =	sdelay $0x4  }
0xda: {  	v6 =	vadd.f32 v6, v5;
	_ =	sdelay $0x1  }
0xdb: {  	v12 =	vadd.f32 v6, v3  }
0xdc: {  	v13 =	vadd.f32 v6, v4  }
0xdd: {  	v6 =	vadd.f32 v6, v2;
	[tilespmem:v30+s26+$0x0] =	vst.idx.msk $0xffff, v12  }
0xde: {  	[tilespmem:v31+s26+$0x0] =	vst.idx.msk $0xffff, v13  }
0xdf: {  	[tilespmem:v32+s26+$0x0] =	vst.idx.msk $0xffff, v6  }
0xe0: {  	v6 =	vld [tilespmem:$0x130];
	_ =	sdelay $0x4  }
0xe1: {  	v6 =	vadd.f32 v6, v5;
	_ =	sdelay $0x1  }
0xe2: {  	v14 =	vadd.f32 v6, v3  }
0xe3: {  	v15 =	vadd.f32 v6, v4  }
0xe4: {  	v6 =	vadd.f32 v6, v2;
	[tilespmem:v33+s26+$0x0] =	vst.idx.msk $0xffff, v14  }
0xe5: {  	[tilespmem:v34+s26+$0x0] =	vst.idx.msk $0xffff, v15  }
0xe6: {  	[tilespmem:v35+s26+$0x0] =	vst.idx.msk $0xffff, v6  }
0xe7: {  	v6 =	vld [tilespmem:$0x140];
	_ =	sdelay $0x4  }
0xe8: {  	v6 =	vadd.f32 v6, v5;
	_ =	sdelay $0x1  }
0xe9: {  	v16 =	vadd.f32 v6, v3  }
0xea: {  	v17 =	vadd.f32 v6, v4  }
0xeb: {  	v6 =	vadd.f32 v6, v2;
	[tilespmem:v36+s26+$0x0] =	vst.idx.msk $0xffff, v16  }
0xec: {  	[tilespmem:v37+s26+$0x0] =	vst.idx.msk $0xffff, v17  }
0xed: {  	[tilespmem:v38+s26+$0x0] =	vst.idx.msk $0xffff, v6  }
0xee: {  	v6 =	vld [tilespmem:$0x150];
	_ =	sdelay $0x4  }
0xef: {  	v6 =	vadd.f32 v6, v5;
	_ =	sdelay $0x1  }
0xf0: {  	v18 =	vadd.f32 v6, v3  }
0xf1: {  	v19 =	vadd.f32 v6, v4  }
0xf2: {  	v6 =	vadd.f32 v6, v2;
	[tilespmem:v39+s26+$0x0] =	vst.idx.msk $0xffff, v18  }
0xf3: {  	[tilespmem:v40+s26+$0x0] =	vst.idx.msk $0xffff, v19  }
0xf4: {  	[tilespmem:v41+s26+$0x0] =	vst.idx.msk $0xffff, v6  }
0xf5: {  	v6 =	vld [tilespmem:$0x160];
	_ =	sdelay $0x4  }
0xf6: {  	v6 =	vadd.f32 v6, v5;
	_ =	sdelay $0x1  }
0xf7: {  	v20 =	vadd.f32 v6, v3  }
0xf8: {  	v21 =	vadd.f32 v6, v4  }
0xf9: {  	v6 =	vadd.f32 v6, v2;
	[tilespmem:v42+s26+$0x0] =	vst.idx.msk $0xffff, v20  }
0xfa: {  	[tilespmem:v43+s26+$0x0] =	vst.idx.msk $0xffff, v21  }
0xfb: {  	[tilespmem:v44+s26+$0x0] =	vst.idx.msk $0xffff, v6  }
0xfc: {  	v6 =	vld [tilespmem:$0x170];
	_ =	sdelay $0x4  }
0xfd: {  	v6 =	vadd.f32 v6, v5;
	_ =	sdelay $0x1  }
0xfe: {  	v22 =	vadd.f32 v6, v3  }
0xff: {  	v23 =	vadd.f32 v6, v4  }
0x100: {  	v6 =	vadd.f32 v6, v2;
	[tilespmem:v45+s26+$0x0] =	vst.idx.msk $0xffff, v22  }
0x101: {  	[tilespmem:v46+s26+$0x0] =	vst.idx.msk $0xffff, v23  }
0x102: {  	[tilespmem:v47+s26+$0x0] =	vst.idx.msk $0xffff, v6  }
0x103: {  	v6 =	vld [tilespmem:$0x180];
	_ =	sdelay $0x4  }
0x104: {  	v6 =	vadd.f32 v6, v5;
	_ =	sdelay $0x1  }
0x105: {  	v12 =	vadd.f32 v6, v3  }
0x106: {  	v13 =	vadd.f32 v6, v4  }
0x107: {  	v6 =	vadd.f32 v6, v2;
	[tilespmem:v48+s26+$0x0] =	vst.idx.msk $0xffff, v12  }
0x108: {  	[tilespmem:v49+s26+$0x0] =	vst.idx.msk $0xffff, v13  }
0x109: {  	[tilespmem:v50+s26+$0x0] =	vst.idx.msk $0xffff, v6  }
0x10a: {  	v6 =	vld [tilespmem:$0x190];
	_ =	sdelay $0x4  }
0x10b: {  	v6 =	vadd.f32 v6, v5;
	_ =	sdelay $0x1  }
0x10c: {  	v14 =	vadd.f32 v6, v3  }
0x10d: {  	v15 =	vadd.f32 v6, v4  }
0x10e: {  	v6 =	vadd.f32 v6, v2;
	[tilespmem:v51+s26+$0x0] =	vst.idx.msk $0xffff, v14  }
0x10f: {  	[tilespmem:v52+s26+$0x0] =	vst.idx.msk $0xffff, v15  }
0x110: {  	[tilespmem:v53+s26+$0x0] =	vst.idx.msk $0xffff, v6  }
0x111: {  	v6 =	vld [tilespmem:$0x1A0];
	_ =	sdelay $0x4  }
0x112: {  	v6 =	vadd.f32 v6, v5;
	_ =	sdelay $0x1  }
0x113: {  	v16 =	vadd.f32 v6, v3  }
0x114: {  	v17 =	vadd.f32 v6, v4  }
0x115: {  	v6 =	vadd.f32 v6, v2;
	[tilespmem:v54+s26+$0x0] =	vst.idx.msk $0xffff, v16  }
0x116: {  	[tilespmem:v55+s26+$0x0] =	vst.idx.msk $0xffff, v17  }
0x117: {  	[tilespmem:v56+s26+$0x0] =	vst.idx.msk $0xffff, v6  }
0x118: {  	v6 =	vld [tilespmem:$0x1B0];
	_ =	sdelay $0x4  }
0x119: {  	v6 =	vadd.f32 v6, v5;
	_ =	sdelay $0x1  }
0x11a: {  	v18 =	vadd.f32 v6, v3  }
0x11b: {  	v19 =	vadd.f32 v6, v4  }
0x11c: {  	v6 =	vadd.f32 v6, v2;
	[tilespmem:v57+s26+$0x0] =	vst.idx.msk $0xffff, v18  }
0x11d: {  	[tilespmem:v58+s26+$0x0] =	vst.idx.msk $0xffff, v19  }
0x11e: {  	[tilespmem:v59+s26+$0x0] =	vst.idx.msk $0xffff, v6  }
0x11f: {  	v6 =	vld [tilespmem:$0x1C0];
	_ =	sdelay $0x4  }
0x120: {  	v6 =	vadd.f32 v6, v5;
	_ =	sdelay $0x1  }
0x121: {  	v20 =	vadd.f32 v6, v3  }
0x122: {  	v21 =	vadd.f32 v6, v4  }
0x123: {  	v6 =	vadd.f32 v6, v2;
	[tilespmem:v60+s26+$0x0] =	vst.idx.msk $0xffff, v20  }
0x124: {  	[tilespmem:v61+s26+$0x0] =	vst.idx.msk $0xffff, v21  }
0x125: {  	[tilespmem:v62+s26+$0x0] =	vst.idx.msk $0xffff, v6  }
0x126: {  	v6 =	vld [tilespmem:$0x1D0];
	_ =	sdelay $0x4  }
0x127: {  	v22 =	vor.u32 $0x440, v0;
	v6 =	vadd.f32 v6, v5  }
0x128: {  	v23 =	vadd.s32 $0x451, v0  }
0x129: {  	v12 =	vadd.f32 v6, v3  }
0x12a: {  	v10 =	vadd.f32 v6, v4  }
0x12b: {  	v6 =	vadd.f32 v6, v2;
	[tilespmem:v63+s26+$0x0] =	vst.idx.msk $0xffff, v12  }
0x12c: {  	[tilespmem:v22+s26+$0x0] =	vst.idx.msk $0xffff, v10  }
0x12d: {  	[tilespmem:v23+s26+$0x0] =	vst.idx.msk $0xffff, v6  }
0x12e: {  	v6 =	vld [tilespmem:$0x1E0];
	_ =	sdelay $0x3  }
0x12f: {  	v13 =	vadd.s32 $0x462, v0  }
0x130: {  	v14 =	vadd.s32 $0x473, v0;
	v6 =	vadd.f32 v6, v5  }
0x131: {  	v15 =	vadd.s32 $0x484, v0  }
0x132: {  	v16 =	vadd.f32 v6, v3  }
0x133: {  	v11 =	vadd.f32 v6, v4  }
0x134: {  	v6 =	vadd.f32 v6, v2;
	[tilespmem:v13+s26+$0x0] =	vst.idx.msk $0xffff, v16  }
0x135: {  	[tilespmem:v14+s26+$0x0] =	vst.idx.msk $0xffff, v11  }
0x136: {  	[tilespmem:v15+s26+$0x0] =	vst.idx.msk $0xffff, v6  }
0x137: {  	v6 =	vld [tilespmem:$0x1F0];
	_ =	sdelay $0x3  }
0x138: {  	v17 =	vadd.s32 $0x495, v0  }
0x139: {  	v18 =	vadd.s32 $0x4A6, v0;
	v6 =	vadd.f32 v6, v5  }
0x13a: {  	v19 =	vadd.s32 $0x4B7, v0  }
0x13b: {  	v20 =	vadd.f32 v6, v3  }
0x13c: {  	v21 =	vadd.f32 v6, v4  }
0x13d: {  	v6 =	vadd.f32 v6, v2;
	[tilespmem:v17+s26+$0x0] =	vst.idx.msk $0xffff, v20  }
0x13e: {  	[tilespmem:v18+s26+$0x0] =	vst.idx.msk $0xffff, v21  }
0x13f: {  	[tilespmem:v19+s26+$0x0] =	vst.idx.msk $0xffff, v6  }
0x140: {  	v6 =	vld [tilespmem:$0x200];
	_ =	sdelay $0x3  }
0x141: {  	v22 =	vadd.s32 $0x4C8, v0  }
0x142: {  	v23 =	vadd.s32 $0x4D9, v0;
	v6 =	vadd.f32 v6, v5  }
0x143: {  	v12 =	vadd.s32 $0x4EA, v0  }
0x144: {  	v13 =	vadd.f32 v6, v3  }
0x145: {  	v14 =	vadd.f32 v6, v4  }
0x146: {  	v6 =	vadd.f32 v6, v2;
	[tilespmem:v22+s26+$0x0] =	vst.idx.msk $0xffff, v13  }
0x147: {  	[tilespmem:v23+s26+$0x0] =	vst.idx.msk $0xffff, v14  }
0x148: {  	[tilespmem:v12+s26+$0x0] =	vst.idx.msk $0xffff, v6  }
0x149: {  	v6 =	vld [tilespmem:$0x210];
	_ =	sdelay $0x3  }
0x14a: {  	v15 =	vadd.s32 $0x4FB, v0  }
0x14b: {  	v16 =	vadd.s32 $0x50C, v0;
	v6 =	vadd.f32 v6, v5  }
0x14c: {  	v17 =	vadd.s32 $0x51D, v0  }
0x14d: {  	v18 =	vadd.f32 v6, v3  }
0x14e: {  	v19 =	vadd.f32 v6, v4  }
0x14f: {  	v6 =	vadd.f32 v6, v2;
	[tilespmem:v15+s26+$0x0] =	vst.idx.msk $0xffff, v18  }
0x150: {  	[tilespmem:v16+s26+$0x0] =	vst.idx.msk $0xffff, v19  }
0x151: {  	[tilespmem:v17+s26+$0x0] =	vst.idx.msk $0xffff, v6  }
0x152: {  	v6 =	vld [tilespmem:$0x220];
	_ =	sdelay $0x3  }
0x153: {  	v20 =	vadd.s32 $0x52E, v0  }
0x154: {  	v21 =	vadd.s32 $0x53F, v0;
	v6 =	vadd.f32 v6, v5  }
0x155: {  	v22 =	vor.u32 $0x550, v0  }
0x156: {  	v23 =	vadd.f32 v6, v3  }
0x157: {  	v12 =	vadd.f32 v6, v4  }
0x158: {  	v6 =	vadd.f32 v6, v2;
	[tilespmem:v20+s26+$0x0] =	vst.idx.msk $0xffff, v23  }
0x159: {  	[tilespmem:v21+s26+$0x0] =	vst.idx.msk $0xffff, v12  }
0x15a: {  	[tilespmem:v22+s26+$0x0] =	vst.idx.msk $0xffff, v6  }
0x15b: {  	v6 =	vld [tilespmem:$0x230];
	_ =	sdelay $0x3  }
0x15c: {  	v13 =	vadd.s32 $0x561, v0  }
0x15d: {  	v14 =	vadd.s32 $0x572, v0;
	v6 =	vadd.f32 v6, v5  }
0x15e: {  	v15 =	vadd.s32 $0x583, v0  }
0x15f: {  	v16 =	vadd.f32 v6, v3  }
0x160: {  	v17 =	vadd.f32 v6, v4  }
0x161: {  	v6 =	vadd.f32 v6, v2;
	[tilespmem:v13+s26+$0x0] =	vst.idx.msk $0xffff, v16  }
0x162: {  	[tilespmem:v14+s26+$0x0] =	vst.idx.msk $0xffff, v17  }
0x163: {  	[tilespmem:v15+s26+$0x0] =	vst.idx.msk $0xffff, v6  }
0x164: {  	v6 =	vld [tilespmem:$0x240];
	_ =	sdelay $0x3  }
0x165: {  	v18 =	vadd.s32 $0x594, v0  }
0x166: {  	v19 =	vadd.s32 $0x5A5, v0;
	v6 =	vadd.f32 v6, v5  }
0x167: {  	v20 =	vadd.s32 $0x5B6, v0  }
0x168: {  	v21 =	vadd.f32 v6, v3  }
0x169: {  	v22 =	vadd.f32 v6, v4  }
0x16a: {  	v6 =	vadd.f32 v6, v2;
	[tilespmem:v18+s26+$0x0] =	vst.idx.msk $0xffff, v21  }
0x16b: {  	[tilespmem:v19+s26+$0x0] =	vst.idx.msk $0xffff, v22  }
0x16c: {  	[tilespmem:v20+s26+$0x0] =	vst.idx.msk $0xffff, v6  }
0x16d: {  	v6 =	vld [tilespmem:$0x250];
	_ =	sdelay $0x3  }
0x16e: {  	v23 =	vadd.s32 $0x5C7, v0  }
0x16f: {  	v12 =	vadd.s32 $0x5D8, v0;
	v6 =	vadd.f32 v6, v5  }
0x170: {  	v13 =	vadd.s32 $0x5E9, v0  }
0x171: {  	v14 =	vadd.f32 v6, v3  }
0x172: {  	v15 =	vadd.f32 v6, v4  }
0x173: {  	v6 =	vadd.f32 v6, v2;
	[tilespmem:v23+s26+$0x0] =	vst.idx.msk $0xffff, v14  }
0x174: {  	[tilespmem:v12+s26+$0x0] =	vst.idx.msk $0xffff, v15  }
0x175: {  	[tilespmem:v13+s26+$0x0] =	vst.idx.msk $0xffff, v6  }
0x176: {  	v6 =	vld [tilespmem:$0x260];
	_ =	sdelay $0x3  }
0x177: {  	v16 =	vadd.s32 $0x5FA, v0  }
0x178: {  	v17 =	vadd.s32 $0x60B, v0;
	v6 =	vadd.f32 v6, v5  }
0x179: {  	v18 =	vadd.s32 $0x61C, v0  }
0x17a: {  	v19 =	vadd.f32 v6, v3  }
0x17b: {  	v20 =	vadd.f32 v6, v4  }
0x17c: {  	v6 =	vadd.f32 v6, v2;
	[tilespmem:v16+s26+$0x0] =	vst.idx.msk $0xffff, v19  }
0x17d: {  	[tilespmem:v17+s26+$0x0] =	vst.idx.msk $0xffff, v20  }
0x17e: {  	[tilespmem:v18+s26+$0x0] =	vst.idx.msk $0xffff, v6  }
0x17f: {  	v6 =	vld [tilespmem:$0x270];
	_ =	sdelay $0x3  }
0x180: {  	v21 =	vadd.s32 $0x62D, v0  }
0x181: {  	v22 =	vadd.s32 $0x63E, v0;
	v5 =	vadd.f32 v6, v5  }
0x182: {  	v23 =	vadd.s32 $0x64F, v0  }
0x183: {  	v12 =	vadd.f32 v5, v3  }
0x184: {  	v13 =	vadd.f32 v5, v4  }
0x185: {  	v5 =	vadd.f32 v5, v2;
	[tilespmem:v21+s26+$0x0] =	vst.idx.msk $0xffff, v12  }
0x186: {  	[tilespmem:v22+s26+$0x0] =	vst.idx.msk $0xffff, v13  }
0x187: {  	[tilespmem:v23+s26+$0x0] =	vst.idx.msk $0xffff, v5  }
0x188: {  	v5 =	vld [tilespmem:$0x10]  }
0x189: {  	v6 =	vld [tilespmem:$0x80];
	_ =	sdelay $0x3  }
0x18a: {  	v14 =	vor.u32 $0x660, v0  }
0x18b: {  	v15 =	vadd.s32 $0x671, v0;
	v6 =	vadd.f32 v6, v5  }
0x18c: {  	v16 =	vadd.s32 $0x682, v0  }
0x18d: {  	v17 =	vadd.f32 v6, v3  }
0x18e: {  	v18 =	vadd.f32 v6, v4  }
0x18f: {  	v6 =	vadd.f32 v6, v2;
	[tilespmem:v14+s26+$0x0] =	vst.idx.msk $0xffff, v17  }
0x190: {  	[tilespmem:v15+s26+$0x0] =	vst.idx.msk $0xffff, v18  }
0x191: {  	[tilespmem:v16+s26+$0x0] =	vst.idx.msk $0xffff, v6  }
0x192: {  	v6 =	vld [tilespmem:$0x90];
	_ =	sdelay $0x3  }
0x193: {  	v19 =	vadd.s32 $0x693, v0  }
0x194: {  	v20 =	vadd.s32 $0x6A4, v0;
	v6 =	vadd.f32 v6, v5  }
0x195: {  	v21 =	vadd.s32 $0x6B5, v0  }
0x196: {  	v22 =	vadd.f32 v6, v3  }
0x197: {  	v23 =	vadd.f32 v6, v4  }
0x198: {  	v6 =	vadd.f32 v6, v2;
	[tilespmem:v19+s26+$0x0] =	vst.idx.msk $0xffff, v22  }
0x199: {  	[tilespmem:v20+s26+$0x0] =	vst.idx.msk $0xffff, v23  }
0x19a: {  	[tilespmem:v21+s26+$0x0] =	vst.idx.msk $0xffff, v6  }
0x19b: {  	v6 =	vld [tilespmem:$0xA0];
	_ =	sdelay $0x3  }
0x19c: {  	v12 =	vadd.s32 $0x6C6, v0  }
0x19d: {  	v13 =	vadd.s32 $0x6D7, v0;
	v6 =	vadd.f32 v6, v5  }
0x19e: {  	v14 =	vadd.s32 $0x6E8, v0  }
0x19f: {  	v15 =	vadd.f32 v6, v3  }
0x1a0: {  	v16 =	vadd.f32 v6, v4  }
0x1a1: {  	v6 =	vadd.f32 v6, v2;
	[tilespmem:v12+s26+$0x0] =	vst.idx.msk $0xffff, v15  }
0x1a2: {  	[tilespmem:v13+s26+$0x0] =	vst.idx.msk $0xffff, v16  }
0x1a3: {  	[tilespmem:v14+s26+$0x0] =	vst.idx.msk $0xffff, v6  }
0x1a4: {  	v6 =	vld [tilespmem:$0xB0];
	_ =	sdelay $0x3  }
0x1a5: {  	v17 =	vadd.s32 $0x6F9, v0  }
0x1a6: {  	v18 =	vadd.s32 $0x70A, v0;
	v6 =	vadd.f32 v6, v5  }
0x1a7: {  	v19 =	vadd.s32 $0x71B, v0  }
0x1a8: {  	v20 =	vadd.f32 v6, v3  }
0x1a9: {  	v21 =	vadd.f32 v6, v4  }
0x1aa: {  	v6 =	vadd.f32 v6, v2;
	[tilespmem:v17+s26+$0x0] =	vst.idx.msk $0xffff, v20  }
0x1ab: {  	[tilespmem:v18+s26+$0x0] =	vst.idx.msk $0xffff, v21  }
0x1ac: {  	[tilespmem:v19+s26+$0x0] =	vst.idx.msk $0xffff, v6  }
0x1ad: {  	v6 =	vld [tilespmem:$0xC0];
	_ =	sdelay $0x3  }
0x1ae: {  	v22 =	vadd.s32 $0x72C, v0  }
0x1af: {  	v23 =	vadd.s32 $0x73D, v0;
	v6 =	vadd.f32 v6, v5  }
0x1b0: {  	v12 =	vadd.s32 $0x74E, v0  }
0x1b1: {  	v13 =	vadd.f32 v6, v3  }
0x1b2: {  	v14 =	vadd.f32 v6, v4  }
0x1b3: {  	v6 =	vadd.f32 v6, v2;
	[tilespmem:v22+s26+$0x0] =	vst.idx.msk $0xffff, v13  }
0x1b4: {  	[tilespmem:v23+s26+$0x0] =	vst.idx.msk $0xffff, v14  }
0x1b5: {  	[tilespmem:v12+s26+$0x0] =	vst.idx.msk $0xffff, v6  }
0x1b6: {  	v6 =	vld [tilespmem:$0xD0];
	_ =	sdelay $0x3  }
0x1b7: {  	v15 =	vadd.s32 $0x75F, v0  }
0x1b8: {  	v16 =	vor.u32 $0x770, v0;
	v6 =	vadd.f32 v6, v5  }
0x1b9: {  	v17 =	vadd.s32 $0x781, v0  }
0x1ba: {  	v18 =	vadd.f32 v6, v3  }
0x1bb: {  	v19 =	vadd.f32 v6, v4  }
0x1bc: {  	v6 =	vadd.f32 v6, v2;
	[tilespmem:v15+s26+$0x0] =	vst.idx.msk $0xffff, v18  }
0x1bd: {  	[tilespmem:v16+s26+$0x0] =	vst.idx.msk $0xffff, v19  }
0x1be: {  	[tilespmem:v17+s26+$0x0] =	vst.idx.msk $0xffff, v6  }
0x1bf: {  	v6 =	vld [tilespmem:$0xE0];
	_ =	sdelay $0x3  }
0x1c0: {  	v20 =	vadd.s32 $0x792, v0  }
0x1c1: {  	v21 =	vadd.s32 $0x7A3, v0;
	v6 =	vadd.f32 v6, v5  }
0x1c2: {  	v22 =	vadd.s32 $0x7B4, v0  }
0x1c3: {  	v23 =	vadd.f32 v6, v3  }
0x1c4: {  	v12 =	vadd.f32 v6, v4  }
0x1c5: {  	v6 =	vadd.f32 v6, v2;
	[tilespmem:v20+s26+$0x0] =	vst.idx.msk $0xffff, v23  }
0x1c6: {  	[tilespmem:v21+s26+$0x0] =	vst.idx.msk $0xffff, v12  }
0x1c7: {  	[tilespmem:v22+s26+$0x0] =	vst.idx.msk $0xffff, v6  }
0x1c8: {  	v6 =	vld [tilespmem:$0xF0];
	_ =	sdelay $0x3  }
0x1c9: {  	v13 =	vadd.s32 $0x7C5, v0  }
0x1ca: {  	v14 =	vadd.s32 $0x7D6, v0;
	v6 =	vadd.f32 v6, v5  }
0x1cb: {  	v15 =	vadd.s32 $0x7E7, v0  }
0x1cc: {  	v16 =	vadd.f32 v6, v3  }
0x1cd: {  	v17 =	vadd.f32 v6, v4  }
0x1ce: {  	v6 =	vadd.f32 v6, v2;
	[tilespmem:v13+s26+$0x0] =	vst.idx.msk $0xffff, v16  }
0x1cf: {  	[tilespmem:v14+s26+$0x0] =	vst.idx.msk $0xffff, v17  }
0x1d0: {  	[tilespmem:v15+s26+$0x0] =	vst.idx.msk $0xffff, v6  }
0x1d1: {  	v6 =	vld [tilespmem:$0x100];
	_ =	sdelay $0x3  }
0x1d2: {  	v18 =	vadd.s32 $0x7F8, v0  }
0x1d3: {  	v19 =	vadd.s32 $0x809, v0;
	v6 =	vadd.f32 v6, v5  }
0x1d4: {  	v20 =	vadd.s32 $0x81A, v0  }
0x1d5: {  	v21 =	vadd.f32 v6, v3  }
0x1d6: {  	v22 =	vadd.f32 v6, v4  }
0x1d7: {  	v6 =	vadd.f32 v6, v2;
	[tilespmem:v18+s26+$0x0] =	vst.idx.msk $0xffff, v21  }
0x1d8: {  	[tilespmem:v19+s26+$0x0] =	vst.idx.msk $0xffff, v22  }
0x1d9: {  	[tilespmem:v20+s26+$0x0] =	vst.idx.msk $0xffff, v6  }
0x1da: {  	v6 =	vld [tilespmem:$0x110];
	_ =	sdelay $0x3  }
0x1db: {  	v23 =	vadd.s32 $0x82B, v0  }
0x1dc: {  	v12 =	vadd.s32 $0x83C, v0;
	v6 =	vadd.f32 v6, v5  }
0x1dd: {  	v13 =	vadd.s32 $0x84D, v0  }
0x1de: {  	v14 =	vadd.f32 v6, v3  }
0x1df: {  	v15 =	vadd.f32 v6, v4  }
0x1e0: {  	v6 =	vadd.f32 v6, v2;
	[tilespmem:v23+s26+$0x0] =	vst.idx.msk $0xffff, v14  }
0x1e1: {  	[tilespmem:v12+s26+$0x0] =	vst.idx.msk $0xffff, v15  }
0x1e2: {  	[tilespmem:v13+s26+$0x0] =	vst.idx.msk $0xffff, v6  }
0x1e3: {  	v6 =	vld [tilespmem:$0x120];
	_ =	sdelay $0x3  }
0x1e4: {  	v16 =	vadd.s32 $0x85E, v0  }
0x1e5: {  	v17 =	vadd.s32 $0x86F, v0;
	v6 =	vadd.f32 v6, v5  }
0x1e6: {  	v18 =	vor.u32 $0x880, v0  }
0x1e7: {  	v19 =	vadd.f32 v6, v3  }
0x1e8: {  	v20 =	vadd.f32 v6, v4  }
0x1e9: {  	v6 =	vadd.f32 v6, v2;
	[tilespmem:v16+s26+$0x0] =	vst.idx.msk $0xffff, v19  }
0x1ea: {  	[tilespmem:v17+s26+$0x0] =	vst.idx.msk $0xffff, v20  }
0x1eb: {  	[tilespmem:v18+s26+$0x0] =	vst.idx.msk $0xffff, v6  }
0x1ec: {  	v6 =	vld [tilespmem:$0x130];
	_ =	sdelay $0x3  }
0x1ed: {  	v21 =	vadd.s32 $0x891, v0  }
0x1ee: {  	v22 =	vadd.s32 $0x8A2, v0;
	v6 =	vadd.f32 v6, v5  }
0x1ef: {  	v23 =	vadd.s32 $0x8B3, v0  }
0x1f0: {  	v12 =	vadd.f32 v6, v3  }
0x1f1: {  	v13 =	vadd.f32 v6, v4  }
0x1f2: {  	v6 =	vadd.f32 v6, v2;
	[tilespmem:v21+s26+$0x0] =	vst.idx.msk $0xffff, v12  }
0x1f3: {  	[tilespmem:v22+s26+$0x0] =	vst.idx.msk $0xffff, v13  }
0x1f4: {  	[tilespmem:v23+s26+$0x0] =	vst.idx.msk $0xffff, v6  }
0x1f5: {  	v6 =	vld [tilespmem:$0x140];
	_ =	sdelay $0x3  }
0x1f6: {  	v14 =	vadd.s32 $0x8C4, v0  }
0x1f7: {  	v15 =	vadd.s32 $0x8D5, v0;
	v6 =	vadd.f32 v6, v5  }
0x1f8: {  	v16 =	vadd.s32 $0x8E6, v0  }
0x1f9: {  	v17 =	vadd.f32 v6, v3  }
0x1fa: {  	v18 =	vadd.f32 v6, v4  }
0x1fb: {  	v6 =	vadd.f32 v6, v2;
	[tilespmem:v14+s26+$0x0] =	vst.idx.msk $0xffff, v17  }
0x1fc: {  	[tilespmem:v15+s26+$0x0] =	vst.idx.msk $0xffff, v18  }
0x1fd: {  	[tilespmem:v16+s26+$0x0] =	vst.idx.msk $0xffff, v6  }
0x1fe: {  	v6 =	vld [tilespmem:$0x150];
	_ =	sdelay $0x3  }
0x1ff: {  	v19 =	vadd.s32 $0x8F7, v0  }
0x200: {  	v20 =	vadd.s32 $0x908, v0;
	v6 =	vadd.f32 v6, v5  }
0x201: {  	v21 =	vadd.s32 $0x919, v0  }
0x202: {  	v22 =	vadd.f32 v6, v3  }
0x203: {  	v23 =	vadd.f32 v6, v4  }
0x204: {  	v6 =	vadd.f32 v6, v2;
	[tilespmem:v19+s26+$0x0] =	vst.idx.msk $0xffff, v22  }
0x205: {  	[tilespmem:v20+s26+$0x0] =	vst.idx.msk $0xffff, v23  }
0x206: {  	[tilespmem:v21+s26+$0x0] =	vst.idx.msk $0xffff, v6  }
0x207: {  	v6 =	vld [tilespmem:$0x160];
	_ =	sdelay $0x3  }
0x208: {  	v12 =	vadd.s32 $0x92A, v0  }
0x209: {  	v13 =	vadd.s32 $0x93B, v0;
	v6 =	vadd.f32 v6, v5  }
0x20a: {  	v14 =	vadd.s32 $0x94C, v0  }
0x20b: {  	v15 =	vadd.f32 v6, v3  }
0x20c: {  	v16 =	vadd.f32 v6, v4  }
0x20d: {  	v6 =	vadd.f32 v6, v2;
	[tilespmem:v12+s26+$0x0] =	vst.idx.msk $0xffff, v15  }
0x20e: {  	[tilespmem:v13+s26+$0x0] =	vst.idx.msk $0xffff, v16  }
0x20f: {  	[tilespmem:v14+s26+$0x0] =	vst.idx.msk $0xffff, v6  }
0x210: {  	v6 =	vld [tilespmem:$0x170];
	_ =	sdelay $0x3  }
0x211: {  	v17 =	vadd.s32 $0x95D, v0  }
0x212: {  	v18 =	vadd.s32 $0x96E, v0;
	v6 =	vadd.f32 v6, v5  }
0x213: {  	v19 =	vadd.s32 $0x97F, v0  }
0x214: {  	v20 =	vadd.f32 v6, v3  }
0x215: {  	v21 =	vadd.f32 v6, v4  }
0x216: {  	v6 =	vadd.f32 v6, v2;
	[tilespmem:v17+s26+$0x0] =	vst.idx.msk $0xffff, v20  }
0x217: {  	[tilespmem:v18+s26+$0x0] =	vst.idx.msk $0xffff, v21  }
0x218: {  	[tilespmem:v19+s26+$0x0] =	vst.idx.msk $0xffff, v6  }
0x219: {  	v6 =	vld [tilespmem:$0x180];
	_ =	sdelay $0x3  }
0x21a: {  	v22 =	vor.u32 $0x990, v0  }
0x21b: {  	v23 =	vadd.s32 $0x9A1, v0;
	v6 =	vadd.f32 v6, v5  }
0x21c: {  	v12 =	vadd.s32 $0x9B2, v0  }
0x21d: {  	v13 =	vadd.f32 v6, v3  }
0x21e: {  	v14 =	vadd.f32 v6, v4  }
0x21f: {  	v6 =	vadd.f32 v6, v2;
	[tilespmem:v22+s26+$0x0] =	vst.idx.msk $0xffff, v13  }
0x220: {  	[tilespmem:v23+s26+$0x0] =	vst.idx.msk $0xffff, v14  }
0x221: {  	[tilespmem:v12+s26+$0x0] =	vst.idx.msk $0xffff, v6  }
0x222: {  	v6 =	vld [tilespmem:$0x190];
	_ =	sdelay $0x3  }
0x223: {  	v15 =	vadd.s32 $0x9C3, v0  }
0x224: {  	v16 =	vadd.s32 $0x9D4, v0;
	v6 =	vadd.f32 v6, v5  }
0x225: {  	v17 =	vadd.s32 $0x9E5, v0  }
0x226: {  	v18 =	vadd.f32 v6, v3  }
0x227: {  	v19 =	vadd.f32 v6, v4  }
0x228: {  	v6 =	vadd.f32 v6, v2;
	[tilespmem:v15+s26+$0x0] =	vst.idx.msk $0xffff, v18  }
0x229: {  	[tilespmem:v16+s26+$0x0] =	vst.idx.msk $0xffff, v19  }
0x22a: {  	[tilespmem:v17+s26+$0x0] =	vst.idx.msk $0xffff, v6  }
0x22b: {  	v6 =	vld [tilespmem:$0x1A0];
	_ =	sdelay $0x3  }
0x22c: {  	v20 =	vadd.s32 $0x9F6, v0  }
0x22d: {  	v21 =	vadd.s32 $0xA07, v0;
	v6 =	vadd.f32 v6, v5  }
0x22e: {  	v22 =	vadd.s32 $0xA18, v0  }
0x22f: {  	v23 =	vadd.f32 v6, v3  }
0x230: {  	v12 =	vadd.f32 v6, v4  }
0x231: {  	v6 =	vadd.f32 v6, v2;
	[tilespmem:v20+s26+$0x0] =	vst.idx.msk $0xffff, v23  }
0x232: {  	[tilespmem:v21+s26+$0x0] =	vst.idx.msk $0xffff, v12  }
0x233: {  	[tilespmem:v22+s26+$0x0] =	vst.idx.msk $0xffff, v6  }
0x234: {  	v6 =	vld [tilespmem:$0x1B0];
	_ =	sdelay $0x3  }
0x235: {  	v13 =	vadd.s32 $0xA29, v0  }
0x236: {  	v14 =	vadd.s32 $0xA3A, v0;
	v6 =	vadd.f32 v6, v5  }
0x237: {  	v15 =	vadd.s32 $0xA4B, v0  }
0x238: {  	v16 =	vadd.f32 v6, v3  }
0x239: {  	v17 =	vadd.f32 v6, v4  }
0x23a: {  	v6 =	vadd.f32 v6, v2;
	[tilespmem:v13+s26+$0x0] =	vst.idx.msk $0xffff, v16  }
0x23b: {  	[tilespmem:v14+s26+$0x0] =	vst.idx.msk $0xffff, v17  }
0x23c: {  	[tilespmem:v15+s26+$0x0] =	vst.idx.msk $0xffff, v6  }
0x23d: {  	v6 =	vld [tilespmem:$0x1C0];
	_ =	sdelay $0x3  }
0x23e: {  	v18 =	vadd.s32 $0xA5C, v0  }
0x23f: {  	v19 =	vadd.s32 $0xA6D, v0;
	v6 =	vadd.f32 v6, v5  }
0x240: {  	v20 =	vadd.s32 $0xA7E, v0  }
0x241: {  	v21 =	vadd.f32 v6, v3  }
0x242: {  	v22 =	vadd.f32 v6, v4  }
0x243: {  	v6 =	vadd.f32 v6, v2;
	[tilespmem:v18+s26+$0x0] =	vst.idx.msk $0xffff, v21  }
0x244: {  	[tilespmem:v19+s26+$0x0] =	vst.idx.msk $0xffff, v22  }
0x245: {  	[tilespmem:v20+s26+$0x0] =	vst.idx.msk $0xffff, v6  }
0x246: {  	v6 =	vld [tilespmem:$0x1D0];
	_ =	sdelay $0x3  }
0x247: {  	v23 =	vadd.s32 $0xA8F, v0  }
0x248: {  	v12 =	vor.u32 $0xAA0, v0;
	v6 =	vadd.f32 v6, v5  }
0x249: {  	v13 =	vadd.s32 $0xAB1, v0  }
0x24a: {  	v14 =	vadd.f32 v6, v3  }
0x24b: {  	v15 =	vadd.f32 v6, v4  }
0x24c: {  	v6 =	vadd.f32 v6, v2;
	[tilespmem:v23+s26+$0x0] =	vst.idx.msk $0xffff, v14  }
0x24d: {  	[tilespmem:v12+s26+$0x0] =	vst.idx.msk $0xffff, v15  }
0x24e: {  	[tilespmem:v13+s26+$0x0] =	vst.idx.msk $0xffff, v6  }
0x24f: {  	v6 =	vld [tilespmem:$0x1E0];
	_ =	sdelay $0x3  }
0x250: {  	v16 =	vadd.s32 $0xAC2, v0  }
0x251: {  	v17 =	vadd.s32 $0xAD3, v0;
	v6 =	vadd.f32 v6, v5  }
0x252: {  	v18 =	vadd.s32 $0xAE4, v0  }
0x253: {  	v19 =	vadd.f32 v6, v3  }
0x254: {  	v20 =	vadd.f32 v6, v4  }
0x255: {  	v6 =	vadd.f32 v6, v2;
	[tilespmem:v16+s26+$0x0] =	vst.idx.msk $0xffff, v19  }
0x256: {  	[tilespmem:v17+s26+$0x0] =	vst.idx.msk $0xffff, v20  }
0x257: {  	[tilespmem:v18+s26+$0x0] =	vst.idx.msk $0xffff, v6  }
0x258: {  	v6 =	vld [tilespmem:$0x1F0];
	_ =	sdelay $0x3  }
0x259: {  	v21 =	vadd.s32 $0xAF5, v0  }
0x25a: {  	v22 =	vadd.s32 $0xB06, v0;
	v6 =	vadd.f32 v6, v5  }
0x25b: {  	v23 =	vadd.s32 $0xB17, v0  }
0x25c: {  	v12 =	vadd.f32 v6, v3  }
0x25d: {  	v13 =	vadd.f32 v6, v4  }
0x25e: {  	v6 =	vadd.f32 v6, v2;
	[tilespmem:v21+s26+$0x0] =	vst.idx.msk $0xffff, v12  }
0x25f: {  	[tilespmem:v22+s26+$0x0] =	vst.idx.msk $0xffff, v13  }
0x260: {  	[tilespmem:v23+s26+$0x0] =	vst.idx.msk $0xffff, v6  }
0x261: {  	v6 =	vld [tilespmem:$0x200];
	_ =	sdelay $0x3  }
0x262: {  	v14 =	vadd.s32 $0xB28, v0  }
0x263: {  	v15 =	vadd.s32 $0xB39, v0;
	v6 =	vadd.f32 v6, v5  }
0x264: {  	v16 =	vadd.s32 $0xB4A, v0  }
0x265: {  	v17 =	vadd.f32 v6, v3  }
0x266: {  	v18 =	vadd.f32 v6, v4  }
0x267: {  	v6 =	vadd.f32 v6, v2;
	[tilespmem:v14+s26+$0x0] =	vst.idx.msk $0xffff, v17  }
0x268: {  	[tilespmem:v15+s26+$0x0] =	vst.idx.msk $0xffff, v18  }
0x269: {  	[tilespmem:v16+s26+$0x0] =	vst.idx.msk $0xffff, v6  }
0x26a: {  	v6 =	vld [tilespmem:$0x210];
	_ =	sdelay $0x3  }
0x26b: {  	v19 =	vadd.s32 $0xB5B, v0  }
0x26c: {  	v20 =	vadd.s32 $0xB6C, v0;
	v6 =	vadd.f32 v6, v5  }
0x26d: {  	v21 =	vadd.s32 $0xB7D, v0  }
0x26e: {  	v22 =	vadd.f32 v6, v3  }
0x26f: {  	v23 =	vadd.f32 v6, v4  }
0x270: {  	v6 =	vadd.f32 v6, v2;
	[tilespmem:v19+s26+$0x0] =	vst.idx.msk $0xffff, v22  }
0x271: {  	[tilespmem:v20+s26+$0x0] =	vst.idx.msk $0xffff, v23  }
0x272: {  	[tilespmem:v21+s26+$0x0] =	vst.idx.msk $0xffff, v6  }
0x273: {  	v6 =	vld [tilespmem:$0x220];
	_ =	sdelay $0x3  }
0x274: {  	v12 =	vadd.s32 $0xB8E, v0  }
0x275: {  	v13 =	vadd.s32 $0xB9F, v0;
	v6 =	vadd.f32 v6, v5  }
0x276: {  	v14 =	vor.u32 $0xBB0, v0  }
0x277: {  	v15 =	vadd.f32 v6, v3  }
0x278: {  	v16 =	vadd.f32 v6, v4  }
0x279: {  	v6 =	vadd.f32 v6, v2;
	[tilespmem:v12+s26+$0x0] =	vst.idx.msk $0xffff, v15  }
0x27a: {  	[tilespmem:v13+s26+$0x0] =	vst.idx.msk $0xffff, v16  }
0x27b: {  	[tilespmem:v14+s26+$0x0] =	vst.idx.msk $0xffff, v6  }
0x27c: {  	v6 =	vld [tilespmem:$0x230];
	_ =	sdelay $0x3  }
0x27d: {  	v17 =	vadd.s32 $0xBC1, v0  }
0x27e: {  	v18 =	vadd.s32 $0xBD2, v0;
	v6 =	vadd.f32 v6, v5  }
0x27f: {  	v19 =	vadd.s32 $0xBE3, v0  }
0x280: {  	v20 =	vadd.f32 v6, v3  }
0x281: {  	v21 =	vadd.f32 v6, v4  }
0x282: {  	v6 =	vadd.f32 v6, v2;
	[tilespmem:v17+s26+$0x0] =	vst.idx.msk $0xffff, v20  }
0x283: {  	[tilespmem:v18+s26+$0x0] =	vst.idx.msk $0xffff, v21  }
0x284: {  	[tilespmem:v19+s26+$0x0] =	vst.idx.msk $0xffff, v6  }
0x285: {  	v6 =	vld [tilespmem:$0x240];
	_ =	sdelay $0x3  }
0x286: {  	v22 =	vadd.s32 $0xBF4, v0  }
0x287: {  	v23 =	vadd.s32 $0xC05, v0;
	v6 =	vadd.f32 v6, v5  }
0x288: {  	v12 =	vadd.s32 $0xC16, v0  }
0x289: {  	v13 =	vadd.f32 v6, v3  }
0x28a: {  	v14 =	vadd.f32 v6, v4  }
0x28b: {  	v6 =	vadd.f32 v6, v2;
	[tilespmem:v22+s26+$0x0] =	vst.idx.msk $0xffff, v13  }
0x28c: {  	[tilespmem:v23+s26+$0x0] =	vst.idx.msk $0xffff, v14  }
0x28d: {  	[tilespmem:v12+s26+$0x0] =	vst.idx.msk $0xffff, v6  }
0x28e: {  	v6 =	vld [tilespmem:$0x250];
	_ =	sdelay $0x3  }
0x28f: {  	v15 =	vadd.s32 $0xC27, v0  }
0x290: {  	v16 =	vadd.s32 $0xC38, v0;
	v6 =	vadd.f32 v6, v5  }
0x291: {  	v17 =	vadd.s32 $0xC49, v0  }
0x292: {  	v18 =	vadd.f32 v6, v3  }
0x293: {  	v19 =	vadd.f32 v6, v4  }
0x294: {  	v6 =	vadd.f32 v6, v2;
	[tilespmem:v15+s26+$0x0] =	vst.idx.msk $0xffff, v18  }
0x295: {  	[tilespmem:v16+s26+$0x0] =	vst.idx.msk $0xffff, v19  }
0x296: {  	[tilespmem:v17+s26+$0x0] =	vst.idx.msk $0xffff, v6  }
0x297: {  	v6 =	vld [tilespmem:$0x260];
	_ =	sdelay $0x3  }
0x298: {  	v20 =	vadd.s32 $0xC5A, v0  }
0x299: {  	v21 =	vadd.s32 $0xC6B, v0;
	v6 =	vadd.f32 v6, v5  }
0x29a: {  	v22 =	vadd.s32 $0xC7C, v0  }
0x29b: {  	v23 =	vadd.f32 v6, v3  }
0x29c: {  	v12 =	vadd.f32 v6, v4  }
0x29d: {  	v6 =	vadd.f32 v6, v2;
	[tilespmem:v20+s26+$0x0] =	vst.idx.msk $0xffff, v23  }
0x29e: {  	[tilespmem:v21+s26+$0x0] =	vst.idx.msk $0xffff, v12  }
0x29f: {  	[tilespmem:v22+s26+$0x0] =	vst.idx.msk $0xffff, v6  }
0x2a0: {  	v6 =	vld [tilespmem:$0x270];
	_ =	sdelay $0x3  }
0x2a1: {  	v13 =	vadd.s32 $0xC8D, v0  }
0x2a2: {  	v14 =	vadd.s32 $0xC9E, v0;
	v5 =	vadd.f32 v6, v5  }
0x2a3: {  	v15 =	vadd.s32 $0xCAF, v0  }
0x2a4: {  	v16 =	vadd.f32 v5, v3  }
0x2a5: {  	v17 =	vadd.f32 v5, v4  }
0x2a6: {  	v5 =	vadd.f32 v5, v2;
	[tilespmem:v13+s26+$0x0] =	vst.idx.msk $0xffff, v16  }
0x2a7: {  	[tilespmem:v14+s26+$0x0] =	vst.idx.msk $0xffff, v17  }
0x2a8: {  	[tilespmem:v15+s26+$0x0] =	vst.idx.msk $0xffff, v5  }
0x2a9: {  	v5 =	vld [tilespmem:$0x20]  }
0x2aa: {  	v6 =	vld [tilespmem:$0x80];
	_ =	sdelay $0x3  }
0x2ab: {  	v18 =	vor.u32 $0xCC0, v0  }
0x2ac: {  	v19 =	vadd.s32 $0xCD1, v0;
	v6 =	vadd.f32 v6, v5  }
0x2ad: {  	v20 =	vadd.s32 $0xCE2, v0  }
0x2ae: {  	v21 =	vadd.f32 v6, v3  }
0x2af: {  	v22 =	vadd.f32 v6, v4  }
0x2b0: {  	v6 =	vadd.f32 v6, v2;
	[tilespmem:v18+s26+$0x0] =	vst.idx.msk $0xffff, v21  }
0x2b1: {  	[tilespmem:v19+s26+$0x0] =	vst.idx.msk $0xffff, v22  }
0x2b2: {  	[tilespmem:v20+s26+$0x0] =	vst.idx.msk $0xffff, v6  }
0x2b3: {  	v6 =	vld [tilespmem:$0x90];
	_ =	sdelay $0x3  }
0x2b4: {  	v23 =	vadd.s32 $0xCF3, v0  }
0x2b5: {  	v12 =	vadd.s32 $0xD04, v0;
	v6 =	vadd.f32 v6, v5  }
0x2b6: {  	v13 =	vadd.s32 $0xD15, v0  }
0x2b7: {  	v14 =	vadd.f32 v6, v3  }
0x2b8: {  	v15 =	vadd.f32 v6, v4  }
0x2b9: {  	v6 =	vadd.f32 v6, v2;
	[tilespmem:v23+s26+$0x0] =	vst.idx.msk $0xffff, v14  }
0x2ba: {  	[tilespmem:v12+s26+$0x0] =	vst.idx.msk $0xffff, v15  }
0x2bb: {  	[tilespmem:v13+s26+$0x0] =	vst.idx.msk $0xffff, v6  }
0x2bc: {  	v6 =	vld [tilespmem:$0xA0];
	_ =	sdelay $0x3  }
0x2bd: {  	v16 =	vadd.s32 $0xD26, v0  }
0x2be: {  	v17 =	vadd.s32 $0xD37, v0;
	v6 =	vadd.f32 v6, v5  }
0x2bf: {  	v18 =	vadd.s32 $0xD48, v0  }
0x2c0: {  	v19 =	vadd.f32 v6, v3  }
0x2c1: {  	v20 =	vadd.f32 v6, v4  }
0x2c2: {  	v6 =	vadd.f32 v6, v2;
	[tilespmem:v16+s26+$0x0] =	vst.idx.msk $0xffff, v19  }
0x2c3: {  	[tilespmem:v17+s26+$0x0] =	vst.idx.msk $0xffff, v20  }
0x2c4: {  	[tilespmem:v18+s26+$0x0] =	vst.idx.msk $0xffff, v6  }
0x2c5: {  	v6 =	vld [tilespmem:$0xB0];
	_ =	sdelay $0x3  }
0x2c6: {  	v21 =	vadd.s32 $0xD59, v0  }
0x2c7: {  	v22 =	vadd.s32 $0xD6A, v0;
	v6 =	vadd.f32 v6, v5  }
0x2c8: {  	v23 =	vadd.s32 $0xD7B, v0  }
0x2c9: {  	v12 =	vadd.f32 v6, v3  }
0x2ca: {  	v13 =	vadd.f32 v6, v4  }
0x2cb: {  	v6 =	vadd.f32 v6, v2;
	[tilespmem:v21+s26+$0x0] =	vst.idx.msk $0xffff, v12  }
0x2cc: {  	[tilespmem:v22+s26+$0x0] =	vst.idx.msk $0xffff, v13  }
0x2cd: {  	[tilespmem:v23+s26+$0x0] =	vst.idx.msk $0xffff, v6  }
0x2ce: {  	v6 =	vld [tilespmem:$0xC0];
	_ =	sdelay $0x3  }
0x2cf: {  	v14 =	vadd.s32 $0xD8C, v0  }
0x2d0: {  	v15 =	vadd.s32 $0xD9D, v0;
	v6 =	vadd.f32 v6, v5  }
0x2d1: {  	v16 =	vadd.s32 $0xDAE, v0  }
0x2d2: {  	v17 =	vadd.f32 v6, v3  }
0x2d3: {  	v18 =	vadd.f32 v6, v4  }
0x2d4: {  	v6 =	vadd.f32 v6, v2;
	[tilespmem:v14+s26+$0x0] =	vst.idx.msk $0xffff, v17  }
0x2d5: {  	[tilespmem:v15+s26+$0x0] =	vst.idx.msk $0xffff, v18  }
0x2d6: {  	[tilespmem:v16+s26+$0x0] =	vst.idx.msk $0xffff, v6  }
0x2d7: {  	v6 =	vld [tilespmem:$0xD0];
	_ =	sdelay $0x3  }
0x2d8: {  	v19 =	vadd.s32 $0xDBF, v0  }
0x2d9: {  	v20 =	vor.u32 $0xDD0, v0;
	v6 =	vadd.f32 v6, v5  }
0x2da: {  	v21 =	vadd.s32 $0xDE1, v0  }
0x2db: {  	v22 =	vadd.f32 v6, v3  }
0x2dc: {  	v23 =	vadd.f32 v6, v4  }
0x2dd: {  	v6 =	vadd.f32 v6, v2;
	[tilespmem:v19+s26+$0x0] =	vst.idx.msk $0xffff, v22  }
0x2de: {  	[tilespmem:v20+s26+$0x0] =	vst.idx.msk $0xffff, v23  }
0x2df: {  	[tilespmem:v21+s26+$0x0] =	vst.idx.msk $0xffff, v6  }
0x2e0: {  	v6 =	vld [tilespmem:$0xE0];
	_ =	sdelay $0x3  }
0x2e1: {  	v12 =	vadd.s32 $0xDF2, v0  }
0x2e2: {  	v13 =	vadd.s32 $0xE03, v0;
	v6 =	vadd.f32 v6, v5  }
0x2e3: {  	v14 =	vadd.s32 $0xE14, v0  }
0x2e4: {  	v15 =	vadd.f32 v6, v3  }
0x2e5: {  	v16 =	vadd.f32 v6, v4  }
0x2e6: {  	v6 =	vadd.f32 v6, v2;
	[tilespmem:v12+s26+$0x0] =	vst.idx.msk $0xffff, v15  }
0x2e7: {  	[tilespmem:v13+s26+$0x0] =	vst.idx.msk $0xffff, v16  }
0x2e8: {  	[tilespmem:v14+s26+$0x0] =	vst.idx.msk $0xffff, v6  }
0x2e9: {  	v6 =	vld [tilespmem:$0xF0];
	_ =	sdelay $0x3  }
0x2ea: {  	v17 =	vadd.s32 $0xE25, v0  }
0x2eb: {  	v18 =	vadd.s32 $0xE36, v0;
	v6 =	vadd.f32 v6, v5  }
0x2ec: {  	v19 =	vadd.s32 $0xE47, v0  }
0x2ed: {  	v20 =	vadd.f32 v6, v3  }
0x2ee: {  	v21 =	vadd.f32 v6, v4  }
0x2ef: {  	v6 =	vadd.f32 v6, v2;
	[tilespmem:v17+s26+$0x0] =	vst.idx.msk $0xffff, v20  }
0x2f0: {  	[tilespmem:v18+s26+$0x0] =	vst.idx.msk $0xffff, v21  }
0x2f1: {  	[tilespmem:v19+s26+$0x0] =	vst.idx.msk $0xffff, v6  }
0x2f2: {  	v6 =	vld [tilespmem:$0x100];
	_ =	sdelay $0x3  }
0x2f3: {  	v22 =	vadd.s32 $0xE58, v0  }
0x2f4: {  	v23 =	vadd.s32 $0xE69, v0;
	v6 =	vadd.f32 v6, v5  }
0x2f5: {  	v12 =	vadd.s32 $0xE7A, v0  }
0x2f6: {  	v13 =	vadd.f32 v6, v3  }
0x2f7: {  	v14 =	vadd.f32 v6, v4  }
0x2f8: {  	v6 =	vadd.f32 v6, v2;
	[tilespmem:v22+s26+$0x0] =	vst.idx.msk $0xffff, v13  }
0x2f9: {  	[tilespmem:v23+s26+$0x0] =	vst.idx.msk $0xffff, v14  }
0x2fa: {  	[tilespmem:v12+s26+$0x0] =	vst.idx.msk $0xffff, v6  }
0x2fb: {  	v6 =	vld [tilespmem:$0x110];
	_ =	sdelay $0x3  }
0x2fc: {  	v15 =	vadd.s32 $0xE8B, v0  }
0x2fd: {  	v16 =	vadd.s32 $0xE9C, v0;
	v6 =	vadd.f32 v6, v5  }
0x2fe: {  	v17 =	vadd.s32 $0xEAD, v0  }
0x2ff: {  	v18 =	vadd.f32 v6, v3  }
0x300: {  	v19 =	vadd.f32 v6, v4  }
0x301: {  	v6 =	vadd.f32 v6, v2;
	[tilespmem:v15+s26+$0x0] =	vst.idx.msk $0xffff, v18  }
0x302: {  	[tilespmem:v16+s26+$0x0] =	vst.idx.msk $0xffff, v19  }
0x303: {  	[tilespmem:v17+s26+$0x0] =	vst.idx.msk $0xffff, v6  }
0x304: {  	v6 =	vld [tilespmem:$0x120];
	_ =	sdelay $0x3  }
0x305: {  	v20 =	vadd.s32 $0xEBE, v0  }
0x306: {  	v21 =	vadd.s32 $0xECF, v0;
	v6 =	vadd.f32 v6, v5  }
0x307: {  	v22 =	vor.u32 $0xEE0, v0  }
0x308: {  	v23 =	vadd.f32 v6, v3  }
0x309: {  	v12 =	vadd.f32 v6, v4  }
0x30a: {  	v6 =	vadd.f32 v6, v2;
	[tilespmem:v20+s26+$0x0] =	vst.idx.msk $0xffff, v23  }
0x30b: {  	[tilespmem:v21+s26+$0x0] =	vst.idx.msk $0xffff, v12  }
0x30c: {  	[tilespmem:v22+s26+$0x0] =	vst.idx.msk $0xffff, v6  }
0x30d: {  	v6 =	vld [tilespmem:$0x130];
	_ =	sdelay $0x3  }
0x30e: {  	v13 =	vadd.s32 $0xEF1, v0  }
0x30f: {  	v14 =	vadd.s32 $0xF02, v0;
	v6 =	vadd.f32 v6, v5  }
0x310: {  	v15 =	vadd.s32 $0xF13, v0  }
0x311: {  	v16 =	vadd.f32 v6, v3  }
0x312: {  	v17 =	vadd.f32 v6, v4  }
0x313: {  	v6 =	vadd.f32 v6, v2;
	[tilespmem:v13+s26+$0x0] =	vst.idx.msk $0xffff, v16  }
0x314: {  	[tilespmem:v14+s26+$0x0] =	vst.idx.msk $0xffff, v17  }
0x315: {  	[tilespmem:v15+s26+$0x0] =	vst.idx.msk $0xffff, v6  }
0x316: {  	v6 =	vld [tilespmem:$0x140];
	_ =	sdelay $0x3  }
0x317: {  	v18 =	vadd.s32 $0xF24, v0  }
0x318: {  	v19 =	vadd.s32 $0xF35, v0;
	v6 =	vadd.f32 v6, v5  }
0x319: {  	v20 =	vadd.s32 $0xF46, v0  }
0x31a: {  	v21 =	vadd.f32 v6, v3  }
0x31b: {  	v22 =	vadd.f32 v6, v4  }
0x31c: {  	v6 =	vadd.f32 v6, v2;
	[tilespmem:v18+s26+$0x0] =	vst.idx.msk $0xffff, v21  }
0x31d: {  	[tilespmem:v19+s26+$0x0] =	vst.idx.msk $0xffff, v22  }
0x31e: {  	[tilespmem:v20+s26+$0x0] =	vst.idx.msk $0xffff, v6  }
0x31f: {  	v6 =	vld [tilespmem:$0x150];
	_ =	sdelay $0x3  }
0x320: {  	v23 =	vadd.s32 $0xF57, v0  }
0x321: {  	v12 =	vadd.s32 $0xF68, v0;
	v6 =	vadd.f32 v6, v5  }
0x322: {  	v13 =	vadd.s32 $0xF79, v0  }
0x323: {  	v14 =	vadd.f32 v6, v3  }
0x324: {  	v15 =	vadd.f32 v6, v4  }
0x325: {  	v6 =	vadd.f32 v6, v2;
	[tilespmem:v23+s26+$0x0] =	vst.idx.msk $0xffff, v14  }
0x326: {  	[tilespmem:v12+s26+$0x0] =	vst.idx.msk $0xffff, v15  }
0x327: {  	[tilespmem:v13+s26+$0x0] =	vst.idx.msk $0xffff, v6  }
0x328: {  	v6 =	vld [tilespmem:$0x160];
	_ =	sdelay $0x3  }
0x329: {  	v16 =	vadd.s32 $0xF8A, v0  }
0x32a: {  	v17 =	vadd.s32 $0xF9B, v0;
	v6 =	vadd.f32 v6, v5  }
0x32b: {  	v18 =	vadd.s32 $0xFAC, v0  }
0x32c: {  	v19 =	vadd.f32 v6, v3  }
0x32d: {  	v20 =	vadd.f32 v6, v4  }
0x32e: {  	v6 =	vadd.f32 v6, v2;
	[tilespmem:v16+s26+$0x0] =	vst.idx.msk $0xffff, v19  }
0x32f: {  	[tilespmem:v17+s26+$0x0] =	vst.idx.msk $0xffff, v20  }
0x330: {  	[tilespmem:v18+s26+$0x0] =	vst.idx.msk $0xffff, v6  }
0x331: {  	v6 =	vld [tilespmem:$0x170];
	_ =	sdelay $0x3  }
0x332: {  	v21 =	vadd.s32 $0xFBD, v0  }
0x333: {  	v22 =	vadd.s32 $0xFCE, v0;
	v6 =	vadd.f32 v6, v5  }
0x334: {  	v23 =	vadd.s32 $0xFDF, v0  }
0x335: {  	v12 =	vadd.f32 v6, v3  }
0x336: {  	v13 =	vadd.f32 v6, v4  }
0x337: {  	v6 =	vadd.f32 v6, v2;
	[tilespmem:v21+s26+$0x0] =	vst.idx.msk $0xffff, v12  }
0x338: {  	[tilespmem:v22+s26+$0x0] =	vst.idx.msk $0xffff, v13  }
0x339: {  	[tilespmem:v23+s26+$0x0] =	vst.idx.msk $0xffff, v6  }
0x33a: {  	v6 =	vld [tilespmem:$0x180];
	_ =	sdelay $0x3  }
0x33b: {  	v14 =	vor.u32 $0xFF0, v0  }
0x33c: {  	v15 =	vadd.s32 $0x1001, v0;
	v6 =	vadd.f32 v6, v5  }
0x33d: {  	v16 =	vadd.s32 $0x1012, v0  }
0x33e: {  	v17 =	vadd.f32 v6, v3  }
0x33f: {  	v18 =	vadd.f32 v6, v4  }
0x340: {  	v6 =	vadd.f32 v6, v2;
	[tilespmem:v14+s26+$0x0] =	vst.idx.msk $0xffff, v17  }
0x341: {  	[tilespmem:v15+s26+$0x0] =	vst.idx.msk $0xffff, v18  }
0x342: {  	[tilespmem:v16+s26+$0x0] =	vst.idx.msk $0xffff, v6  }
0x343: {  	v6 =	vld [tilespmem:$0x190];
	_ =	sdelay $0x3  }
0x344: {  	v19 =	vadd.s32 $0x1023, v0  }
0x345: {  	v20 =	vadd.s32 $0x1034, v0;
	v6 =	vadd.f32 v6, v5  }
0x346: {  	v21 =	vadd.s32 $0x1045, v0  }
0x347: {  	v22 =	vadd.f32 v6, v3  }
0x348: {  	v23 =	vadd.f32 v6, v4  }
0x349: {  	v6 =	vadd.f32 v6, v2;
	[tilespmem:v19+s26+$0x0] =	vst.idx.msk $0xffff, v22  }
0x34a: {  	[tilespmem:v20+s26+$0x0] =	vst.idx.msk $0xffff, v23  }
0x34b: {  	[tilespmem:v21+s26+$0x0] =	vst.idx.msk $0xffff, v6  }
0x34c: {  	v6 =	vld [tilespmem:$0x1A0];
	_ =	sdelay $0x3  }
0x34d: {  	v12 =	vadd.s32 $0x1056, v0  }
0x34e: {  	v13 =	vadd.s32 $0x1067, v0;
	v6 =	vadd.f32 v6, v5  }
0x34f: {  	v14 =	vadd.s32 $0x1078, v0  }
0x350: {  	v15 =	vadd.f32 v6, v3  }
0x351: {  	v16 =	vadd.f32 v6, v4  }
0x352: {  	v6 =	vadd.f32 v6, v2;
	[tilespmem:v12+s26+$0x0] =	vst.idx.msk $0xffff, v15  }
0x353: {  	[tilespmem:v13+s26+$0x0] =	vst.idx.msk $0xffff, v16  }
0x354: {  	[tilespmem:v14+s26+$0x0] =	vst.idx.msk $0xffff, v6  }
0x355: {  	v6 =	vld [tilespmem:$0x1B0];
	_ =	sdelay $0x3  }
0x356: {  	v17 =	vadd.s32 $0x1089, v0  }
0x357: {  	v18 =	vadd.s32 $0x109A, v0;
	v6 =	vadd.f32 v6, v5  }
0x358: {  	v19 =	vadd.s32 $0x10AB, v0  }
0x359: {  	v20 =	vadd.f32 v6, v3  }
0x35a: {  	v21 =	vadd.f32 v6, v4  }
0x35b: {  	v6 =	vadd.f32 v6, v2;
	[tilespmem:v17+s26+$0x0] =	vst.idx.msk $0xffff, v20  }
0x35c: {  	[tilespmem:v18+s26+$0x0] =	vst.idx.msk $0xffff, v21  }
0x35d: {  	[tilespmem:v19+s26+$0x0] =	vst.idx.msk $0xffff, v6  }
0x35e: {  	v6 =	vld [tilespmem:$0x1C0];
	_ =	sdelay $0x3  }
0x35f: {  	v22 =	vadd.s32 $0x10BC, v0  }
0x360: {  	v23 =	vadd.s32 $0x10CD, v0;
	v6 =	vadd.f32 v6, v5  }
0x361: {  	v12 =	vadd.s32 $0x10DE, v0  }
0x362: {  	v13 =	vadd.f32 v6, v3  }
0x363: {  	v14 =	vadd.f32 v6, v4  }
0x364: {  	v6 =	vadd.f32 v6, v2;
	[tilespmem:v22+s26+$0x0] =	vst.idx.msk $0xffff, v13  }
0x365: {  	[tilespmem:v23+s26+$0x0] =	vst.idx.msk $0xffff, v14  }
0x366: {  	[tilespmem:v12+s26+$0x0] =	vst.idx.msk $0xffff, v6  }
0x367: {  	v6 =	vld [tilespmem:$0x1D0];
	_ =	sdelay $0x3  }
0x368: {  	v15 =	vadd.s32 $0x10EF, v0  }
0x369: {  	v16 =	vor.u32 $0x1100, v0;
	v6 =	vadd.f32 v6, v5  }
0x36a: {  	v17 =	vadd.s32 $0x1111, v0  }
0x36b: {  	v18 =	vadd.f32 v6, v3  }
0x36c: {  	v19 =	vadd.f32 v6, v4  }
0x36d: {  	v6 =	vadd.f32 v6, v2;
	[tilespmem:v15+s26+$0x0] =	vst.idx.msk $0xffff, v18  }
0x36e: {  	[tilespmem:v16+s26+$0x0] =	vst.idx.msk $0xffff, v19  }
0x36f: {  	[tilespmem:v17+s26+$0x0] =	vst.idx.msk $0xffff, v6  }
0x370: {  	v6 =	vld [tilespmem:$0x1E0];
	_ =	sdelay $0x3  }
0x371: {  	v20 =	vadd.s32 $0x1122, v0  }
0x372: {  	v21 =	vadd.s32 $0x1133, v0;
	v6 =	vadd.f32 v6, v5  }
0x373: {  	v22 =	vadd.s32 $0x1144, v0  }
0x374: {  	v23 =	vadd.f32 v6, v3  }
0x375: {  	v12 =	vadd.f32 v6, v4  }
0x376: {  	v6 =	vadd.f32 v6, v2;
	[tilespmem:v20+s26+$0x0] =	vst.idx.msk $0xffff, v23  }
0x377: {  	[tilespmem:v21+s26+$0x0] =	vst.idx.msk $0xffff, v12  }
0x378: {  	[tilespmem:v22+s26+$0x0] =	vst.idx.msk $0xffff, v6  }
0x379: {  	v6 =	vld [tilespmem:$0x1F0];
	_ =	sdelay $0x3  }
0x37a: {  	v13 =	vadd.s32 $0x1155, v0  }
0x37b: {  	v14 =	vadd.s32 $0x1166, v0;
	v6 =	vadd.f32 v6, v5  }
0x37c: {  	v15 =	vadd.s32 $0x1177, v0  }
0x37d: {  	v16 =	vadd.f32 v6, v3  }
0x37e: {  	v17 =	vadd.f32 v6, v4  }
0x37f: {  	v6 =	vadd.f32 v6, v2;
	[tilespmem:v13+s26+$0x0] =	vst.idx.msk $0xffff, v16  }
0x380: {  	[tilespmem:v14+s26+$0x0] =	vst.idx.msk $0xffff, v17  }
0x381: {  	[tilespmem:v15+s26+$0x0] =	vst.idx.msk $0xffff, v6  }
0x382: {  	v6 =	vld [tilespmem:$0x200];
	_ =	sdelay $0x3  }
0x383: {  	v18 =	vadd.s32 $0x1188, v0  }
0x384: {  	v19 =	vadd.s32 $0x1199, v0;
	v6 =	vadd.f32 v6, v5  }
0x385: {  	v20 =	vadd.s32 $0x11AA, v0  }
0x386: {  	v21 =	vadd.f32 v6, v3  }
0x387: {  	v22 =	vadd.f32 v6, v4  }
0x388: {  	v6 =	vadd.f32 v6, v2;
	[tilespmem:v18+s26+$0x0] =	vst.idx.msk $0xffff, v21  }
0x389: {  	[tilespmem:v19+s26+$0x0] =	vst.idx.msk $0xffff, v22  }
0x38a: {  	[tilespmem:v20+s26+$0x0] =	vst.idx.msk $0xffff, v6  }
0x38b: {  	v6 =	vld [tilespmem:$0x210];
	_ =	sdelay $0x3  }
0x38c: {  	v23 =	vadd.s32 $0x11BB, v0  }
0x38d: {  	v12 =	vadd.s32 $0x11CC, v0;
	v6 =	vadd.f32 v6, v5  }
0x38e: {  	v13 =	vadd.s32 $0x11DD, v0  }
0x38f: {  	v14 =	vadd.f32 v6, v3  }
0x390: {  	v15 =	vadd.f32 v6, v4  }
0x391: {  	v6 =	vadd.f32 v6, v2;
	[tilespmem:v23+s26+$0x0] =	vst.idx.msk $0xffff, v14  }
0x392: {  	[tilespmem:v12+s26+$0x0] =	vst.idx.msk $0xffff, v15  }
0x393: {  	[tilespmem:v13+s26+$0x0] =	vst.idx.msk $0xffff, v6  }
0x394: {  	v6 =	vld [tilespmem:$0x220];
	_ =	sdelay $0x3  }
0x395: {  	v16 =	vadd.s32 $0x11EE, v0  }
0x396: {  	v17 =	vadd.s32 $0x11FF, v0;
	v6 =	vadd.f32 v6, v5  }
0x397: {  	v18 =	vor.u32 $0x1210, v0  }
0x398: {  	v19 =	vadd.f32 v6, v3  }
0x399: {  	v20 =	vadd.f32 v6, v4  }
0x39a: {  	v6 =	vadd.f32 v6, v2;
	[tilespmem:v16+s26+$0x0] =	vst.idx.msk $0xffff, v19  }
0x39b: {  	[tilespmem:v17+s26+$0x0] =	vst.idx.msk $0xffff, v20  }
0x39c: {  	[tilespmem:v18+s26+$0x0] =	vst.idx.msk $0xffff, v6  }
0x39d: {  	v6 =	vld [tilespmem:$0x230];
	_ =	sdelay $0x3  }
0x39e: {  	v21 =	vadd.s32 $0x1221, v0  }
0x39f: {  	v22 =	vadd.s32 $0x1232, v0;
	v6 =	vadd.f32 v6, v5  }
0x3a0: {  	v23 =	vadd.s32 $0x1243, v0  }
0x3a1: {  	v12 =	vadd.f32 v6, v3  }
0x3a2: {  	v13 =	vadd.f32 v6, v4  }
0x3a3: {  	v6 =	vadd.f32 v6, v2;
	[tilespmem:v21+s26+$0x0] =	vst.idx.msk $0xffff, v12  }
0x3a4: {  	[tilespmem:v22+s26+$0x0] =	vst.idx.msk $0xffff, v13  }
0x3a5: {  	[tilespmem:v23+s26+$0x0] =	vst.idx.msk $0xffff, v6  }
0x3a6: {  	v6 =	vld [tilespmem:$0x240];
	_ =	sdelay $0x3  }
0x3a7: {  	v14 =	vadd.s32 $0x1254, v0  }
0x3a8: {  	v15 =	vadd.s32 $0x1265, v0;
	v6 =	vadd.f32 v6, v5  }
0x3a9: {  	v16 =	vadd.s32 $0x1276, v0  }
0x3aa: {  	v17 =	vadd.f32 v6, v3  }
0x3ab: {  	v18 =	vadd.f32 v6, v4  }
0x3ac: {  	v6 =	vadd.f32 v6, v2;
	[tilespmem:v14+s26+$0x0] =	vst.idx.msk $0xffff, v17  }
0x3ad: {  	[tilespmem:v15+s26+$0x0] =	vst.idx.msk $0xffff, v18  }
0x3ae: {  	[tilespmem:v16+s26+$0x0] =	vst.idx.msk $0xffff, v6  }
0x3af: {  	v6 =	vld [tilespmem:$0x250];
	_ =	sdelay $0x3  }
0x3b0: {  	v19 =	vadd.s32 $0x1287, v0  }
0x3b1: {  	v20 =	vadd.s32 $0x1298, v0;
	v6 =	vadd.f32 v6, v5  }
0x3b2: {  	v21 =	vadd.s32 $0x12A9, v0  }
0x3b3: {  	v22 =	vadd.f32 v6, v3  }
0x3b4: {  	v23 =	vadd.f32 v6, v4  }
0x3b5: {  	v6 =	vadd.f32 v6, v2;
	[tilespmem:v19+s26+$0x0] =	vst.idx.msk $0xffff, v22  }
0x3b6: {  	[tilespmem:v20+s26+$0x0] =	vst.idx.msk $0xffff, v23  }
0x3b7: {  	[tilespmem:v21+s26+$0x0] =	vst.idx.msk $0xffff, v6  }
0x3b8: {  	v6 =	vld [tilespmem:$0x260];
	_ =	sdelay $0x3  }
0x3b9: {  	v12 =	vadd.s32 $0x12BA, v0  }
0x3ba: {  	v13 =	vadd.s32 $0x12CB, v0;
	v6 =	vadd.f32 v6, v5  }
0x3bb: {  	v14 =	vadd.s32 $0x12DC, v0  }
0x3bc: {  	v15 =	vadd.f32 v6, v3  }
0x3bd: {  	v16 =	vadd.f32 v6, v4  }
0x3be: {  	v6 =	vadd.f32 v6, v2;
	[tilespmem:v12+s26+$0x0] =	vst.idx.msk $0xffff, v15  }
0x3bf: {  	[tilespmem:v13+s26+$0x0] =	vst.idx.msk $0xffff, v16  }
0x3c0: {  	[tilespmem:v14+s26+$0x0] =	vst.idx.msk $0xffff, v6  }
0x3c1: {  	v6 =	vld [tilespmem:$0x270];
	_ =	sdelay $0x3  }
0x3c2: {  	v17 =	vadd.s32 $0x12ED, v0  }
0x3c3: {  	v18 =	vadd.s32 $0x12FE, v0;
	v5 =	vadd.f32 v6, v5  }
0x3c4: {  	v19 =	vadd.s32 $0x130F, v0  }
0x3c5: {  	v20 =	vadd.f32 v5, v3  }
0x3c6: {  	v21 =	vadd.f32 v5, v4  }
0x3c7: {  	v5 =	vadd.f32 v5, v2;
	[tilespmem:v17+s26+$0x0] =	vst.idx.msk $0xffff, v20  }
0x3c8: {  	[tilespmem:v18+s26+$0x0] =	vst.idx.msk $0xffff, v21  }
0x3c9: {  	[tilespmem:v19+s26+$0x0] =	vst.idx.msk $0xffff, v5  }
0x3ca: {  	v5 =	vld [tilespmem:$0x30]  }
0x3cb: {  	v6 =	vld [tilespmem:$0x80];
	_ =	sdelay $0x3  }
0x3cc: {  	v22 =	vor.u32 $0x1320, v0  }
0x3cd: {  	v23 =	vadd.s32 $0x1331, v0;
	v6 =	vadd.f32 v6, v5  }
0x3ce: {  	v12 =	vadd.s32 $0x1342, v0  }
0x3cf: {  	v13 =	vadd.f32 v6, v3  }
0x3d0: {  	v14 =	vadd.f32 v6, v4  }
0x3d1: {  	v6 =	vadd.f32 v6, v2;
	[tilespmem:v22+s26+$0x0] =	vst.idx.msk $0xffff, v13  }
0x3d2: {  	[tilespmem:v23+s26+$0x0] =	vst.idx.msk $0xffff, v14  }
0x3d3: {  	[tilespmem:v12+s26+$0x0] =	vst.idx.msk $0xffff, v6  }
0x3d4: {  	v6 =	vld [tilespmem:$0x90];
	_ =	sdelay $0x3  }
0x3d5: {  	v15 =	vadd.s32 $0x1353, v0  }
0x3d6: {  	v16 =	vadd.s32 $0x1364, v0;
	v6 =	vadd.f32 v6, v5  }
0x3d7: {  	v17 =	vadd.s32 $0x1375, v0  }
0x3d8: {  	v18 =	vadd.f32 v6, v3  }
0x3d9: {  	v19 =	vadd.f32 v6, v4  }
0x3da: {  	v6 =	vadd.f32 v6, v2;
	[tilespmem:v15+s26+$0x0] =	vst.idx.msk $0xffff, v18  }
0x3db: {  	[tilespmem:v16+s26+$0x0] =	vst.idx.msk $0xffff, v19  }
0x3dc: {  	[tilespmem:v17+s26+$0x0] =	vst.idx.msk $0xffff, v6  }
0x3dd: {  	v6 =	vld [tilespmem:$0xA0];
	_ =	sdelay $0x3  }
0x3de: {  	v20 =	vadd.s32 $0x1386, v0  }
0x3df: {  	v21 =	vadd.s32 $0x1397, v0;
	v6 =	vadd.f32 v6, v5  }
0x3e0: {  	v22 =	vadd.s32 $0x13A8, v0  }
0x3e1: {  	v23 =	vadd.f32 v6, v3  }
0x3e2: {  	v12 =	vadd.f32 v6, v4  }
0x3e3: {  	v6 =	vadd.f32 v6, v2;
	[tilespmem:v20+s26+$0x0] =	vst.idx.msk $0xffff, v23  }
0x3e4: {  	[tilespmem:v21+s26+$0x0] =	vst.idx.msk $0xffff, v12  }
0x3e5: {  	[tilespmem:v22+s26+$0x0] =	vst.idx.msk $0xffff, v6  }
0x3e6: {  	v6 =	vld [tilespmem:$0xB0];
	_ =	sdelay $0x3  }
0x3e7: {  	v13 =	vadd.s32 $0x13B9, v0  }
0x3e8: {  	v14 =	vadd.s32 $0x13CA, v0;
	v6 =	vadd.f32 v6, v5  }
0x3e9: {  	v15 =	vadd.s32 $0x13DB, v0  }
0x3ea: {  	v16 =	vadd.f32 v6, v3  }
0x3eb: {  	v17 =	vadd.f32 v6, v4  }
0x3ec: {  	v6 =	vadd.f32 v6, v2;
	[tilespmem:v13+s26+$0x0] =	vst.idx.msk $0xffff, v16  }
0x3ed: {  	[tilespmem:v14+s26+$0x0] =	vst.idx.msk $0xffff, v17  }
0x3ee: {  	[tilespmem:v15+s26+$0x0] =	vst.idx.msk $0xffff, v6  }
0x3ef: {  	v6 =	vld [tilespmem:$0xC0];
	_ =	sdelay $0x3  }
0x3f0: {  	v18 =	vadd.s32 $0x13EC, v0  }
0x3f1: {  	v19 =	vadd.s32 $0x13FD, v0;
	v6 =	vadd.f32 v6, v5  }
0x3f2: {  	v20 =	vadd.s32 $0x140E, v0  }
0x3f3: {  	v21 =	vadd.f32 v6, v3  }
0x3f4: {  	v22 =	vadd.f32 v6, v4  }
0x3f5: {  	v6 =	vadd.f32 v6, v2;
	[tilespmem:v18+s26+$0x0] =	vst.idx.msk $0xffff, v21  }
0x3f6: {  	[tilespmem:v19+s26+$0x0] =	vst.idx.msk $0xffff, v22  }
0x3f7: {  	[tilespmem:v20+s26+$0x0] =	vst.idx.msk $0xffff, v6  }
0x3f8: {  	v6 =	vld [tilespmem:$0xD0];
	_ =	sdelay $0x3  }
0x3f9: {  	v23 =	vadd.s32 $0x141F, v0  }
0x3fa: {  	v12 =	vor.u32 $0x1430, v0;
	v6 =	vadd.f32 v6, v5  }
0x3fb: {  	v13 =	vadd.s32 $0x1441, v0  }
0x3fc: {  	v14 =	vadd.f32 v6, v3  }
0x3fd: {  	v15 =	vadd.f32 v6, v4  }
0x3fe: {  	v6 =	vadd.f32 v6, v2;
	[tilespmem:v23+s26+$0x0] =	vst.idx.msk $0xffff, v14  }
0x3ff: {  	[tilespmem:v12+s26+$0x0] =	vst.idx.msk $0xffff, v15  }
0x400: {  	[tilespmem:v13+s26+$0x0] =	vst.idx.msk $0xffff, v6  }
0x401: {  	v6 =	vld [tilespmem:$0xE0];
	_ =	sdelay $0x3  }
0x402: {  	v16 =	vadd.s32 $0x1452, v0  }
0x403: {  	v17 =	vadd.s32 $0x1463, v0;
	v6 =	vadd.f32 v6, v5  }
0x404: {  	v18 =	vadd.s32 $0x1474, v0  }
0x405: {  	v19 =	vadd.f32 v6, v3  }
0x406: {  	v20 =	vadd.f32 v6, v4  }
0x407: {  	v6 =	vadd.f32 v6, v2;
	[tilespmem:v16+s26+$0x0] =	vst.idx.msk $0xffff, v19  }
0x408: {  	[tilespmem:v17+s26+$0x0] =	vst.idx.msk $0xffff, v20  }
0x409: {  	[tilespmem:v18+s26+$0x0] =	vst.idx.msk $0xffff, v6  }
0x40a: {  	v6 =	vld [tilespmem:$0xF0];
	_ =	sdelay $0x3  }
0x40b: {  	v21 =	vadd.s32 $0x1485, v0  }
0x40c: {  	v22 =	vadd.s32 $0x1496, v0;
	v6 =	vadd.f32 v6, v5  }
0x40d: {  	v23 =	vadd.s32 $0x14A7, v0  }
0x40e: {  	v12 =	vadd.f32 v6, v3  }
0x40f: {  	v13 =	vadd.f32 v6, v4  }
0x410: {  	v6 =	vadd.f32 v6, v2;
	[tilespmem:v21+s26+$0x0] =	vst.idx.msk $0xffff, v12  }
0x411: {  	[tilespmem:v22+s26+$0x0] =	vst.idx.msk $0xffff, v13  }
0x412: {  	[tilespmem:v23+s26+$0x0] =	vst.idx.msk $0xffff, v6  }
0x413: {  	v6 =	vld [tilespmem:$0x100];
	_ =	sdelay $0x3  }
0x414: {  	v14 =	vadd.s32 $0x14B8, v0  }
0x415: {  	v15 =	vadd.s32 $0x14C9, v0;
	v6 =	vadd.f32 v6, v5  }
0x416: {  	v16 =	vadd.s32 $0x14DA, v0  }
0x417: {  	v17 =	vadd.f32 v6, v3  }
0x418: {  	v18 =	vadd.f32 v6, v4  }
0x419: {  	v6 =	vadd.f32 v6, v2;
	[tilespmem:v14+s26+$0x0] =	vst.idx.msk $0xffff, v17  }
0x41a: {  	[tilespmem:v15+s26+$0x0] =	vst.idx.msk $0xffff, v18  }
0x41b: {  	[tilespmem:v16+s26+$0x0] =	vst.idx.msk $0xffff, v6  }
0x41c: {  	v6 =	vld [tilespmem:$0x110];
	_ =	sdelay $0x3  }
0x41d: {  	v19 =	vadd.s32 $0x14EB, v0  }
0x41e: {  	v20 =	vadd.s32 $0x14FC, v0;
	v6 =	vadd.f32 v6, v5  }
0x41f: {  	v21 =	vadd.s32 $0x150D, v0  }
0x420: {  	v22 =	vadd.f32 v6, v3  }
0x421: {  	v23 =	vadd.f32 v6, v4  }
0x422: {  	v6 =	vadd.f32 v6, v2;
	[tilespmem:v19+s26+$0x0] =	vst.idx.msk $0xffff, v22  }
0x423: {  	[tilespmem:v20+s26+$0x0] =	vst.idx.msk $0xffff, v23  }
0x424: {  	[tilespmem:v21+s26+$0x0] =	vst.idx.msk $0xffff, v6  }
0x425: {  	v6 =	vld [tilespmem:$0x120];
	_ =	sdelay $0x3  }
0x426: {  	v12 =	vadd.s32 $0x151E, v0  }
0x427: {  	v13 =	vadd.s32 $0x152F, v0;
	v6 =	vadd.f32 v6, v5  }
0x428: {  	v14 =	vor.u32 $0x1540, v0  }
0x429: {  	v15 =	vadd.f32 v6, v3  }
0x42a: {  	v16 =	vadd.f32 v6, v4  }
0x42b: {  	v6 =	vadd.f32 v6, v2;
	[tilespmem:v12+s26+$0x0] =	vst.idx.msk $0xffff, v15  }
0x42c: {  	[tilespmem:v13+s26+$0x0] =	vst.idx.msk $0xffff, v16  }
0x42d: {  	[tilespmem:v14+s26+$0x0] =	vst.idx.msk $0xffff, v6  }
0x42e: {  	v6 =	vld [tilespmem:$0x130];
	_ =	sdelay $0x3  }
0x42f: {  	v17 =	vadd.s32 $0x1551, v0  }
0x430: {  	v18 =	vadd.s32 $0x1562, v0;
	v6 =	vadd.f32 v6, v5  }
0x431: {  	v19 =	vadd.s32 $0x1573, v0  }
0x432: {  	v20 =	vadd.f32 v6, v3  }
0x433: {  	v21 =	vadd.f32 v6, v4  }
0x434: {  	v6 =	vadd.f32 v6, v2;
	[tilespmem:v17+s26+$0x0] =	vst.idx.msk $0xffff, v20  }
0x435: {  	[tilespmem:v18+s26+$0x0] =	vst.idx.msk $0xffff, v21  }
0x436: {  	[tilespmem:v19+s26+$0x0] =	vst.idx.msk $0xffff, v6  }
0x437: {  	v6 =	vld [tilespmem:$0x140];
	_ =	sdelay $0x3  }
0x438: {  	v22 =	vadd.s32 $0x1584, v0  }
0x439: {  	v23 =	vadd.s32 $0x1595, v0;
	v6 =	vadd.f32 v6, v5  }
0x43a: {  	v12 =	vadd.s32 $0x15A6, v0  }
0x43b: {  	v13 =	vadd.f32 v6, v3  }
0x43c: {  	v14 =	vadd.f32 v6, v4  }
0x43d: {  	v6 =	vadd.f32 v6, v2;
	[tilespmem:v22+s26+$0x0] =	vst.idx.msk $0xffff, v13  }
0x43e: {  	[tilespmem:v23+s26+$0x0] =	vst.idx.msk $0xffff, v14  }
0x43f: {  	[tilespmem:v12+s26+$0x0] =	vst.idx.msk $0xffff, v6  }
0x440: {  	v6 =	vld [tilespmem:$0x150];
	_ =	sdelay $0x3  }
0x441: {  	v15 =	vadd.s32 $0x15B7, v0  }
0x442: {  	v16 =	vadd.s32 $0x15C8, v0;
	v6 =	vadd.f32 v6, v5  }
0x443: {  	v17 =	vadd.s32 $0x15D9, v0  }
0x444: {  	v18 =	vadd.f32 v6, v3  }
0x445: {  	v19 =	vadd.f32 v6, v4  }
0x446: {  	v6 =	vadd.f32 v6, v2;
	[tilespmem:v15+s26+$0x0] =	vst.idx.msk $0xffff, v18  }
0x447: {  	[tilespmem:v16+s26+$0x0] =	vst.idx.msk $0xffff, v19  }
0x448: {  	[tilespmem:v17+s26+$0x0] =	vst.idx.msk $0xffff, v6  }
0x449: {  	v6 =	vld [tilespmem:$0x160];
	_ =	sdelay $0x3  }
0x44a: {  	v20 =	vadd.s32 $0x15EA, v0  }
0x44b: {  	v21 =	vadd.s32 $0x15FB, v0;
	v6 =	vadd.f32 v6, v5  }
0x44c: {  	v22 =	vadd.s32 $0x160C, v0  }
0x44d: {  	v23 =	vadd.f32 v6, v3  }
0x44e: {  	v12 =	vadd.f32 v6, v4  }
0x44f: {  	v6 =	vadd.f32 v6, v2;
	[tilespmem:v20+s26+$0x0] =	vst.idx.msk $0xffff, v23  }
0x450: {  	[tilespmem:v21+s26+$0x0] =	vst.idx.msk $0xffff, v12  }
0x451: {  	[tilespmem:v22+s26+$0x0] =	vst.idx.msk $0xffff, v6  }
0x452: {  	v6 =	vld [tilespmem:$0x170];
	_ =	sdelay $0x3  }
0x453: {  	v13 =	vadd.s32 $0x161D, v0  }
0x454: {  	v14 =	vadd.s32 $0x162E, v0;
	v6 =	vadd.f32 v6, v5  }
0x455: {  	v15 =	vadd.s32 $0x163F, v0  }
0x456: {  	v16 =	vadd.f32 v6, v3  }
0x457: {  	v17 =	vadd.f32 v6, v4  }
0x458: {  	v6 =	vadd.f32 v6, v2;
	[tilespmem:v13+s26+$0x0] =	vst.idx.msk $0xffff, v16  }
0x459: {  	[tilespmem:v14+s26+$0x0] =	vst.idx.msk $0xffff, v17  }
0x45a: {  	[tilespmem:v15+s26+$0x0] =	vst.idx.msk $0xffff, v6  }
0x45b: {  	v6 =	vld [tilespmem:$0x180];
	_ =	sdelay $0x3  }
0x45c: {  	v18 =	vor.u32 $0x1650, v0  }
0x45d: {  	v19 =	vadd.s32 $0x1661, v0;
	v6 =	vadd.f32 v6, v5  }
0x45e: {  	v20 =	vadd.s32 $0x1672, v0  }
0x45f: {  	v21 =	vadd.f32 v6, v3  }
0x460: {  	v22 =	vadd.f32 v6, v4  }
0x461: {  	v6 =	vadd.f32 v6, v2;
	[tilespmem:v18+s26+$0x0] =	vst.idx.msk $0xffff, v21  }
0x462: {  	[tilespmem:v19+s26+$0x0] =	vst.idx.msk $0xffff, v22  }
0x463: {  	[tilespmem:v20+s26+$0x0] =	vst.idx.msk $0xffff, v6  }
0x464: {  	v6 =	vld [tilespmem:$0x190];
	_ =	sdelay $0x3  }
0x465: {  	v23 =	vadd.s32 $0x1683, v0  }
0x466: {  	v12 =	vadd.s32 $0x1694, v0;
	v6 =	vadd.f32 v6, v5  }
0x467: {  	v13 =	vadd.s32 $0x16A5, v0  }
0x468: {  	v14 =	vadd.f32 v6, v3  }
0x469: {  	v15 =	vadd.f32 v6, v4  }
0x46a: {  	v6 =	vadd.f32 v6, v2;
	[tilespmem:v23+s26+$0x0] =	vst.idx.msk $0xffff, v14  }
0x46b: {  	[tilespmem:v12+s26+$0x0] =	vst.idx.msk $0xffff, v15  }
0x46c: {  	[tilespmem:v13+s26+$0x0] =	vst.idx.msk $0xffff, v6  }
0x46d: {  	v6 =	vld [tilespmem:$0x1A0];
	_ =	sdelay $0x3  }
0x46e: {  	v16 =	vadd.s32 $0x16B6, v0  }
0x46f: {  	v17 =	vadd.s32 $0x16C7, v0;
	v6 =	vadd.f32 v6, v5  }
0x470: {  	v18 =	vadd.s32 $0x16D8, v0  }
0x471: {  	v19 =	vadd.f32 v6, v3  }
0x472: {  	v20 =	vadd.f32 v6, v4  }
0x473: {  	v6 =	vadd.f32 v6, v2;
	[tilespmem:v16+s26+$0x0] =	vst.idx.msk $0xffff, v19  }
0x474: {  	[tilespmem:v17+s26+$0x0] =	vst.idx.msk $0xffff, v20  }
0x475: {  	[tilespmem:v18+s26+$0x0] =	vst.idx.msk $0xffff, v6  }
0x476: {  	v6 =	vld [tilespmem:$0x1B0];
	_ =	sdelay $0x3  }
0x477: {  	v21 =	vadd.s32 $0x16E9, v0  }
0x478: {  	v22 =	vadd.s32 $0x16FA, v0;
	v6 =	vadd.f32 v6, v5  }
0x479: {  	v23 =	vadd.s32 $0x170B, v0  }
0x47a: {  	v12 =	vadd.f32 v6, v3  }
0x47b: {  	v13 =	vadd.f32 v6, v4  }
0x47c: {  	v6 =	vadd.f32 v6, v2;
	[tilespmem:v21+s26+$0x0] =	vst.idx.msk $0xffff, v12  }
0x47d: {  	[tilespmem:v22+s26+$0x0] =	vst.idx.msk $0xffff, v13  }
0x47e: {  	[tilespmem:v23+s26+$0x0] =	vst.idx.msk $0xffff, v6  }
0x47f: {  	v6 =	vld [tilespmem:$0x1C0];
	_ =	sdelay $0x3  }
0x480: {  	v14 =	vadd.s32 $0x171C, v0  }
0x481: {  	v15 =	vadd.s32 $0x172D, v0;
	v6 =	vadd.f32 v6, v5  }
0x482: {  	v16 =	vadd.s32 $0x173E, v0  }
0x483: {  	v17 =	vadd.f32 v6, v3  }
0x484: {  	v18 =	vadd.f32 v6, v4  }
0x485: {  	v6 =	vadd.f32 v6, v2;
	[tilespmem:v14+s26+$0x0] =	vst.idx.msk $0xffff, v17  }
0x486: {  	[tilespmem:v15+s26+$0x0] =	vst.idx.msk $0xffff, v18  }
0x487: {  	[tilespmem:v16+s26+$0x0] =	vst.idx.msk $0xffff, v6  }
0x488: {  	v6 =	vld [tilespmem:$0x1D0];
	_ =	sdelay $0x3  }
0x489: {  	v19 =	vadd.s32 $0x174F, v0  }
0x48a: {  	v20 =	vor.u32 $0x1760, v0;
	v6 =	vadd.f32 v6, v5  }
0x48b: {  	v21 =	vadd.s32 $0x1771, v0  }
0x48c: {  	v22 =	vadd.f32 v6, v3  }
0x48d: {  	v23 =	vadd.f32 v6, v4  }
0x48e: {  	v6 =	vadd.f32 v6, v2;
	[tilespmem:v19+s26+$0x0] =	vst.idx.msk $0xffff, v22  }
0x48f: {  	[tilespmem:v20+s26+$0x0] =	vst.idx.msk $0xffff, v23  }
0x490: {  	[tilespmem:v21+s26+$0x0] =	vst.idx.msk $0xffff, v6  }
0x491: {  	v6 =	vld [tilespmem:$0x1E0];
	_ =	sdelay $0x3  }
0x492: {  	v12 =	vadd.s32 $0x1782, v0  }
0x493: {  	v13 =	vadd.s32 $0x1793, v0;
	v6 =	vadd.f32 v6, v5  }
0x494: {  	v14 =	vadd.s32 $0x17A4, v0  }
0x495: {  	v15 =	vadd.f32 v6, v3  }
0x496: {  	v16 =	vadd.f32 v6, v4  }
0x497: {  	v6 =	vadd.f32 v6, v2;
	[tilespmem:v12+s26+$0x0] =	vst.idx.msk $0xffff, v15  }
0x498: {  	[tilespmem:v13+s26+$0x0] =	vst.idx.msk $0xffff, v16  }
0x499: {  	[tilespmem:v14+s26+$0x0] =	vst.idx.msk $0xffff, v6  }
0x49a: {  	v6 =	vld [tilespmem:$0x1F0];
	_ =	sdelay $0x3  }
0x49b: {  	v17 =	vadd.s32 $0x17B5, v0  }
0x49c: {  	v18 =	vadd.s32 $0x17C6, v0;
	v6 =	vadd.f32 v6, v5  }
0x49d: {  	v19 =	vadd.s32 $0x17D7, v0  }
0x49e: {  	v20 =	vadd.f32 v6, v3  }
0x49f: {  	v21 =	vadd.f32 v6, v4  }
0x4a0: {  	v6 =	vadd.f32 v6, v2;
	[tilespmem:v17+s26+$0x0] =	vst.idx.msk $0xffff, v20  }
0x4a1: {  	[tilespmem:v18+s26+$0x0] =	vst.idx.msk $0xffff, v21  }
0x4a2: {  	[tilespmem:v19+s26+$0x0] =	vst.idx.msk $0xffff, v6  }
0x4a3: {  	v6 =	vld [tilespmem:$0x200];
	_ =	sdelay $0x3  }
0x4a4: {  	v22 =	vadd.s32 $0x17E8, v0  }
0x4a5: {  	v23 =	vadd.s32 $0x17F9, v0;
	v6 =	vadd.f32 v6, v5  }
0x4a6: {  	v12 =	vadd.s32 $0x180A, v0  }
0x4a7: {  	v13 =	vadd.f32 v6, v3  }
0x4a8: {  	v14 =	vadd.f32 v6, v4  }
0x4a9: {  	v6 =	vadd.f32 v6, v2;
	[tilespmem:v22+s26+$0x0] =	vst.idx.msk $0xffff, v13  }
0x4aa: {  	[tilespmem:v23+s26+$0x0] =	vst.idx.msk $0xffff, v14  }
0x4ab: {  	[tilespmem:v12+s26+$0x0] =	vst.idx.msk $0xffff, v6  }
0x4ac: {  	v6 =	vld [tilespmem:$0x210];
	_ =	sdelay $0x3  }
0x4ad: {  	v15 =	vadd.s32 $0x181B, v0  }
0x4ae: {  	v16 =	vadd.s32 $0x182C, v0;
	v6 =	vadd.f32 v6, v5  }
0x4af: {  	v17 =	vadd.s32 $0x183D, v0  }
0x4b0: {  	v18 =	vadd.f32 v6, v3  }
0x4b1: {  	v19 =	vadd.f32 v6, v4  }
0x4b2: {  	v6 =	vadd.f32 v6, v2;
	[tilespmem:v15+s26+$0x0] =	vst.idx.msk $0xffff, v18  }
0x4b3: {  	[tilespmem:v16+s26+$0x0] =	vst.idx.msk $0xffff, v19  }
0x4b4: {  	[tilespmem:v17+s26+$0x0] =	vst.idx.msk $0xffff, v6  }
0x4b5: {  	v6 =	vld [tilespmem:$0x220];
	_ =	sdelay $0x3  }
0x4b6: {  	v20 =	vadd.s32 $0x184E, v0  }
0x4b7: {  	v21 =	vadd.s32 $0x185F, v0;
	v6 =	vadd.f32 v6, v5  }
0x4b8: {  	v22 =	vor.u32 $0x1870, v0  }
0x4b9: {  	v23 =	vadd.f32 v6, v3  }
0x4ba: {  	v12 =	vadd.f32 v6, v4  }
0x4bb: {  	v6 =	vadd.f32 v6, v2;
	[tilespmem:v20+s26+$0x0] =	vst.idx.msk $0xffff, v23  }
0x4bc: {  	[tilespmem:v21+s26+$0x0] =	vst.idx.msk $0xffff, v12  }
0x4bd: {  	[tilespmem:v22+s26+$0x0] =	vst.idx.msk $0xffff, v6  }
0x4be: {  	v6 =	vld [tilespmem:$0x230];
	_ =	sdelay $0x3  }
0x4bf: {  	v13 =	vadd.s32 $0x1881, v0  }
0x4c0: {  	v14 =	vadd.s32 $0x1892, v0;
	v6 =	vadd.f32 v6, v5  }
0x4c1: {  	v15 =	vadd.s32 $0x18A3, v0  }
0x4c2: {  	v16 =	vadd.f32 v6, v3  }
0x4c3: {  	v17 =	vadd.f32 v6, v4  }
0x4c4: {  	v6 =	vadd.f32 v6, v2;
	[tilespmem:v13+s26+$0x0] =	vst.idx.msk $0xffff, v16  }
0x4c5: {  	[tilespmem:v14+s26+$0x0] =	vst.idx.msk $0xffff, v17  }
0x4c6: {  	[tilespmem:v15+s26+$0x0] =	vst.idx.msk $0xffff, v6  }
0x4c7: {  	v6 =	vld [tilespmem:$0x240];
	_ =	sdelay $0x3  }
0x4c8: {  	v18 =	vadd.s32 $0x18B4, v0  }
0x4c9: {  	v19 =	vadd.s32 $0x18C5, v0;
	v6 =	vadd.f32 v6, v5  }
0x4ca: {  	v20 =	vadd.s32 $0x18D6, v0  }
0x4cb: {  	v21 =	vadd.f32 v6, v3  }
0x4cc: {  	v22 =	vadd.f32 v6, v4  }
0x4cd: {  	v6 =	vadd.f32 v6, v2;
	[tilespmem:v18+s26+$0x0] =	vst.idx.msk $0xffff, v21  }
0x4ce: {  	[tilespmem:v19+s26+$0x0] =	vst.idx.msk $0xffff, v22  }
0x4cf: {  	[tilespmem:v20+s26+$0x0] =	vst.idx.msk $0xffff, v6  }
0x4d0: {  	v6 =	vld [tilespmem:$0x250];
	_ =	sdelay $0x3  }
0x4d1: {  	v23 =	vadd.s32 $0x18E7, v0  }
0x4d2: {  	v12 =	vadd.s32 $0x18F8, v0;
	v6 =	vadd.f32 v6, v5  }
0x4d3: {  	v13 =	vadd.s32 $0x1909, v0  }
0x4d4: {  	v14 =	vadd.f32 v6, v3  }
0x4d5: {  	v15 =	vadd.f32 v6, v4  }
0x4d6: {  	v6 =	vadd.f32 v6, v2;
	[tilespmem:v23+s26+$0x0] =	vst.idx.msk $0xffff, v14  }
0x4d7: {  	[tilespmem:v12+s26+$0x0] =	vst.idx.msk $0xffff, v15  }
0x4d8: {  	[tilespmem:v13+s26+$0x0] =	vst.idx.msk $0xffff, v6  }
0x4d9: {  	v6 =	vld [tilespmem:$0x260];
	_ =	sdelay $0x3  }
0x4da: {  	v16 =	vadd.s32 $0x191A, v0  }
0x4db: {  	v17 =	vadd.s32 $0x192B, v0;
	v6 =	vadd.f32 v6, v5  }
0x4dc: {  	v18 =	vadd.s32 $0x193C, v0  }
0x4dd: {  	v19 =	vadd.f32 v6, v3  }
0x4de: {  	v20 =	vadd.f32 v6, v4  }
0x4df: {  	v6 =	vadd.f32 v6, v2;
	[tilespmem:v16+s26+$0x0] =	vst.idx.msk $0xffff, v19  }
0x4e0: {  	[tilespmem:v17+s26+$0x0] =	vst.idx.msk $0xffff, v20  }
0x4e1: {  	[tilespmem:v18+s26+$0x0] =	vst.idx.msk $0xffff, v6  }
0x4e2: {  	v6 =	vld [tilespmem:$0x270];
	_ =	sdelay $0x3  }
0x4e3: {  	v21 =	vadd.s32 $0x194D, v0  }
0x4e4: {  	v22 =	vadd.s32 $0x195E, v0;
	v5 =	vadd.f32 v6, v5  }
0x4e5: {  	v23 =	vadd.s32 $0x196F, v0  }
.Ltmp10:
0x4e6: {  	v3 =	vadd.f32 v5, v3;
	(pc) =	sbr.rel .LBB2_18-.Ltmp10, $4  }
0x4e7: {  	v4 =	vadd.f32 v5, v4  }
0x4e8: {  	v2 =	vadd.f32 v5, v2;
	[tilespmem:v21+s26+$0x0] =	vst.idx.msk $0xffff, v3  }
0x4e9: {  	[tilespmem:v22+s26+$0x0] =	vst.idx.msk $0xffff, v4  }
0x4ea: {  	s7 =	simm.s32 $0x0;
	[tilespmem:v23+s26+$0x0] =	vst.idx.msk $0xffff, v2  }
.LBB2_43:
0x4eb: {  	s7 =	sadd.s32 $0x1, s7  }
0x4ec: {  	p0 =	sne.s32 s7, $0x14  }
.Ltmp11:
0x4ed: {  	_ = 	snop;
	(pc) =	sbr.rel @!p0 .LBB2_44-.Ltmp11, $1  }
0x4ee: {  	_ =	sdelay $0x3  }
.LBB2_18:
0x4ef: {  	_ =	swait.ge [sflag:s28], $0xA00  }
0x4f0: {  	[sflag:s28] =	ssyncset.done $0x0  }
0x4f1: {  	[sflag:s28] =	ssyncadd.s32 $0xFFFFF600  }
0x4f2: {  	_ =	swait.ge [sflag:s28], $0xA00  }
0x4f3: {  	[sflag:s28] =	ssyncset.done $0x0  }
0x4f4: {  	[sflag:s28] =	ssyncadd.s32 $0xFFFFF600  }
0x4f5: {  	_ =	swait.ge [sflag:s28], $0xA00  }
0x4f6: {  	[sflag:s28] =	ssyncset.done $0x0  }
0x4f7: {  	[sflag:s28] =	ssyncadd.s32 $0xFFFFF600  }
0x4f8: {  	_ =	swait.ge [sflag:s28], $0xA00  }
0x4f9: {  	p0 =	seq.s32 s7, $0x0;
	[sflag:s28] =	ssyncset.done $0x0  }
0x4fa: {  	s0 =	simm.s32 @!p0 $0x2;
	[sflag:s28] =	ssyncadd.s32 $0xFFFFF600  }
0x4fb: {  	s1 =	simm.s32 $0x0;
	s2 =	simm.s32 $0x0;
	_ =	swait.ge @!p0 [sflag:s0], $0xA000  }
0x4fc: {  	s2 =	sand.u32 $0x70, s2;
	s1 =	sand.u32 $0xFFFFFF00, s1;
	[sflag:s0] =	ssyncset.done @!p0 $0x0  }
0x4fd: {  	s22 =	sor.u32 s2, s1;
	[sflag:s0] =	ssyncadd.s32 @!p0 $0xFFFF6000  }
0x4fe: {  	v2 =	vld [tilespmem:s22+$0x3080]  }
0x4ff: {  	v3 =	vld [tilespmem:s22+$0x4480]  }
0x500: {  	v4 =	vld [tilespmem:s22+$0x5880]  }
0x501: {  	v5 =	vld [tilespmem:s22+$0x1C80];
	_ =	sdelay $0x1  }
0x502: {  	vm0 =	vgt.s32 v2, $0x0  }
0x503: {  	v2 =	vnsel vm0, $0x0, v2  }
0x504: {  	v3 =	vsub.s32 v3, v4;
	v2 =	vmin.u32 v2, $0x1F  }
0x505: {  	v4 =	vmul.u32 $0x60, v5;
	vm12 =	vgt.s32 v3, $0xFFFFFFFF;
	v2 =	vmul.u32 $0x3, v2  }
0x506: {  	vm1 =	vgt.s32 v3, $0x0;
	v3 =	vsel vm12, $0x1, v1  }
0x507: {  	v3 =	vsel vm1, $0x2, v3;
	v2 =	vadd.s32 v4, v2  }
0x508: {  	v2 =	vadd.s32 v3, v2  }
0x509: {  	s23 =	simm.s32 $0x20;
	s24 =	simm.s32 $0x10;
	v3 =	vmul.u32 $0x11, v2  }
0x50a: {  	s1 =	sand.u32 $0x70, s24;
	s0 =	sand.u32 $0xFFFFFF00, s23  }
0x50b: {  	s0 =	sor.u32 s1, s0  }
0x50c: {  	v7 =	vld [tilespmem:s0+$0x5880]  }
0x50d: {  	v5 =	vld [tilespmem:s0+$0x3080]  }
0x50e: {  	v4 =	vld [tilespmem:s0+$0x4480]  }
0x50f: {  	v6 =	vld.idx.msk [tilespmem:v3+s26+$0x0], $0xffff  }
0x510: {  	v2 =	vld [tilespmem:s0+$0x1C80];
	v8 =	vadd.s32 $0x1, v3  }
0x511: {  	s25 =	simm.s32 $0x0  }
0x512: {  	vm13 =	vgt.s32 v5, $0x0;
	s0 =	sand.u32 $0x3FFFFC00, s25  }
0x513: {  	v5 =	vnsel vm13, $0x0, v5;
	s22 =	sor.u32 s2, s0  }
0x514: {  	v5 =	vmin.u32 v5, $0x1F;
	v4 =	vsub.s32 v4, v7;
	[tilespmem:s22+$0x6C80] =	vst v6  }
0x515: {  	v5 =	vmul.u32 $0x3, v5;
	vm14 =	vgt.s32 v4, $0xFFFFFFFF;
	v2 =	vmul.u32 $0x60, v2;
	v6 =	vld.idx.msk [tilespmem:v8+s26+$0x0], $0xffff  }
0x516: {  	v7 =	vadd.s32 $0x2, v3;
	vm15 =	vgt.s32 v4, $0x0;
	v4 =	vsel vm14, $0x1, v1  }
0x517: {  	v4 =	vsel vm15, $0x2, v4;
	v2 =	vadd.s32 v2, v5  }
0x518: {  	v2 =	vadd.s32 v4, v2  }
0x519: {  	s29 =	simm.s32 $0x40;
	s3 =	simm.s32 $0x20;
	v2 =	vmul.u32 $0x11, v2  }
0x51a: {  	s0 =	sand.u32 $0x70, s3;
	s2 =	sand.u32 $0xFFFFFF00, s29;
	[tilespmem:s22+$0x6D00] =	vst v6  }
0x51b: {  	s2 =	sor.u32 s0, s2;
	v4 =	vld.idx.msk [tilespmem:v7+s26+$0x0], $0xffff  }
0x51c: {  	v9 =	vld [tilespmem:s2+$0x3080];
	v6 =	vadd.s32 $0x3, v3  }
0x51d: {  	v5 =	vld [tilespmem:s2+$0x1C80]  }
0x51e: {  	v8 =	vld [tilespmem:s2+$0x5880]  }
0x51f: {  	v10 =	vld.idx.msk [tilespmem:v2+s26+$0x0], $0xffff  }
0x520: {  	v7 =	vld [tilespmem:s2+$0x4480];
	[tilespmem:s22+$0x6D80] =	vst v4  }
0x521: {  	v4 =	vld.idx.msk [tilespmem:v6+s26+$0x0], $0xffff;
	v6 =	vadd.s32 $0x1, v2  }
0x522: {  	s4 =	simm.s32 $0x80;
	v11 =	vadd.s32 $0x4, v3  }
0x523: {  	s2 =	sand.u32 $0x3FFFFC00, s4  }
0x524: {  	vm4 =	vgt.s32 v9, $0x0;
	s10 =	sor.u32 s1, s2  }
0x525: {  	v9 =	vnsel vm4, $0x0, v9;
	[tilespmem:s10+$0x6C80] =	vst v10  }
0x526: {  	v7 =	vsub.s32 v7, v8;
	v6 =	vld.idx.msk [tilespmem:v6+s26+$0x0], $0xffff;
	[tilespmem:s22+$0x6E00] =	vst v4;
	v4 =	vmul.u32 $0x60, v5;
	v5 =	vmin.u32 v9, $0x1F  }
0x527: {  	vm5 =	vgt.s32 v7, $0xFFFFFFFF;
	v9 =	vadd.s32 $0x2, v2;
	v8 =	vld.idx.msk [tilespmem:v11+s26+$0x0], $0xffff;
	v5 =	vmul.u32 $0x3, v5  }
0x528: {  	s5 =	simm.s32 $0x60;
	s9 =	simm.s32 $0x30;
	v10 =	vadd.s32 $0x5, v3;
	vm6 =	vgt.s32 v7, $0x0;
	v7 =	vsel vm5, $0x1, v1  }
0x529: {  	s1 =	sand.u32 $0x70, s9;
	s2 =	sand.u32 $0xFFFFFF00, s5;
	v7 =	vsel vm6, $0x2, v7;
	v4 =	vadd.s32 v4, v5  }
0x52a: {  	s2 =	sor.u32 s1, s2;
	v4 =	vadd.s32 v7, v4  }
0x52b: {  	v12 =	vld [tilespmem:s2+$0x3080];
	[tilespmem:s10+$0x6D00] =	vst v6;
	v4 =	vmul.u32 $0x11, v4  }
0x52c: {  	v6 =	vld.idx.msk [tilespmem:v9+s26+$0x0], $0xffff;
	[tilespmem:s22+$0x6E80] =	vst v8  }
0x52d: {  	v8 =	vadd.s32 $0x3, v2;
	v7 =	vld.idx.msk [tilespmem:v10+s26+$0x0], $0xffff  }
0x52e: {  	v11 =	vld [tilespmem:s2+$0x5880];
	v10 =	vadd.s32 $0x6, v3  }
0x52f: {  	v5 =	vld [tilespmem:s2+$0x1C80]  }
0x530: {  	v9 =	vld [tilespmem:s2+$0x4480]  }
0x531: {  	v13 =	vld.idx.msk [tilespmem:v4+s26+$0x0], $0xffff;
	[tilespmem:s10+$0x6D80] =	vst v6  }
0x532: {  	v6 =	vld.idx.msk [tilespmem:v8+s26+$0x0], $0xffff;
	[tilespmem:s22+$0x6F00] =	vst v7;
	v7 =	vadd.s32 $0x1, v4  }
0x533: {  	s12 =	simm.s32 $0x100;
	v8 =	vld.idx.msk [tilespmem:v10+s26+$0x0], $0xffff;
	v10 =	vadd.s32 $0x4, v2  }
0x534: {  	v14 =	vadd.s32 $0x7, v3;
	s2 =	sand.u32 $0x3FFFFC00, s12  }
0x535: {  	vm7 =	vgt.s32 v12, $0x0;
	s5 =	sor.u32 s0, s2  }
0x536: {  	v12 =	vnsel vm7, $0x0, v12;
	[tilespmem:s5+$0x6C80] =	vst v13  }
0x537: {  	v5 =	vmul.u32 $0x60, v5;
	v9 =	vsub.s32 v9, v11;
	v7 =	vld.idx.msk [tilespmem:v7+s26+$0x0], $0xffff;
	[tilespmem:s10+$0x6E00] =	vst v6;
	v6 =	vmin.u32 v12, $0x1F  }
0x538: {  	s21 =	simm.s32 $0x80;
	s23 =	simm.s32 $0x40;
	vm8 =	vgt.s32 v9, $0xFFFFFFFF;
	v10 =	vld.idx.msk [tilespmem:v10+s26+$0x0], $0xffff;
	[tilespmem:s22+$0x6F80] =	vst v8;
	v8 =	vadd.s32 $0x2, v4;
	v6 =	vmul.u32 $0x3, v6  }
0x539: {  	s3 =	sand.u32 $0x70, s23;
	s0 =	sand.u32 $0xFFFFFF00, s21;
	vm9 =	vgt.s32 v9, $0x0;
	v9 =	vsel vm8, $0x1, v1;
	v12 =	vadd.s32 $0x5, v2;
	v11 =	vld.idx.msk [tilespmem:v14+s26+$0x0], $0xffff  }
0x53a: {  	s0 =	sor.u32 s3, s0;
	v9 =	vsel vm9, $0x2, v9;
	v13 =	vadd.s32 $0x8, v3;
	v5 =	vadd.s32 v5, v6  }
0x53b: {  	v15 =	vld [tilespmem:s0+$0x3080];
	v5 =	vadd.s32 v9, v5  }
0x53c: {  	v6 =	vld [tilespmem:s0+$0x1C80];
	[tilespmem:s5+$0x6D00] =	vst v7;
	v5 =	vmul.u32 $0x11, v5  }
0x53d: {  	v7 =	vld.idx.msk [tilespmem:v8+s26+$0x0], $0xffff;
	[tilespmem:s10+$0x6E80] =	vst v10  }
0x53e: {  	v10 =	vadd.s32 $0x3, v4;
	v8 =	vld.idx.msk [tilespmem:v12+s26+$0x0], $0xffff;
	[tilespmem:s22+$0x7000] =	vst v11  }
0x53f: {  	v12 =	vadd.s32 $0x6, v2;
	v11 =	vld.idx.msk [tilespmem:v13+s26+$0x0], $0xffff  }
0x540: {  	v14 =	vadd.s32 $0x9, v3;
	v9 =	vld [tilespmem:s0+$0x4480]  }
0x541: {  	v13 =	vld [tilespmem:s0+$0x5880]  }
0x542: {  	v16 =	vld.idx.msk [tilespmem:v5+s26+$0x0], $0xffff;
	[tilespmem:s5+$0x6D80] =	vst v7  }
0x543: {  	v7 =	vld.idx.msk [tilespmem:v10+s26+$0x0], $0xffff;
	[tilespmem:s10+$0x6F00] =	vst v8;
	v8 =	vadd.s32 $0x1, v5  }
0x544: {  	s4 =	simm.s32 $0x180;
	v10 =	vld.idx.msk [tilespmem:v12+s26+$0x0], $0xffff;
	[tilespmem:s22+$0xBC80] =	vst v11;
	v11 =	vadd.s32 $0x4, v4  }
0x545: {  	s24 =	simm.s32 $0xA0;
	s4 =	sand.u32 $0x3FFFFC00, s4;
	v12 =	vld.idx.msk [tilespmem:v14+s26+$0x0], $0xffff;
	v14 =	vadd.s32 $0x7, v2  }
0x546: {  	s2 =	sand.u32 $0xFFFFFF00, s24;
	s24 =	sor.u32 s1, s4;
	vm10 =	vgt.s32 v15, $0x0  }
0x547: {  	v17 =	vadd.s32 $0xA, v3;
	v15 =	vnsel vm10, $0x0, v15;
	[tilespmem:s24+$0x6C80] =	vst v16  }
0x548: {  	s25 =	simm.s32 $0x50;
	v6 =	vmul.u32 $0x60, v6;
	v9 =	vsub.s32 v9, v13;
	v8 =	vld.idx.msk [tilespmem:v8+s26+$0x0], $0xffff;
	[tilespmem:s5+$0x6E00] =	vst v7;
	v7 =	vmin.u32 v15, $0x1F  }
0x549: {  	s0 =	sand.u32 $0x70, s25;
	vm11 =	vgt.s32 v9, $0xFFFFFFFF;
	v11 =	vld.idx.msk [tilespmem:v11+s26+$0x0], $0xffff;
	[tilespmem:s10+$0x6F80] =	vst v10;
	v10 =	vadd.s32 $0x2, v5;
	v7 =	vmul.u32 $0x3, v7  }
0x54a: {  	s2 =	sor.u32 s0, s2;
	vm12 =	vgt.s32 v9, $0x0;
	v9 =	vsel vm11, $0x1, v1;
	v13 =	vld.idx.msk [tilespmem:v14+s26+$0x0], $0xffff;
	[tilespmem:s22+$0xBD00] =	vst v12;
	v12 =	vadd.s32 $0x5, v4  }
0x54b: {  	v18 =	vld [tilespmem:s2+$0x1C80];
	v9 =	vsel vm12, $0x2, v9;
	v15 =	vadd.s32 $0x8, v2;
	v6 =	vadd.s32 v6, v7  }
0x54c: {  	v14 =	vld.idx.msk [tilespmem:v17+s26+$0x0], $0xffff;
	v6 =	vadd.s32 v9, v6  }
0x54d: {  	v16 =	vadd.s32 $0xB, v3;
	v7 =	vld [tilespmem:s2+$0x4480];
	[tilespmem:s24+$0x6D00] =	vst v8;
	v6 =	vmul.u32 $0x11, v6  }
0x54e: {  	v8 =	vld.idx.msk [tilespmem:v10+s26+$0x0], $0xffff;
	[tilespmem:s5+$0x6E80] =	vst v11  }
0x54f: {  	v11 =	vadd.s32 $0x3, v5;
	v10 =	vld.idx.msk [tilespmem:v12+s26+$0x0], $0xffff;
	[tilespmem:s10+$0x7000] =	vst v13  }
0x550: {  	v12 =	vld.idx.msk [tilespmem:v15+s26+$0x0], $0xffff  }
0x551: {  	v9 =	vld [tilespmem:s2+$0x5880];
	v13 =	vadd.s32 $0x6, v4;
	[tilespmem:s22+$0xBD80] =	vst v14  }
0x552: {  	v15 =	vadd.s32 $0x9, v2;
	v14 =	vld.idx.msk [tilespmem:v16+s26+$0x0], $0xffff  }
0x553: {  	v17 =	vadd.s32 $0xC, v3;
	v19 =	vld.idx.msk [tilespmem:v6+s26+$0x0], $0xffff;
	[tilespmem:s24+$0x6D80] =	vst v8  }
0x554: {  	v11 =	vld.idx.msk [tilespmem:v11+s26+$0x0], $0xffff;
	[tilespmem:s5+$0x6F00] =	vst v10;
	v10 =	vadd.s32 $0x1, v6  }
0x555: {  	s9 =	simm.s32 $0x200;
	v16 =	vld [tilespmem:s2+$0x3080];
	[tilespmem:s10+$0xBC80] =	vst v12;
	v12 =	vadd.s32 $0x4, v5  }
0x556: {  	s9 =	sand.u32 $0x3FFFFC00, s9;
	v13 =	vld.idx.msk [tilespmem:v13+s26+$0x0], $0xffff  }
0x557: {  	s3 =	sor.u32 s3, s9;
	v15 =	vld.idx.msk [tilespmem:v15+s26+$0x0], $0xffff;
	[tilespmem:s22+$0xBE00] =	vst v14  }
0x558: {  	v17 =	vld.idx.msk [tilespmem:v17+s26+$0x0], $0xffff;
	[tilespmem:s3+$0x6C80] =	vst v19  }
0x559: {  	v14 =	vadd.s32 $0x7, v4;
	v10 =	vld.idx.msk [tilespmem:v10+s26+$0x0], $0xffff;
	[tilespmem:s24+$0x6E00] =	vst v11  }
0x55a: {  	s29 =	simm.s32 $0xC0;
	s2 =	simm.s32 $0x60;
	v11 =	vld.idx.msk [tilespmem:v12+s26+$0x0], $0xffff  }
0x55b: {  	s4 =	sand.u32 $0xFFFFFF00, s29;
	s1 =	sand.u32 $0x70, s2;
	v19 =	vadd.s32 $0xD, v3;
	[tilespmem:s5+$0x6F80] =	vst v13  }
0x55c: {  	v20 =	vadd.s32 $0xA, v2;
	s4 =	sor.u32 s1, s4;
	vm13 =	vgt.s32 v16, $0x0;
	[tilespmem:s10+$0xBD00] =	vst v15  }
0x55d: {  	v21 =	vadd.s32 $0x5, v5;
	v8 =	vld [tilespmem:s4+$0x1C80];
	v15 =	vnsel vm13, $0x0, v16;
	[tilespmem:s22+$0xBE80] =	vst v17  }
0x55e: {  	v7 =	vsub.s32 v7, v9;
	v12 =	vadd.s32 $0x2, v6;
	v13 =	vld.idx.msk [tilespmem:v14+s26+$0x0], $0xffff;
	v16 =	vmin.u32 v15, $0x1F;
	[tilespmem:s3+$0x6D00] =	vst v10  }
0x55f: {  	vm14 =	vgt.s32 v7, $0xFFFFFFFF;
	v14 =	vld [tilespmem:s4+$0x4480];
	v10 =	vmul.u32 $0x60, v18;
	[tilespmem:s24+$0x6E80] =	vst v11;
	v11 =	vmul.u32 $0x3, v16  }
0x560: {  	vm15 =	vgt.s32 v7, $0x0;
	v7 =	vsel vm14, $0x1, v1;
	v17 =	vadd.s32 $0x8, v4;
	v19 =	vld.idx.msk [tilespmem:v19+s26+$0x0], $0xffff  }
0x561: {  	v7 =	vsel vm15, $0x2, v7;
	v20 =	vld.idx.msk [tilespmem:v20+s26+$0x0], $0xffff;
	v10 =	vadd.s32 v10, v11  }
0x562: {  	v22 =	vadd.s32 $0xB, v2;
	v15 =	vld [tilespmem:s4+$0x5880];
	v7 =	vadd.s32 v7, v10  }
0x563: {  	v9 =	vadd.s32 $0xE, v3;
	v18 =	vld.idx.msk [tilespmem:v12+s26+$0x0], $0xffff;
	v7 =	vmul.u32 $0x11, v7  }
0x564: {  	v16 =	vld.idx.msk [tilespmem:v21+s26+$0x0], $0xffff;
	[tilespmem:s5+$0x7000] =	vst v13  }
0x565: {  	v12 =	vld.idx.msk [tilespmem:v17+s26+$0x0], $0xffff;
	[tilespmem:s22+$0xBF00] =	vst v19;
	v19 =	vadd.s32 $0x3, v6  }
0x566: {  	[tilespmem:s10+$0xBD80] =	vst v20;
	v17 =	vadd.s32 $0x6, v5;
	v20 =	vld [tilespmem:s4+$0x3080]  }
0x567: {  	s31 =	simm.s32 $0x5;
	s9 =	sshll.u32 s7, $0x6;
	v13 =	vadd.s32 $0x9, v4;
	v11 =	vld.idx.msk [tilespmem:v22+s26+$0x0], $0xffff  }
0x568: {  	s21 =	simm.s32 $0x6;
	s23 =	sor.u32 s8, s9;
	s25 =	simm.s32 $0x7;
	v10 =	vadd.s32 $0xC, v2;
	v9 =	vld.idx.msk [tilespmem:v9+s26+$0x0], $0xffff  }
.LBB2_19:
0x569: {  	p1 =	sne.s32 s25, $0x9F;
	v21 =	vld.idx.msk [tilespmem:v7+s26+$0x0], $0xffff;
	[tilespmem:s3+$0x6D80] =	vst v18;
	v18 =	vadd.s32 $0xF, v3;
	v3 =	vmovc v2;
	v2 =	vmovc v4;
	v4 =	vmov v5;
	v5 =	vmov v6  }
0x56a: {  	v6 =	vmov v7;
	v19 =	vld.idx.msk [tilespmem:v19+s26+$0x0], $0xffff;
	[tilespmem:s24+$0x6F00] =	vst v16  }
0x56b: {  	v7 =	vadd.s32 $0x1, v6;
	v16 =	vld.idx.msk [tilespmem:v17+s26+$0x0], $0xffff;
	[tilespmem:s5+$0xBC80] =	vst v12  }
0x56c: {  	s4 =	sshll.u32 s25, $0x5;
	s2 =	sadd.s32 $0x10, s2;
	s31 =	sshll.u32 s31, $0x7;
	v12 =	vadd.s32 $0x4, v5;
	v13 =	vld.idx.msk [tilespmem:v13+s26+$0x0], $0xffff;
	[tilespmem:s10+$0xBE00] =	vst v11  }
0x56d: {  	s12 =	sand.u32 $0x70, s2;
	s4 =	sand.u32 $0xFFFFFF00, s4;
	s31 =	sand.u32 $0x3FFFFC00, s31;
	v11 =	vadd.s32 $0x7, v4;
	v10 =	vld.idx.msk [tilespmem:v10+s26+$0x0], $0xffff;
	[tilespmem:s22+$0xBF80] =	vst v9  }
0x56e: {  	s4 =	sor.u32 s12, s4;
	s29 =	sor.u32 s0, s31;
	s0 =	smov.u32 s1;
	v9 =	vadd.s32 $0xA, v2;
	v17 =	vld.idx.msk [tilespmem:v18+s26+$0x0], $0xffff  }
0x56f: {  	s1 =	smov.u32 s12;
	s31 =	smov.u32 s21;
	s21 =	smov.u32 s25;
	v18 =	vld [tilespmem:s4+$0x1C80];
	[tilespmem:s29+$0x6C80] =	vst v21;
	v21 =	vadd.s32 $0xD, v3  }
0x570: {  	vm0 =	vgt.s32 v20, $0x0;
	v7 =	vld.idx.msk [tilespmem:v7+s26+$0x0], $0xffff;
	[tilespmem:s3+$0x6E00] =	vst v19  }
0x571: {  	v19 =	vnsel vm0, $0x0, v20;
	v20 =	vmul.u32 $0x60, v8;
	v12 =	vld.idx.msk [tilespmem:v12+s26+$0x0], $0xffff;
	[tilespmem:s24+$0x6F80] =	vst v16  }
0x572: {  	v14 =	vsub.s32 v14, v15;
	v23 =	vmin.u32 v19, $0x1F;
	v16 =	vadd.s32 $0x2, v6;
	v11 =	vld.idx.msk [tilespmem:v11+s26+$0x0], $0xffff;
	[tilespmem:s5+$0xBD00] =	vst v13  }
0x573: {  	vm0 =	vgt.s32 v14, $0xFFFFFFFF;
	v19 =	vadd.s32 $0x5, v5;
	v13 =	vmul.u32 $0x3, v23;
	v9 =	vld.idx.msk [tilespmem:v9+s26+$0x0], $0xffff;
	[tilespmem:s10+$0xBE80] =	vst v10  }
0x574: {  	vm1 =	vgt.s32 v14, $0x0;
	v22 =	vadd.s32 $0x8, v4;
	v10 =	vsel vm0, $0x1, v1;
	v21 =	vld.idx.msk [tilespmem:v21+s26+$0x0], $0xffff;
	[tilespmem:s22+$0xC000] =	vst v17;
	v8 =	vmovc v18;
	s22 =	smov.u32 s10;
	s10 =	smov.u32 s5;
	s5 =	smov.u32 s24  }
0x575: {  	v10 =	vsel vm1, $0x2, v10;
	v13 =	vadd.s32 v20, v13;
	v20 =	vadd.s32 $0xB, v2;
	s24 =	smov.u32 s3;
	s3 =	smov.u32 s29;
	v14 =	vld [tilespmem:s4+$0x4480]  }
0x576: {  	v23 =	vadd.s32 $0xE, v3;
	v10 =	vadd.s32 v10, v13;
	v15 =	vld [tilespmem:s4+$0x5880];
	[tilespmem:s3+$0x6D00] =	vst v7  }
0x577: {  	v7 =	vmul.u32 $0x11, v10;
	v18 =	vld.idx.msk [tilespmem:v16+s26+$0x0], $0xffff;
	[tilespmem:s24+$0x6E80] =	vst v12  }
.Ltmp12:
0x578: {  	v16 =	vld.idx.msk [tilespmem:v19+s26+$0x0], $0xffff;
	[tilespmem:s5+$0x7000] =	vst v11;
	(pc) =	sbr.rel @p1 .LBB2_19-.Ltmp12, $4  }
0x579: {  	v19 =	vadd.s32 $0x3, v6;
	v12 =	vld.idx.msk [tilespmem:v22+s26+$0x0], $0xffff;
	[tilespmem:s10+$0xBD80] =	vst v9  }
0x57a: {  	v17 =	vadd.s32 $0x6, v5;
	v11 =	vld.idx.msk [tilespmem:v20+s26+$0x0], $0xffff;
	[tilespmem:s22+$0xBF00] =	vst v21  }
0x57b: {  	v13 =	vadd.s32 $0x9, v4;
	v9 =	vld.idx.msk [tilespmem:v23+s26+$0x0], $0xffff  }
0x57c: {  	s25 =	sadd.s32 $0x1, s25;
	v10 =	vadd.s32 $0xC, v2;
	v20 =	vld [tilespmem:s4+$0x3080]  }
0x57d: {  	_ =	sdelay $0x3  }
0x57e: {  	vm0 =	vgt.s32 v20, $0x0  }
0x57f: {  	v20 =	vnsel vm0, $0x0, v20  }
0x580: {  	v14 =	vsub.s32 v14, v15;
	v20 =	vmin.u32 v20, $0x1F  }
0x581: {  	v8 =	vmul.u32 $0x60, v8;
	vm15 =	vgt.s32 v14, $0xFFFFFFFF;
	v21 =	vmul.u32 $0x3, v20  }
0x582: {  	vm1 =	vgt.s32 v14, $0x0;
	v22 =	vsel vm15, $0x1, v1  }
0x583: {  	v14 =	vsel vm1, $0x2, v22;
	v8 =	vadd.s32 v8, v21  }
0x584: {  	v8 =	vadd.s32 v14, v8  }
0x585: {  	v8 =	vmul.u32 $0x11, v8;
	_ =	sdelay $0x4  }
0x586: {  	v14 =	vld.idx.msk [tilespmem:v7+s26+$0x0], $0xffff  }
0x587: {  	v15 =	vadd.s32 $0x1, v7;
	v20 =	vld.idx.msk [tilespmem:v8+s26+$0x0], $0xffff  }
0x588: {  	s2 =	sshll.u32 s31, $0x7;
	v21 =	vadd.s32 $0x1, v8  }
0x589: {  	s4 =	sshll.u32 s21, $0x7;
	s2 =	sand.u32 $0x3FFFFC00, s2  }
0x58a: {  	s21 =	sand.u32 $0x3FFFFC00, s4;
	s0 =	sor.u32 s0, s2  }
0x58b: {  	s1 =	sor.u32 s1, s21;
	[tilespmem:s0+$0x6C80] =	vst v14  }
0x58c: {  	v14 =	vld.idx.msk [tilespmem:v15+s26+$0x0], $0xffff;
	[tilespmem:s1+$0x6C80] =	vst v20  }
0x58d: {  	v15 =	vadd.s32 $0x2, v7;
	v20 =	vld.idx.msk [tilespmem:v21+s26+$0x0], $0xffff  }
0x58e: {  	v21 =	vadd.s32 $0x2, v8;
	_ =	sdelay $0x2  }
0x58f: {  	[tilespmem:s0+$0x6D00] =	vst v14  }
0x590: {  	v14 =	vld.idx.msk [tilespmem:v15+s26+$0x0], $0xffff;
	[tilespmem:s1+$0x6D00] =	vst v20  }
0x591: {  	v15 =	vadd.s32 $0x3, v7;
	v20 =	vld.idx.msk [tilespmem:v21+s26+$0x0], $0xffff  }
0x592: {  	v21 =	vadd.s32 $0x3, v8;
	_ =	sdelay $0x1  }
0x593: {  	[tilespmem:s3+$0x6D80] =	vst v18  }
0x594: {  	v18 =	vld.idx.msk [tilespmem:v19+s26+$0x0], $0xffff;
	[tilespmem:s0+$0x6D80] =	vst v14  }
0x595: {  	v14 =	vadd.s32 $0x4, v6;
	v15 =	vld.idx.msk [tilespmem:v15+s26+$0x0], $0xffff;
	[tilespmem:s1+$0x6D80] =	vst v20  }
0x596: {  	v19 =	vadd.s32 $0x4, v7;
	v20 =	vld.idx.msk [tilespmem:v21+s26+$0x0], $0xffff  }
0x597: {  	v21 =	vadd.s32 $0x4, v8;
	_ =	sdelay $0x1  }
0x598: {  	[tilespmem:s3+$0x6E00] =	vst v18  }
0x599: {  	v14 =	vld.idx.msk [tilespmem:v14+s26+$0x0], $0xffff;
	[tilespmem:s0+$0x6E00] =	vst v15  }
0x59a: {  	v15 =	vadd.s32 $0x5, v6;
	v18 =	vld.idx.msk [tilespmem:v19+s26+$0x0], $0xffff;
	[tilespmem:s1+$0x6E00] =	vst v20  }
0x59b: {  	v19 =	vadd.s32 $0x5, v7;
	v20 =	vld.idx.msk [tilespmem:v21+s26+$0x0], $0xffff  }
0x59c: {  	v21 =	vadd.s32 $0x5, v8;
	_ =	sdelay $0x1  }
0x59d: {  	[tilespmem:s3+$0x6E80] =	vst v14  }
0x59e: {  	v14 =	vld.idx.msk [tilespmem:v15+s26+$0x0], $0xffff;
	[tilespmem:s0+$0x6E80] =	vst v18  }
0x59f: {  	v15 =	vadd.s32 $0x6, v6;
	v18 =	vld.idx.msk [tilespmem:v19+s26+$0x0], $0xffff;
	[tilespmem:s1+$0x6E80] =	vst v20  }
0x5a0: {  	v19 =	vadd.s32 $0x6, v7;
	v20 =	vld.idx.msk [tilespmem:v21+s26+$0x0], $0xffff  }
0x5a1: {  	v21 =	vadd.s32 $0x6, v8  }
0x5a2: {  	[tilespmem:s24+$0x6F00] =	vst v16  }
0x5a3: {  	v16 =	vld.idx.msk [tilespmem:v17+s26+$0x0], $0xffff;
	[tilespmem:s3+$0x6F00] =	vst v14  }
0x5a4: {  	v14 =	vadd.s32 $0x7, v5;
	v15 =	vld.idx.msk [tilespmem:v15+s26+$0x0], $0xffff;
	[tilespmem:s0+$0x6F00] =	vst v18  }
0x5a5: {  	v17 =	vadd.s32 $0x7, v6;
	v18 =	vld.idx.msk [tilespmem:v19+s26+$0x0], $0xffff;
	[tilespmem:s1+$0x6F00] =	vst v20  }
0x5a6: {  	v19 =	vadd.s32 $0x7, v7;
	v20 =	vld.idx.msk [tilespmem:v21+s26+$0x0], $0xffff  }
0x5a7: {  	v21 =	vadd.s32 $0x7, v8  }
0x5a8: {  	[tilespmem:s24+$0x6F80] =	vst v16  }
0x5a9: {  	v14 =	vld.idx.msk [tilespmem:v14+s26+$0x0], $0xffff;
	[tilespmem:s3+$0x6F80] =	vst v15  }
0x5aa: {  	v15 =	vadd.s32 $0x8, v5;
	v16 =	vld.idx.msk [tilespmem:v17+s26+$0x0], $0xffff;
	[tilespmem:s0+$0x6F80] =	vst v18  }
0x5ab: {  	v17 =	vadd.s32 $0x8, v6;
	v18 =	vld.idx.msk [tilespmem:v19+s26+$0x0], $0xffff;
	[tilespmem:s1+$0x6F80] =	vst v20  }
0x5ac: {  	v19 =	vadd.s32 $0x8, v7;
	v20 =	vld.idx.msk [tilespmem:v21+s26+$0x0], $0xffff  }
0x5ad: {  	v21 =	vadd.s32 $0x8, v8  }
0x5ae: {  	[tilespmem:s24+$0x7000] =	vst v14  }
0x5af: {  	v14 =	vld.idx.msk [tilespmem:v15+s26+$0x0], $0xffff;
	[tilespmem:s3+$0x7000] =	vst v16  }
0x5b0: {  	v15 =	vadd.s32 $0x9, v5;
	v16 =	vld.idx.msk [tilespmem:v17+s26+$0x0], $0xffff;
	[tilespmem:s0+$0x7000] =	vst v18  }
0x5b1: {  	v17 =	vadd.s32 $0x9, v6;
	v18 =	vld.idx.msk [tilespmem:v19+s26+$0x0], $0xffff;
	[tilespmem:s1+$0x7000] =	vst v20  }
0x5b2: {  	v19 =	vadd.s32 $0x9, v7;
	v20 =	vld.idx.msk [tilespmem:v21+s26+$0x0], $0xffff  }
0x5b3: {  	[tilespmem:s5+$0xBC80] =	vst v12;
	v23 =	vadd.s32 $0x9, v8  }
0x5b4: {  	v13 =	vld.idx.msk [tilespmem:v13+s26+$0x0], $0xffff;
	[tilespmem:s24+$0xBC80] =	vst v14  }
0x5b5: {  	v14 =	vadd.s32 $0xA, v4;
	v15 =	vld.idx.msk [tilespmem:v15+s26+$0x0], $0xffff;
	[tilespmem:s3+$0xBC80] =	vst v16  }
0x5b6: {  	v16 =	vadd.s32 $0xA, v5;
	v17 =	vld.idx.msk [tilespmem:v17+s26+$0x0], $0xffff;
	[tilespmem:s0+$0xBC80] =	vst v18  }
0x5b7: {  	v19 =	vld.idx.msk [tilespmem:v19+s26+$0x0], $0xffff;
	v21 =	vadd.s32 $0xA, v6;
	[tilespmem:s1+$0xBC80] =	vst v20  }
0x5b8: {  	[tilespmem:s10+$0xBE00] =	vst v11;
	v22 =	vadd.s32 $0xA, v7;
	v12 =	vld.idx.msk [tilespmem:v23+s26+$0x0], $0xffff  }
0x5b9: {  	[tilespmem:s5+$0xBD00] =	vst v13;
	v23 =	vadd.s32 $0xA, v8  }
0x5ba: {  	v14 =	vld.idx.msk [tilespmem:v14+s26+$0x0], $0xffff;
	[tilespmem:s24+$0xBD00] =	vst v15  }
0x5bb: {  	v15 =	vadd.s32 $0xB, v4;
	v16 =	vld.idx.msk [tilespmem:v16+s26+$0x0], $0xffff;
	[tilespmem:s3+$0xBD00] =	vst v17  }
0x5bc: {  	v17 =	vadd.s32 $0xB, v5;
	[tilespmem:s0+$0xBD00] =	vst v19;
	v18 =	vld.idx.msk [tilespmem:v21+s26+$0x0], $0xffff  }
0x5bd: {  	v21 =	vadd.s32 $0xB, v6;
	v11 =	vld.idx.msk [tilespmem:v22+s26+$0x0], $0xffff;
	[tilespmem:s1+$0xBD00] =	vst v12  }
0x5be: {  	[tilespmem:s22+$0xBF80] =	vst v9;
	v22 =	vadd.s32 $0xB, v7;
	v12 =	vld.idx.msk [tilespmem:v23+s26+$0x0], $0xffff  }
0x5bf: {  	v10 =	vld.idx.msk [tilespmem:v10+s26+$0x0], $0xffff;
	[tilespmem:s5+$0xBD80] =	vst v14;
	v23 =	vadd.s32 $0xB, v8  }
0x5c0: {  	v3 =	vadd.s32 $0xF, v3;
	v14 =	vld.idx.msk [tilespmem:v15+s26+$0x0], $0xffff;
	[tilespmem:s24+$0xBD80] =	vst v16  }
0x5c1: {  	v15 =	vadd.s32 $0xC, v4;
	v16 =	vld.idx.msk [tilespmem:v17+s26+$0x0], $0xffff;
	[tilespmem:s3+$0xBD80] =	vst v18  }
0x5c2: {  	v17 =	vadd.s32 $0xC, v5;
	[tilespmem:s0+$0xBD80] =	vst v11;
	v18 =	vld.idx.msk [tilespmem:v21+s26+$0x0], $0xffff  }
0x5c3: {  	v11 =	vadd.s32 $0xC, v6;
	v9 =	vld.idx.msk [tilespmem:v22+s26+$0x0], $0xffff;
	[tilespmem:s1+$0xBD80] =	vst v12  }
0x5c4: {  	[tilespmem:s10+$0xBE80] =	vst v10;
	v21 =	vadd.s32 $0xC, v7;
	v12 =	vld.idx.msk [tilespmem:v23+s26+$0x0], $0xffff  }
0x5c5: {  	v3 =	vld.idx.msk [tilespmem:v3+s26+$0x0], $0xffff;
	[tilespmem:s5+$0xBE00] =	vst v14;
	v22 =	vadd.s32 $0xC, v8  }
0x5c6: {  	v15 =	vld.idx.msk [tilespmem:v15+s26+$0x0], $0xffff;
	[tilespmem:s24+$0xBE00] =	vst v16;
	v23 =	vadd.s32 $0xD, v2  }
0x5c7: {  	v16 =	vadd.s32 $0xD, v4;
	v17 =	vld.idx.msk [tilespmem:v17+s26+$0x0], $0xffff;
	[tilespmem:s3+$0xBE00] =	vst v18  }
0x5c8: {  	v18 =	vadd.s32 $0xD, v5;
	[tilespmem:s0+$0xBE00] =	vst v9;
	v11 =	vld.idx.msk [tilespmem:v11+s26+$0x0], $0xffff  }
0x5c9: {  	v9 =	vadd.s32 $0xD, v6;
	v10 =	vld.idx.msk [tilespmem:v21+s26+$0x0], $0xffff;
	[tilespmem:s1+$0xBE00] =	vst v12  }
0x5ca: {  	[tilespmem:s22+$0xC000] =	vst v3;
	v3 =	vadd.s32 $0xD, v7;
	v12 =	vld.idx.msk [tilespmem:v22+s26+$0x0], $0xffff  }
0x5cb: {  	[tilespmem:s5+$0xBE80] =	vst v15;
	v21 =	vld.idx.msk [tilespmem:v23+s26+$0x0], $0xffff;
	v22 =	vadd.s32 $0xD, v8  }
0x5cc: {  	v16 =	vld.idx.msk [tilespmem:v16+s26+$0x0], $0xffff;
	[tilespmem:s24+$0xBE80] =	vst v17;
	v23 =	vadd.s32 $0xE, v2  }
0x5cd: {  	v17 =	vadd.s32 $0xE, v4;
	v18 =	vld.idx.msk [tilespmem:v18+s26+$0x0], $0xffff;
	[tilespmem:s3+$0xBE80] =	vst v11  }
0x5ce: {  	v20 =	vadd.s32 $0xE, v5;
	[tilespmem:s0+$0xBE80] =	vst v10;
	v9 =	vld.idx.msk [tilespmem:v9+s26+$0x0], $0xffff  }
0x5cf: {  	v10 =	vadd.s32 $0xE, v6;
	v3 =	vld.idx.msk [tilespmem:v3+s26+$0x0], $0xffff;
	[tilespmem:s1+$0xBE80] =	vst v12  }
0x5d0: {  	[tilespmem:s10+$0xBF00] =	vst v21;
	v21 =	vadd.s32 $0xE, v7;
	v13 =	vld.idx.msk [tilespmem:v22+s26+$0x0], $0xffff  }
0x5d1: {  	[tilespmem:s5+$0xBF00] =	vst v16;
	v22 =	vld.idx.msk [tilespmem:v23+s26+$0x0], $0xffff;
	v23 =	vadd.s32 $0xE, v8  }
0x5d2: {  	v2 =	vadd.s32 $0xF, v2;
	v16 =	vld.idx.msk [tilespmem:v17+s26+$0x0], $0xffff;
	[tilespmem:s24+$0xBF00] =	vst v18  }
0x5d3: {  	v19 =	vadd.s32 $0xF, v4;
	v11 =	vld.idx.msk [tilespmem:v20+s26+$0x0], $0xffff;
	[tilespmem:s3+$0xBF00] =	vst v9  }
0x5d4: {  	v20 =	vadd.s32 $0xF, v5;
	[tilespmem:s0+$0xBF00] =	vst v3;
	v9 =	vld.idx.msk [tilespmem:v10+s26+$0x0], $0xffff  }
0x5d5: {  	v3 =	vadd.s32 $0xF, v6;
	v21 =	vld.idx.msk [tilespmem:v21+s26+$0x0], $0xffff;
	[tilespmem:s1+$0xBF00] =	vst v13  }
0x5d6: {  	[tilespmem:s10+$0xBF80] =	vst v22;
	v22 =	vadd.s32 $0xF, v7;
	v23 =	vld.idx.msk [tilespmem:v23+s26+$0x0], $0xffff  }
0x5d7: {  	[tilespmem:s5+$0xBF80] =	vst v16;
	v8 =	vadd.s32 $0xF, v8;
	v2 =	vld.idx.msk [tilespmem:v2+s26+$0x0], $0xffff  }
0x5d8: {  	v4 =	vld.idx.msk [tilespmem:v19+s26+$0x0], $0xffff;
	[tilespmem:s24+$0xBF80] =	vst v11  }
0x5d9: {  	v5 =	vld.idx.msk [tilespmem:v20+s26+$0x0], $0xffff;
	[tilespmem:s3+$0xBF80] =	vst v9  }
0x5da: {  	v3 =	vld.idx.msk [tilespmem:v3+s26+$0x0], $0xffff;
	[tilespmem:s0+$0xBF80] =	vst v21  }
0x5db: {  	v6 =	vld.idx.msk [tilespmem:v22+s26+$0x0], $0xffff;
	[tilespmem:s1+$0xBF80] =	vst v23  }
0x5dc: {  	[tilespmem:s10+$0xC000] =	vst v2;
	v2 =	vld.idx.msk [tilespmem:v8+s26+$0x0], $0xffff  }
0x5dd: {  	[tilespmem:s5+$0xC000] =	vst v4  }
0x5de: {  	[tilespmem:s24+$0xC000] =	vst v5  }
0x5df: {  	s22 =	smul.u32 $0xA00, s23;
	[tilespmem:s3+$0xC000] =	vst v3  }
0x5e0: {  	s25 =	simm.s32 $0x5000;
	s24 =	rddreg [dreg:$0x4];
	[tilespmem:s0+$0xC000] =	vst v6  }
0x5e1: {  	s29 =	simm.s32 $0x186A000;
	s31 =	simm.s32 $0x6C80;
	s0 =	sadd.s32 s24, s22;
	[tilespmem:s1+$0xC000] =	vst v2  }
0x5e2: {  	[hbm4b:s0+s25] =	stream.strided.scatter [tilespmem:s31], [sflag:$0x2], $0xA000, s29, s25, $0x38;
	[tilespmem:$0x1AC80] =	vst v63  }
0x5e3: {  	s0 =	sadd.s32 s20, s9  }
0x5e4: {  	p1 =	sgt.u32 s0, $0x4E1  }
.Ltmp13:
0x5e5: {  	_ = 	snop;
	(pc) =	sbr.rel @p1 .LBB2_30-.Ltmp13, $1  }
0x5e6: {  	_ =	sdelay $0x3  }
0x5e7: {  	s1 =	smul.u32 $0x140, s0  }
0x5e8: {  	s2 =	rddreg [dreg:$0x1]  }
0x5e9: {  	s3 =	simm.s32 $0x1C80;
	s2 =	sadd.s32 s2, s1  }
0x5ea: {  	s4 =	simm.s32 $0x10;
	s5 =	simm.s32 $0x1D80;
	s10 =	sadd.s32 $0x0, s2  }
.LBB2_22:
0x5eb: {  	[tilespmem:s3], [sflag:$0x1] =	stream.linear.gather [hbm4b:s10+s6], $0x80, $0x38;
	[tilespmem:$0x1AC80] =	vst v63  }
0x5ec: {  	s10 =	smov.u32 s4;
	s3 =	smov.u32 s5;
	p1 =	sne.s32 s4, $0x130  }
.Ltmp14:
0x5ed: {  	s4 =	sadd.s32 $0x10, s4;
	(pc) =	sbr.rel @p1 .LBB2_22-.Ltmp14, $2  }
0x5ee: {  	_ =	sdelay $0x2  }
0x5ef: {  	s5 =	sadd.s32 $0x100, s5;
	s10 =	sadd.s32 s10, s2  }
0x5f0: {  	[tilespmem:s3], [sflag:$0x1] =	stream.linear.gather [hbm4b:s10+s6], $0x80, $0x38;
	[tilespmem:$0x1AC80] =	vst v63  }
0x5f1: {  	s2 =	rddreg [dreg:$0x2]  }
0x5f2: {  	s3 =	simm.s32 $0x10;
	s1 =	sadd.s32 s2, s1  }
0x5f3: {  	s4 =	simm.s32 $0x3180;
	s2 =	simm.s32 $0x3080;
	s5 =	sadd.s32 $0x0, s1  }
.LBB2_24:
0x5f4: {  	[tilespmem:s2], [sflag:$0x1] =	stream.linear.gather [hbm4b:s5+s6], $0x80, $0x38;
	[tilespmem:$0x1AC80] =	vst v63  }
0x5f5: {  	s5 =	smov.u32 s3;
	s2 =	smov.u32 s4;
	p1 =	sne.s32 s3, $0x130  }
.Ltmp15:
0x5f6: {  	s3 =	sadd.s32 $0x10, s3;
	(pc) =	sbr.rel @p1 .LBB2_24-.Ltmp15, $2  }
0x5f7: {  	_ =	sdelay $0x2  }
0x5f8: {  	s4 =	sadd.s32 $0x100, s4;
	s5 =	sadd.s32 s5, s1  }
0x5f9: {  	s0 =	smul.u32 $0x280, s0  }
0x5fa: {  	[tilespmem:s2], [sflag:$0x1] =	stream.linear.gather [hbm4b:s5+s6], $0x80, $0x38;
	[tilespmem:$0x1AC80] =	vst v63  }
0x5fb: {  	s1 =	rddreg [dreg:$0x3]  }
0x5fc: {  	s2 =	simm.s32 $0x4480;
	s1 =	sadd.s32 s1, s0  }
0x5fd: {  	s3 =	simm.s32 $0x20;
	s4 =	simm.s32 $0x4580;
	s5 =	sadd.s32 $0x0, s1  }
.LBB2_26:
0x5fe: {  	[tilespmem:s2], [sflag:$0x1] =	stream.linear.gather [hbm4b:s5+s6], $0x80, $0x38;
	[tilespmem:$0x1AC80] =	vst v63  }
0x5ff: {  	s5 =	smov.u32 s3;
	s2 =	smov.u32 s4;
	p1 =	sne.s32 s3, $0x260  }
.Ltmp16:
0x600: {  	s3 =	sadd.s32 $0x20, s3;
	(pc) =	sbr.rel @p1 .LBB2_26-.Ltmp16, $2  }
0x601: {  	_ =	sdelay $0x2  }
0x602: {  	s4 =	sadd.s32 $0x100, s4;
	s5 =	sadd.s32 s5, s1  }
0x603: {  	[tilespmem:s2], [sflag:$0x1] =	stream.linear.gather [hbm4b:s5+s6], $0x80, $0x38;
	[tilespmem:$0x1AC80] =	vst v63  }
0x604: {  	s0 =	sadd.s32 s0, s30;
	s1 =	simm.s32 $0x5880  }
0x605: {  	s2 =	simm.s32 $0x20;
	s3 =	simm.s32 $0x5980;
	s4 =	sadd.s32 $0x0, s0  }
.LBB2_28:
0x606: {  	[tilespmem:s1], [sflag:$0x1] =	stream.linear.gather [hbm4b:s4+s6], $0x80, $0x38;
	[tilespmem:$0x1AC80] =	vst v63  }
0x607: {  	s4 =	smov.u32 s2;
	s1 =	smov.u32 s3;
	p1 =	sne.s32 s2, $0x260  }
.Ltmp17:
0x608: {  	s2 =	sadd.s32 $0x20, s2;
	(pc) =	sbr.rel @p1 .LBB2_28-.Ltmp17, $2  }
0x609: {  	_ =	sdelay $0x2  }
0x60a: {  	s3 =	sadd.s32 $0x100, s3;
	s4 =	sadd.s32 s4, s0  }
0x60b: {  	[tilespmem:s1], [sflag:$0x1] =	stream.linear.gather [hbm4b:s4+s6], $0x80, $0x38;
	[tilespmem:$0x1AC80] =	vst v63  }
.LBB2_30:
0x60c: {  	s10 =	sor.u32 $0x20, s23  }
0x60d: {  	p1 =	sgt.u32 s10, $0x4E1  }
.Ltmp18:
0x60e: {  	_ = 	snop;
	(pc) =	sbr.rel @p1 .LBB2_43-.Ltmp18, $1  }
0x60f: {  	_ =	sdelay $0x3  }
0x610: {  	_ =	swait.ge [sflag:s28], $0xA00  }
0x611: {  	[sflag:s28] =	ssyncset.done $0x0  }
0x612: {  	[sflag:s28] =	ssyncadd.s32 $0xFFFFF600  }
0x613: {  	_ =	swait.ge [sflag:s28], $0xA00  }
0x614: {  	[sflag:s28] =	ssyncset.done $0x0  }
0x615: {  	[sflag:s28] =	ssyncadd.s32 $0xFFFFF600  }
0x616: {  	_ =	swait.ge [sflag:s28], $0xA00  }
0x617: {  	[sflag:s28] =	ssyncset.done $0x0  }
0x618: {  	[sflag:s28] =	ssyncadd.s32 $0xFFFFF600  }
0x619: {  	_ =	swait.ge [sflag:s28], $0xA00  }
0x61a: {  	[sflag:s28] =	ssyncset.done $0x0  }
0x61b: {  	s0 =	simm.s32 @!p0 $0x2;
	[sflag:s28] =	ssyncadd.s32 $0xFFFFF600  }
0x61c: {  	s1 =	simm.s32 $0x0;
	s2 =	simm.s32 $0x0;
	_ =	swait.ge @!p0 [sflag:s0], $0xA000  }
0x61d: {  	s1 =	sand.u32 $0x70, s1;
	s2 =	sand.u32 $0xFFFFFF00, s2;
	[sflag:s0] =	ssyncset.done @!p0 $0x0  }
0x61e: {  	s5 =	sor.u32 s1, s2;
	[sflag:s0] =	ssyncadd.s32 @!p0 $0xFFFF6000  }
0x61f: {  	v2 =	vld [tilespmem:s5+$0x3100]  }
0x620: {  	v3 =	vld [tilespmem:s5+$0x4500]  }
0x621: {  	v4 =	vld [tilespmem:s5+$0x5900]  }
0x622: {  	v5 =	vld [tilespmem:s5+$0x1D00];
	_ =	sdelay $0x1  }
0x623: {  	vm0 =	vgt.s32 v2, $0x0  }
0x624: {  	v2 =	vnsel vm0, $0x0, v2  }
0x625: {  	v3 =	vsub.s32 v3, v4;
	v2 =	vmin.u32 v2, $0x1F  }
0x626: {  	v4 =	vmul.u32 $0x60, v5;
	vm12 =	vgt.s32 v3, $0xFFFFFFFF;
	v2 =	vmul.u32 $0x3, v2  }
0x627: {  	vm1 =	vgt.s32 v3, $0x0;
	v3 =	vsel vm12, $0x1, v1  }
0x628: {  	v3 =	vsel vm1, $0x2, v3;
	v2 =	vadd.s32 v4, v2  }
0x629: {  	v2 =	vadd.s32 v3, v2  }
0x62a: {  	s12 =	simm.s32 $0x20;
	s21 =	simm.s32 $0x10;
	v3 =	vmul.u32 $0x11, v2  }
0x62b: {  	s2 =	sand.u32 $0x70, s21;
	s0 =	sand.u32 $0xFFFFFF00, s12  }
0x62c: {  	s0 =	sor.u32 s2, s0  }
0x62d: {  	v7 =	vld [tilespmem:s0+$0x5900]  }
0x62e: {  	v5 =	vld [tilespmem:s0+$0x3100]  }
0x62f: {  	v4 =	vld [tilespmem:s0+$0x4500]  }
0x630: {  	v6 =	vld.idx.msk [tilespmem:v3+s26+$0x0], $0xffff  }
0x631: {  	v2 =	vld [tilespmem:s0+$0x1D00];
	v8 =	vadd.s32 $0x1, v3  }
0x632: {  	s22 =	simm.s32 $0x0  }
0x633: {  	vm13 =	vgt.s32 v5, $0x0;
	s0 =	sand.u32 $0x3FFFFC00, s22  }
0x634: {  	v5 =	vnsel vm13, $0x0, v5;
	s5 =	sor.u32 s1, s0  }
0x635: {  	v5 =	vmin.u32 v5, $0x1F;
	v4 =	vsub.s32 v4, v7;
	[tilespmem:s5+$0x10C80] =	vst v6  }
0x636: {  	v5 =	vmul.u32 $0x3, v5;
	vm14 =	vgt.s32 v4, $0xFFFFFFFF;
	v2 =	vmul.u32 $0x60, v2;
	v6 =	vld.idx.msk [tilespmem:v8+s26+$0x0], $0xffff  }
0x637: {  	v7 =	vadd.s32 $0x2, v3;
	vm15 =	vgt.s32 v4, $0x0;
	v4 =	vsel vm14, $0x1, v1  }
0x638: {  	v4 =	vsel vm15, $0x2, v4;
	v2 =	vadd.s32 v2, v5  }
0x639: {  	v2 =	vadd.s32 v4, v2  }
0x63a: {  	s23 =	simm.s32 $0x40;
	s24 =	simm.s32 $0x20;
	v2 =	vmul.u32 $0x11, v2  }
0x63b: {  	s0 =	sand.u32 $0x70, s24;
	s1 =	sand.u32 $0xFFFFFF00, s23;
	[tilespmem:s5+$0x10D00] =	vst v6  }
0x63c: {  	s1 =	sor.u32 s0, s1;
	v4 =	vld.idx.msk [tilespmem:v7+s26+$0x0], $0xffff  }
0x63d: {  	v9 =	vld [tilespmem:s1+$0x3100];
	v6 =	vadd.s32 $0x3, v3  }
0x63e: {  	v5 =	vld [tilespmem:s1+$0x1D00]  }
0x63f: {  	v8 =	vld [tilespmem:s1+$0x5900]  }
0x640: {  	v10 =	vld.idx.msk [tilespmem:v2+s26+$0x0], $0xffff  }
0x641: {  	v7 =	vld [tilespmem:s1+$0x4500];
	[tilespmem:s5+$0x10D80] =	vst v4  }
0x642: {  	v4 =	vld.idx.msk [tilespmem:v6+s26+$0x0], $0xffff;
	v6 =	vadd.s32 $0x1, v2  }
0x643: {  	s25 =	simm.s32 $0x80;
	v11 =	vadd.s32 $0x4, v3  }
0x644: {  	s1 =	sand.u32 $0x3FFFFC00, s25  }
0x645: {  	vm4 =	vgt.s32 v9, $0x0;
	s22 =	sor.u32 s2, s1  }
0x646: {  	v9 =	vnsel vm4, $0x0, v9;
	[tilespmem:s22+$0x10C80] =	vst v10  }
0x647: {  	v7 =	vsub.s32 v7, v8;
	v6 =	vld.idx.msk [tilespmem:v6+s26+$0x0], $0xffff;
	[tilespmem:s5+$0x10E00] =	vst v4;
	v4 =	vmul.u32 $0x60, v5;
	v5 =	vmin.u32 v9, $0x1F  }
0x648: {  	vm5 =	vgt.s32 v7, $0xFFFFFFFF;
	v9 =	vadd.s32 $0x2, v2;
	v8 =	vld.idx.msk [tilespmem:v11+s26+$0x0], $0xffff;
	v5 =	vmul.u32 $0x3, v5  }
0x649: {  	s29 =	simm.s32 $0x60;
	s3 =	simm.s32 $0x30;
	v10 =	vadd.s32 $0x5, v3;
	vm6 =	vgt.s32 v7, $0x0;
	v7 =	vsel vm5, $0x1, v1  }
0x64a: {  	s1 =	sand.u32 $0x70, s3;
	s2 =	sand.u32 $0xFFFFFF00, s29;
	v7 =	vsel vm6, $0x2, v7;
	v4 =	vadd.s32 v4, v5  }
0x64b: {  	s2 =	sor.u32 s1, s2;
	v4 =	vadd.s32 v7, v4  }
0x64c: {  	v12 =	vld [tilespmem:s2+$0x3100];
	[tilespmem:s22+$0x10D00] =	vst v6;
	v4 =	vmul.u32 $0x11, v4  }
0x64d: {  	v6 =	vld.idx.msk [tilespmem:v9+s26+$0x0], $0xffff;
	[tilespmem:s5+$0x10E80] =	vst v8  }
0x64e: {  	v8 =	vadd.s32 $0x3, v2;
	v7 =	vld.idx.msk [tilespmem:v10+s26+$0x0], $0xffff  }
0x64f: {  	v11 =	vld [tilespmem:s2+$0x5900];
	v10 =	vadd.s32 $0x6, v3  }
0x650: {  	v5 =	vld [tilespmem:s2+$0x1D00]  }
0x651: {  	v9 =	vld [tilespmem:s2+$0x4500]  }
0x652: {  	v13 =	vld.idx.msk [tilespmem:v4+s26+$0x0], $0xffff;
	[tilespmem:s22+$0x10D80] =	vst v6  }
0x653: {  	v6 =	vld.idx.msk [tilespmem:v8+s26+$0x0], $0xffff;
	[tilespmem:s5+$0x10F00] =	vst v7;
	v7 =	vadd.s32 $0x1, v4  }
0x654: {  	s4 =	simm.s32 $0x100;
	v8 =	vld.idx.msk [tilespmem:v10+s26+$0x0], $0xffff;
	v10 =	vadd.s32 $0x4, v2  }
0x655: {  	v14 =	vadd.s32 $0x7, v3;
	s2 =	sand.u32 $0x3FFFFC00, s4  }
0x656: {  	vm7 =	vgt.s32 v12, $0x0;
	s23 =	sor.u32 s0, s2  }
0x657: {  	v12 =	vnsel vm7, $0x0, v12;
	[tilespmem:s23+$0x10C80] =	vst v13  }
0x658: {  	v5 =	vmul.u32 $0x60, v5;
	v9 =	vsub.s32 v9, v11;
	v7 =	vld.idx.msk [tilespmem:v7+s26+$0x0], $0xffff;
	[tilespmem:s22+$0x10E00] =	vst v6;
	v6 =	vmin.u32 v12, $0x1F  }
0x659: {  	s21 =	simm.s32 $0x40;
	s12 =	simm.s32 $0x80;
	vm8 =	vgt.s32 v9, $0xFFFFFFFF;
	v10 =	vld.idx.msk [tilespmem:v10+s26+$0x0], $0xffff;
	[tilespmem:s5+$0x10F80] =	vst v8;
	v8 =	vadd.s32 $0x2, v4;
	v6 =	vmul.u32 $0x3, v6  }
0x65a: {  	s3 =	sand.u32 $0x70, s21;
	s0 =	sand.u32 $0xFFFFFF00, s12;
	vm9 =	vgt.s32 v9, $0x0;
	v9 =	vsel vm8, $0x1, v1;
	v12 =	vadd.s32 $0x5, v2;
	v11 =	vld.idx.msk [tilespmem:v14+s26+$0x0], $0xffff  }
0x65b: {  	s0 =	sor.u32 s3, s0;
	v9 =	vsel vm9, $0x2, v9;
	v13 =	vadd.s32 $0x8, v3;
	v5 =	vadd.s32 v5, v6  }
0x65c: {  	v15 =	vld [tilespmem:s0+$0x3100];
	v5 =	vadd.s32 v9, v5  }
0x65d: {  	v6 =	vld [tilespmem:s0+$0x1D00];
	[tilespmem:s23+$0x10D00] =	vst v7;
	v5 =	vmul.u32 $0x11, v5  }
0x65e: {  	v7 =	vld.idx.msk [tilespmem:v8+s26+$0x0], $0xffff;
	[tilespmem:s22+$0x10E80] =	vst v10  }
0x65f: {  	v10 =	vadd.s32 $0x3, v4;
	v8 =	vld.idx.msk [tilespmem:v12+s26+$0x0], $0xffff;
	[tilespmem:s5+$0x11000] =	vst v11  }
0x660: {  	v12 =	vadd.s32 $0x6, v2;
	v11 =	vld.idx.msk [tilespmem:v13+s26+$0x0], $0xffff  }
0x661: {  	v14 =	vadd.s32 $0x9, v3;
	v9 =	vld [tilespmem:s0+$0x4500]  }
0x662: {  	v13 =	vld [tilespmem:s0+$0x5900]  }
0x663: {  	v16 =	vld.idx.msk [tilespmem:v5+s26+$0x0], $0xffff;
	[tilespmem:s23+$0x10D80] =	vst v7  }
0x664: {  	v7 =	vld.idx.msk [tilespmem:v10+s26+$0x0], $0xffff;
	[tilespmem:s22+$0x10F00] =	vst v8;
	v8 =	vadd.s32 $0x1, v5  }
0x665: {  	s4 =	simm.s32 $0x180;
	v10 =	vld.idx.msk [tilespmem:v12+s26+$0x0], $0xffff;
	[tilespmem:s5+$0x15C80] =	vst v11;
	v11 =	vadd.s32 $0x4, v4  }
0x666: {  	s24 =	simm.s32 $0xA0;
	s4 =	sand.u32 $0x3FFFFC00, s4;
	v12 =	vld.idx.msk [tilespmem:v14+s26+$0x0], $0xffff;
	v14 =	vadd.s32 $0x7, v2  }
0x667: {  	s2 =	sand.u32 $0xFFFFFF00, s24;
	s24 =	sor.u32 s1, s4;
	vm10 =	vgt.s32 v15, $0x0  }
0x668: {  	v17 =	vadd.s32 $0xA, v3;
	v15 =	vnsel vm10, $0x0, v15;
	[tilespmem:s24+$0x10C80] =	vst v16  }
0x669: {  	s25 =	simm.s32 $0x50;
	v6 =	vmul.u32 $0x60, v6;
	v9 =	vsub.s32 v9, v13;
	v8 =	vld.idx.msk [tilespmem:v8+s26+$0x0], $0xffff;
	[tilespmem:s23+$0x10E00] =	vst v7;
	v7 =	vmin.u32 v15, $0x1F  }
0x66a: {  	s0 =	sand.u32 $0x70, s25;
	vm11 =	vgt.s32 v9, $0xFFFFFFFF;
	v11 =	vld.idx.msk [tilespmem:v11+s26+$0x0], $0xffff;
	[tilespmem:s22+$0x10F80] =	vst v10;
	v10 =	vadd.s32 $0x2, v5;
	v7 =	vmul.u32 $0x3, v7  }
0x66b: {  	s2 =	sor.u32 s0, s2;
	vm12 =	vgt.s32 v9, $0x0;
	v9 =	vsel vm11, $0x1, v1;
	v13 =	vld.idx.msk [tilespmem:v14+s26+$0x0], $0xffff;
	[tilespmem:s5+$0x15D00] =	vst v12;
	v12 =	vadd.s32 $0x5, v4  }
0x66c: {  	v18 =	vld [tilespmem:s2+$0x1D00];
	v9 =	vsel vm12, $0x2, v9;
	v15 =	vadd.s32 $0x8, v2;
	v6 =	vadd.s32 v6, v7  }
0x66d: {  	v14 =	vld.idx.msk [tilespmem:v17+s26+$0x0], $0xffff;
	v6 =	vadd.s32 v9, v6  }
0x66e: {  	v16 =	vadd.s32 $0xB, v3;
	v7 =	vld [tilespmem:s2+$0x4500];
	[tilespmem:s24+$0x10D00] =	vst v8;
	v6 =	vmul.u32 $0x11, v6  }
0x66f: {  	v8 =	vld.idx.msk [tilespmem:v10+s26+$0x0], $0xffff;
	[tilespmem:s23+$0x10E80] =	vst v11  }
0x670: {  	v11 =	vadd.s32 $0x3, v5;
	v10 =	vld.idx.msk [tilespmem:v12+s26+$0x0], $0xffff;
	[tilespmem:s22+$0x11000] =	vst v13  }
0x671: {  	v12 =	vld.idx.msk [tilespmem:v15+s26+$0x0], $0xffff  }
0x672: {  	v9 =	vld [tilespmem:s2+$0x5900];
	v13 =	vadd.s32 $0x6, v4;
	[tilespmem:s5+$0x15D80] =	vst v14  }
0x673: {  	v15 =	vadd.s32 $0x9, v2;
	v14 =	vld.idx.msk [tilespmem:v16+s26+$0x0], $0xffff  }
0x674: {  	v17 =	vadd.s32 $0xC, v3;
	v19 =	vld.idx.msk [tilespmem:v6+s26+$0x0], $0xffff;
	[tilespmem:s24+$0x10D80] =	vst v8  }
0x675: {  	v11 =	vld.idx.msk [tilespmem:v11+s26+$0x0], $0xffff;
	[tilespmem:s23+$0x10F00] =	vst v10;
	v10 =	vadd.s32 $0x1, v6  }
0x676: {  	s12 =	simm.s32 $0x200;
	v16 =	vld [tilespmem:s2+$0x3100];
	[tilespmem:s22+$0x15C80] =	vst v12;
	v12 =	vadd.s32 $0x4, v5  }
0x677: {  	s12 =	sand.u32 $0x3FFFFC00, s12;
	v13 =	vld.idx.msk [tilespmem:v13+s26+$0x0], $0xffff  }
0x678: {  	s3 =	sor.u32 s3, s12;
	v15 =	vld.idx.msk [tilespmem:v15+s26+$0x0], $0xffff;
	[tilespmem:s5+$0x15E00] =	vst v14  }
0x679: {  	v17 =	vld.idx.msk [tilespmem:v17+s26+$0x0], $0xffff;
	[tilespmem:s3+$0x10C80] =	vst v19  }
0x67a: {  	v14 =	vadd.s32 $0x7, v4;
	v10 =	vld.idx.msk [tilespmem:v10+s26+$0x0], $0xffff;
	[tilespmem:s24+$0x10E00] =	vst v11  }
0x67b: {  	s29 =	simm.s32 $0xC0;
	s2 =	simm.s32 $0x60;
	v11 =	vld.idx.msk [tilespmem:v12+s26+$0x0], $0xffff  }
0x67c: {  	s4 =	sand.u32 $0xFFFFFF00, s29;
	s1 =	sand.u32 $0x70, s2;
	v19 =	vadd.s32 $0xD, v3;
	[tilespmem:s23+$0x10F80] =	vst v13  }
0x67d: {  	v20 =	vadd.s32 $0xA, v2;
	s4 =	sor.u32 s1, s4;
	vm13 =	vgt.s32 v16, $0x0;
	[tilespmem:s22+$0x15D00] =	vst v15  }
0x67e: {  	v21 =	vadd.s32 $0x5, v5;
	v8 =	vld [tilespmem:s4+$0x1D00];
	v15 =	vnsel vm13, $0x0, v16;
	[tilespmem:s5+$0x15E80] =	vst v17  }
0x67f: {  	v7 =	vsub.s32 v7, v9;
	v12 =	vadd.s32 $0x2, v6;
	v13 =	vld.idx.msk [tilespmem:v14+s26+$0x0], $0xffff;
	v16 =	vmin.u32 v15, $0x1F;
	[tilespmem:s3+$0x10D00] =	vst v10  }
0x680: {  	vm14 =	vgt.s32 v7, $0xFFFFFFFF;
	v14 =	vld [tilespmem:s4+$0x4500];
	v10 =	vmul.u32 $0x60, v18;
	[tilespmem:s24+$0x10E80] =	vst v11;
	v11 =	vmul.u32 $0x3, v16  }
0x681: {  	vm15 =	vgt.s32 v7, $0x0;
	v7 =	vsel vm14, $0x1, v1;
	v17 =	vadd.s32 $0x8, v4;
	v19 =	vld.idx.msk [tilespmem:v19+s26+$0x0], $0xffff  }
0x682: {  	v7 =	vsel vm15, $0x2, v7;
	v20 =	vld.idx.msk [tilespmem:v20+s26+$0x0], $0xffff;
	v10 =	vadd.s32 v10, v11  }
0x683: {  	v22 =	vadd.s32 $0xB, v2;
	v15 =	vld [tilespmem:s4+$0x5900];
	v7 =	vadd.s32 v7, v10  }
0x684: {  	v9 =	vadd.s32 $0xE, v3;
	v18 =	vld.idx.msk [tilespmem:v12+s26+$0x0], $0xffff;
	v7 =	vmul.u32 $0x11, v7  }
0x685: {  	v16 =	vld.idx.msk [tilespmem:v21+s26+$0x0], $0xffff;
	[tilespmem:s23+$0x11000] =	vst v13  }
0x686: {  	v12 =	vld.idx.msk [tilespmem:v17+s26+$0x0], $0xffff;
	[tilespmem:s5+$0x15F00] =	vst v19;
	v19 =	vadd.s32 $0x3, v6  }
0x687: {  	[tilespmem:s22+$0x15D80] =	vst v20;
	v17 =	vadd.s32 $0x6, v5;
	v20 =	vld [tilespmem:s4+$0x3100]  }
0x688: {  	v13 =	vadd.s32 $0x9, v4;
	v11 =	vld.idx.msk [tilespmem:v22+s26+$0x0], $0xffff  }
0x689: {  	s31 =	simm.s32 $0x5;
	s21 =	simm.s32 $0x6;
	s25 =	simm.s32 $0x7;
	v10 =	vadd.s32 $0xC, v2;
	v9 =	vld.idx.msk [tilespmem:v9+s26+$0x0], $0xffff  }
.LBB2_32:
0x68a: {  	p0 =	sne.s32 s25, $0x9F;
	v21 =	vld.idx.msk [tilespmem:v7+s26+$0x0], $0xffff;
	[tilespmem:s3+$0x10D80] =	vst v18;
	v18 =	vadd.s32 $0xF, v3;
	v3 =	vmovc v2;
	v2 =	vmovc v4;
	v4 =	vmov v5;
	v5 =	vmov v6  }
0x68b: {  	v6 =	vmov v7;
	v19 =	vld.idx.msk [tilespmem:v19+s26+$0x0], $0xffff;
	[tilespmem:s24+$0x10F00] =	vst v16  }
0x68c: {  	v7 =	vadd.s32 $0x1, v6;
	v16 =	vld.idx.msk [tilespmem:v17+s26+$0x0], $0xffff;
	[tilespmem:s23+$0x15C80] =	vst v12  }
0x68d: {  	s4 =	sshll.u32 s25, $0x5;
	s2 =	sadd.s32 $0x10, s2;
	s12 =	sshll.u32 s31, $0x7;
	v12 =	vadd.s32 $0x4, v5;
	v13 =	vld.idx.msk [tilespmem:v13+s26+$0x0], $0xffff;
	[tilespmem:s22+$0x15E00] =	vst v11  }
0x68e: {  	s29 =	sand.u32 $0x70, s2;
	s4 =	sand.u32 $0xFFFFFF00, s4;
	s12 =	sand.u32 $0x3FFFFC00, s12;
	v11 =	vadd.s32 $0x7, v4;
	v10 =	vld.idx.msk [tilespmem:v10+s26+$0x0], $0xffff;
	[tilespmem:s5+$0x15F80] =	vst v9  }
0x68f: {  	s4 =	sor.u32 s29, s4;
	s12 =	sor.u32 s0, s12;
	s0 =	smov.u32 s1;
	v9 =	vadd.s32 $0xA, v2;
	v17 =	vld.idx.msk [tilespmem:v18+s26+$0x0], $0xffff  }
0x690: {  	s31 =	smov.u32 s21;
	s21 =	smov.u32 s25;
	s1 =	smov.u32 s29;
	v18 =	vld [tilespmem:s4+$0x1D00];
	[tilespmem:s12+$0x10C80] =	vst v21;
	v21 =	vadd.s32 $0xD, v3  }
0x691: {  	vm0 =	vgt.s32 v20, $0x0;
	v7 =	vld.idx.msk [tilespmem:v7+s26+$0x0], $0xffff;
	[tilespmem:s3+$0x10E00] =	vst v19  }
0x692: {  	v19 =	vnsel vm0, $0x0, v20;
	v20 =	vmul.u32 $0x60, v8;
	v12 =	vld.idx.msk [tilespmem:v12+s26+$0x0], $0xffff;
	[tilespmem:s24+$0x10F80] =	vst v16  }
0x693: {  	v14 =	vsub.s32 v14, v15;
	v23 =	vmin.u32 v19, $0x1F;
	v16 =	vadd.s32 $0x2, v6;
	v11 =	vld.idx.msk [tilespmem:v11+s26+$0x0], $0xffff;
	[tilespmem:s23+$0x15D00] =	vst v13  }
0x694: {  	vm0 =	vgt.s32 v14, $0xFFFFFFFF;
	v19 =	vadd.s32 $0x5, v5;
	v13 =	vmul.u32 $0x3, v23;
	v9 =	vld.idx.msk [tilespmem:v9+s26+$0x0], $0xffff;
	[tilespmem:s22+$0x15E80] =	vst v10  }
0x695: {  	vm1 =	vgt.s32 v14, $0x0;
	v22 =	vadd.s32 $0x8, v4;
	v10 =	vsel vm0, $0x1, v1;
	v21 =	vld.idx.msk [tilespmem:v21+s26+$0x0], $0xffff;
	[tilespmem:s5+$0x16000] =	vst v17;
	v8 =	vmovc v18;
	s5 =	smov.u32 s22;
	s22 =	smov.u32 s23;
	s23 =	smov.u32 s24  }
0x696: {  	v10 =	vsel vm1, $0x2, v10;
	v13 =	vadd.s32 v20, v13;
	v20 =	vadd.s32 $0xB, v2;
	s24 =	smov.u32 s3;
	s3 =	smov.u32 s12;
	v14 =	vld [tilespmem:s4+$0x4500]  }
0x697: {  	v23 =	vadd.s32 $0xE, v3;
	v10 =	vadd.s32 v10, v13;
	v15 =	vld [tilespmem:s4+$0x5900];
	[tilespmem:s3+$0x10D00] =	vst v7  }
0x698: {  	v7 =	vmul.u32 $0x11, v10;
	v18 =	vld.idx.msk [tilespmem:v16+s26+$0x0], $0xffff;
	[tilespmem:s24+$0x10E80] =	vst v12  }
.Ltmp19:
0x699: {  	v16 =	vld.idx.msk [tilespmem:v19+s26+$0x0], $0xffff;
	[tilespmem:s23+$0x11000] =	vst v11;
	(pc) =	sbr.rel @p0 .LBB2_32-.Ltmp19, $4  }
0x69a: {  	v19 =	vadd.s32 $0x3, v6;
	v12 =	vld.idx.msk [tilespmem:v22+s26+$0x0], $0xffff;
	[tilespmem:s22+$0x15D80] =	vst v9  }
0x69b: {  	v17 =	vadd.s32 $0x6, v5;
	v11 =	vld.idx.msk [tilespmem:v20+s26+$0x0], $0xffff;
	[tilespmem:s5+$0x15F00] =	vst v21  }
0x69c: {  	v13 =	vadd.s32 $0x9, v4;
	v9 =	vld.idx.msk [tilespmem:v23+s26+$0x0], $0xffff  }
0x69d: {  	s25 =	sadd.s32 $0x1, s25;
	v10 =	vadd.s32 $0xC, v2;
	v20 =	vld [tilespmem:s4+$0x3100]  }
0x69e: {  	_ =	sdelay $0x3  }
0x69f: {  	vm0 =	vgt.s32 v20, $0x0  }
0x6a0: {  	v20 =	vnsel vm0, $0x0, v20  }
0x6a1: {  	v14 =	vsub.s32 v14, v15;
	v20 =	vmin.u32 v20, $0x1F  }
0x6a2: {  	v8 =	vmul.u32 $0x60, v8;
	vm15 =	vgt.s32 v14, $0xFFFFFFFF;
	v21 =	vmul.u32 $0x3, v20  }
0x6a3: {  	vm1 =	vgt.s32 v14, $0x0;
	v22 =	vsel vm15, $0x1, v1  }
0x6a4: {  	v14 =	vsel vm1, $0x2, v22;
	v8 =	vadd.s32 v8, v21  }
0x6a5: {  	v8 =	vadd.s32 v14, v8  }
0x6a6: {  	v8 =	vmul.u32 $0x11, v8;
	_ =	sdelay $0x4  }
0x6a7: {  	v14 =	vld.idx.msk [tilespmem:v7+s26+$0x0], $0xffff  }
0x6a8: {  	v15 =	vadd.s32 $0x1, v7;
	v20 =	vld.idx.msk [tilespmem:v8+s26+$0x0], $0xffff  }
0x6a9: {  	s2 =	sshll.u32 s31, $0x7;
	v21 =	vadd.s32 $0x1, v8  }
0x6aa: {  	s4 =	sshll.u32 s21, $0x7;
	s2 =	sand.u32 $0x3FFFFC00, s2  }
0x6ab: {  	s21 =	sand.u32 $0x3FFFFC00, s4;
	s0 =	sor.u32 s0, s2  }
0x6ac: {  	s1 =	sor.u32 s1, s21;
	[tilespmem:s0+$0x10C80] =	vst v14  }
0x6ad: {  	v14 =	vld.idx.msk [tilespmem:v15+s26+$0x0], $0xffff;
	[tilespmem:s1+$0x10C80] =	vst v20  }
0x6ae: {  	v15 =	vadd.s32 $0x2, v7;
	v20 =	vld.idx.msk [tilespmem:v21+s26+$0x0], $0xffff  }
0x6af: {  	v21 =	vadd.s32 $0x2, v8;
	_ =	sdelay $0x2  }
0x6b0: {  	[tilespmem:s0+$0x10D00] =	vst v14  }
0x6b1: {  	v14 =	vld.idx.msk [tilespmem:v15+s26+$0x0], $0xffff;
	[tilespmem:s1+$0x10D00] =	vst v20  }
0x6b2: {  	v15 =	vadd.s32 $0x3, v7;
	v20 =	vld.idx.msk [tilespmem:v21+s26+$0x0], $0xffff  }
0x6b3: {  	v21 =	vadd.s32 $0x3, v8;
	_ =	sdelay $0x1  }
0x6b4: {  	[tilespmem:s3+$0x10D80] =	vst v18  }
0x6b5: {  	v18 =	vld.idx.msk [tilespmem:v19+s26+$0x0], $0xffff;
	[tilespmem:s0+$0x10D80] =	vst v14  }
0x6b6: {  	v14 =	vadd.s32 $0x4, v6;
	v15 =	vld.idx.msk [tilespmem:v15+s26+$0x0], $0xffff;
	[tilespmem:s1+$0x10D80] =	vst v20  }
0x6b7: {  	v19 =	vadd.s32 $0x4, v7;
	v20 =	vld.idx.msk [tilespmem:v21+s26+$0x0], $0xffff  }
0x6b8: {  	v21 =	vadd.s32 $0x4, v8;
	_ =	sdelay $0x1  }
0x6b9: {  	[tilespmem:s3+$0x10E00] =	vst v18  }
0x6ba: {  	v14 =	vld.idx.msk [tilespmem:v14+s26+$0x0], $0xffff;
	[tilespmem:s0+$0x10E00] =	vst v15  }
0x6bb: {  	v15 =	vadd.s32 $0x5, v6;
	v18 =	vld.idx.msk [tilespmem:v19+s26+$0x0], $0xffff;
	[tilespmem:s1+$0x10E00] =	vst v20  }
0x6bc: {  	v19 =	vadd.s32 $0x5, v7;
	v20 =	vld.idx.msk [tilespmem:v21+s26+$0x0], $0xffff  }
0x6bd: {  	v21 =	vadd.s32 $0x5, v8;
	_ =	sdelay $0x1  }
0x6be: {  	[tilespmem:s3+$0x10E80] =	vst v14  }
0x6bf: {  	v14 =	vld.idx.msk [tilespmem:v15+s26+$0x0], $0xffff;
	[tilespmem:s0+$0x10E80] =	vst v18  }
0x6c0: {  	v15 =	vadd.s32 $0x6, v6;
	v18 =	vld.idx.msk [tilespmem:v19+s26+$0x0], $0xffff;
	[tilespmem:s1+$0x10E80] =	vst v20  }
0x6c1: {  	v19 =	vadd.s32 $0x6, v7;
	v20 =	vld.idx.msk [tilespmem:v21+s26+$0x0], $0xffff  }
0x6c2: {  	v21 =	vadd.s32 $0x6, v8  }
0x6c3: {  	[tilespmem:s24+$0x10F00] =	vst v16  }
0x6c4: {  	v16 =	vld.idx.msk [tilespmem:v17+s26+$0x0], $0xffff;
	[tilespmem:s3+$0x10F00] =	vst v14  }
0x6c5: {  	v14 =	vadd.s32 $0x7, v5;
	v15 =	vld.idx.msk [tilespmem:v15+s26+$0x0], $0xffff;
	[tilespmem:s0+$0x10F00] =	vst v18  }
0x6c6: {  	v17 =	vadd.s32 $0x7, v6;
	v18 =	vld.idx.msk [tilespmem:v19+s26+$0x0], $0xffff;
	[tilespmem:s1+$0x10F00] =	vst v20  }
0x6c7: {  	v19 =	vadd.s32 $0x7, v7;
	v20 =	vld.idx.msk [tilespmem:v21+s26+$0x0], $0xffff  }
0x6c8: {  	v21 =	vadd.s32 $0x7, v8  }
0x6c9: {  	[tilespmem:s24+$0x10F80] =	vst v16  }
0x6ca: {  	v14 =	vld.idx.msk [tilespmem:v14+s26+$0x0], $0xffff;
	[tilespmem:s3+$0x10F80] =	vst v15  }
0x6cb: {  	v15 =	vadd.s32 $0x8, v5;
	v16 =	vld.idx.msk [tilespmem:v17+s26+$0x0], $0xffff;
	[tilespmem:s0+$0x10F80] =	vst v18  }
0x6cc: {  	v17 =	vadd.s32 $0x8, v6;
	v18 =	vld.idx.msk [tilespmem:v19+s26+$0x0], $0xffff;
	[tilespmem:s1+$0x10F80] =	vst v20  }
0x6cd: {  	v19 =	vadd.s32 $0x8, v7;
	v20 =	vld.idx.msk [tilespmem:v21+s26+$0x0], $0xffff  }
0x6ce: {  	v21 =	vadd.s32 $0x8, v8  }
0x6cf: {  	[tilespmem:s24+$0x11000] =	vst v14  }
0x6d0: {  	v14 =	vld.idx.msk [tilespmem:v15+s26+$0x0], $0xffff;
	[tilespmem:s3+$0x11000] =	vst v16  }
0x6d1: {  	v15 =	vadd.s32 $0x9, v5;
	v16 =	vld.idx.msk [tilespmem:v17+s26+$0x0], $0xffff;
	[tilespmem:s0+$0x11000] =	vst v18  }
0x6d2: {  	v17 =	vadd.s32 $0x9, v6;
	v18 =	vld.idx.msk [tilespmem:v19+s26+$0x0], $0xffff;
	[tilespmem:s1+$0x11000] =	vst v20  }
0x6d3: {  	v19 =	vadd.s32 $0x9, v7;
	v20 =	vld.idx.msk [tilespmem:v21+s26+$0x0], $0xffff  }
0x6d4: {  	[tilespmem:s23+$0x15C80] =	vst v12;
	v23 =	vadd.s32 $0x9, v8  }
0x6d5: {  	v13 =	vld.idx.msk [tilespmem:v13+s26+$0x0], $0xffff;
	[tilespmem:s24+$0x15C80] =	vst v14  }
0x6d6: {  	v14 =	vadd.s32 $0xA, v4;
	v15 =	vld.idx.msk [tilespmem:v15+s26+$0x0], $0xffff;
	[tilespmem:s3+$0x15C80] =	vst v16  }
0x6d7: {  	v16 =	vadd.s32 $0xA, v5;
	v17 =	vld.idx.msk [tilespmem:v17+s26+$0x0], $0xffff;
	[tilespmem:s0+$0x15C80] =	vst v18  }
0x6d8: {  	v19 =	vld.idx.msk [tilespmem:v19+s26+$0x0], $0xffff;
	v21 =	vadd.s32 $0xA, v6;
	[tilespmem:s1+$0x15C80] =	vst v20  }
0x6d9: {  	[tilespmem:s22+$0x15E00] =	vst v11;
	v22 =	vadd.s32 $0xA, v7;
	v12 =	vld.idx.msk [tilespmem:v23+s26+$0x0], $0xffff  }
0x6da: {  	[tilespmem:s23+$0x15D00] =	vst v13;
	v23 =	vadd.s32 $0xA, v8  }
0x6db: {  	v14 =	vld.idx.msk [tilespmem:v14+s26+$0x0], $0xffff;
	[tilespmem:s24+$0x15D00] =	vst v15  }
0x6dc: {  	v15 =	vadd.s32 $0xB, v4;
	v16 =	vld.idx.msk [tilespmem:v16+s26+$0x0], $0xffff;
	[tilespmem:s3+$0x15D00] =	vst v17  }
0x6dd: {  	v17 =	vadd.s32 $0xB, v5;
	[tilespmem:s0+$0x15D00] =	vst v19;
	v18 =	vld.idx.msk [tilespmem:v21+s26+$0x0], $0xffff  }
0x6de: {  	v21 =	vadd.s32 $0xB, v6;
	v11 =	vld.idx.msk [tilespmem:v22+s26+$0x0], $0xffff;
	[tilespmem:s1+$0x15D00] =	vst v12  }
0x6df: {  	[tilespmem:s5+$0x15F80] =	vst v9;
	v22 =	vadd.s32 $0xB, v7;
	v12 =	vld.idx.msk [tilespmem:v23+s26+$0x0], $0xffff  }
0x6e0: {  	v10 =	vld.idx.msk [tilespmem:v10+s26+$0x0], $0xffff;
	[tilespmem:s23+$0x15D80] =	vst v14;
	v23 =	vadd.s32 $0xB, v8  }
0x6e1: {  	v3 =	vadd.s32 $0xF, v3;
	v14 =	vld.idx.msk [tilespmem:v15+s26+$0x0], $0xffff;
	[tilespmem:s24+$0x15D80] =	vst v16  }
0x6e2: {  	v15 =	vadd.s32 $0xC, v4;
	v16 =	vld.idx.msk [tilespmem:v17+s26+$0x0], $0xffff;
	[tilespmem:s3+$0x15D80] =	vst v18  }
0x6e3: {  	v17 =	vadd.s32 $0xC, v5;
	[tilespmem:s0+$0x15D80] =	vst v11;
	v18 =	vld.idx.msk [tilespmem:v21+s26+$0x0], $0xffff  }
0x6e4: {  	v11 =	vadd.s32 $0xC, v6;
	v9 =	vld.idx.msk [tilespmem:v22+s26+$0x0], $0xffff;
	[tilespmem:s1+$0x15D80] =	vst v12  }
0x6e5: {  	[tilespmem:s22+$0x15E80] =	vst v10;
	v21 =	vadd.s32 $0xC, v7;
	v12 =	vld.idx.msk [tilespmem:v23+s26+$0x0], $0xffff  }
0x6e6: {  	v3 =	vld.idx.msk [tilespmem:v3+s26+$0x0], $0xffff;
	[tilespmem:s23+$0x15E00] =	vst v14;
	v22 =	vadd.s32 $0xC, v8  }
0x6e7: {  	v15 =	vld.idx.msk [tilespmem:v15+s26+$0x0], $0xffff;
	[tilespmem:s24+$0x15E00] =	vst v16;
	v23 =	vadd.s32 $0xD, v2  }
0x6e8: {  	v16 =	vadd.s32 $0xD, v4;
	v17 =	vld.idx.msk [tilespmem:v17+s26+$0x0], $0xffff;
	[tilespmem:s3+$0x15E00] =	vst v18  }
0x6e9: {  	v18 =	vadd.s32 $0xD, v5;
	[tilespmem:s0+$0x15E00] =	vst v9;
	v11 =	vld.idx.msk [tilespmem:v11+s26+$0x0], $0xffff  }
0x6ea: {  	v9 =	vadd.s32 $0xD, v6;
	v10 =	vld.idx.msk [tilespmem:v21+s26+$0x0], $0xffff;
	[tilespmem:s1+$0x15E00] =	vst v12  }
0x6eb: {  	[tilespmem:s5+$0x16000] =	vst v3;
	v3 =	vadd.s32 $0xD, v7;
	v12 =	vld.idx.msk [tilespmem:v22+s26+$0x0], $0xffff  }
0x6ec: {  	[tilespmem:s23+$0x15E80] =	vst v15;
	v21 =	vld.idx.msk [tilespmem:v23+s26+$0x0], $0xffff;
	v22 =	vadd.s32 $0xD, v8  }
0x6ed: {  	v16 =	vld.idx.msk [tilespmem:v16+s26+$0x0], $0xffff;
	[tilespmem:s24+$0x15E80] =	vst v17;
	v23 =	vadd.s32 $0xE, v2  }
0x6ee: {  	v17 =	vadd.s32 $0xE, v4;
	v18 =	vld.idx.msk [tilespmem:v18+s26+$0x0], $0xffff;
	[tilespmem:s3+$0x15E80] =	vst v11  }
0x6ef: {  	v20 =	vadd.s32 $0xE, v5;
	[tilespmem:s0+$0x15E80] =	vst v10;
	v9 =	vld.idx.msk [tilespmem:v9+s26+$0x0], $0xffff  }
0x6f0: {  	v10 =	vadd.s32 $0xE, v6;
	v3 =	vld.idx.msk [tilespmem:v3+s26+$0x0], $0xffff;
	[tilespmem:s1+$0x15E80] =	vst v12  }
0x6f1: {  	[tilespmem:s22+$0x15F00] =	vst v21;
	v21 =	vadd.s32 $0xE, v7;
	v13 =	vld.idx.msk [tilespmem:v22+s26+$0x0], $0xffff  }
0x6f2: {  	[tilespmem:s23+$0x15F00] =	vst v16;
	v22 =	vld.idx.msk [tilespmem:v23+s26+$0x0], $0xffff;
	v23 =	vadd.s32 $0xE, v8  }
0x6f3: {  	v2 =	vadd.s32 $0xF, v2;
	v16 =	vld.idx.msk [tilespmem:v17+s26+$0x0], $0xffff;
	[tilespmem:s24+$0x15F00] =	vst v18  }
0x6f4: {  	v19 =	vadd.s32 $0xF, v4;
	v11 =	vld.idx.msk [tilespmem:v20+s26+$0x0], $0xffff;
	[tilespmem:s3+$0x15F00] =	vst v9  }
0x6f5: {  	v20 =	vadd.s32 $0xF, v5;
	[tilespmem:s0+$0x15F00] =	vst v3;
	v9 =	vld.idx.msk [tilespmem:v10+s26+$0x0], $0xffff  }
0x6f6: {  	v3 =	vadd.s32 $0xF, v6;
	v21 =	vld.idx.msk [tilespmem:v21+s26+$0x0], $0xffff;
	[tilespmem:s1+$0x15F00] =	vst v13  }
0x6f7: {  	[tilespmem:s22+$0x15F80] =	vst v22;
	v22 =	vadd.s32 $0xF, v7;
	v23 =	vld.idx.msk [tilespmem:v23+s26+$0x0], $0xffff  }
0x6f8: {  	[tilespmem:s23+$0x15F80] =	vst v16;
	v8 =	vadd.s32 $0xF, v8;
	v2 =	vld.idx.msk [tilespmem:v2+s26+$0x0], $0xffff  }
0x6f9: {  	v4 =	vld.idx.msk [tilespmem:v19+s26+$0x0], $0xffff;
	[tilespmem:s24+$0x15F80] =	vst v11  }
0x6fa: {  	v5 =	vld.idx.msk [tilespmem:v20+s26+$0x0], $0xffff;
	[tilespmem:s3+$0x15F80] =	vst v9  }
0x6fb: {  	v3 =	vld.idx.msk [tilespmem:v3+s26+$0x0], $0xffff;
	[tilespmem:s0+$0x15F80] =	vst v21  }
0x6fc: {  	v6 =	vld.idx.msk [tilespmem:v22+s26+$0x0], $0xffff;
	[tilespmem:s1+$0x15F80] =	vst v23  }
0x6fd: {  	[tilespmem:s22+$0x16000] =	vst v2;
	v2 =	vld.idx.msk [tilespmem:v8+s26+$0x0], $0xffff  }
0x6fe: {  	[tilespmem:s23+$0x16000] =	vst v4  }
0x6ff: {  	[tilespmem:s24+$0x16000] =	vst v5  }
0x700: {  	[tilespmem:s3+$0x16000] =	vst v3;
	s22 =	smul.u32 $0xA00, s10  }
0x701: {  	s25 =	simm.s32 $0x186A000;
	s23 =	rddreg [dreg:$0x4];
	[tilespmem:s0+$0x16000] =	vst v6  }
0x702: {  	s29 =	simm.s32 $0x10C80;
	s24 =	simm.s32 $0x5000;
	s0 =	sadd.s32 s23, s22;
	[tilespmem:s1+$0x16000] =	vst v2  }
0x703: {  	[hbm4b:s0+s24] =	stream.strided.scatter [tilespmem:s29], [sflag:$0x2], $0xA000, s25, s24, $0x38;
	[tilespmem:$0x1AC80] =	vst v63  }
0x704: {  	s31 =	rddreg [dreg:$0x9]  }
0x705: {  	s0 =	sadd.s32 s31, s9  }
0x706: {  	p0 =	sgt.u32 s0, $0x4E1  }
.Ltmp20:
0x707: {  	_ = 	snop;
	(pc) =	sbr.rel @p0 .LBB2_43-.Ltmp20, $1  }
0x708: {  	_ =	sdelay $0x3  }
0x709: {  	s1 =	smul.u32 $0x140, s0  }
0x70a: {  	s2 =	rddreg [dreg:$0x1]  }
0x70b: {  	s3 =	simm.s32 $0x1D00;
	s2 =	sadd.s32 s2, s1  }
0x70c: {  	s4 =	simm.s32 $0x10;
	s5 =	simm.s32 $0x1E00;
	s9 =	sadd.s32 $0x0, s2  }
.LBB2_35:
0x70d: {  	[tilespmem:s3], [sflag:$0x1] =	stream.linear.gather [hbm4b:s9+s6], $0x80, $0x38;
	[tilespmem:$0x1AC80] =	vst v63  }
0x70e: {  	s9 =	smov.u32 s4;
	s3 =	smov.u32 s5;
	p0 =	sne.s32 s4, $0x130  }
.Ltmp21:
0x70f: {  	s4 =	sadd.s32 $0x10, s4;
	(pc) =	sbr.rel @p0 .LBB2_35-.Ltmp21, $2  }
0x710: {  	_ =	sdelay $0x2  }
0x711: {  	s5 =	sadd.s32 $0x100, s5;
	s9 =	sadd.s32 s9, s2  }
0x712: {  	[tilespmem:s3], [sflag:$0x1] =	stream.linear.gather [hbm4b:s9+s6], $0x80, $0x38;
	[tilespmem:$0x1AC80] =	vst v63  }
0x713: {  	s2 =	rddreg [dreg:$0x2]  }
0x714: {  	s3 =	simm.s32 $0x10;
	s1 =	sadd.s32 s2, s1  }
0x715: {  	s4 =	simm.s32 $0x3200;
	s2 =	simm.s32 $0x3100;
	s5 =	sadd.s32 $0x0, s1  }
.LBB2_37:
0x716: {  	[tilespmem:s2], [sflag:$0x1] =	stream.linear.gather [hbm4b:s5+s6], $0x80, $0x38;
	[tilespmem:$0x1AC80] =	vst v63  }
0x717: {  	s5 =	smov.u32 s3;
	s2 =	smov.u32 s4;
	p0 =	sne.s32 s3, $0x130  }
.Ltmp22:
0x718: {  	s3 =	sadd.s32 $0x10, s3;
	(pc) =	sbr.rel @p0 .LBB2_37-.Ltmp22, $2  }
0x719: {  	_ =	sdelay $0x2  }
0x71a: {  	s4 =	sadd.s32 $0x100, s4;
	s5 =	sadd.s32 s5, s1  }
0x71b: {  	s0 =	smul.u32 $0x280, s0  }
0x71c: {  	[tilespmem:s2], [sflag:$0x1] =	stream.linear.gather [hbm4b:s5+s6], $0x80, $0x38;
	[tilespmem:$0x1AC80] =	vst v63  }
0x71d: {  	s1 =	rddreg [dreg:$0x3]  }
0x71e: {  	s2 =	simm.s32 $0x4500;
	s1 =	sadd.s32 s1, s0  }
0x71f: {  	s3 =	simm.s32 $0x20;
	s4 =	simm.s32 $0x4600;
	s5 =	sadd.s32 $0x0, s1  }
.LBB2_39:
0x720: {  	[tilespmem:s2], [sflag:$0x1] =	stream.linear.gather [hbm4b:s5+s6], $0x80, $0x38;
	[tilespmem:$0x1AC80] =	vst v63  }
0x721: {  	s5 =	smov.u32 s3;
	s2 =	smov.u32 s4;
	p0 =	sne.s32 s3, $0x260  }
.Ltmp23:
0x722: {  	s3 =	sadd.s32 $0x20, s3;
	(pc) =	sbr.rel @p0 .LBB2_39-.Ltmp23, $2  }
0x723: {  	_ =	sdelay $0x2  }
0x724: {  	s4 =	sadd.s32 $0x100, s4;
	s5 =	sadd.s32 s5, s1  }
0x725: {  	[tilespmem:s2], [sflag:$0x1] =	stream.linear.gather [hbm4b:s5+s6], $0x80, $0x38;
	[tilespmem:$0x1AC80] =	vst v63  }
0x726: {  	s0 =	sadd.s32 s0, s30;
	s1 =	simm.s32 $0x5900  }
0x727: {  	s2 =	simm.s32 $0x20;
	s3 =	simm.s32 $0x5A00;
	s4 =	sadd.s32 $0x0, s0  }
.LBB2_41:
0x728: {  	[tilespmem:s1], [sflag:$0x1] =	stream.linear.gather [hbm4b:s4+s6], $0x80, $0x38;
	[tilespmem:$0x1AC80] =	vst v63  }
0x729: {  	s4 =	smov.u32 s2;
	s1 =	smov.u32 s3;
	p0 =	sne.s32 s2, $0x260  }
.Ltmp24:
0x72a: {  	s2 =	sadd.s32 $0x20, s2;
	(pc) =	sbr.rel @p0 .LBB2_41-.Ltmp24, $2  }
0x72b: {  	_ =	sdelay $0x2  }
0x72c: {  	s3 =	sadd.s32 $0x100, s3;
	s4 =	sadd.s32 s4, s0  }
.Ltmp25:
0x72d: {  	(pc) =	sbr.rel .LBB2_43-.Ltmp25, $2  }
0x72e: {  	_ =	sdelay $0x2  }
0x72f: {  	[tilespmem:s1], [sflag:$0x1] =	stream.linear.gather [hbm4b:s4+s6], $0x80, $0x38;
	[tilespmem:$0x1AC80] =	vst v63  }
.LBB2_45:
0x730: {  	_ =	sfence.sel $0x180000  }
0x731: {  	[bflag:$0x0] =	sbarrier.arrive $0xFFFF  }
0x732: {  	_ =	strace $0x90000047  }
0x733: {  	s0 =	stileid.u32;
	[bflag:$0x2] =	sbarrier.arrive $0xFFFF  }
0x734: {  	p0 =	sne.s32 s0, $0x0;
	s0 =	rddreg [dreg:$0x5]  }
0x735: {  	s0 =	sadd.s32 @!p0 $0x100000, s0  }
0x736: {  	[sflag:s0] =	ssyncadd.tile.s32 @!p0 $0x1;
	_ =	shalt  }
.Lfunc_end2:
_tile_overlayer_lowered:
.L_overlay_start_2:
0x737: {  	(tag) =	ssettag $0x2  }
0x738: {  	s0 =	rddreg [dreg:$0x0];
	s2 =	stileid.u32  }
0x739: {  	s1 =	rddreg [dreg:$0x1];
	p0 =	sne.s32 s2, $0x0  }
0x73a: {  	s3 =	rddreg [dreg:$0x2];
	[bflag:$0x3] =	sbarrier.arrive $0xFFFF;
	s2 =	simm.s32 @!p0 $0x1C03  }
0x73b: {  	[timem:s3], [sflag:s2] =	dma.local @!p0 [hbm:s0], s1  }
0x73c: {  	s0 =	simm.s32 @!p0 $0x3  }
0x73d: {  	_ =	swait.ge @!p0 [sflag:s0], s1  }
0x73e: {  	s1 =	ssub.s32 @!p0 $0x0, s1;
	[sflag:s0] =	ssyncset.done @!p0 $0x0  }
0x73f: {  	[sflag:s0] =	ssyncadd.s32 @!p0 s1  }
0x740: {  	[bflag:$0x3] =	sbarrier.arrive $0xFFFF  }
0x741: {  	_ =	shalt  }

</sc_bundles>
